<compile_context>
chip_gen: v7x
topology: tpu7x:2x2x1
jax: 0.10.2.dev20260603
libtpu: 0.0.44.dev20260713+nightly
codegen_flags: <defaults>
</compile_context>

<pallas_src>
import jax
import jax.numpy as jnp
from jax import lax
from jax.experimental import pallas as pl
from jax.experimental.pallas import tpu as pltpu
from jax.experimental.pallas import tpu_sc as plsc

_EPS = 1e-12
_ROW_BLK = 2048

_NC, _NS, _L = 2, 16, 16
_NW = _NC * _NS
_SC_CH = 32
_D = 768
_NSL = _D // _L

_R_SC = 4096


def _ln_body(ids_ref, feat_ref, table_ref, gamma_ref, beta_ref, out_ref):
    ids_col = ids_ref[0].reshape(_ROW_BLK, 1)
    feat = feat_ref[...]
    t0 = table_ref[0:1, :]
    t1 = table_ref[1:2, :]
    tte = jnp.where(ids_col == 1, t1, t0)
    emb = feat + tte
    mean = jnp.mean(emb, axis=-1, keepdims=True)
    centered = emb - mean
    var = jnp.mean(centered * centered, axis=-1, keepdims=True)
    inv = jax.lax.rsqrt(var + _EPS)
    out_ref[...] = (centered * inv) * gamma_ref[...] + beta_ref[...]


def _rsqrt_newton(v):
    i = plsc.bitcast(v, jnp.int32)
    i = jnp.int32(0x5F3759DF) - lax.shift_right_logical(i, 1)
    y = plsc.bitcast(i, jnp.float32)
    half = v * 0.5
    for _ in range(3):
        y = y * (1.5 - half * y * y)
    return y


def _sc_compute_chunk(buf, ids_all, c, tab_v, gam_v, bet_v):

    def row_body(r, _):
        idx = lax.broadcast_in_dim(c * _SC_CH + r, (16,), ()).astype(jnp.int32)
        id_splat = plsc.load_gather(ids_all, [idx])
        msk = id_splat == 1
        acc_s = jnp.zeros((16,), jnp.float32)
        acc_q = jnp.zeros((16,), jnp.float32)
        for j in range(_NSL):
            sl = pl.ds(j * _L, _L)
            tte = jnp.where(msk, tab_v[1, sl], tab_v[0, sl])
            emb = buf[r, sl] + tte
            buf[r, sl] = emb
            acc_s = acc_s + emb
            acc_q = acc_q + emb * emb
        s = jnp.sum(acc_s)
        q = jnp.sum(acc_q)
        mean = s * (1.0 / _D)
        var = q * (1.0 / _D) - mean * mean
        mean_v = lax.broadcast_in_dim(mean, (16,), ())
        inv_v = _rsqrt_newton(lax.broadcast_in_dim(var + _EPS, (16,), ()))
        for j in range(_NSL):
            sl = pl.ds(j * _L, _L)
            buf[r, sl] = (buf[r, sl] - mean_v) * inv_v * gam_v[0, sl] + bet_v[0, sl]
        return ()

    lax.fori_loop(0, _SC_CH, row_body, ())


def _sc_body(feat_hbm, ids_hbm, table_hbm, gamma_hbm, beta_hbm,
             out_hbm, buf0, buf1, ids_all, tab_v, gam_v, bet_v,
             sin0, sin1, sout0, sout1):
    row_base = feat_hbm.shape[0] - _R_SC
    wid = lax.axis_index("s") * _NC + lax.axis_index("c")
    nrows_w = _R_SC // _NW
    base = row_base + wid * nrows_w
    nch = nrows_w // _SC_CH
    pltpu.sync_copy(table_hbm, tab_v)
    pltpu.sync_copy(gamma_hbm, gam_v)
    pltpu.sync_copy(beta_hbm, bet_v)
    pltpu.sync_copy(ids_hbm.at[pl.ds(base, nrows_w)], ids_all)

    bufs = (buf0, buf1)
    sins = (sin0, sin1)
    souts = (sout0, sout1)

    def cp_in(c, b):
        return pltpu.async_copy(
            feat_hbm.at[pl.ds(base + c * _SC_CH, _SC_CH)], bufs[b], sins[b])

    def cp_out(c, b):
        return pltpu.async_copy(
            bufs[b], out_hbm.at[pl.ds(base - row_base + c * _SC_CH, _SC_CH)],
            souts[b])

    cp_in(0, 0)
    cp_in(1, 1)

    def pair_body(p, _):
        for b in range(2):
            c = 2 * p + b
            pltpu.make_async_copy(
                feat_hbm.at[pl.ds(base, _SC_CH)], bufs[b], sins[b]).wait()
            _sc_compute_chunk(bufs[b], ids_all, c, tab_v, gam_v, bet_v)
            cp_out(c, b)

            @pl.when(c + 2 < nch)
            def _prefetch():
                pltpu.make_async_copy(
                    bufs[b], out_hbm.at[pl.ds(base - row_base, _SC_CH)],
                    souts[b]).wait()
                cp_in(c + 2, b)

        return ()

    lax.fori_loop(0, nch // 2, pair_body, ())
    for b in range(2):
        pltpu.make_async_copy(
            bufs[b], out_hbm.at[pl.ds(base - row_base, _SC_CH)], souts[b]).wait()


def kernel(input_ids, token_type_ids, features, token_type_table, ln_gamma, ln_beta):
    del input_ids
    B, S, D = features.shape
    rows = B * S
    r_tc = rows - _R_SC
    feat2 = features.reshape(rows, D)
    ids_i32 = token_type_ids.reshape(rows).astype(jnp.int32)
    ids3 = ids_i32.reshape(rows // _ROW_BLK, 1, _ROW_BLK)
    gamma2 = ln_gamma.reshape(1, D)
    beta2 = ln_beta.reshape(1, D)

    out_tc = None if r_tc == 0 else pl.pallas_call(
        _ln_body,
        grid=(r_tc // _ROW_BLK,),
        in_specs=[
            pl.BlockSpec((1, 1, _ROW_BLK), lambda i: (i, 0, 0)),
            pl.BlockSpec((_ROW_BLK, D), lambda i: (i, 0)),
            pl.BlockSpec((2, D), lambda i: (0, 0)),
            pl.BlockSpec((1, D), lambda i: (0, 0)),
            pl.BlockSpec((1, D), lambda i: (0, 0)),
        ],
        out_specs=pl.BlockSpec((_ROW_BLK, D), lambda i: (i, 0)),
        out_shape=jax.ShapeDtypeStruct((rows, D), jnp.float32),
        compiler_params=pltpu.CompilerParams(
            dimension_semantics=("arbitrary",),
        ),
    )(ids3, feat2, token_type_table, gamma2, beta2)

    mesh = plsc.VectorSubcoreMesh(core_axis_name="c", subcore_axis_name="s")
    sc_fn = pl.kernel(
        _sc_body,
        out_type=jax.ShapeDtypeStruct((_R_SC, D), jnp.float32),
        mesh=mesh,
        scratch_types=[
            pltpu.VMEM((_SC_CH, D), jnp.float32),
            pltpu.VMEM((_SC_CH, D), jnp.float32),
            pltpu.VMEM((_R_SC // _NW,), jnp.int32),
            pltpu.VMEM((2, D), jnp.float32),
            pltpu.VMEM((1, D), jnp.float32),
            pltpu.VMEM((1, D), jnp.float32),
            pltpu.SemaphoreType.DMA,
            pltpu.SemaphoreType.DMA,
            pltpu.SemaphoreType.DMA,
            pltpu.SemaphoreType.DMA,
        ],
        compiler_params=pltpu.CompilerParams(needs_layout_passes=False),
    )
    out_sc = sc_fn(feat2, ids_i32, token_type_table, gamma2, beta2)

    if out_tc is None:
        return out_sc.reshape(B, S, D)
    out = lax.dynamic_update_slice(out_tc, out_sc, (r_tc, 0))
    return out.reshape(B, S, D)

# --- scband reference (transcript-rebuilt; emitter-appended) ---
"""Pipeline reference for scband-bert-sim-embeddings-34505767256977 (READ-ONLY COPY).

The authoritative reference and input builder live on the scoring server;
editing this copy changes nothing except your own understanding.
"""

import jax, jax.numpy as jnp
import numpy as np

B, S, D = 4, 8192, 768
TYPE_VOCAB = 2
EPS = 1e-12

def setup_inputs(seed: int = 0) -> dict:
    key = jax.random.key(seed)
    k1, k2, k3, k4 = jax.random.split(key, 4)
    input_ids = jax.random.randint(k1, (B, S), 0, 30522, dtype=jnp.int64 if jax.config.jax_enable_x64 else jnp.int32)
    token_type_ids = jax.random.randint(k2, (B, S), 0, TYPE_VOCAB, dtype=jnp.int32)
    features = jax.random.normal(k3, (B, S, D), dtype=jnp.float32)
    token_type_table = jax.random.normal(k4, (TYPE_VOCAB, D), dtype=jnp.float32) * 0.02
    ln_gamma = jnp.ones((D,), dtype=jnp.float32)
    ln_beta = jnp.zeros((D,), dtype=jnp.float32)
    return {
        "input_ids": input_ids,
        "token_type_ids": token_type_ids,
        "features": features,
        "token_type_table": token_type_table,
        "ln_gamma": ln_gamma,
        "ln_beta": ln_beta,
    }

def reference(input_ids, token_type_ids, features, token_type_table, ln_gamma, ln_beta):
    # token_type embedding lookup (gather)
    tte = jnp.take(token_type_table, token_type_ids, axis=0)  # [B, S, D]
    embeddings = tte + features
    # LayerNorm over last dim, eps=1e-12
    mean = jnp.mean(embeddings, axis=-1, keepdims=True)
    var = jnp.mean(jnp.square(embeddings - mean), axis=-1, keepdims=True)
    normed = (embeddings - mean) / jnp.sqrt(var + EPS)
    out = normed * ln_gamma + ln_beta
    # dropout is identity in eval mode
    return out

if __name__ == "__main__":
    import jax
    _d = setup_inputs()
    print(jax.jit(kernel)(*tuple(_d.values())))

</pallas_src>

<mosaic_0001>
#map = affine_map<(d0, d1) -> (0, 0)>
#map1 = affine_map<(d0, d1) -> (0)>
module attributes {stable_mosaic.version = 14 : i64} {
  func.func @_sc_body(%arg0: i32, %arg1: i32, %arg2: memref<32768x768xf32, #tpu.memory_space<hbm>>, %arg3: memref<32768xi32, #tpu.memory_space<hbm>>, %arg4: memref<2x768xf32, #tpu.memory_space<hbm>>, %arg5: memref<1x768xf32, #tpu.memory_space<hbm>>, %arg6: memref<1x768xf32, #tpu.memory_space<hbm>>, %arg7: memref<4096x768xf32, #tpu.memory_space<hbm>>, %arg8: memref<32x768xf32, #tpu.memory_space<vmem>>, %arg9: memref<32x768xf32, #tpu.memory_space<vmem>>, %arg10: memref<128xi32, #tpu.memory_space<vmem>>, %arg11: memref<2x768xf32, #tpu.memory_space<vmem>>, %arg12: memref<1x768xf32, #tpu.memory_space<vmem>>, %arg13: memref<1x768xf32, #tpu.memory_space<vmem>>, %arg14: memref<!tpu.dma_semaphore, #tpu.memory_space<semaphore_mem>>, %arg15: memref<!tpu.dma_semaphore, #tpu.memory_space<semaphore_mem>>, %arg16: memref<!tpu.dma_semaphore, #tpu.memory_space<semaphore_mem>>, %arg17: memref<!tpu.dma_semaphore, #tpu.memory_space<semaphore_mem>>) attributes {dimension_semantics = [#tpu.dimension_semantics<core_parallel>, #tpu.dimension_semantics<subcore_parallel>], iteration_bounds = array<i64: 2, 16>, scalar_prefetch = 0 : i64, scratch_operands = 10 : i64, tpu.core_type = #tpu.core_type<sc_vector_subcore>, window_params = [{transform_indices = #map}, {transform_indices = #map1}, {transform_indices = #map}, {transform_indices = #map}, {transform_indices = #map}, {transform_indices = #map}]} {
    %mul3A = arith.constant 2 : i32
    %mul3A_0 = arith.muli %arg1, %mul3A : i32
    %add3A = arith.addi %mul3A_0, %arg0 : i32
    %mul3A_1 = arith.constant 128 : i32
    %mul3A_2 = arith.muli %add3A, %mul3A_1 : i32
    %add3A_3 = arith.constant 28672 : i32
    %add3A_4 = arith.addi %add3A_3, %mul3A_2 : i32
    "tpu.region"() ({
      %run_scoped3A = tpu.sem_alloc : memref<!tpu.dma_semaphore, #tpu.memory_space<semaphore_mem>>
      tpu.enqueue_dma source(%arg4 : memref<2x768xf32, #tpu.memory_space<hbm>>) target(%arg11 : memref<2x768xf32, #tpu.memory_space<vmem>>) target_semaphore(%run_scoped3A : memref<!tpu.dma_semaphore, #tpu.memory_space<semaphore_mem>>)
      tpu.wait_dma2 semaphore(%run_scoped3A : memref<!tpu.dma_semaphore, #tpu.memory_space<semaphore_mem>>) src(%arg4 : memref<2x768xf32, #tpu.memory_space<hbm>>) dst(%arg11 : memref<2x768xf32, #tpu.memory_space<vmem>>)
      tpu.yield
    }) : () -> ()
    "tpu.region"() ({
      %run_scoped3A = tpu.sem_alloc : memref<!tpu.dma_semaphore, #tpu.memory_space<semaphore_mem>>
      tpu.enqueue_dma source(%arg5 : memref<1x768xf32, #tpu.memory_space<hbm>>) target(%arg12 : memref<1x768xf32, #tpu.memory_space<vmem>>) target_semaphore(%run_scoped3A : memref<!tpu.dma_semaphore, #tpu.memory_space<semaphore_mem>>)
      tpu.wait_dma2 semaphore(%run_scoped3A : memref<!tpu.dma_semaphore, #tpu.memory_space<semaphore_mem>>) src(%arg5 : memref<1x768xf32, #tpu.memory_space<hbm>>) dst(%arg12 : memref<1x768xf32, #tpu.memory_space<vmem>>)
      tpu.yield
    }) : () -> ()
    "tpu.region"() ({
      %run_scoped3A = tpu.sem_alloc : memref<!tpu.dma_semaphore, #tpu.memory_space<semaphore_mem>>
      tpu.enqueue_dma source(%arg6 : memref<1x768xf32, #tpu.memory_space<hbm>>) target(%arg13 : memref<1x768xf32, #tpu.memory_space<vmem>>) target_semaphore(%run_scoped3A : memref<!tpu.dma_semaphore, #tpu.memory_space<semaphore_mem>>)
      tpu.wait_dma2 semaphore(%run_scoped3A : memref<!tpu.dma_semaphore, #tpu.memory_space<semaphore_mem>>) src(%arg6 : memref<1x768xf32, #tpu.memory_space<hbm>>) dst(%arg13 : memref<1x768xf32, #tpu.memory_space<vmem>>)
      tpu.yield
    }) : () -> ()
    "tpu.region"() ({
      %run_scoped3A = tpu.sem_alloc : memref<!tpu.dma_semaphore, #tpu.memory_space<semaphore_mem>>
      %dma_start3A_30 = tpu.memref_slice %arg3[%add3A_4] : memref<32768xi32, #tpu.memory_space<hbm>> -> memref<128xi32, #tpu.memory_space<hbm>>
      %dma_start3A_31 = tpu.memref_slice %arg3[%add3A_4] : memref<32768xi32, #tpu.memory_space<hbm>> -> memref<128xi32, #tpu.memory_space<hbm>>
      tpu.enqueue_dma source(%dma_start3A_31 : memref<128xi32, #tpu.memory_space<hbm>>) target(%arg10 : memref<128xi32, #tpu.memory_space<vmem>>) target_semaphore(%run_scoped3A : memref<!tpu.dma_semaphore, #tpu.memory_space<semaphore_mem>>)
      %dma_wait3A_32 = tpu.memref_slice %arg3[%add3A_4] : memref<32768xi32, #tpu.memory_space<hbm>> -> memref<128xi32, #tpu.memory_space<hbm>>
      %dma_wait3A_33 = tpu.memref_slice %arg3[%add3A_4] : memref<32768xi32, #tpu.memory_space<hbm>> -> memref<128xi32, #tpu.memory_space<hbm>>
      tpu.wait_dma2 semaphore(%run_scoped3A : memref<!tpu.dma_semaphore, #tpu.memory_space<semaphore_mem>>) src(%dma_wait3A_33 : memref<128xi32, #tpu.memory_space<hbm>>) dst(%arg10 : memref<128xi32, #tpu.memory_space<vmem>>)
      tpu.yield
    }) : () -> ()
    %add3A_5 = arith.constant 0 : i32
    %add3A_6 = arith.addi %add3A_4, %add3A_5 : i32
    %dma_start3A = arith.constant 0 : i32
    %dma_start3A_7 = tpu.memref_slice %arg2[%add3A_6, %dma_start3A] : memref<32768x768xf32, #tpu.memory_space<hbm>> -> memref<32x768xf32, #tpu.memory_space<hbm>>
    %dma_start3A_8 = arith.constant 0 : i32
    %dma_start3A_9 = tpu.memref_slice %arg2[%add3A_6, %dma_start3A_8] : memref<32768x768xf32, #tpu.memory_space<hbm>> -> memref<32x768xf32, #tpu.memory_space<hbm>>
    tpu.enqueue_dma source(%dma_start3A_9 : memref<32x768xf32, #tpu.memory_space<hbm>>) target(%arg8 : memref<32x768xf32, #tpu.memory_space<vmem>>) target_semaphore(%arg14 : memref<!tpu.dma_semaphore, #tpu.memory_space<semaphore_mem>>)
    %add3A_10 = arith.constant 32 : i32
    %add3A_11 = arith.addi %add3A_4, %add3A_10 : i32
    %dma_start3A_12 = arith.constant 0 : i32
    %dma_start3A_13 = tpu.memref_slice %arg2[%add3A_11, %dma_start3A_12] : memref<32768x768xf32, #tpu.memory_space<hbm>> -> memref<32x768xf32, #tpu.memory_space<hbm>>
    %dma_start3A_14 = arith.constant 0 : i32
    %dma_start3A_15 = tpu.memref_slice %arg2[%add3A_11, %dma_start3A_14] : memref<32768x768xf32, #tpu.memory_space<hbm>> -> memref<32x768xf32, #tpu.memory_space<hbm>>
    tpu.enqueue_dma source(%dma_start3A_15 : memref<32x768xf32, #tpu.memory_space<hbm>>) target(%arg9 : memref<32x768xf32, #tpu.memory_space<vmem>>) target_semaphore(%arg15 : memref<!tpu.dma_semaphore, #tpu.memory_space<semaphore_mem>>)
    %scan3A = arith.constant 0 : i32
    %scan3A_16 = arith.constant 2 : i32
    %scan3A_17 = arith.addi %scan3A, %scan3A_16 : i32
    %scan3A_18 = arith.constant 1 : i32
    scf.for %scan3A_30 = %scan3A to %scan3A_17 step %scan3A_18  : i32 {
      %mul3A_31 = arith.constant 2 : i32
      %mul3A_32 = arith.muli %mul3A_31, %scan3A_30 : i32
      %add3A_33 = arith.constant 0 : i32
      %add3A_34 = arith.addi %mul3A_32, %add3A_33 : i32
      %dma_wait3A_35 = arith.constant 0 : i32
      %dma_wait3A_36 = tpu.memref_slice %arg2[%add3A_4, %dma_wait3A_35] : memref<32768x768xf32, #tpu.memory_space<hbm>> -> memref<32x768xf32, #tpu.memory_space<hbm>>
      %dma_wait3A_37 = arith.constant 0 : i32
      %dma_wait3A_38 = tpu.memref_slice %arg2[%add3A_4, %dma_wait3A_37] : memref<32768x768xf32, #tpu.memory_space<hbm>> -> memref<32x768xf32, #tpu.memory_space<hbm>>
      tpu.wait_dma2 semaphore(%arg14 : memref<!tpu.dma_semaphore, #tpu.memory_space<semaphore_mem>>) src(%dma_wait3A_38 : memref<32x768xf32, #tpu.memory_space<hbm>>) dst(%arg8 : memref<32x768xf32, #tpu.memory_space<vmem>>)
      %scan3A_39 = arith.constant 0 : i32
      %scan3A_40 = arith.constant 32 : i32
      %scan3A_41 = arith.addi %scan3A_39, %scan3A_40 : i32
      %scan3A_42 = arith.constant 1 : i32
      scf.for %scan3A_86 = %scan3A_39 to %scan3A_41 step %scan3A_42  : i32 {
        %mul3A_87 = arith.constant 32 : i32
        %mul3A_88 = arith.muli %add3A_34, %mul3A_87 : i32
        %add3A_89 = arith.addi %mul3A_88, %scan3A_86 : i32
        %broadcast_in_dim3A = vector.broadcast %add3A_89 : i32 to vector<16xi32>
        %gather3A = tpu.vector_load_idx %arg10[%broadcast_in_dim3A] : memref<128xi32, #tpu.memory_space<vmem>>[vector<16xi32>], vector<16xi32>,
        %eq3A = arith.constant 1 : i32
        %eq3A_90 = vector.broadcast %eq3A : i32 to vector<16xi32>
        %eq3A_91 = arith.cmpi eq, %gather3A, %eq3A_90 : vector<16xi32>
        %broadcast_in_dim3A_92 = arith.constant 0.000000e+00 : f32
        %broadcast_in_dim3A_93 = vector.broadcast %broadcast_in_dim3A_92 : f32 to vector<16xf32>
        %broadcast_in_dim3A_94 = arith.constant 0.000000e+00 : f32
        %broadcast_in_dim3A_95 = vector.broadcast %broadcast_in_dim3A_94 : f32 to vector<16xf32>
        %get3A = arith.constant 1 : i32
        %get3A_96 = arith.index_cast %get3A : i32 to index
        %get3A_97 = arith.constant 0 : index
        %get3A_98 = tpu.vector_load %arg11[%get3A_96, %get3A_97] {strides = array<i32>} : memref<2x768xf32, #tpu.memory_space<vmem>>, vector<16xf32>,
        %get3A_99 = arith.constant 0 : i32
        %get3A_100 = arith.index_cast %get3A_99 : i32 to index
        %get3A_101 = arith.constant 0 : index
        %get3A_102 = tpu.vector_load %arg11[%get3A_100, %get3A_101] {strides = array<i32>} : memref<2x768xf32, #tpu.memory_space<vmem>>, vector<16xf32>,
        %select_n3A = arith.select %eq3A_91, %get3A_98, %get3A_102 : vector<16xi1>, vector<16xf32>
        %get3A_103 = arith.index_cast %scan3A_86 : i32 to index
        %get3A_104 = arith.constant 0 : index
        %get3A_105 = tpu.vector_load %arg8[%get3A_103, %get3A_104] {strides = array<i32>} : memref<32x768xf32, #tpu.memory_space<vmem>>, vector<16xf32>,
        %add3A_106 = arith.addf %get3A_105, %select_n3A : vector<16xf32>
        %swap3A = arith.index_cast %scan3A_86 : i32 to index
        %swap3A_107 = arith.constant 0 : index
        %swap3A_108 = tpu.vector_load %arg8[%swap3A, %swap3A_107] {strides = array<i32>} : memref<32x768xf32, #tpu.memory_space<vmem>>, vector<16xf32>,
        tpu.vector_store %arg8[%swap3A, %swap3A_107], %add3A_106 {strides = array<i32>} : memref<32x768xf32, #tpu.memory_space<vmem>>, vector<16xf32>,
        %add3A_109 = arith.addf %broadcast_in_dim3A_93, %add3A_106 : vector<16xf32>
        %mul3A_110 = arith.mulf %add3A_106, %add3A_106 : vector<16xf32>
        %add3A_111 = arith.addf %broadcast_in_dim3A_95, %mul3A_110 : vector<16xf32>
        %get3A_112 = arith.constant 1 : i32
        %get3A_113 = arith.index_cast %get3A_112 : i32 to index
        %get3A_114 = arith.constant 16 : index
        %get3A_115 = tpu.vector_load %arg11[%get3A_113, %get3A_114] {strides = array<i32>} : memref<2x768xf32, #tpu.memory_space<vmem>>, vector<16xf32>,
        %get3A_116 = arith.constant 0 : i32
        %get3A_117 = arith.index_cast %get3A_116 : i32 to index
        %get3A_118 = arith.constant 16 : index
        %get3A_119 = tpu.vector_load %arg11[%get3A_117, %get3A_118] {strides = array<i32>} : memref<2x768xf32, #tpu.memory_space<vmem>>, vector<16xf32>,
        %select_n3A_120 = arith.select %eq3A_91, %get3A_115, %get3A_119 : vector<16xi1>, vector<16xf32>
        %get3A_121 = arith.index_cast %scan3A_86 : i32 to index
        %get3A_122 = arith.constant 16 : index
        %get3A_123 = tpu.vector_load %arg8[%get3A_121, %get3A_122] {strides = array<i32>} : memref<32x768xf32, #tpu.memory_space<vmem>>, vector<16xf32>,
        %add3A_124 = arith.addf %get3A_123, %select_n3A_120 : vector<16xf32>
        %swap3A_125 = arith.index_cast %scan3A_86 : i32 to index
        %swap3A_126 = arith.constant 16 : index
        %swap3A_127 = tpu.vector_load %arg8[%swap3A_125, %swap3A_126] {strides = array<i32>} : memref<32x768xf32, #tpu.memory_space<vmem>>, vector<16xf32>,
        tpu.vector_store %arg8[%swap3A_125, %swap3A_126], %add3A_124 {strides = array<i32>} : memref<32x768xf32, #tpu.memory_space<vmem>>, vector<16xf32>,
        %add3A_128 = arith.addf %add3A_109, %add3A_124 : vector<16xf32>
        %mul3A_129 = arith.mulf %add3A_124, %add3A_124 : vector<16xf32>
        %add3A_130 = arith.addf %add3A_111, %mul3A_129 : vector<16xf32>
        %get3A_131 = arith.constant 1 : i32
        %get3A_132 = arith.index_cast %get3A_131 : i32 to index
        %get3A_133 = arith.constant 32 : index
        %get3A_134 = tpu.vector_load %arg11[%get3A_132, %get3A_133] {strides = array<i32>} : memref<2x768xf32, #tpu.memory_space<vmem>>, vector<16xf32>,
        %get3A_135 = arith.constant 0 : i32
        %get3A_136 = arith.index_cast %get3A_135 : i32 to index
        %get3A_137 = arith.constant 32 : index
        %get3A_138 = tpu.vector_load %arg11[%get3A_136, %get3A_137] {strides = array<i32>} : memref<2x768xf32, #tpu.memory_space<vmem>>, vector<16xf32>,
        %select_n3A_139 = arith.select %eq3A_91, %get3A_134, %get3A_138 : vector<16xi1>, vector<16xf32>
        %get3A_140 = arith.index_cast %scan3A_86 : i32 to index
        %get3A_141 = arith.constant 32 : index
        %get3A_142 = tpu.vector_load %arg8[%get3A_140, %get3A_141] {strides = array<i32>} : memref<32x768xf32, #tpu.memory_space<vmem>>, vector<16xf32>,
        %add3A_143 = arith.addf %get3A_142, %select_n3A_139 : vector<16xf32>
        %swap3A_144 = arith.index_cast %scan3A_86 : i32 to index
        %swap3A_145 = arith.constant 32 : index
        %swap3A_146 = tpu.vector_load %arg8[%swap3A_144, %swap3A_145] {strides = array<i32>} : memref<32x768xf32, #tpu.memory_space<vmem>>, vector<16xf32>,
        tpu.vector_store %arg8[%swap3A_144, %swap3A_145], %add3A_143 {strides = array<i32>} : memref<32x768xf32, #tpu.memory_space<vmem>>, vector<16xf32>,
        %add3A_147 = arith.addf %add3A_128, %add3A_143 : vector<16xf32>
        %mul3A_148 = arith.mulf %add3A_143, %add3A_143 : vector<16xf32>
        %add3A_149 = arith.addf %add3A_130, %mul3A_148 : vector<16xf32>
        %get3A_150 = arith.constant 1 : i32
        %get3A_151 = arith.index_cast %get3A_150 : i32 to index
        %get3A_152 = arith.constant 48 : index
        %get3A_153 = tpu.vector_load %arg11[%get3A_151, %get3A_152] {strides = array<i32>} : memref<2x768xf32, #tpu.memory_space<vmem>>, vector<16xf32>,
        %get3A_154 = arith.constant 0 : i32
        %get3A_155 = arith.index_cast %get3A_154 : i32 to index
        %get3A_156 = arith.constant 48 : index
        %get3A_157 = tpu.vector_load %arg11[%get3A_155, %get3A_156] {strides = array<i32>} : memref<2x768xf32, #tpu.memory_space<vmem>>, vector<16xf32>,
        %select_n3A_158 = arith.select %eq3A_91, %get3A_153, %get3A_157 : vector<16xi1>, vector<16xf32>
        %get3A_159 = arith.index_cast %scan3A_86 : i32 to index
        %get3A_160 = arith.constant 48 : index
        %get3A_161 = tpu.vector_load %arg8[%get3A_159, %get3A_160] {strides = array<i32>} : memref<32x768xf32, #tpu.memory_space<vmem>>, vector<16xf32>,
        %add3A_162 = arith.addf %get3A_161, %select_n3A_158 : vector<16xf32>
        %swap3A_163 = arith.index_cast %scan3A_86 : i32 to index
        %swap3A_164 = arith.constant 48 : index
        %swap3A_165 = tpu.vector_load %arg8[%swap3A_163, %swap3A_164] {strides = array<i32>} : memref<32x768xf32, #tpu.memory_space<vmem>>, vector<16xf32>,
        tpu.vector_store %arg8[%swap3A_163, %swap3A_164], %add3A_162 {strides = array<i32>} : memref<32x768xf32, #tpu.memory_space<vmem>>, vector<16xf32>,
        %add3A_166 = arith.addf %add3A_147, %add3A_162 : vector<16xf32>
        %mul3A_167 = arith.mulf %add3A_162, %add3A_162 : vector<16xf32>
        %add3A_168 = arith.addf %add3A_149, %mul3A_167 : vector<16xf32>
        %get3A_169 = arith.constant 1 : i32
        %get3A_170 = arith.index_cast %get3A_169 : i32 to index
        %get3A_171 = arith.constant 64 : index
        %get3A_172 = tpu.vector_load %arg11[%get3A_170, %get3A_171] {strides = array<i32>} : memref<2x768xf32, #tpu.memory_space<vmem>>, vector<16xf32>,
        %get3A_173 = arith.constant 0 : i32
        %get3A_174 = arith.index_cast %get3A_173 : i32 to index
        %get3A_175 = arith.constant 64 : index
        %get3A_176 = tpu.vector_load %arg11[%get3A_174, %get3A_175] {strides = array<i32>} : memref<2x768xf32, #tpu.memory_space<vmem>>, vector<16xf32>,
        %select_n3A_177 = arith.select %eq3A_91, %get3A_172, %get3A_176 : vector<16xi1>, vector<16xf32>
        %get3A_178 = arith.index_cast %scan3A_86 : i32 to index
        %get3A_179 = arith.constant 64 : index
        %get3A_180 = tpu.vector_load %arg8[%get3A_178, %get3A_179] {strides = array<i32>} : memref<32x768xf32, #tpu.memory_space<vmem>>, vector<16xf32>,
        %add3A_181 = arith.addf %get3A_180, %select_n3A_177 : vector<16xf32>
        %swap3A_182 = arith.index_cast %scan3A_86 : i32 to index
        %swap3A_183 = arith.constant 64 : index
        %swap3A_184 = tpu.vector_load %arg8[%swap3A_182, %swap3A_183] {strides = array<i32>} : memref<32x768xf32, #tpu.memory_space<vmem>>, vector<16xf32>,
        tpu.vector_store %arg8[%swap3A_182, %swap3A_183], %add3A_181 {strides = array<i32>} : memref<32x768xf32, #tpu.memory_space<vmem>>, vector<16xf32>,
        %add3A_185 = arith.addf %add3A_166, %add3A_181 : vector<16xf32>
        %mul3A_186 = arith.mulf %add3A_181, %add3A_181 : vector<16xf32>
        %add3A_187 = arith.addf %add3A_168, %mul3A_186 : vector<16xf32>
        %get3A_188 = arith.constant 1 : i32
        %get3A_189 = arith.index_cast %get3A_188 : i32 to index
        %get3A_190 = arith.constant 80 : index
        %get3A_191 = tpu.vector_load %arg11[%get3A_189, %get3A_190] {strides = array<i32>} : memref<2x768xf32, #tpu.memory_space<vmem>>, vector<16xf32>,
        %get3A_192 = arith.constant 0 : i32
        %get3A_193 = arith.index_cast %get3A_192 : i32 to index
        %get3A_194 = arith.constant 80 : index
        %get3A_195 = tpu.vector_load %arg11[%get3A_193, %get3A_194] {strides = array<i32>} : memref<2x768xf32, #tpu.memory_space<vmem>>, vector<16xf32>,
        %select_n3A_196 = arith.select %eq3A_91, %get3A_191, %get3A_195 : vector<16xi1>, vector<16xf32>
        %get3A_197 = arith.index_cast %scan3A_86 : i32 to index
        %get3A_198 = arith.constant 80 : index
        %get3A_199 = tpu.vector_load %arg8[%get3A_197, %get3A_198] {strides = array<i32>} : memref<32x768xf32, #tpu.memory_space<vmem>>, vector<16xf32>,
        %add3A_200 = arith.addf %get3A_199, %select_n3A_196 : vector<16xf32>
        %swap3A_201 = arith.index_cast %scan3A_86 : i32 to index
        %swap3A_202 = arith.constant 80 : index
        %swap3A_203 = tpu.vector_load %arg8[%swap3A_201, %swap3A_202] {strides = array<i32>} : memref<32x768xf32, #tpu.memory_space<vmem>>, vector<16xf32>,
        tpu.vector_store %arg8[%swap3A_201, %swap3A_202], %add3A_200 {strides = array<i32>} : memref<32x768xf32, #tpu.memory_space<vmem>>, vector<16xf32>,
        %add3A_204 = arith.addf %add3A_185, %add3A_200 : vector<16xf32>
        %mul3A_205 = arith.mulf %add3A_200, %add3A_200 : vector<16xf32>
        %add3A_206 = arith.addf %add3A_187, %mul3A_205 : vector<16xf32>
        %get3A_207 = arith.constant 1 : i32
        %get3A_208 = arith.index_cast %get3A_207 : i32 to index
        %get3A_209 = arith.constant 96 : index
        %get3A_210 = tpu.vector_load %arg11[%get3A_208, %get3A_209] {strides = array<i32>} : memref<2x768xf32, #tpu.memory_space<vmem>>, vector<16xf32>,
        %get3A_211 = arith.constant 0 : i32
        %get3A_212 = arith.index_cast %get3A_211 : i32 to index
        %get3A_213 = arith.constant 96 : index
        %get3A_214 = tpu.vector_load %arg11[%get3A_212, %get3A_213] {strides = array<i32>} : memref<2x768xf32, #tpu.memory_space<vmem>>, vector<16xf32>,
        %select_n3A_215 = arith.select %eq3A_91, %get3A_210, %get3A_214 : vector<16xi1>, vector<16xf32>
        %get3A_216 = arith.index_cast %scan3A_86 : i32 to index
        %get3A_217 = arith.constant 96 : index
        %get3A_218 = tpu.vector_load %arg8[%get3A_216, %get3A_217] {strides = array<i32>} : memref<32x768xf32, #tpu.memory_space<vmem>>, vector<16xf32>,
        %add3A_219 = arith.addf %get3A_218, %select_n3A_215 : vector<16xf32>
        %swap3A_220 = arith.index_cast %scan3A_86 : i32 to index
        %swap3A_221 = arith.constant 96 : index
        %swap3A_222 = tpu.vector_load %arg8[%swap3A_220, %swap3A_221] {strides = array<i32>} : memref<32x768xf32, #tpu.memory_space<vmem>>, vector<16xf32>,
        tpu.vector_store %arg8[%swap3A_220, %swap3A_221], %add3A_219 {strides = array<i32>} : memref<32x768xf32, #tpu.memory_space<vmem>>, vector<16xf32>,
        %add3A_223 = arith.addf %add3A_204, %add3A_219 : vector<16xf32>
        %mul3A_224 = arith.mulf %add3A_219, %add3A_219 : vector<16xf32>
        %add3A_225 = arith.addf %add3A_206, %mul3A_224 : vector<16xf32>
        %get3A_226 = arith.constant 1 : i32
        %get3A_227 = arith.index_cast %get3A_226 : i32 to index
        %get3A_228 = arith.constant 112 : index
        %get3A_229 = tpu.vector_load %arg11[%get3A_227, %get3A_228] {strides = array<i32>} : memref<2x768xf32, #tpu.memory_space<vmem>>, vector<16xf32>,
        %get3A_230 = arith.constant 0 : i32
        %get3A_231 = arith.index_cast %get3A_230 : i32 to index
        %get3A_232 = arith.constant 112 : index
        %get3A_233 = tpu.vector_load %arg11[%get3A_231, %get3A_232] {strides = array<i32>} : memref<2x768xf32, #tpu.memory_space<vmem>>, vector<16xf32>,
        %select_n3A_234 = arith.select %eq3A_91, %get3A_229, %get3A_233 : vector<16xi1>, vector<16xf32>
        %get3A_235 = arith.index_cast %scan3A_86 : i32 to index
        %get3A_236 = arith.constant 112 : index
        %get3A_237 = tpu.vector_load %arg8[%get3A_235, %get3A_236] {strides = array<i32>} : memref<32x768xf32, #tpu.memory_space<vmem>>, vector<16xf32>,
        %add3A_238 = arith.addf %get3A_237, %select_n3A_234 : vector<16xf32>
        %swap3A_239 = arith.index_cast %scan3A_86 : i32 to index
        %swap3A_240 = arith.constant 112 : index
        %swap3A_241 = tpu.vector_load %arg8[%swap3A_239, %swap3A_240] {strides = array<i32>} : memref<32x768xf32, #tpu.memory_space<vmem>>, vector<16xf32>,
        tpu.vector_store %arg8[%swap3A_239, %swap3A_240], %add3A_238 {strides = array<i32>} : memref<32x768xf32, #tpu.memory_space<vmem>>, vector<16xf32>,
        %add3A_242 = arith.addf %add3A_223, %add3A_238 : vector<16xf32>
        %mul3A_243 = arith.mulf %add3A_238, %add3A_238 : vector<16xf32>
        %add3A_244 = arith.addf %add3A_225, %mul3A_243 : vector<16xf32>
        %get3A_245 = arith.constant 1 : i32
        %get3A_246 = arith.index_cast %get3A_245 : i32 to index
        %get3A_247 = arith.constant 128 : index
        %get3A_248 = tpu.vector_load %arg11[%get3A_246, %get3A_247] {strides = array<i32>} : memref<2x768xf32, #tpu.memory_space<vmem>>, vector<16xf32>,
        %get3A_249 = arith.constant 0 : i32
        %get3A_250 = arith.index_cast %get3A_249 : i32 to index
        %get3A_251 = arith.constant 128 : index
        %get3A_252 = tpu.vector_load %arg11[%get3A_250, %get3A_251] {strides = array<i32>} : memref<2x768xf32, #tpu.memory_space<vmem>>, vector<16xf32>,
        %select_n3A_253 = arith.select %eq3A_91, %get3A_248, %get3A_252 : vector<16xi1>, vector<16xf32>
        %get3A_254 = arith.index_cast %scan3A_86 : i32 to index
        %get3A_255 = arith.constant 128 : index
        %get3A_256 = tpu.vector_load %arg8[%get3A_254, %get3A_255] {strides = array<i32>} : memref<32x768xf32, #tpu.memory_space<vmem>>, vector<16xf32>,
        %add3A_257 = arith.addf %get3A_256, %select_n3A_253 : vector<16xf32>
        %swap3A_258 = arith.index_cast %scan3A_86 : i32 to index
        %swap3A_259 = arith.constant 128 : index
        %swap3A_260 = tpu.vector_load %arg8[%swap3A_258, %swap3A_259] {strides = array<i32>} : memref<32x768xf32, #tpu.memory_space<vmem>>, vector<16xf32>,
        tpu.vector_store %arg8[%swap3A_258, %swap3A_259], %add3A_257 {strides = array<i32>} : memref<32x768xf32, #tpu.memory_space<vmem>>, vector<16xf32>,
        %add3A_261 = arith.addf %add3A_242, %add3A_257 : vector<16xf32>
        %mul3A_262 = arith.mulf %add3A_257, %add3A_257 : vector<16xf32>
        %add3A_263 = arith.addf %add3A_244, %mul3A_262 : vector<16xf32>
        %get3A_264 = arith.constant 1 : i32
        %get3A_265 = arith.index_cast %get3A_264 : i32 to index
        %get3A_266 = arith.constant 144 : index
        %get3A_267 = tpu.vector_load %arg11[%get3A_265, %get3A_266] {strides = array<i32>} : memref<2x768xf32, #tpu.memory_space<vmem>>, vector<16xf32>,
        %get3A_268 = arith.constant 0 : i32
        %get3A_269 = arith.index_cast %get3A_268 : i32 to index
        %get3A_270 = arith.constant 144 : index
        %get3A_271 = tpu.vector_load %arg11[%get3A_269, %get3A_270] {strides = array<i32>} : memref<2x768xf32, #tpu.memory_space<vmem>>, vector<16xf32>,
        %select_n3A_272 = arith.select %eq3A_91, %get3A_267, %get3A_271 : vector<16xi1>, vector<16xf32>
        %get3A_273 = arith.index_cast %scan3A_86 : i32 to index
        %get3A_274 = arith.constant 144 : index
        %get3A_275 = tpu.vector_load %arg8[%get3A_273, %get3A_274] {strides = array<i32>} : memref<32x768xf32, #tpu.memory_space<vmem>>, vector<16xf32>,
        %add3A_276 = arith.addf %get3A_275, %select_n3A_272 : vector<16xf32>
        %swap3A_277 = arith.index_cast %scan3A_86 : i32 to index
        %swap3A_278 = arith.constant 144 : index
        %swap3A_279 = tpu.vector_load %arg8[%swap3A_277, %swap3A_278] {strides = array<i32>} : memref<32x768xf32, #tpu.memory_space<vmem>>, vector<16xf32>,
        tpu.vector_store %arg8[%swap3A_277, %swap3A_278], %add3A_276 {strides = array<i32>} : memref<32x768xf32, #tpu.memory_space<vmem>>, vector<16xf32>,
        %add3A_280 = arith.addf %add3A_261, %add3A_276 : vector<16xf32>
        %mul3A_281 = arith.mulf %add3A_276, %add3A_276 : vector<16xf32>
        %add3A_282 = arith.addf %add3A_263, %mul3A_281 : vector<16xf32>
        %get3A_283 = arith.constant 1 : i32
        %get3A_284 = arith.index_cast %get3A_283 : i32 to index
        %get3A_285 = arith.constant 160 : index
        %get3A_286 = tpu.vector_load %arg11[%get3A_284, %get3A_285] {strides = array<i32>} : memref<2x768xf32, #tpu.memory_space<vmem>>, vector<16xf32>,
        %get3A_287 = arith.constant 0 : i32
        %get3A_288 = arith.index_cast %get3A_287 : i32 to index
        %get3A_289 = arith.constant 160 : index
        %get3A_290 = tpu.vector_load %arg11[%get3A_288, %get3A_289] {strides = array<i32>} : memref<2x768xf32, #tpu.memory_space<vmem>>, vector<16xf32>,
        %select_n3A_291 = arith.select %eq3A_91, %get3A_286, %get3A_290 : vector<16xi1>, vector<16xf32>
        %get3A_292 = arith.index_cast %scan3A_86 : i32 to index
        %get3A_293 = arith.constant 160 : index
        %get3A_294 = tpu.vector_load %arg8[%get3A_292, %get3A_293] {strides = array<i32>} : memref<32x768xf32, #tpu.memory_space<vmem>>, vector<16xf32>,
        %add3A_295 = arith.addf %get3A_294, %select_n3A_291 : vector<16xf32>
        %swap3A_296 = arith.index_cast %scan3A_86 : i32 to index
        %swap3A_297 = arith.constant 160 : index
        %swap3A_298 = tpu.vector_load %arg8[%swap3A_296, %swap3A_297] {strides = array<i32>} : memref<32x768xf32, #tpu.memory_space<vmem>>, vector<16xf32>,
        tpu.vector_store %arg8[%swap3A_296, %swap3A_297], %add3A_295 {strides = array<i32>} : memref<32x768xf32, #tpu.memory_space<vmem>>, vector<16xf32>,
        %add3A_299 = arith.addf %add3A_280, %add3A_295 : vector<16xf32>
        %mul3A_300 = arith.mulf %add3A_295, %add3A_295 : vector<16xf32>
        %add3A_301 = arith.addf %add3A_282, %mul3A_300 : vector<16xf32>
        %get3A_302 = arith.constant 1 : i32
        %get3A_303 = arith.index_cast %get3A_302 : i32 to index
        %get3A_304 = arith.constant 176 : index
        %get3A_305 = tpu.vector_load %arg11[%get3A_303, %get3A_304] {strides = array<i32>} : memref<2x768xf32, #tpu.memory_space<vmem>>, vector<16xf32>,
        %get3A_306 = arith.constant 0 : i32
        %get3A_307 = arith.index_cast %get3A_306 : i32 to index
        %get3A_308 = arith.constant 176 : index
        %get3A_309 = tpu.vector_load %arg11[%get3A_307, %get3A_308] {strides = array<i32>} : memref<2x768xf32, #tpu.memory_space<vmem>>, vector<16xf32>,
        %select_n3A_310 = arith.select %eq3A_91, %get3A_305, %get3A_309 : vector<16xi1>, vector<16xf32>
        %get3A_311 = arith.index_cast %scan3A_86 : i32 to index
        %get3A_312 = arith.constant 176 : index
        %get3A_313 = tpu.vector_load %arg8[%get3A_311, %get3A_312] {strides = array<i32>} : memref<32x768xf32, #tpu.memory_space<vmem>>, vector<16xf32>,
        %add3A_314 = arith.addf %get3A_313, %select_n3A_310 : vector<16xf32>
        %swap3A_315 = arith.index_cast %scan3A_86 : i32 to index
        %swap3A_316 = arith.constant 176 : index
        %swap3A_317 = tpu.vector_load %arg8[%swap3A_315, %swap3A_316] {strides = array<i32>} : memref<32x768xf32, #tpu.memory_space<vmem>>, vector<16xf32>,
        tpu.vector_store %arg8[%swap3A_315, %swap3A_316], %add3A_314 {strides = array<i32>} : memref<32x768xf32, #tpu.memory_space<vmem>>, vector<16xf32>,
        %add3A_318 = arith.addf %add3A_299, %add3A_314 : vector<16xf32>
        %mul3A_319 = arith.mulf %add3A_314, %add3A_314 : vector<16xf32>
        %add3A_320 = arith.addf %add3A_301, %mul3A_319 : vector<16xf32>
        %get3A_321 = arith.constant 1 : i32
        %get3A_322 = arith.index_cast %get3A_321 : i32 to index
        %get3A_323 = arith.constant 192 : index
        %get3A_324 = tpu.vector_load %arg11[%get3A_322, %get3A_323] {strides = array<i32>} : memref<2x768xf32, #tpu.memory_space<vmem>>, vector<16xf32>,
        %get3A_325 = arith.constant 0 : i32
        %get3A_326 = arith.index_cast %get3A_325 : i32 to index
        %get3A_327 = arith.constant 192 : index
        %get3A_328 = tpu.vector_load %arg11[%get3A_326, %get3A_327] {strides = array<i32>} : memref<2x768xf32, #tpu.memory_space<vmem>>, vector<16xf32>,
        %select_n3A_329 = arith.select %eq3A_91, %get3A_324, %get3A_328 : vector<16xi1>, vector<16xf32>
        %get3A_330 = arith.index_cast %scan3A_86 : i32 to index
        %get3A_331 = arith.constant 192 : index
        %get3A_332 = tpu.vector_load %arg8[%get3A_330, %get3A_331] {strides = array<i32>} : memref<32x768xf32, #tpu.memory_space<vmem>>, vector<16xf32>,
        %add3A_333 = arith.addf %get3A_332, %select_n3A_329 : vector<16xf32>
        %swap3A_334 = arith.index_cast %scan3A_86 : i32 to index
        %swap3A_335 = arith.constant 192 : index
        %swap3A_336 = tpu.vector_load %arg8[%swap3A_334, %swap3A_335] {strides = array<i32>} : memref<32x768xf32, #tpu.memory_space<vmem>>, vector<16xf32>,
        tpu.vector_store %arg8[%swap3A_334, %swap3A_335], %add3A_333 {strides = array<i32>} : memref<32x768xf32, #tpu.memory_space<vmem>>, vector<16xf32>,
        %add3A_337 = arith.addf %add3A_318, %add3A_333 : vector<16xf32>
        %mul3A_338 = arith.mulf %add3A_333, %add3A_333 : vector<16xf32>
        %add3A_339 = arith.addf %add3A_320, %mul3A_338 : vector<16xf32>
        %get3A_340 = arith.constant 1 : i32
        %get3A_341 = arith.index_cast %get3A_340 : i32 to index
        %get3A_342 = arith.constant 208 : index
        %get3A_343 = tpu.vector_load %arg11[%get3A_341, %get3A_342] {strides = array<i32>} : memref<2x768xf32, #tpu.memory_space<vmem>>, vector<16xf32>,
        %get3A_344 = arith.constant 0 : i32
        %get3A_345 = arith.index_cast %get3A_344 : i32 to index
        %get3A_346 = arith.constant 208 : index
        %get3A_347 = tpu.vector_load %arg11[%get3A_345, %get3A_346] {strides = array<i32>} : memref<2x768xf32, #tpu.memory_space<vmem>>, vector<16xf32>,
        %select_n3A_348 = arith.select %eq3A_91, %get3A_343, %get3A_347 : vector<16xi1>, vector<16xf32>
        %get3A_349 = arith.index_cast %scan3A_86 : i32 to index
        %get3A_350 = arith.constant 208 : index
        %get3A_351 = tpu.vector_load %arg8[%get3A_349, %get3A_350] {strides = array<i32>} : memref<32x768xf32, #tpu.memory_space<vmem>>, vector<16xf32>,
        %add3A_352 = arith.addf %get3A_351, %select_n3A_348 : vector<16xf32>
        %swap3A_353 = arith.index_cast %scan3A_86 : i32 to index
        %swap3A_354 = arith.constant 208 : index
        %swap3A_355 = tpu.vector_load %arg8[%swap3A_353, %swap3A_354] {strides = array<i32>} : memref<32x768xf32, #tpu.memory_space<vmem>>, vector<16xf32>,
        tpu.vector_store %arg8[%swap3A_353, %swap3A_354], %add3A_352 {strides = array<i32>} : memref<32x768xf32, #tpu.memory_space<vmem>>, vector<16xf32>,
        %add3A_356 = arith.addf %add3A_337, %add3A_352 : vector<16xf32>
        %mul3A_357 = arith.mulf %add3A_352, %add3A_352 : vector<16xf32>
        %add3A_358 = arith.addf %add3A_339, %mul3A_357 : vector<16xf32>
        %get3A_359 = arith.constant 1 : i32
        %get3A_360 = arith.index_cast %get3A_359 : i32 to index
        %get3A_361 = arith.constant 224 : index
        %get3A_362 = tpu.vector_load %arg11[%get3A_360, %get3A_361] {strides = array<i32>} : memref<2x768xf32, #tpu.memory_space<vmem>>, vector<16xf32>,
        %get3A_363 = arith.constant 0 : i32
        %get3A_364 = arith.index_cast %get3A_363 : i32 to index
        %get3A_365 = arith.constant 224 : index
        %get3A_366 = tpu.vector_load %arg11[%get3A_364, %get3A_365] {strides = array<i32>} : memref<2x768xf32, #tpu.memory_space<vmem>>, vector<16xf32>,
        %select_n3A_367 = arith.select %eq3A_91, %get3A_362, %get3A_366 : vector<16xi1>, vector<16xf32>
        %get3A_368 = arith.index_cast %scan3A_86 : i32 to index
        %get3A_369 = arith.constant 224 : index
        %get3A_370 = tpu.vector_load %arg8[%get3A_368, %get3A_369] {strides = array<i32>} : memref<32x768xf32, #tpu.memory_space<vmem>>, vector<16xf32>,
        %add3A_371 = arith.addf %get3A_370, %select_n3A_367 : vector<16xf32>
        %swap3A_372 = arith.index_cast %scan3A_86 : i32 to index
        %swap3A_373 = arith.constant 224 : index
        %swap3A_374 = tpu.vector_load %arg8[%swap3A_372, %swap3A_373] {strides = array<i32>} : memref<32x768xf32, #tpu.memory_space<vmem>>, vector<16xf32>,
        tpu.vector_store %arg8[%swap3A_372, %swap3A_373], %add3A_371 {strides = array<i32>} : memref<32x768xf32, #tpu.memory_space<vmem>>, vector<16xf32>,
        %add3A_375 = arith.addf %add3A_356, %add3A_371 : vector<16xf32>
        %mul3A_376 = arith.mulf %add3A_371, %add3A_371 : vector<16xf32>
        %add3A_377 = arith.addf %add3A_358, %mul3A_376 : vector<16xf32>
        %get3A_378 = arith.constant 1 : i32
        %get3A_379 = arith.index_cast %get3A_378 : i32 to index
        %get3A_380 = arith.constant 240 : index
        %get3A_381 = tpu.vector_load %arg11[%get3A_379, %get3A_380] {strides = array<i32>} : memref<2x768xf32, #tpu.memory_space<vmem>>, vector<16xf32>,
        %get3A_382 = arith.constant 0 : i32
        %get3A_383 = arith.index_cast %get3A_382 : i32 to index
        %get3A_384 = arith.constant 240 : index
        %get3A_385 = tpu.vector_load %arg11[%get3A_383, %get3A_384] {strides = array<i32>} : memref<2x768xf32, #tpu.memory_space<vmem>>, vector<16xf32>,
        %select_n3A_386 = arith.select %eq3A_91, %get3A_381, %get3A_385 : vector<16xi1>, vector<16xf32>
        %get3A_387 = arith.index_cast %scan3A_86 : i32 to index
        %get3A_388 = arith.constant 240 : index
        %get3A_389 = tpu.vector_load %arg8[%get3A_387, %get3A_388] {strides = array<i32>} : memref<32x768xf32, #tpu.memory_space<vmem>>, vector<16xf32>,
        %add3A_390 = arith.addf %get3A_389, %select_n3A_386 : vector<16xf32>
        %swap3A_391 = arith.index_cast %scan3A_86 : i32 to index
        %swap3A_392 = arith.constant 240 : index
        %swap3A_393 = tpu.vector_load %arg8[%swap3A_391, %swap3A_392] {strides = array<i32>} : memref<32x768xf32, #tpu.memory_space<vmem>>, vector<16xf32>,
        tpu.vector_store %arg8[%swap3A_391, %swap3A_392], %add3A_390 {strides = array<i32>} : memref<32x768xf32, #tpu.memory_space<vmem>>, vector<16xf32>,
        %add3A_394 = arith.addf %add3A_375, %add3A_390 : vector<16xf32>
        %mul3A_395 = arith.mulf %add3A_390, %add3A_390 : vector<16xf32>
        %add3A_396 = arith.addf %add3A_377, %mul3A_395 : vector<16xf32>
        %get3A_397 = arith.constant 1 : i32
        %get3A_398 = arith.index_cast %get3A_397 : i32 to index
        %get3A_399 = arith.constant 256 : index
        %get3A_400 = tpu.vector_load %arg11[%get3A_398, %get3A_399] {strides = array<i32>} : memref<2x768xf32, #tpu.memory_space<vmem>>, vector<16xf32>,
        %get3A_401 = arith.constant 0 : i32
        %get3A_402 = arith.index_cast %get3A_401 : i32 to index
        %get3A_403 = arith.constant 256 : index
        %get3A_404 = tpu.vector_load %arg11[%get3A_402, %get3A_403] {strides = array<i32>} : memref<2x768xf32, #tpu.memory_space<vmem>>, vector<16xf32>,
        %select_n3A_405 = arith.select %eq3A_91, %get3A_400, %get3A_404 : vector<16xi1>, vector<16xf32>
        %get3A_406 = arith.index_cast %scan3A_86 : i32 to index
        %get3A_407 = arith.constant 256 : index
        %get3A_408 = tpu.vector_load %arg8[%get3A_406, %get3A_407] {strides = array<i32>} : memref<32x768xf32, #tpu.memory_space<vmem>>, vector<16xf32>,
        %add3A_409 = arith.addf %get3A_408, %select_n3A_405 : vector<16xf32>
        %swap3A_410 = arith.index_cast %scan3A_86 : i32 to index
        %swap3A_411 = arith.constant 256 : index
        %swap3A_412 = tpu.vector_load %arg8[%swap3A_410, %swap3A_411] {strides = array<i32>} : memref<32x768xf32, #tpu.memory_space<vmem>>, vector<16xf32>,
        tpu.vector_store %arg8[%swap3A_410, %swap3A_411], %add3A_409 {strides = array<i32>} : memref<32x768xf32, #tpu.memory_space<vmem>>, vector<16xf32>,
        %add3A_413 = arith.addf %add3A_394, %add3A_409 : vector<16xf32>
        %mul3A_414 = arith.mulf %add3A_409, %add3A_409 : vector<16xf32>
        %add3A_415 = arith.addf %add3A_396, %mul3A_414 : vector<16xf32>
        %get3A_416 = arith.constant 1 : i32
        %get3A_417 = arith.index_cast %get3A_416 : i32 to index
        %get3A_418 = arith.constant 272 : index
        %get3A_419 = tpu.vector_load %arg11[%get3A_417, %get3A_418] {strides = array<i32>} : memref<2x768xf32, #tpu.memory_space<vmem>>, vector<16xf32>,
        %get3A_420 = arith.constant 0 : i32
        %get3A_421 = arith.index_cast %get3A_420 : i32 to index
        %get3A_422 = arith.constant 272 : index
        %get3A_423 = tpu.vector_load %arg11[%get3A_421, %get3A_422] {strides = array<i32>} : memref<2x768xf32, #tpu.memory_space<vmem>>, vector<16xf32>,
        %select_n3A_424 = arith.select %eq3A_91, %get3A_419, %get3A_423 : vector<16xi1>, vector<16xf32>
        %get3A_425 = arith.index_cast %scan3A_86 : i32 to index
        %get3A_426 = arith.constant 272 : index
        %get3A_427 = tpu.vector_load %arg8[%get3A_425, %get3A_426] {strides = array<i32>} : memref<32x768xf32, #tpu.memory_space<vmem>>, vector<16xf32>,
        %add3A_428 = arith.addf %get3A_427, %select_n3A_424 : vector<16xf32>
        %swap3A_429 = arith.index_cast %scan3A_86 : i32 to index
        %swap3A_430 = arith.constant 272 : index
        %swap3A_431 = tpu.vector_load %arg8[%swap3A_429, %swap3A_430] {strides = array<i32>} : memref<32x768xf32, #tpu.memory_space<vmem>>, vector<16xf32>,
        tpu.vector_store %arg8[%swap3A_429, %swap3A_430], %add3A_428 {strides = array<i32>} : memref<32x768xf32, #tpu.memory_space<vmem>>, vector<16xf32>,
        %add3A_432 = arith.addf %add3A_413, %add3A_428 : vector<16xf32>
        %mul3A_433 = arith.mulf %add3A_428, %add3A_428 : vector<16xf32>
        %add3A_434 = arith.addf %add3A_415, %mul3A_433 : vector<16xf32>
        %get3A_435 = arith.constant 1 : i32
        %get3A_436 = arith.index_cast %get3A_435 : i32 to index
        %get3A_437 = arith.constant 288 : index
        %get3A_438 = tpu.vector_load %arg11[%get3A_436, %get3A_437] {strides = array<i32>} : memref<2x768xf32, #tpu.memory_space<vmem>>, vector<16xf32>,
        %get3A_439 = arith.constant 0 : i32
        %get3A_440 = arith.index_cast %get3A_439 : i32 to index
        %get3A_441 = arith.constant 288 : index
        %get3A_442 = tpu.vector_load %arg11[%get3A_440, %get3A_441] {strides = array<i32>} : memref<2x768xf32, #tpu.memory_space<vmem>>, vector<16xf32>,
        %select_n3A_443 = arith.select %eq3A_91, %get3A_438, %get3A_442 : vector<16xi1>, vector<16xf32>
        %get3A_444 = arith.index_cast %scan3A_86 : i32 to index
        %get3A_445 = arith.constant 288 : index
        %get3A_446 = tpu.vector_load %arg8[%get3A_444, %get3A_445] {strides = array<i32>} : memref<32x768xf32, #tpu.memory_space<vmem>>, vector<16xf32>,
        %add3A_447 = arith.addf %get3A_446, %select_n3A_443 : vector<16xf32>
        %swap3A_448 = arith.index_cast %scan3A_86 : i32 to index
        %swap3A_449 = arith.constant 288 : index
        %swap3A_450 = tpu.vector_load %arg8[%swap3A_448, %swap3A_449] {strides = array<i32>} : memref<32x768xf32, #tpu.memory_space<vmem>>, vector<16xf32>,
        tpu.vector_store %arg8[%swap3A_448, %swap3A_449], %add3A_447 {strides = array<i32>} : memref<32x768xf32, #tpu.memory_space<vmem>>, vector<16xf32>,
        %add3A_451 = arith.addf %add3A_432, %add3A_447 : vector<16xf32>
        %mul3A_452 = arith.mulf %add3A_447, %add3A_447 : vector<16xf32>
        %add3A_453 = arith.addf %add3A_434, %mul3A_452 : vector<16xf32>
        %get3A_454 = arith.constant 1 : i32
        %get3A_455 = arith.index_cast %get3A_454 : i32 to index
        %get3A_456 = arith.constant 304 : index
        %get3A_457 = tpu.vector_load %arg11[%get3A_455, %get3A_456] {strides = array<i32>} : memref<2x768xf32, #tpu.memory_space<vmem>>, vector<16xf32>,
        %get3A_458 = arith.constant 0 : i32
        %get3A_459 = arith.index_cast %get3A_458 : i32 to index
        %get3A_460 = arith.constant 304 : index
        %get3A_461 = tpu.vector_load %arg11[%get3A_459, %get3A_460] {strides = array<i32>} : memref<2x768xf32, #tpu.memory_space<vmem>>, vector<16xf32>,
        %select_n3A_462 = arith.select %eq3A_91, %get3A_457, %get3A_461 : vector<16xi1>, vector<16xf32>
        %get3A_463 = arith.index_cast %scan3A_86 : i32 to index
        %get3A_464 = arith.constant 304 : index
        %get3A_465 = tpu.vector_load %arg8[%get3A_463, %get3A_464] {strides = array<i32>} : memref<32x768xf32, #tpu.memory_space<vmem>>, vector<16xf32>,
        %add3A_466 = arith.addf %get3A_465, %select_n3A_462 : vector<16xf32>
        %swap3A_467 = arith.index_cast %scan3A_86 : i32 to index
        %swap3A_468 = arith.constant 304 : index
        %swap3A_469 = tpu.vector_load %arg8[%swap3A_467, %swap3A_468] {strides = array<i32>} : memref<32x768xf32, #tpu.memory_space<vmem>>, vector<16xf32>,
        tpu.vector_store %arg8[%swap3A_467, %swap3A_468], %add3A_466 {strides = array<i32>} : memref<32x768xf32, #tpu.memory_space<vmem>>, vector<16xf32>,
        %add3A_470 = arith.addf %add3A_451, %add3A_466 : vector<16xf32>
        %mul3A_471 = arith.mulf %add3A_466, %add3A_466 : vector<16xf32>
        %add3A_472 = arith.addf %add3A_453, %mul3A_471 : vector<16xf32>
        %get3A_473 = arith.constant 1 : i32
        %get3A_474 = arith.index_cast %get3A_473 : i32 to index
        %get3A_475 = arith.constant 320 : index
        %get3A_476 = tpu.vector_load %arg11[%get3A_474, %get3A_475] {strides = array<i32>} : memref<2x768xf32, #tpu.memory_space<vmem>>, vector<16xf32>,
        %get3A_477 = arith.constant 0 : i32
        %get3A_478 = arith.index_cast %get3A_477 : i32 to index
        %get3A_479 = arith.constant 320 : index
        %get3A_480 = tpu.vector_load %arg11[%get3A_478, %get3A_479] {strides = array<i32>} : memref<2x768xf32, #tpu.memory_space<vmem>>, vector<16xf32>,
        %select_n3A_481 = arith.select %eq3A_91, %get3A_476, %get3A_480 : vector<16xi1>, vector<16xf32>
        %get3A_482 = arith.index_cast %scan3A_86 : i32 to index
        %get3A_483 = arith.constant 320 : index
        %get3A_484 = tpu.vector_load %arg8[%get3A_482, %get3A_483] {strides = array<i32>} : memref<32x768xf32, #tpu.memory_space<vmem>>, vector<16xf32>,
        %add3A_485 = arith.addf %get3A_484, %select_n3A_481 : vector<16xf32>
        %swap3A_486 = arith.index_cast %scan3A_86 : i32 to index
        %swap3A_487 = arith.constant 320 : index
        %swap3A_488 = tpu.vector_load %arg8[%swap3A_486, %swap3A_487] {strides = array<i32>} : memref<32x768xf32, #tpu.memory_space<vmem>>, vector<16xf32>,
        tpu.vector_store %arg8[%swap3A_486, %swap3A_487], %add3A_485 {strides = array<i32>} : memref<32x768xf32, #tpu.memory_space<vmem>>, vector<16xf32>,
        %add3A_489 = arith.addf %add3A_470, %add3A_485 : vector<16xf32>
        %mul3A_490 = arith.mulf %add3A_485, %add3A_485 : vector<16xf32>
        %add3A_491 = arith.addf %add3A_472, %mul3A_490 : vector<16xf32>
        %get3A_492 = arith.constant 1 : i32
        %get3A_493 = arith.index_cast %get3A_492 : i32 to index
        %get3A_494 = arith.constant 336 : index
        %get3A_495 = tpu.vector_load %arg11[%get3A_493, %get3A_494] {strides = array<i32>} : memref<2x768xf32, #tpu.memory_space<vmem>>, vector<16xf32>,
        %get3A_496 = arith.constant 0 : i32
        %get3A_497 = arith.index_cast %get3A_496 : i32 to index
        %get3A_498 = arith.constant 336 : index
        %get3A_499 = tpu.vector_load %arg11[%get3A_497, %get3A_498] {strides = array<i32>} : memref<2x768xf32, #tpu.memory_space<vmem>>, vector<16xf32>,
        %select_n3A_500 = arith.select %eq3A_91, %get3A_495, %get3A_499 : vector<16xi1>, vector<16xf32>
        %get3A_501 = arith.index_cast %scan3A_86 : i32 to index
        %get3A_502 = arith.constant 336 : index
        %get3A_503 = tpu.vector_load %arg8[%get3A_501, %get3A_502] {strides = array<i32>} : memref<32x768xf32, #tpu.memory_space<vmem>>, vector<16xf32>,
        %add3A_504 = arith.addf %get3A_503, %select_n3A_500 : vector<16xf32>
        %swap3A_505 = arith.index_cast %scan3A_86 : i32 to index
        %swap3A_506 = arith.constant 336 : index
        %swap3A_507 = tpu.vector_load %arg8[%swap3A_505, %swap3A_506] {strides = array<i32>} : memref<32x768xf32, #tpu.memory_space<vmem>>, vector<16xf32>,
        tpu.vector_store %arg8[%swap3A_505, %swap3A_506], %add3A_504 {strides = array<i32>} : memref<32x768xf32, #tpu.memory_space<vmem>>, vector<16xf32>,
        %add3A_508 = arith.addf %add3A_489, %add3A_504 : vector<16xf32>
        %mul3A_509 = arith.mulf %add3A_504, %add3A_504 : vector<16xf32>
        %add3A_510 = arith.addf %add3A_491, %mul3A_509 : vector<16xf32>
        %get3A_511 = arith.constant 1 : i32
        %get3A_512 = arith.index_cast %get3A_511 : i32 to index
        %get3A_513 = arith.constant 352 : index
        %get3A_514 = tpu.vector_load %arg11[%get3A_512, %get3A_513] {strides = array<i32>} : memref<2x768xf32, #tpu.memory_space<vmem>>, vector<16xf32>,
        %get3A_515 = arith.constant 0 : i32
        %get3A_516 = arith.index_cast %get3A_515 : i32 to index
        %get3A_517 = arith.constant 352 : index
        %get3A_518 = tpu.vector_load %arg11[%get3A_516, %get3A_517] {strides = array<i32>} : memref<2x768xf32, #tpu.memory_space<vmem>>, vector<16xf32>,
        %select_n3A_519 = arith.select %eq3A_91, %get3A_514, %get3A_518 : vector<16xi1>, vector<16xf32>
        %get3A_520 = arith.index_cast %scan3A_86 : i32 to index
        %get3A_521 = arith.constant 352 : index
        %get3A_522 = tpu.vector_load %arg8[%get3A_520, %get3A_521] {strides = array<i32>} : memref<32x768xf32, #tpu.memory_space<vmem>>, vector<16xf32>,
        %add3A_523 = arith.addf %get3A_522, %select_n3A_519 : vector<16xf32>
        %swap3A_524 = arith.index_cast %scan3A_86 : i32 to index
        %swap3A_525 = arith.constant 352 : index
        %swap3A_526 = tpu.vector_load %arg8[%swap3A_524, %swap3A_525] {strides = array<i32>} : memref<32x768xf32, #tpu.memory_space<vmem>>, vector<16xf32>,
        tpu.vector_store %arg8[%swap3A_524, %swap3A_525], %add3A_523 {strides = array<i32>} : memref<32x768xf32, #tpu.memory_space<vmem>>, vector<16xf32>,
        %add3A_527 = arith.addf %add3A_508, %add3A_523 : vector<16xf32>
        %mul3A_528 = arith.mulf %add3A_523, %add3A_523 : vector<16xf32>
        %add3A_529 = arith.addf %add3A_510, %mul3A_528 : vector<16xf32>
        %get3A_530 = arith.constant 1 : i32
        %get3A_531 = arith.index_cast %get3A_530 : i32 to index
        %get3A_532 = arith.constant 368 : index
        %get3A_533 = tpu.vector_load %arg11[%get3A_531, %get3A_532] {strides = array<i32>} : memref<2x768xf32, #tpu.memory_space<vmem>>, vector<16xf32>,
        %get3A_534 = arith.constant 0 : i32
        %get3A_535 = arith.index_cast %get3A_534 : i32 to index
        %get3A_536 = arith.constant 368 : index
        %get3A_537 = tpu.vector_load %arg11[%get3A_535, %get3A_536] {strides = array<i32>} : memref<2x768xf32, #tpu.memory_space<vmem>>, vector<16xf32>,
        %select_n3A_538 = arith.select %eq3A_91, %get3A_533, %get3A_537 : vector<16xi1>, vector<16xf32>
        %get3A_539 = arith.index_cast %scan3A_86 : i32 to index
        %get3A_540 = arith.constant 368 : index
        %get3A_541 = tpu.vector_load %arg8[%get3A_539, %get3A_540] {strides = array<i32>} : memref<32x768xf32, #tpu.memory_space<vmem>>, vector<16xf32>,
        %add3A_542 = arith.addf %get3A_541, %select_n3A_538 : vector<16xf32>
        %swap3A_543 = arith.index_cast %scan3A_86 : i32 to index
        %swap3A_544 = arith.constant 368 : index
        %swap3A_545 = tpu.vector_load %arg8[%swap3A_543, %swap3A_544] {strides = array<i32>} : memref<32x768xf32, #tpu.memory_space<vmem>>, vector<16xf32>,
        tpu.vector_store %arg8[%swap3A_543, %swap3A_544], %add3A_542 {strides = array<i32>} : memref<32x768xf32, #tpu.memory_space<vmem>>, vector<16xf32>,
        %add3A_546 = arith.addf %add3A_527, %add3A_542 : vector<16xf32>
        %mul3A_547 = arith.mulf %add3A_542, %add3A_542 : vector<16xf32>
        %add3A_548 = arith.addf %add3A_529, %mul3A_547 : vector<16xf32>
        %get3A_549 = arith.constant 1 : i32
        %get3A_550 = arith.index_cast %get3A_549 : i32 to index
        %get3A_551 = arith.constant 384 : index
        %get3A_552 = tpu.vector_load %arg11[%get3A_550, %get3A_551] {strides = array<i32>} : memref<2x768xf32, #tpu.memory_space<vmem>>, vector<16xf32>,
        %get3A_553 = arith.constant 0 : i32
        %get3A_554 = arith.index_cast %get3A_553 : i32 to index
        %get3A_555 = arith.constant 384 : index
        %get3A_556 = tpu.vector_load %arg11[%get3A_554, %get3A_555] {strides = array<i32>} : memref<2x768xf32, #tpu.memory_space<vmem>>, vector<16xf32>,
        %select_n3A_557 = arith.select %eq3A_91, %get3A_552, %get3A_556 : vector<16xi1>, vector<16xf32>
        %get3A_558 = arith.index_cast %scan3A_86 : i32 to index
        %get3A_559 = arith.constant 384 : index
        %get3A_560 = tpu.vector_load %arg8[%get3A_558, %get3A_559] {strides = array<i32>} : memref<32x768xf32, #tpu.memory_space<vmem>>, vector<16xf32>,
        %add3A_561 = arith.addf %get3A_560, %select_n3A_557 : vector<16xf32>
        %swap3A_562 = arith.index_cast %scan3A_86 : i32 to index
        %swap3A_563 = arith.constant 384 : index
        %swap3A_564 = tpu.vector_load %arg8[%swap3A_562, %swap3A_563] {strides = array<i32>} : memref<32x768xf32, #tpu.memory_space<vmem>>, vector<16xf32>,
        tpu.vector_store %arg8[%swap3A_562, %swap3A_563], %add3A_561 {strides = array<i32>} : memref<32x768xf32, #tpu.memory_space<vmem>>, vector<16xf32>,
        %add3A_565 = arith.addf %add3A_546, %add3A_561 : vector<16xf32>
        %mul3A_566 = arith.mulf %add3A_561, %add3A_561 : vector<16xf32>
        %add3A_567 = arith.addf %add3A_548, %mul3A_566 : vector<16xf32>
        %get3A_568 = arith.constant 1 : i32
        %get3A_569 = arith.index_cast %get3A_568 : i32 to index
        %get3A_570 = arith.constant 400 : index
        %get3A_571 = tpu.vector_load %arg11[%get3A_569, %get3A_570] {strides = array<i32>} : memref<2x768xf32, #tpu.memory_space<vmem>>, vector<16xf32>,
        %get3A_572 = arith.constant 0 : i32
        %get3A_573 = arith.index_cast %get3A_572 : i32 to index
        %get3A_574 = arith.constant 400 : index
        %get3A_575 = tpu.vector_load %arg11[%get3A_573, %get3A_574] {strides = array<i32>} : memref<2x768xf32, #tpu.memory_space<vmem>>, vector<16xf32>,
        %select_n3A_576 = arith.select %eq3A_91, %get3A_571, %get3A_575 : vector<16xi1>, vector<16xf32>
        %get3A_577 = arith.index_cast %scan3A_86 : i32 to index
        %get3A_578 = arith.constant 400 : index
        %get3A_579 = tpu.vector_load %arg8[%get3A_577, %get3A_578] {strides = array<i32>} : memref<32x768xf32, #tpu.memory_space<vmem>>, vector<16xf32>,
        %add3A_580 = arith.addf %get3A_579, %select_n3A_576 : vector<16xf32>
        %swap3A_581 = arith.index_cast %scan3A_86 : i32 to index
        %swap3A_582 = arith.constant 400 : index
        %swap3A_583 = tpu.vector_load %arg8[%swap3A_581, %swap3A_582] {strides = array<i32>} : memref<32x768xf32, #tpu.memory_space<vmem>>, vector<16xf32>,
        tpu.vector_store %arg8[%swap3A_581, %swap3A_582], %add3A_580 {strides = array<i32>} : memref<32x768xf32, #tpu.memory_space<vmem>>, vector<16xf32>,
        %add3A_584 = arith.addf %add3A_565, %add3A_580 : vector<16xf32>
        %mul3A_585 = arith.mulf %add3A_580, %add3A_580 : vector<16xf32>
        %add3A_586 = arith.addf %add3A_567, %mul3A_585 : vector<16xf32>
        %get3A_587 = arith.constant 1 : i32
        %get3A_588 = arith.index_cast %get3A_587 : i32 to index
        %get3A_589 = arith.constant 416 : index
        %get3A_590 = tpu.vector_load %arg11[%get3A_588, %get3A_589] {strides = array<i32>} : memref<2x768xf32, #tpu.memory_space<vmem>>, vector<16xf32>,
        %get3A_591 = arith.constant 0 : i32
        %get3A_592 = arith.index_cast %get3A_591 : i32 to index
        %get3A_593 = arith.constant 416 : index
        %get3A_594 = tpu.vector_load %arg11[%get3A_592, %get3A_593] {strides = array<i32>} : memref<2x768xf32, #tpu.memory_space<vmem>>, vector<16xf32>,
        %select_n3A_595 = arith.select %eq3A_91, %get3A_590, %get3A_594 : vector<16xi1>, vector<16xf32>
        %get3A_596 = arith.index_cast %scan3A_86 : i32 to index
        %get3A_597 = arith.constant 416 : index
        %get3A_598 = tpu.vector_load %arg8[%get3A_596, %get3A_597] {strides = array<i32>} : memref<32x768xf32, #tpu.memory_space<vmem>>, vector<16xf32>,
        %add3A_599 = arith.addf %get3A_598, %select_n3A_595 : vector<16xf32>
        %swap3A_600 = arith.index_cast %scan3A_86 : i32 to index
        %swap3A_601 = arith.constant 416 : index
        %swap3A_602 = tpu.vector_load %arg8[%swap3A_600, %swap3A_601] {strides = array<i32>} : memref<32x768xf32, #tpu.memory_space<vmem>>, vector<16xf32>,
        tpu.vector_store %arg8[%swap3A_600, %swap3A_601], %add3A_599 {strides = array<i32>} : memref<32x768xf32, #tpu.memory_space<vmem>>, vector<16xf32>,
        %add3A_603 = arith.addf %add3A_584, %add3A_599 : vector<16xf32>
        %mul3A_604 = arith.mulf %add3A_599, %add3A_599 : vector<16xf32>
        %add3A_605 = arith.addf %add3A_586, %mul3A_604 : vector<16xf32>
        %get3A_606 = arith.constant 1 : i32
        %get3A_607 = arith.index_cast %get3A_606 : i32 to index
        %get3A_608 = arith.constant 432 : index
        %get3A_609 = tpu.vector_load %arg11[%get3A_607, %get3A_608] {strides = array<i32>} : memref<2x768xf32, #tpu.memory_space<vmem>>, vector<16xf32>,
        %get3A_610 = arith.constant 0 : i32
        %get3A_611 = arith.index_cast %get3A_610 : i32 to index
        %get3A_612 = arith.constant 432 : index
        %get3A_613 = tpu.vector_load %arg11[%get3A_611, %get3A_612] {strides = array<i32>} : memref<2x768xf32, #tpu.memory_space<vmem>>, vector<16xf32>,
        %select_n3A_614 = arith.select %eq3A_91, %get3A_609, %get3A_613 : vector<16xi1>, vector<16xf32>
        %get3A_615 = arith.index_cast %scan3A_86 : i32 to index
        %get3A_616 = arith.constant 432 : index
        %get3A_617 = tpu.vector_load %arg8[%get3A_615, %get3A_616] {strides = array<i32>} : memref<32x768xf32, #tpu.memory_space<vmem>>, vector<16xf32>,
        %add3A_618 = arith.addf %get3A_617, %select_n3A_614 : vector<16xf32>
        %swap3A_619 = arith.index_cast %scan3A_86 : i32 to index
        %swap3A_620 = arith.constant 432 : index
        %swap3A_621 = tpu.vector_load %arg8[%swap3A_619, %swap3A_620] {strides = array<i32>} : memref<32x768xf32, #tpu.memory_space<vmem>>, vector<16xf32>,
        tpu.vector_store %arg8[%swap3A_619, %swap3A_620], %add3A_618 {strides = array<i32>} : memref<32x768xf32, #tpu.memory_space<vmem>>, vector<16xf32>,
        %add3A_622 = arith.addf %add3A_603, %add3A_618 : vector<16xf32>
        %mul3A_623 = arith.mulf %add3A_618, %add3A_618 : vector<16xf32>
        %add3A_624 = arith.addf %add3A_605, %mul3A_623 : vector<16xf32>
        %get3A_625 = arith.constant 1 : i32
        %get3A_626 = arith.index_cast %get3A_625 : i32 to index
        %get3A_627 = arith.constant 448 : index
        %get3A_628 = tpu.vector_load %arg11[%get3A_626, %get3A_627] {strides = array<i32>} : memref<2x768xf32, #tpu.memory_space<vmem>>, vector<16xf32>,
        %get3A_629 = arith.constant 0 : i32
        %get3A_630 = arith.index_cast %get3A_629 : i32 to index
        %get3A_631 = arith.constant 448 : index
        %get3A_632 = tpu.vector_load %arg11[%get3A_630, %get3A_631] {strides = array<i32>} : memref<2x768xf32, #tpu.memory_space<vmem>>, vector<16xf32>,
        %select_n3A_633 = arith.select %eq3A_91, %get3A_628, %get3A_632 : vector<16xi1>, vector<16xf32>
        %get3A_634 = arith.index_cast %scan3A_86 : i32 to index
        %get3A_635 = arith.constant 448 : index
        %get3A_636 = tpu.vector_load %arg8[%get3A_634, %get3A_635] {strides = array<i32>} : memref<32x768xf32, #tpu.memory_space<vmem>>, vector<16xf32>,
        %add3A_637 = arith.addf %get3A_636, %select_n3A_633 : vector<16xf32>
        %swap3A_638 = arith.index_cast %scan3A_86 : i32 to index
        %swap3A_639 = arith.constant 448 : index
        %swap3A_640 = tpu.vector_load %arg8[%swap3A_638, %swap3A_639] {strides = array<i32>} : memref<32x768xf32, #tpu.memory_space<vmem>>, vector<16xf32>,
        tpu.vector_store %arg8[%swap3A_638, %swap3A_639], %add3A_637 {strides = array<i32>} : memref<32x768xf32, #tpu.memory_space<vmem>>, vector<16xf32>,
        %add3A_641 = arith.addf %add3A_622, %add3A_637 : vector<16xf32>
        %mul3A_642 = arith.mulf %add3A_637, %add3A_637 : vector<16xf32>
        %add3A_643 = arith.addf %add3A_624, %mul3A_642 : vector<16xf32>
        %get3A_644 = arith.constant 1 : i32
        %get3A_645 = arith.index_cast %get3A_644 : i32 to index
        %get3A_646 = arith.constant 464 : index
        %get3A_647 = tpu.vector_load %arg11[%get3A_645, %get3A_646] {strides = array<i32>} : memref<2x768xf32, #tpu.memory_space<vmem>>, vector<16xf32>,
        %get3A_648 = arith.constant 0 : i32
        %get3A_649 = arith.index_cast %get3A_648 : i32 to index
        %get3A_650 = arith.constant 464 : index
        %get3A_651 = tpu.vector_load %arg11[%get3A_649, %get3A_650] {strides = array<i32>} : memref<2x768xf32, #tpu.memory_space<vmem>>, vector<16xf32>,
        %select_n3A_652 = arith.select %eq3A_91, %get3A_647, %get3A_651 : vector<16xi1>, vector<16xf32>
        %get3A_653 = arith.index_cast %scan3A_86 : i32 to index
        %get3A_654 = arith.constant 464 : index
        %get3A_655 = tpu.vector_load %arg8[%get3A_653, %get3A_654] {strides = array<i32>} : memref<32x768xf32, #tpu.memory_space<vmem>>, vector<16xf32>,
        %add3A_656 = arith.addf %get3A_655, %select_n3A_652 : vector<16xf32>
        %swap3A_657 = arith.index_cast %scan3A_86 : i32 to index
        %swap3A_658 = arith.constant 464 : index
        %swap3A_659 = tpu.vector_load %arg8[%swap3A_657, %swap3A_658] {strides = array<i32>} : memref<32x768xf32, #tpu.memory_space<vmem>>, vector<16xf32>,
        tpu.vector_store %arg8[%swap3A_657, %swap3A_658], %add3A_656 {strides = array<i32>} : memref<32x768xf32, #tpu.memory_space<vmem>>, vector<16xf32>,
        %add3A_660 = arith.addf %add3A_641, %add3A_656 : vector<16xf32>
        %mul3A_661 = arith.mulf %add3A_656, %add3A_656 : vector<16xf32>
        %add3A_662 = arith.addf %add3A_643, %mul3A_661 : vector<16xf32>
        %get3A_663 = arith.constant 1 : i32
        %get3A_664 = arith.index_cast %get3A_663 : i32 to index
        %get3A_665 = arith.constant 480 : index
        %get3A_666 = tpu.vector_load %arg11[%get3A_664, %get3A_665] {strides = array<i32>} : memref<2x768xf32, #tpu.memory_space<vmem>>, vector<16xf32>,
        %get3A_667 = arith.constant 0 : i32
        %get3A_668 = arith.index_cast %get3A_667 : i32 to index
        %get3A_669 = arith.constant 480 : index
        %get3A_670 = tpu.vector_load %arg11[%get3A_668, %get3A_669] {strides = array<i32>} : memref<2x768xf32, #tpu.memory_space<vmem>>, vector<16xf32>,
        %select_n3A_671 = arith.select %eq3A_91, %get3A_666, %get3A_670 : vector<16xi1>, vector<16xf32>
        %get3A_672 = arith.index_cast %scan3A_86 : i32 to index
        %get3A_673 = arith.constant 480 : index
        %get3A_674 = tpu.vector_load %arg8[%get3A_672, %get3A_673] {strides = array<i32>} : memref<32x768xf32, #tpu.memory_space<vmem>>, vector<16xf32>,
        %add3A_675 = arith.addf %get3A_674, %select_n3A_671 : vector<16xf32>
        %swap3A_676 = arith.index_cast %scan3A_86 : i32 to index
        %swap3A_677 = arith.constant 480 : index
        %swap3A_678 = tpu.vector_load %arg8[%swap3A_676, %swap3A_677] {strides = array<i32>} : memref<32x768xf32, #tpu.memory_space<vmem>>, vector<16xf32>,
        tpu.vector_store %arg8[%swap3A_676, %swap3A_677], %add3A_675 {strides = array<i32>} : memref<32x768xf32, #tpu.memory_space<vmem>>, vector<16xf32>,
        %add3A_679 = arith.addf %add3A_660, %add3A_675 : vector<16xf32>
        %mul3A_680 = arith.mulf %add3A_675, %add3A_675 : vector<16xf32>
        %add3A_681 = arith.addf %add3A_662, %mul3A_680 : vector<16xf32>
        %get3A_682 = arith.constant 1 : i32
        %get3A_683 = arith.index_cast %get3A_682 : i32 to index
        %get3A_684 = arith.constant 496 : index
        %get3A_685 = tpu.vector_load %arg11[%get3A_683, %get3A_684] {strides = array<i32>} : memref<2x768xf32, #tpu.memory_space<vmem>>, vector<16xf32>,
        %get3A_686 = arith.constant 0 : i32
        %get3A_687 = arith.index_cast %get3A_686 : i32 to index
        %get3A_688 = arith.constant 496 : index
        %get3A_689 = tpu.vector_load %arg11[%get3A_687, %get3A_688] {strides = array<i32>} : memref<2x768xf32, #tpu.memory_space<vmem>>, vector<16xf32>,
        %select_n3A_690 = arith.select %eq3A_91, %get3A_685, %get3A_689 : vector<16xi1>, vector<16xf32>
        %get3A_691 = arith.index_cast %scan3A_86 : i32 to index
        %get3A_692 = arith.constant 496 : index
        %get3A_693 = tpu.vector_load %arg8[%get3A_691, %get3A_692] {strides = array<i32>} : memref<32x768xf32, #tpu.memory_space<vmem>>, vector<16xf32>,
        %add3A_694 = arith.addf %get3A_693, %select_n3A_690 : vector<16xf32>
        %swap3A_695 = arith.index_cast %scan3A_86 : i32 to index
        %swap3A_696 = arith.constant 496 : index
        %swap3A_697 = tpu.vector_load %arg8[%swap3A_695, %swap3A_696] {strides = array<i32>} : memref<32x768xf32, #tpu.memory_space<vmem>>, vector<16xf32>,
        tpu.vector_store %arg8[%swap3A_695, %swap3A_696], %add3A_694 {strides = array<i32>} : memref<32x768xf32, #tpu.memory_space<vmem>>, vector<16xf32>,
        %add3A_698 = arith.addf %add3A_679, %add3A_694 : vector<16xf32>
        %mul3A_699 = arith.mulf %add3A_694, %add3A_694 : vector<16xf32>
        %add3A_700 = arith.addf %add3A_681, %mul3A_699 : vector<16xf32>
        %get3A_701 = arith.constant 1 : i32
        %get3A_702 = arith.index_cast %get3A_701 : i32 to index
        %get3A_703 = arith.constant 512 : index
        %get3A_704 = tpu.vector_load %arg11[%get3A_702, %get3A_703] {strides = array<i32>} : memref<2x768xf32, #tpu.memory_space<vmem>>, vector<16xf32>,
        %get3A_705 = arith.constant 0 : i32
        %get3A_706 = arith.index_cast %get3A_705 : i32 to index
        %get3A_707 = arith.constant 512 : index
        %get3A_708 = tpu.vector_load %arg11[%get3A_706, %get3A_707] {strides = array<i32>} : memref<2x768xf32, #tpu.memory_space<vmem>>, vector<16xf32>,
        %select_n3A_709 = arith.select %eq3A_91, %get3A_704, %get3A_708 : vector<16xi1>, vector<16xf32>
        %get3A_710 = arith.index_cast %scan3A_86 : i32 to index
        %get3A_711 = arith.constant 512 : index
        %get3A_712 = tpu.vector_load %arg8[%get3A_710, %get3A_711] {strides = array<i32>} : memref<32x768xf32, #tpu.memory_space<vmem>>, vector<16xf32>,
        %add3A_713 = arith.addf %get3A_712, %select_n3A_709 : vector<16xf32>
        %swap3A_714 = arith.index_cast %scan3A_86 : i32 to index
        %swap3A_715 = arith.constant 512 : index
        %swap3A_716 = tpu.vector_load %arg8[%swap3A_714, %swap3A_715] {strides = array<i32>} : memref<32x768xf32, #tpu.memory_space<vmem>>, vector<16xf32>,
        tpu.vector_store %arg8[%swap3A_714, %swap3A_715], %add3A_713 {strides = array<i32>} : memref<32x768xf32, #tpu.memory_space<vmem>>, vector<16xf32>,
        %add3A_717 = arith.addf %add3A_698, %add3A_713 : vector<16xf32>
        %mul3A_718 = arith.mulf %add3A_713, %add3A_713 : vector<16xf32>
        %add3A_719 = arith.addf %add3A_700, %mul3A_718 : vector<16xf32>
        %get3A_720 = arith.constant 1 : i32
        %get3A_721 = arith.index_cast %get3A_720 : i32 to index
        %get3A_722 = arith.constant 528 : index
        %get3A_723 = tpu.vector_load %arg11[%get3A_721, %get3A_722] {strides = array<i32>} : memref<2x768xf32, #tpu.memory_space<vmem>>, vector<16xf32>,
        %get3A_724 = arith.constant 0 : i32
        %get3A_725 = arith.index_cast %get3A_724 : i32 to index
        %get3A_726 = arith.constant 528 : index
        %get3A_727 = tpu.vector_load %arg11[%get3A_725, %get3A_726] {strides = array<i32>} : memref<2x768xf32, #tpu.memory_space<vmem>>, vector<16xf32>,
        %select_n3A_728 = arith.select %eq3A_91, %get3A_723, %get3A_727 : vector<16xi1>, vector<16xf32>
        %get3A_729 = arith.index_cast %scan3A_86 : i32 to index
        %get3A_730 = arith.constant 528 : index
        %get3A_731 = tpu.vector_load %arg8[%get3A_729, %get3A_730] {strides = array<i32>} : memref<32x768xf32, #tpu.memory_space<vmem>>, vector<16xf32>,
        %add3A_732 = arith.addf %get3A_731, %select_n3A_728 : vector<16xf32>
        %swap3A_733 = arith.index_cast %scan3A_86 : i32 to index
        %swap3A_734 = arith.constant 528 : index
        %swap3A_735 = tpu.vector_load %arg8[%swap3A_733, %swap3A_734] {strides = array<i32>} : memref<32x768xf32, #tpu.memory_space<vmem>>, vector<16xf32>,
        tpu.vector_store %arg8[%swap3A_733, %swap3A_734], %add3A_732 {strides = array<i32>} : memref<32x768xf32, #tpu.memory_space<vmem>>, vector<16xf32>,
        %add3A_736 = arith.addf %add3A_717, %add3A_732 : vector<16xf32>
        %mul3A_737 = arith.mulf %add3A_732, %add3A_732 : vector<16xf32>
        %add3A_738 = arith.addf %add3A_719, %mul3A_737 : vector<16xf32>
        %get3A_739 = arith.constant 1 : i32
        %get3A_740 = arith.index_cast %get3A_739 : i32 to index
        %get3A_741 = arith.constant 544 : index
        %get3A_742 = tpu.vector_load %arg11[%get3A_740, %get3A_741] {strides = array<i32>} : memref<2x768xf32, #tpu.memory_space<vmem>>, vector<16xf32>,
        %get3A_743 = arith.constant 0 : i32
        %get3A_744 = arith.index_cast %get3A_743 : i32 to index
        %get3A_745 = arith.constant 544 : index
        %get3A_746 = tpu.vector_load %arg11[%get3A_744, %get3A_745] {strides = array<i32>} : memref<2x768xf32, #tpu.memory_space<vmem>>, vector<16xf32>,
        %select_n3A_747 = arith.select %eq3A_91, %get3A_742, %get3A_746 : vector<16xi1>, vector<16xf32>
        %get3A_748 = arith.index_cast %scan3A_86 : i32 to index
        %get3A_749 = arith.constant 544 : index
        %get3A_750 = tpu.vector_load %arg8[%get3A_748, %get3A_749] {strides = array<i32>} : memref<32x768xf32, #tpu.memory_space<vmem>>, vector<16xf32>,
        %add3A_751 = arith.addf %get3A_750, %select_n3A_747 : vector<16xf32>
        %swap3A_752 = arith.index_cast %scan3A_86 : i32 to index
        %swap3A_753 = arith.constant 544 : index
        %swap3A_754 = tpu.vector_load %arg8[%swap3A_752, %swap3A_753] {strides = array<i32>} : memref<32x768xf32, #tpu.memory_space<vmem>>, vector<16xf32>,
        tpu.vector_store %arg8[%swap3A_752, %swap3A_753], %add3A_751 {strides = array<i32>} : memref<32x768xf32, #tpu.memory_space<vmem>>, vector<16xf32>,
        %add3A_755 = arith.addf %add3A_736, %add3A_751 : vector<16xf32>
        %mul3A_756 = arith.mulf %add3A_751, %add3A_751 : vector<16xf32>
        %add3A_757 = arith.addf %add3A_738, %mul3A_756 : vector<16xf32>
        %get3A_758 = arith.constant 1 : i32
        %get3A_759 = arith.index_cast %get3A_758 : i32 to index
        %get3A_760 = arith.constant 560 : index
        %get3A_761 = tpu.vector_load %arg11[%get3A_759, %get3A_760] {strides = array<i32>} : memref<2x768xf32, #tpu.memory_space<vmem>>, vector<16xf32>,
        %get3A_762 = arith.constant 0 : i32
        %get3A_763 = arith.index_cast %get3A_762 : i32 to index
        %get3A_764 = arith.constant 560 : index
        %get3A_765 = tpu.vector_load %arg11[%get3A_763, %get3A_764] {strides = array<i32>} : memref<2x768xf32, #tpu.memory_space<vmem>>, vector<16xf32>,
        %select_n3A_766 = arith.select %eq3A_91, %get3A_761, %get3A_765 : vector<16xi1>, vector<16xf32>
        %get3A_767 = arith.index_cast %scan3A_86 : i32 to index
        %get3A_768 = arith.constant 560 : index
        %get3A_769 = tpu.vector_load %arg8[%get3A_767, %get3A_768] {strides = array<i32>} : memref<32x768xf32, #tpu.memory_space<vmem>>, vector<16xf32>,
        %add3A_770 = arith.addf %get3A_769, %select_n3A_766 : vector<16xf32>
        %swap3A_771 = arith.index_cast %scan3A_86 : i32 to index
        %swap3A_772 = arith.constant 560 : index
        %swap3A_773 = tpu.vector_load %arg8[%swap3A_771, %swap3A_772] {strides = array<i32>} : memref<32x768xf32, #tpu.memory_space<vmem>>, vector<16xf32>,
        tpu.vector_store %arg8[%swap3A_771, %swap3A_772], %add3A_770 {strides = array<i32>} : memref<32x768xf32, #tpu.memory_space<vmem>>, vector<16xf32>,
        %add3A_774 = arith.addf %add3A_755, %add3A_770 : vector<16xf32>
        %mul3A_775 = arith.mulf %add3A_770, %add3A_770 : vector<16xf32>
        %add3A_776 = arith.addf %add3A_757, %mul3A_775 : vector<16xf32>
        %get3A_777 = arith.constant 1 : i32
        %get3A_778 = arith.index_cast %get3A_777 : i32 to index
        %get3A_779 = arith.constant 576 : index
        %get3A_780 = tpu.vector_load %arg11[%get3A_778, %get3A_779] {strides = array<i32>} : memref<2x768xf32, #tpu.memory_space<vmem>>, vector<16xf32>,
        %get3A_781 = arith.constant 0 : i32
        %get3A_782 = arith.index_cast %get3A_781 : i32 to index
        %get3A_783 = arith.constant 576 : index
        %get3A_784 = tpu.vector_load %arg11[%get3A_782, %get3A_783] {strides = array<i32>} : memref<2x768xf32, #tpu.memory_space<vmem>>, vector<16xf32>,
        %select_n3A_785 = arith.select %eq3A_91, %get3A_780, %get3A_784 : vector<16xi1>, vector<16xf32>
        %get3A_786 = arith.index_cast %scan3A_86 : i32 to index
        %get3A_787 = arith.constant 576 : index
        %get3A_788 = tpu.vector_load %arg8[%get3A_786, %get3A_787] {strides = array<i32>} : memref<32x768xf32, #tpu.memory_space<vmem>>, vector<16xf32>,
        %add3A_789 = arith.addf %get3A_788, %select_n3A_785 : vector<16xf32>
        %swap3A_790 = arith.index_cast %scan3A_86 : i32 to index
        %swap3A_791 = arith.constant 576 : index
        %swap3A_792 = tpu.vector_load %arg8[%swap3A_790, %swap3A_791] {strides = array<i32>} : memref<32x768xf32, #tpu.memory_space<vmem>>, vector<16xf32>,
        tpu.vector_store %arg8[%swap3A_790, %swap3A_791], %add3A_789 {strides = array<i32>} : memref<32x768xf32, #tpu.memory_space<vmem>>, vector<16xf32>,
        %add3A_793 = arith.addf %add3A_774, %add3A_789 : vector<16xf32>
        %mul3A_794 = arith.mulf %add3A_789, %add3A_789 : vector<16xf32>
        %add3A_795 = arith.addf %add3A_776, %mul3A_794 : vector<16xf32>
        %get3A_796 = arith.constant 1 : i32
        %get3A_797 = arith.index_cast %get3A_796 : i32 to index
        %get3A_798 = arith.constant 592 : index
        %get3A_799 = tpu.vector_load %arg11[%get3A_797, %get3A_798] {strides = array<i32>} : memref<2x768xf32, #tpu.memory_space<vmem>>, vector<16xf32>,
        %get3A_800 = arith.constant 0 : i32
        %get3A_801 = arith.index_cast %get3A_800 : i32 to index
        %get3A_802 = arith.constant 592 : index
        %get3A_803 = tpu.vector_load %arg11[%get3A_801, %get3A_802] {strides = array<i32>} : memref<2x768xf32, #tpu.memory_space<vmem>>, vector<16xf32>,
        %select_n3A_804 = arith.select %eq3A_91, %get3A_799, %get3A_803 : vector<16xi1>, vector<16xf32>
        %get3A_805 = arith.index_cast %scan3A_86 : i32 to index
        %get3A_806 = arith.constant 592 : index
        %get3A_807 = tpu.vector_load %arg8[%get3A_805, %get3A_806] {strides = array<i32>} : memref<32x768xf32, #tpu.memory_space<vmem>>, vector<16xf32>,
        %add3A_808 = arith.addf %get3A_807, %select_n3A_804 : vector<16xf32>
        %swap3A_809 = arith.index_cast %scan3A_86 : i32 to index
        %swap3A_810 = arith.constant 592 : index
        %swap3A_811 = tpu.vector_load %arg8[%swap3A_809, %swap3A_810] {strides = array<i32>} : memref<32x768xf32, #tpu.memory_space<vmem>>, vector<16xf32>,
        tpu.vector_store %arg8[%swap3A_809, %swap3A_810], %add3A_808 {strides = array<i32>} : memref<32x768xf32, #tpu.memory_space<vmem>>, vector<16xf32>,
        %add3A_812 = arith.addf %add3A_793, %add3A_808 : vector<16xf32>
        %mul3A_813 = arith.mulf %add3A_808, %add3A_808 : vector<16xf32>
        %add3A_814 = arith.addf %add3A_795, %mul3A_813 : vector<16xf32>
        %get3A_815 = arith.constant 1 : i32
        %get3A_816 = arith.index_cast %get3A_815 : i32 to index
        %get3A_817 = arith.constant 608 : index
        %get3A_818 = tpu.vector_load %arg11[%get3A_816, %get3A_817] {strides = array<i32>} : memref<2x768xf32, #tpu.memory_space<vmem>>, vector<16xf32>,
        %get3A_819 = arith.constant 0 : i32
        %get3A_820 = arith.index_cast %get3A_819 : i32 to index
        %get3A_821 = arith.constant 608 : index
        %get3A_822 = tpu.vector_load %arg11[%get3A_820, %get3A_821] {strides = array<i32>} : memref<2x768xf32, #tpu.memory_space<vmem>>, vector<16xf32>,
        %select_n3A_823 = arith.select %eq3A_91, %get3A_818, %get3A_822 : vector<16xi1>, vector<16xf32>
        %get3A_824 = arith.index_cast %scan3A_86 : i32 to index
        %get3A_825 = arith.constant 608 : index
        %get3A_826 = tpu.vector_load %arg8[%get3A_824, %get3A_825] {strides = array<i32>} : memref<32x768xf32, #tpu.memory_space<vmem>>, vector<16xf32>,
        %add3A_827 = arith.addf %get3A_826, %select_n3A_823 : vector<16xf32>
        %swap3A_828 = arith.index_cast %scan3A_86 : i32 to index
        %swap3A_829 = arith.constant 608 : index
        %swap3A_830 = tpu.vector_load %arg8[%swap3A_828, %swap3A_829] {strides = array<i32>} : memref<32x768xf32, #tpu.memory_space<vmem>>, vector<16xf32>,
        tpu.vector_store %arg8[%swap3A_828, %swap3A_829], %add3A_827 {strides = array<i32>} : memref<32x768xf32, #tpu.memory_space<vmem>>, vector<16xf32>,
        %add3A_831 = arith.addf %add3A_812, %add3A_827 : vector<16xf32>
        %mul3A_832 = arith.mulf %add3A_827, %add3A_827 : vector<16xf32>
        %add3A_833 = arith.addf %add3A_814, %mul3A_832 : vector<16xf32>
        %get3A_834 = arith.constant 1 : i32
        %get3A_835 = arith.index_cast %get3A_834 : i32 to index
        %get3A_836 = arith.constant 624 : index
        %get3A_837 = tpu.vector_load %arg11[%get3A_835, %get3A_836] {strides = array<i32>} : memref<2x768xf32, #tpu.memory_space<vmem>>, vector<16xf32>,
        %get3A_838 = arith.constant 0 : i32
        %get3A_839 = arith.index_cast %get3A_838 : i32 to index
        %get3A_840 = arith.constant 624 : index
        %get3A_841 = tpu.vector_load %arg11[%get3A_839, %get3A_840] {strides = array<i32>} : memref<2x768xf32, #tpu.memory_space<vmem>>, vector<16xf32>,
        %select_n3A_842 = arith.select %eq3A_91, %get3A_837, %get3A_841 : vector<16xi1>, vector<16xf32>
        %get3A_843 = arith.index_cast %scan3A_86 : i32 to index
        %get3A_844 = arith.constant 624 : index
        %get3A_845 = tpu.vector_load %arg8[%get3A_843, %get3A_844] {strides = array<i32>} : memref<32x768xf32, #tpu.memory_space<vmem>>, vector<16xf32>,
        %add3A_846 = arith.addf %get3A_845, %select_n3A_842 : vector<16xf32>
        %swap3A_847 = arith.index_cast %scan3A_86 : i32 to index
        %swap3A_848 = arith.constant 624 : index
        %swap3A_849 = tpu.vector_load %arg8[%swap3A_847, %swap3A_848] {strides = array<i32>} : memref<32x768xf32, #tpu.memory_space<vmem>>, vector<16xf32>,
        tpu.vector_store %arg8[%swap3A_847, %swap3A_848], %add3A_846 {strides = array<i32>} : memref<32x768xf32, #tpu.memory_space<vmem>>, vector<16xf32>,
        %add3A_850 = arith.addf %add3A_831, %add3A_846 : vector<16xf32>
        %mul3A_851 = arith.mulf %add3A_846, %add3A_846 : vector<16xf32>
        %add3A_852 = arith.addf %add3A_833, %mul3A_851 : vector<16xf32>
        %get3A_853 = arith.constant 1 : i32
        %get3A_854 = arith.index_cast %get3A_853 : i32 to index
        %get3A_855 = arith.constant 640 : index
        %get3A_856 = tpu.vector_load %arg11[%get3A_854, %get3A_855] {strides = array<i32>} : memref<2x768xf32, #tpu.memory_space<vmem>>, vector<16xf32>,
        %get3A_857 = arith.constant 0 : i32
        %get3A_858 = arith.index_cast %get3A_857 : i32 to index
        %get3A_859 = arith.constant 640 : index
        %get3A_860 = tpu.vector_load %arg11[%get3A_858, %get3A_859] {strides = array<i32>} : memref<2x768xf32, #tpu.memory_space<vmem>>, vector<16xf32>,
        %select_n3A_861 = arith.select %eq3A_91, %get3A_856, %get3A_860 : vector<16xi1>, vector<16xf32>
        %get3A_862 = arith.index_cast %scan3A_86 : i32 to index
        %get3A_863 = arith.constant 640 : index
        %get3A_864 = tpu.vector_load %arg8[%get3A_862, %get3A_863] {strides = array<i32>} : memref<32x768xf32, #tpu.memory_space<vmem>>, vector<16xf32>,
        %add3A_865 = arith.addf %get3A_864, %select_n3A_861 : vector<16xf32>
        %swap3A_866 = arith.index_cast %scan3A_86 : i32 to index
        %swap3A_867 = arith.constant 640 : index
        %swap3A_868 = tpu.vector_load %arg8[%swap3A_866, %swap3A_867] {strides = array<i32>} : memref<32x768xf32, #tpu.memory_space<vmem>>, vector<16xf32>,
        tpu.vector_store %arg8[%swap3A_866, %swap3A_867], %add3A_865 {strides = array<i32>} : memref<32x768xf32, #tpu.memory_space<vmem>>, vector<16xf32>,
        %add3A_869 = arith.addf %add3A_850, %add3A_865 : vector<16xf32>
        %mul3A_870 = arith.mulf %add3A_865, %add3A_865 : vector<16xf32>
        %add3A_871 = arith.addf %add3A_852, %mul3A_870 : vector<16xf32>
        %get3A_872 = arith.constant 1 : i32
        %get3A_873 = arith.index_cast %get3A_872 : i32 to index
        %get3A_874 = arith.constant 656 : index
        %get3A_875 = tpu.vector_load %arg11[%get3A_873, %get3A_874] {strides = array<i32>} : memref<2x768xf32, #tpu.memory_space<vmem>>, vector<16xf32>,
        %get3A_876 = arith.constant 0 : i32
        %get3A_877 = arith.index_cast %get3A_876 : i32 to index
        %get3A_878 = arith.constant 656 : index
        %get3A_879 = tpu.vector_load %arg11[%get3A_877, %get3A_878] {strides = array<i32>} : memref<2x768xf32, #tpu.memory_space<vmem>>, vector<16xf32>,
        %select_n3A_880 = arith.select %eq3A_91, %get3A_875, %get3A_879 : vector<16xi1>, vector<16xf32>
        %get3A_881 = arith.index_cast %scan3A_86 : i32 to index
        %get3A_882 = arith.constant 656 : index
        %get3A_883 = tpu.vector_load %arg8[%get3A_881, %get3A_882] {strides = array<i32>} : memref<32x768xf32, #tpu.memory_space<vmem>>, vector<16xf32>,
        %add3A_884 = arith.addf %get3A_883, %select_n3A_880 : vector<16xf32>
        %swap3A_885 = arith.index_cast %scan3A_86 : i32 to index
        %swap3A_886 = arith.constant 656 : index
        %swap3A_887 = tpu.vector_load %arg8[%swap3A_885, %swap3A_886] {strides = array<i32>} : memref<32x768xf32, #tpu.memory_space<vmem>>, vector<16xf32>,
        tpu.vector_store %arg8[%swap3A_885, %swap3A_886], %add3A_884 {strides = array<i32>} : memref<32x768xf32, #tpu.memory_space<vmem>>, vector<16xf32>,
        %add3A_888 = arith.addf %add3A_869, %add3A_884 : vector<16xf32>
        %mul3A_889 = arith.mulf %add3A_884, %add3A_884 : vector<16xf32>
        %add3A_890 = arith.addf %add3A_871, %mul3A_889 : vector<16xf32>
        %get3A_891 = arith.constant 1 : i32
        %get3A_892 = arith.index_cast %get3A_891 : i32 to index
        %get3A_893 = arith.constant 672 : index
        %get3A_894 = tpu.vector_load %arg11[%get3A_892, %get3A_893] {strides = array<i32>} : memref<2x768xf32, #tpu.memory_space<vmem>>, vector<16xf32>,
        %get3A_895 = arith.constant 0 : i32
        %get3A_896 = arith.index_cast %get3A_895 : i32 to index
        %get3A_897 = arith.constant 672 : index
        %get3A_898 = tpu.vector_load %arg11[%get3A_896, %get3A_897] {strides = array<i32>} : memref<2x768xf32, #tpu.memory_space<vmem>>, vector<16xf32>,
        %select_n3A_899 = arith.select %eq3A_91, %get3A_894, %get3A_898 : vector<16xi1>, vector<16xf32>
        %get3A_900 = arith.index_cast %scan3A_86 : i32 to index
        %get3A_901 = arith.constant 672 : index
        %get3A_902 = tpu.vector_load %arg8[%get3A_900, %get3A_901] {strides = array<i32>} : memref<32x768xf32, #tpu.memory_space<vmem>>, vector<16xf32>,
        %add3A_903 = arith.addf %get3A_902, %select_n3A_899 : vector<16xf32>
        %swap3A_904 = arith.index_cast %scan3A_86 : i32 to index
        %swap3A_905 = arith.constant 672 : index
        %swap3A_906 = tpu.vector_load %arg8[%swap3A_904, %swap3A_905] {strides = array<i32>} : memref<32x768xf32, #tpu.memory_space<vmem>>, vector<16xf32>,
        tpu.vector_store %arg8[%swap3A_904, %swap3A_905], %add3A_903 {strides = array<i32>} : memref<32x768xf32, #tpu.memory_space<vmem>>, vector<16xf32>,
        %add3A_907 = arith.addf %add3A_888, %add3A_903 : vector<16xf32>
        %mul3A_908 = arith.mulf %add3A_903, %add3A_903 : vector<16xf32>
        %add3A_909 = arith.addf %add3A_890, %mul3A_908 : vector<16xf32>
        %get3A_910 = arith.constant 1 : i32
        %get3A_911 = arith.index_cast %get3A_910 : i32 to index
        %get3A_912 = arith.constant 688 : index
        %get3A_913 = tpu.vector_load %arg11[%get3A_911, %get3A_912] {strides = array<i32>} : memref<2x768xf32, #tpu.memory_space<vmem>>, vector<16xf32>,
        %get3A_914 = arith.constant 0 : i32
        %get3A_915 = arith.index_cast %get3A_914 : i32 to index
        %get3A_916 = arith.constant 688 : index
        %get3A_917 = tpu.vector_load %arg11[%get3A_915, %get3A_916] {strides = array<i32>} : memref<2x768xf32, #tpu.memory_space<vmem>>, vector<16xf32>,
        %select_n3A_918 = arith.select %eq3A_91, %get3A_913, %get3A_917 : vector<16xi1>, vector<16xf32>
        %get3A_919 = arith.index_cast %scan3A_86 : i32 to index
        %get3A_920 = arith.constant 688 : index
        %get3A_921 = tpu.vector_load %arg8[%get3A_919, %get3A_920] {strides = array<i32>} : memref<32x768xf32, #tpu.memory_space<vmem>>, vector<16xf32>,
        %add3A_922 = arith.addf %get3A_921, %select_n3A_918 : vector<16xf32>
        %swap3A_923 = arith.index_cast %scan3A_86 : i32 to index
        %swap3A_924 = arith.constant 688 : index
        %swap3A_925 = tpu.vector_load %arg8[%swap3A_923, %swap3A_924] {strides = array<i32>} : memref<32x768xf32, #tpu.memory_space<vmem>>, vector<16xf32>,
        tpu.vector_store %arg8[%swap3A_923, %swap3A_924], %add3A_922 {strides = array<i32>} : memref<32x768xf32, #tpu.memory_space<vmem>>, vector<16xf32>,
        %add3A_926 = arith.addf %add3A_907, %add3A_922 : vector<16xf32>
        %mul3A_927 = arith.mulf %add3A_922, %add3A_922 : vector<16xf32>
        %add3A_928 = arith.addf %add3A_909, %mul3A_927 : vector<16xf32>
        %get3A_929 = arith.constant 1 : i32
        %get3A_930 = arith.index_cast %get3A_929 : i32 to index
        %get3A_931 = arith.constant 704 : index
        %get3A_932 = tpu.vector_load %arg11[%get3A_930, %get3A_931] {strides = array<i32>} : memref<2x768xf32, #tpu.memory_space<vmem>>, vector<16xf32>,
        %get3A_933 = arith.constant 0 : i32
        %get3A_934 = arith.index_cast %get3A_933 : i32 to index
        %get3A_935 = arith.constant 704 : index
        %get3A_936 = tpu.vector_load %arg11[%get3A_934, %get3A_935] {strides = array<i32>} : memref<2x768xf32, #tpu.memory_space<vmem>>, vector<16xf32>,
        %select_n3A_937 = arith.select %eq3A_91, %get3A_932, %get3A_936 : vector<16xi1>, vector<16xf32>
        %get3A_938 = arith.index_cast %scan3A_86 : i32 to index
        %get3A_939 = arith.constant 704 : index
        %get3A_940 = tpu.vector_load %arg8[%get3A_938, %get3A_939] {strides = array<i32>} : memref<32x768xf32, #tpu.memory_space<vmem>>, vector<16xf32>,
        %add3A_941 = arith.addf %get3A_940, %select_n3A_937 : vector<16xf32>
        %swap3A_942 = arith.index_cast %scan3A_86 : i32 to index
        %swap3A_943 = arith.constant 704 : index
        %swap3A_944 = tpu.vector_load %arg8[%swap3A_942, %swap3A_943] {strides = array<i32>} : memref<32x768xf32, #tpu.memory_space<vmem>>, vector<16xf32>,
        tpu.vector_store %arg8[%swap3A_942, %swap3A_943], %add3A_941 {strides = array<i32>} : memref<32x768xf32, #tpu.memory_space<vmem>>, vector<16xf32>,
        %add3A_945 = arith.addf %add3A_926, %add3A_941 : vector<16xf32>
        %mul3A_946 = arith.mulf %add3A_941, %add3A_941 : vector<16xf32>
        %add3A_947 = arith.addf %add3A_928, %mul3A_946 : vector<16xf32>
        %get3A_948 = arith.constant 1 : i32
        %get3A_949 = arith.index_cast %get3A_948 : i32 to index
        %get3A_950 = arith.constant 720 : index
        %get3A_951 = tpu.vector_load %arg11[%get3A_949, %get3A_950] {strides = array<i32>} : memref<2x768xf32, #tpu.memory_space<vmem>>, vector<16xf32>,
        %get3A_952 = arith.constant 0 : i32
        %get3A_953 = arith.index_cast %get3A_952 : i32 to index
        %get3A_954 = arith.constant 720 : index
        %get3A_955 = tpu.vector_load %arg11[%get3A_953, %get3A_954] {strides = array<i32>} : memref<2x768xf32, #tpu.memory_space<vmem>>, vector<16xf32>,
        %select_n3A_956 = arith.select %eq3A_91, %get3A_951, %get3A_955 : vector<16xi1>, vector<16xf32>
        %get3A_957 = arith.index_cast %scan3A_86 : i32 to index
        %get3A_958 = arith.constant 720 : index
        %get3A_959 = tpu.vector_load %arg8[%get3A_957, %get3A_958] {strides = array<i32>} : memref<32x768xf32, #tpu.memory_space<vmem>>, vector<16xf32>,
        %add3A_960 = arith.addf %get3A_959, %select_n3A_956 : vector<16xf32>
        %swap3A_961 = arith.index_cast %scan3A_86 : i32 to index
        %swap3A_962 = arith.constant 720 : index
        %swap3A_963 = tpu.vector_load %arg8[%swap3A_961, %swap3A_962] {strides = array<i32>} : memref<32x768xf32, #tpu.memory_space<vmem>>, vector<16xf32>,
        tpu.vector_store %arg8[%swap3A_961, %swap3A_962], %add3A_960 {strides = array<i32>} : memref<32x768xf32, #tpu.memory_space<vmem>>, vector<16xf32>,
        %add3A_964 = arith.addf %add3A_945, %add3A_960 : vector<16xf32>
        %mul3A_965 = arith.mulf %add3A_960, %add3A_960 : vector<16xf32>
        %add3A_966 = arith.addf %add3A_947, %mul3A_965 : vector<16xf32>
        %get3A_967 = arith.constant 1 : i32
        %get3A_968 = arith.index_cast %get3A_967 : i32 to index
        %get3A_969 = arith.constant 736 : index
        %get3A_970 = tpu.vector_load %arg11[%get3A_968, %get3A_969] {strides = array<i32>} : memref<2x768xf32, #tpu.memory_space<vmem>>, vector<16xf32>,
        %get3A_971 = arith.constant 0 : i32
        %get3A_972 = arith.index_cast %get3A_971 : i32 to index
        %get3A_973 = arith.constant 736 : index
        %get3A_974 = tpu.vector_load %arg11[%get3A_972, %get3A_973] {strides = array<i32>} : memref<2x768xf32, #tpu.memory_space<vmem>>, vector<16xf32>,
        %select_n3A_975 = arith.select %eq3A_91, %get3A_970, %get3A_974 : vector<16xi1>, vector<16xf32>
        %get3A_976 = arith.index_cast %scan3A_86 : i32 to index
        %get3A_977 = arith.constant 736 : index
        %get3A_978 = tpu.vector_load %arg8[%get3A_976, %get3A_977] {strides = array<i32>} : memref<32x768xf32, #tpu.memory_space<vmem>>, vector<16xf32>,
        %add3A_979 = arith.addf %get3A_978, %select_n3A_975 : vector<16xf32>
        %swap3A_980 = arith.index_cast %scan3A_86 : i32 to index
        %swap3A_981 = arith.constant 736 : index
        %swap3A_982 = tpu.vector_load %arg8[%swap3A_980, %swap3A_981] {strides = array<i32>} : memref<32x768xf32, #tpu.memory_space<vmem>>, vector<16xf32>,
        tpu.vector_store %arg8[%swap3A_980, %swap3A_981], %add3A_979 {strides = array<i32>} : memref<32x768xf32, #tpu.memory_space<vmem>>, vector<16xf32>,
        %add3A_983 = arith.addf %add3A_964, %add3A_979 : vector<16xf32>
        %mul3A_984 = arith.mulf %add3A_979, %add3A_979 : vector<16xf32>
        %add3A_985 = arith.addf %add3A_966, %mul3A_984 : vector<16xf32>
        %get3A_986 = arith.constant 1 : i32
        %get3A_987 = arith.index_cast %get3A_986 : i32 to index
        %get3A_988 = arith.constant 752 : index
        %get3A_989 = tpu.vector_load %arg11[%get3A_987, %get3A_988] {strides = array<i32>} : memref<2x768xf32, #tpu.memory_space<vmem>>, vector<16xf32>,
        %get3A_990 = arith.constant 0 : i32
        %get3A_991 = arith.index_cast %get3A_990 : i32 to index
        %get3A_992 = arith.constant 752 : index
        %get3A_993 = tpu.vector_load %arg11[%get3A_991, %get3A_992] {strides = array<i32>} : memref<2x768xf32, #tpu.memory_space<vmem>>, vector<16xf32>,
        %select_n3A_994 = arith.select %eq3A_91, %get3A_989, %get3A_993 : vector<16xi1>, vector<16xf32>
        %get3A_995 = arith.index_cast %scan3A_86 : i32 to index
        %get3A_996 = arith.constant 752 : index
        %get3A_997 = tpu.vector_load %arg8[%get3A_995, %get3A_996] {strides = array<i32>} : memref<32x768xf32, #tpu.memory_space<vmem>>, vector<16xf32>,
        %add3A_998 = arith.addf %get3A_997, %select_n3A_994 : vector<16xf32>
        %swap3A_999 = arith.index_cast %scan3A_86 : i32 to index
        %swap3A_1000 = arith.constant 752 : index
        %swap3A_1001 = tpu.vector_load %arg8[%swap3A_999, %swap3A_1000] {strides = array<i32>} : memref<32x768xf32, #tpu.memory_space<vmem>>, vector<16xf32>,
        tpu.vector_store %arg8[%swap3A_999, %swap3A_1000], %add3A_998 {strides = array<i32>} : memref<32x768xf32, #tpu.memory_space<vmem>>, vector<16xf32>,
        %add3A_1002 = arith.addf %add3A_983, %add3A_998 : vector<16xf32>
        %mul3A_1003 = arith.mulf %add3A_998, %add3A_998 : vector<16xf32>
        %add3A_1004 = arith.addf %add3A_985, %mul3A_1003 : vector<16xf32>
        %reduce_sum3A = arith.constant true
        %reduce_sum3A_1005 = vector.broadcast %reduce_sum3A : i1 to vector<16xi1>
        %reduce_sum3A_1006 = tpu.scan <sum>, %add3A_1002 masked %reduce_sum3A_1005 : vector<16xf32>, vector<16xi1> -> vector<16xf32>
        %reduce_sum3A_1007 = vector.extract %reduce_sum3A_1006[15] : f32 from vector<16xf32>
        %reduce_sum3A_1008 = arith.constant true
        %reduce_sum3A_1009 = vector.broadcast %reduce_sum3A_1008 : i1 to vector<16xi1>
        %reduce_sum3A_1010 = tpu.scan <sum>, %add3A_1004 masked %reduce_sum3A_1009 : vector<16xf32>, vector<16xi1> -> vector<16xf32>
        %reduce_sum3A_1011 = vector.extract %reduce_sum3A_1010[15] : f32 from vector<16xf32>
        %mul3A_1012 = arith.constant 0.00130208337 : f32
        %mul3A_1013 = arith.mulf %reduce_sum3A_1007, %mul3A_1012 : f32
        %mul3A_1014 = arith.constant 0.00130208337 : f32
        %mul3A_1015 = arith.mulf %reduce_sum3A_1011, %mul3A_1014 : f32
        %mul3A_1016 = arith.mulf %mul3A_1013, %mul3A_1013 : f32
        %sub3A_1017 = arith.subf %mul3A_1015, %mul3A_1016 : f32
        %broadcast_in_dim3A_1018 = vector.broadcast %mul3A_1013 : f32 to vector<16xf32>
        %add3A_1019 = arith.constant 9.99999996E-13 : f32
        %add3A_1020 = arith.addf %sub3A_1017, %add3A_1019 : f32
        %broadcast_in_dim3A_1021 = vector.broadcast %add3A_1020 : f32 to vector<16xf32>
        %bitcast3A = vector.bitcast %broadcast_in_dim3A_1021 : vector<16xf32> to vector<16xi32>
        %shift_right_logical3A = arith.constant 1 : i32
        %shift_right_logical3A_1022 = vector.broadcast %shift_right_logical3A : i32 to vector<16xi32>
        %shift_right_logical3A_1023 = arith.shrui %bitcast3A, %shift_right_logical3A_1022 : vector<16xi32>
        %sub3A_1024 = arith.constant 1597463007 : i32
        %sub3A_1025 = vector.broadcast %sub3A_1024 : i32 to vector<16xi32>
        %sub3A_1026 = arith.subi %sub3A_1025, %shift_right_logical3A_1023 : vector<16xi32>
        %bitcast3A_1027 = vector.bitcast %sub3A_1026 : vector<16xi32> to vector<16xf32>
        %mul3A_1028 = arith.constant 5.000000e-01 : f32
        %mul3A_1029 = vector.broadcast %mul3A_1028 : f32 to vector<16xf32>
        %mul3A_1030 = arith.mulf %broadcast_in_dim3A_1021, %mul3A_1029 : vector<16xf32>
        %mul3A_1031 = arith.mulf %mul3A_1030, %bitcast3A_1027 : vector<16xf32>
        %mul3A_1032 = arith.mulf %mul3A_1031, %bitcast3A_1027 : vector<16xf32>
        %sub3A_1033 = arith.constant 1.500000e+00 : f32
        %sub3A_1034 = vector.broadcast %sub3A_1033 : f32 to vector<16xf32>
        %sub3A_1035 = arith.subf %sub3A_1034, %mul3A_1032 : vector<16xf32>
        %mul3A_1036 = arith.mulf %bitcast3A_1027, %sub3A_1035 : vector<16xf32>
        %mul3A_1037 = arith.mulf %mul3A_1030, %mul3A_1036 : vector<16xf32>
        %mul3A_1038 = arith.mulf %mul3A_1037, %mul3A_1036 : vector<16xf32>
        %sub3A_1039 = arith.constant 1.500000e+00 : f32
        %sub3A_1040 = vector.broadcast %sub3A_1039 : f32 to vector<16xf32>
        %sub3A_1041 = arith.subf %sub3A_1040, %mul3A_1038 : vector<16xf32>
        %mul3A_1042 = arith.mulf %mul3A_1036, %sub3A_1041 : vector<16xf32>
        %mul3A_1043 = arith.mulf %mul3A_1030, %mul3A_1042 : vector<16xf32>
        %mul3A_1044 = arith.mulf %mul3A_1043, %mul3A_1042 : vector<16xf32>
        %sub3A_1045 = arith.constant 1.500000e+00 : f32
        %sub3A_1046 = vector.broadcast %sub3A_1045 : f32 to vector<16xf32>
        %sub3A_1047 = arith.subf %sub3A_1046, %mul3A_1044 : vector<16xf32>
        %mul3A_1048 = arith.mulf %mul3A_1042, %sub3A_1047 : vector<16xf32>
        %get3A_1049 = arith.index_cast %scan3A_86 : i32 to index
        %get3A_1050 = arith.constant 0 : index
        %get3A_1051 = tpu.vector_load %arg8[%get3A_1049, %get3A_1050] {strides = array<i32>} : memref<32x768xf32, #tpu.memory_space<vmem>>, vector<16xf32>,
        %sub3A_1052 = arith.subf %get3A_1051, %broadcast_in_dim3A_1018 : vector<16xf32>
        %mul3A_1053 = arith.mulf %sub3A_1052, %mul3A_1048 : vector<16xf32>
        %get3A_1054 = arith.constant 0 : i32
        %get3A_1055 = arith.index_cast %get3A_1054 : i32 to index
        %get3A_1056 = arith.constant 0 : index
        %get3A_1057 = tpu.vector_load %arg12[%get3A_1055, %get3A_1056] {strides = array<i32>} : memref<1x768xf32, #tpu.memory_space<vmem>>, vector<16xf32>,
        %mul3A_1058 = arith.mulf %mul3A_1053, %get3A_1057 : vector<16xf32>
        %get3A_1059 = arith.constant 0 : i32
        %get3A_1060 = arith.index_cast %get3A_1059 : i32 to index
        %get3A_1061 = arith.constant 0 : index
        %get3A_1062 = tpu.vector_load %arg13[%get3A_1060, %get3A_1061] {strides = array<i32>} : memref<1x768xf32, #tpu.memory_space<vmem>>, vector<16xf32>,
        %add3A_1063 = arith.addf %mul3A_1058, %get3A_1062 : vector<16xf32>
        %swap3A_1064 = arith.index_cast %scan3A_86 : i32 to index
        %swap3A_1065 = arith.constant 0 : index
        %swap3A_1066 = tpu.vector_load %arg8[%swap3A_1064, %swap3A_1065] {strides = array<i32>} : memref<32x768xf32, #tpu.memory_space<vmem>>, vector<16xf32>,
        tpu.vector_store %arg8[%swap3A_1064, %swap3A_1065], %add3A_1063 {strides = array<i32>} : memref<32x768xf32, #tpu.memory_space<vmem>>, vector<16xf32>,
        %get3A_1067 = arith.index_cast %scan3A_86 : i32 to index
        %get3A_1068 = arith.constant 16 : index
        %get3A_1069 = tpu.vector_load %arg8[%get3A_1067, %get3A_1068] {strides = array<i32>} : memref<32x768xf32, #tpu.memory_space<vmem>>, vector<16xf32>,
        %sub3A_1070 = arith.subf %get3A_1069, %broadcast_in_dim3A_1018 : vector<16xf32>
        %mul3A_1071 = arith.mulf %sub3A_1070, %mul3A_1048 : vector<16xf32>
        %get3A_1072 = arith.constant 0 : i32
        %get3A_1073 = arith.index_cast %get3A_1072 : i32 to index
        %get3A_1074 = arith.constant 16 : index
        %get3A_1075 = tpu.vector_load %arg12[%get3A_1073, %get3A_1074] {strides = array<i32>} : memref<1x768xf32, #tpu.memory_space<vmem>>, vector<16xf32>,
        %mul3A_1076 = arith.mulf %mul3A_1071, %get3A_1075 : vector<16xf32>
        %get3A_1077 = arith.constant 0 : i32
        %get3A_1078 = arith.index_cast %get3A_1077 : i32 to index
        %get3A_1079 = arith.constant 16 : index
        %get3A_1080 = tpu.vector_load %arg13[%get3A_1078, %get3A_1079] {strides = array<i32>} : memref<1x768xf32, #tpu.memory_space<vmem>>, vector<16xf32>,
        %add3A_1081 = arith.addf %mul3A_1076, %get3A_1080 : vector<16xf32>
        %swap3A_1082 = arith.index_cast %scan3A_86 : i32 to index
        %swap3A_1083 = arith.constant 16 : index
        %swap3A_1084 = tpu.vector_load %arg8[%swap3A_1082, %swap3A_1083] {strides = array<i32>} : memref<32x768xf32, #tpu.memory_space<vmem>>, vector<16xf32>,
        tpu.vector_store %arg8[%swap3A_1082, %swap3A_1083], %add3A_1081 {strides = array<i32>} : memref<32x768xf32, #tpu.memory_space<vmem>>, vector<16xf32>,
        %get3A_1085 = arith.index_cast %scan3A_86 : i32 to index
        %get3A_1086 = arith.constant 32 : index
        %get3A_1087 = tpu.vector_load %arg8[%get3A_1085, %get3A_1086] {strides = array<i32>} : memref<32x768xf32, #tpu.memory_space<vmem>>, vector<16xf32>,
        %sub3A_1088 = arith.subf %get3A_1087, %broadcast_in_dim3A_1018 : vector<16xf32>
        %mul3A_1089 = arith.mulf %sub3A_1088, %mul3A_1048 : vector<16xf32>
        %get3A_1090 = arith.constant 0 : i32
        %get3A_1091 = arith.index_cast %get3A_1090 : i32 to index
        %get3A_1092 = arith.constant 32 : index
        %get3A_1093 = tpu.vector_load %arg12[%get3A_1091, %get3A_1092] {strides = array<i32>} : memref<1x768xf32, #tpu.memory_space<vmem>>, vector<16xf32>,
        %mul3A_1094 = arith.mulf %mul3A_1089, %get3A_1093 : vector<16xf32>
        %get3A_1095 = arith.constant 0 : i32
        %get3A_1096 = arith.index_cast %get3A_1095 : i32 to index
        %get3A_1097 = arith.constant 32 : index
        %get3A_1098 = tpu.vector_load %arg13[%get3A_1096, %get3A_1097] {strides = array<i32>} : memref<1x768xf32, #tpu.memory_space<vmem>>, vector<16xf32>,
        %add3A_1099 = arith.addf %mul3A_1094, %get3A_1098 : vector<16xf32>
        %swap3A_1100 = arith.index_cast %scan3A_86 : i32 to index
        %swap3A_1101 = arith.constant 32 : index
        %swap3A_1102 = tpu.vector_load %arg8[%swap3A_1100, %swap3A_1101] {strides = array<i32>} : memref<32x768xf32, #tpu.memory_space<vmem>>, vector<16xf32>,
        tpu.vector_store %arg8[%swap3A_1100, %swap3A_1101], %add3A_1099 {strides = array<i32>} : memref<32x768xf32, #tpu.memory_space<vmem>>, vector<16xf32>,
        %get3A_1103 = arith.index_cast %scan3A_86 : i32 to index
        %get3A_1104 = arith.constant 48 : index
        %get3A_1105 = tpu.vector_load %arg8[%get3A_1103, %get3A_1104] {strides = array<i32>} : memref<32x768xf32, #tpu.memory_space<vmem>>, vector<16xf32>,
        %sub3A_1106 = arith.subf %get3A_1105, %broadcast_in_dim3A_1018 : vector<16xf32>
        %mul3A_1107 = arith.mulf %sub3A_1106, %mul3A_1048 : vector<16xf32>
        %get3A_1108 = arith.constant 0 : i32
        %get3A_1109 = arith.index_cast %get3A_1108 : i32 to index
        %get3A_1110 = arith.constant 48 : index
        %get3A_1111 = tpu.vector_load %arg12[%get3A_1109, %get3A_1110] {strides = array<i32>} : memref<1x768xf32, #tpu.memory_space<vmem>>, vector<16xf32>,
        %mul3A_1112 = arith.mulf %mul3A_1107, %get3A_1111 : vector<16xf32>
        %get3A_1113 = arith.constant 0 : i32
        %get3A_1114 = arith.index_cast %get3A_1113 : i32 to index
        %get3A_1115 = arith.constant 48 : index
        %get3A_1116 = tpu.vector_load %arg13[%get3A_1114, %get3A_1115] {strides = array<i32>} : memref<1x768xf32, #tpu.memory_space<vmem>>, vector<16xf32>,
        %add3A_1117 = arith.addf %mul3A_1112, %get3A_1116 : vector<16xf32>
        %swap3A_1118 = arith.index_cast %scan3A_86 : i32 to index
        %swap3A_1119 = arith.constant 48 : index
        %swap3A_1120 = tpu.vector_load %arg8[%swap3A_1118, %swap3A_1119] {strides = array<i32>} : memref<32x768xf32, #tpu.memory_space<vmem>>, vector<16xf32>,
        tpu.vector_store %arg8[%swap3A_1118, %swap3A_1119], %add3A_1117 {strides = array<i32>} : memref<32x768xf32, #tpu.memory_space<vmem>>, vector<16xf32>,
        %get3A_1121 = arith.index_cast %scan3A_86 : i32 to index
        %get3A_1122 = arith.constant 64 : index
        %get3A_1123 = tpu.vector_load %arg8[%get3A_1121, %get3A_1122] {strides = array<i32>} : memref<32x768xf32, #tpu.memory_space<vmem>>, vector<16xf32>,
        %sub3A_1124 = arith.subf %get3A_1123, %broadcast_in_dim3A_1018 : vector<16xf32>
        %mul3A_1125 = arith.mulf %sub3A_1124, %mul3A_1048 : vector<16xf32>
        %get3A_1126 = arith.constant 0 : i32
        %get3A_1127 = arith.index_cast %get3A_1126 : i32 to index
        %get3A_1128 = arith.constant 64 : index
        %get3A_1129 = tpu.vector_load %arg12[%get3A_1127, %get3A_1128] {strides = array<i32>} : memref<1x768xf32, #tpu.memory_space<vmem>>, vector<16xf32>,
        %mul3A_1130 = arith.mulf %mul3A_1125, %get3A_1129 : vector<16xf32>
        %get3A_1131 = arith.constant 0 : i32
        %get3A_1132 = arith.index_cast %get3A_1131 : i32 to index
        %get3A_1133 = arith.constant 64 : index
        %get3A_1134 = tpu.vector_load %arg13[%get3A_1132, %get3A_1133] {strides = array<i32>} : memref<1x768xf32, #tpu.memory_space<vmem>>, vector<16xf32>,
        %add3A_1135 = arith.addf %mul3A_1130, %get3A_1134 : vector<16xf32>
        %swap3A_1136 = arith.index_cast %scan3A_86 : i32 to index
        %swap3A_1137 = arith.constant 64 : index
        %swap3A_1138 = tpu.vector_load %arg8[%swap3A_1136, %swap3A_1137] {strides = array<i32>} : memref<32x768xf32, #tpu.memory_space<vmem>>, vector<16xf32>,
        tpu.vector_store %arg8[%swap3A_1136, %swap3A_1137], %add3A_1135 {strides = array<i32>} : memref<32x768xf32, #tpu.memory_space<vmem>>, vector<16xf32>,
        %get3A_1139 = arith.index_cast %scan3A_86 : i32 to index
        %get3A_1140 = arith.constant 80 : index
        %get3A_1141 = tpu.vector_load %arg8[%get3A_1139, %get3A_1140] {strides = array<i32>} : memref<32x768xf32, #tpu.memory_space<vmem>>, vector<16xf32>,
        %sub3A_1142 = arith.subf %get3A_1141, %broadcast_in_dim3A_1018 : vector<16xf32>
        %mul3A_1143 = arith.mulf %sub3A_1142, %mul3A_1048 : vector<16xf32>
        %get3A_1144 = arith.constant 0 : i32
        %get3A_1145 = arith.index_cast %get3A_1144 : i32 to index
        %get3A_1146 = arith.constant 80 : index
        %get3A_1147 = tpu.vector_load %arg12[%get3A_1145, %get3A_1146] {strides = array<i32>} : memref<1x768xf32, #tpu.memory_space<vmem>>, vector<16xf32>,
        %mul3A_1148 = arith.mulf %mul3A_1143, %get3A_1147 : vector<16xf32>
        %get3A_1149 = arith.constant 0 : i32
        %get3A_1150 = arith.index_cast %get3A_1149 : i32 to index
        %get3A_1151 = arith.constant 80 : index
        %get3A_1152 = tpu.vector_load %arg13[%get3A_1150, %get3A_1151] {strides = array<i32>} : memref<1x768xf32, #tpu.memory_space<vmem>>, vector<16xf32>,
        %add3A_1153 = arith.addf %mul3A_1148, %get3A_1152 : vector<16xf32>
        %swap3A_1154 = arith.index_cast %scan3A_86 : i32 to index
        %swap3A_1155 = arith.constant 80 : index
        %swap3A_1156 = tpu.vector_load %arg8[%swap3A_1154, %swap3A_1155] {strides = array<i32>} : memref<32x768xf32, #tpu.memory_space<vmem>>, vector<16xf32>,
        tpu.vector_store %arg8[%swap3A_1154, %swap3A_1155], %add3A_1153 {strides = array<i32>} : memref<32x768xf32, #tpu.memory_space<vmem>>, vector<16xf32>,
        %get3A_1157 = arith.index_cast %scan3A_86 : i32 to index
        %get3A_1158 = arith.constant 96 : index
        %get3A_1159 = tpu.vector_load %arg8[%get3A_1157, %get3A_1158] {strides = array<i32>} : memref<32x768xf32, #tpu.memory_space<vmem>>, vector<16xf32>,
        %sub3A_1160 = arith.subf %get3A_1159, %broadcast_in_dim3A_1018 : vector<16xf32>
        %mul3A_1161 = arith.mulf %sub3A_1160, %mul3A_1048 : vector<16xf32>
        %get3A_1162 = arith.constant 0 : i32
        %get3A_1163 = arith.index_cast %get3A_1162 : i32 to index
        %get3A_1164 = arith.constant 96 : index
        %get3A_1165 = tpu.vector_load %arg12[%get3A_1163, %get3A_1164] {strides = array<i32>} : memref<1x768xf32, #tpu.memory_space<vmem>>, vector<16xf32>,
        %mul3A_1166 = arith.mulf %mul3A_1161, %get3A_1165 : vector<16xf32>
        %get3A_1167 = arith.constant 0 : i32
        %get3A_1168 = arith.index_cast %get3A_1167 : i32 to index
        %get3A_1169 = arith.constant 96 : index
        %get3A_1170 = tpu.vector_load %arg13[%get3A_1168, %get3A_1169] {strides = array<i32>} : memref<1x768xf32, #tpu.memory_space<vmem>>, vector<16xf32>,
        %add3A_1171 = arith.addf %mul3A_1166, %get3A_1170 : vector<16xf32>
        %swap3A_1172 = arith.index_cast %scan3A_86 : i32 to index
        %swap3A_1173 = arith.constant 96 : index
        %swap3A_1174 = tpu.vector_load %arg8[%swap3A_1172, %swap3A_1173] {strides = array<i32>} : memref<32x768xf32, #tpu.memory_space<vmem>>, vector<16xf32>,
        tpu.vector_store %arg8[%swap3A_1172, %swap3A_1173], %add3A_1171 {strides = array<i32>} : memref<32x768xf32, #tpu.memory_space<vmem>>, vector<16xf32>,
        %get3A_1175 = arith.index_cast %scan3A_86 : i32 to index
        %get3A_1176 = arith.constant 112 : index
        %get3A_1177 = tpu.vector_load %arg8[%get3A_1175, %get3A_1176] {strides = array<i32>} : memref<32x768xf32, #tpu.memory_space<vmem>>, vector<16xf32>,
        %sub3A_1178 = arith.subf %get3A_1177, %broadcast_in_dim3A_1018 : vector<16xf32>
        %mul3A_1179 = arith.mulf %sub3A_1178, %mul3A_1048 : vector<16xf32>
        %get3A_1180 = arith.constant 0 : i32
        %get3A_1181 = arith.index_cast %get3A_1180 : i32 to index
        %get3A_1182 = arith.constant 112 : index
        %get3A_1183 = tpu.vector_load %arg12[%get3A_1181, %get3A_1182] {strides = array<i32>} : memref<1x768xf32, #tpu.memory_space<vmem>>, vector<16xf32>,
        %mul3A_1184 = arith.mulf %mul3A_1179, %get3A_1183 : vector<16xf32>
        %get3A_1185 = arith.constant 0 : i32
        %get3A_1186 = arith.index_cast %get3A_1185 : i32 to index
        %get3A_1187 = arith.constant 112 : index
        %get3A_1188 = tpu.vector_load %arg13[%get3A_1186, %get3A_1187] {strides = array<i32>} : memref<1x768xf32, #tpu.memory_space<vmem>>, vector<16xf32>,
        %add3A_1189 = arith.addf %mul3A_1184, %get3A_1188 : vector<16xf32>
        %swap3A_1190 = arith.index_cast %scan3A_86 : i32 to index
        %swap3A_1191 = arith.constant 112 : index
        %swap3A_1192 = tpu.vector_load %arg8[%swap3A_1190, %swap3A_1191] {strides = array<i32>} : memref<32x768xf32, #tpu.memory_space<vmem>>, vector<16xf32>,
        tpu.vector_store %arg8[%swap3A_1190, %swap3A_1191], %add3A_1189 {strides = array<i32>} : memref<32x768xf32, #tpu.memory_space<vmem>>, vector<16xf32>,
        %get3A_1193 = arith.index_cast %scan3A_86 : i32 to index
        %get3A_1194 = arith.constant 128 : index
        %get3A_1195 = tpu.vector_load %arg8[%get3A_1193, %get3A_1194] {strides = array<i32>} : memref<32x768xf32, #tpu.memory_space<vmem>>, vector<16xf32>,
        %sub3A_1196 = arith.subf %get3A_1195, %broadcast_in_dim3A_1018 : vector<16xf32>
        %mul3A_1197 = arith.mulf %sub3A_1196, %mul3A_1048 : vector<16xf32>
        %get3A_1198 = arith.constant 0 : i32
        %get3A_1199 = arith.index_cast %get3A_1198 : i32 to index
        %get3A_1200 = arith.constant 128 : index
        %get3A_1201 = tpu.vector_load %arg12[%get3A_1199, %get3A_1200] {strides = array<i32>} : memref<1x768xf32, #tpu.memory_space<vmem>>, vector<16xf32>,
        %mul3A_1202 = arith.mulf %mul3A_1197, %get3A_1201 : vector<16xf32>
        %get3A_1203 = arith.constant 0 : i32
        %get3A_1204 = arith.index_cast %get3A_1203 : i32 to index
        %get3A_1205 = arith.constant 128 : index
        %get3A_1206 = tpu.vector_load %arg13[%get3A_1204, %get3A_1205] {strides = array<i32>} : memref<1x768xf32, #tpu.memory_space<vmem>>, vector<16xf32>,
        %add3A_1207 = arith.addf %mul3A_1202, %get3A_1206 : vector<16xf32>
        %swap3A_1208 = arith.index_cast %scan3A_86 : i32 to index
        %swap3A_1209 = arith.constant 128 : index
        %swap3A_1210 = tpu.vector_load %arg8[%swap3A_1208, %swap3A_1209] {strides = array<i32>} : memref<32x768xf32, #tpu.memory_space<vmem>>, vector<16xf32>,
        tpu.vector_store %arg8[%swap3A_1208, %swap3A_1209], %add3A_1207 {strides = array<i32>} : memref<32x768xf32, #tpu.memory_space<vmem>>, vector<16xf32>,
        %get3A_1211 = arith.index_cast %scan3A_86 : i32 to index
        %get3A_1212 = arith.constant 144 : index
        %get3A_1213 = tpu.vector_load %arg8[%get3A_1211, %get3A_1212] {strides = array<i32>} : memref<32x768xf32, #tpu.memory_space<vmem>>, vector<16xf32>,
        %sub3A_1214 = arith.subf %get3A_1213, %broadcast_in_dim3A_1018 : vector<16xf32>
        %mul3A_1215 = arith.mulf %sub3A_1214, %mul3A_1048 : vector<16xf32>
        %get3A_1216 = arith.constant 0 : i32
        %get3A_1217 = arith.index_cast %get3A_1216 : i32 to index
        %get3A_1218 = arith.constant 144 : index
        %get3A_1219 = tpu.vector_load %arg12[%get3A_1217, %get3A_1218] {strides = array<i32>} : memref<1x768xf32, #tpu.memory_space<vmem>>, vector<16xf32>,
        %mul3A_1220 = arith.mulf %mul3A_1215, %get3A_1219 : vector<16xf32>
        %get3A_1221 = arith.constant 0 : i32
        %get3A_1222 = arith.index_cast %get3A_1221 : i32 to index
        %get3A_1223 = arith.constant 144 : index
        %get3A_1224 = tpu.vector_load %arg13[%get3A_1222, %get3A_1223] {strides = array<i32>} : memref<1x768xf32, #tpu.memory_space<vmem>>, vector<16xf32>,
        %add3A_1225 = arith.addf %mul3A_1220, %get3A_1224 : vector<16xf32>
        %swap3A_1226 = arith.index_cast %scan3A_86 : i32 to index
        %swap3A_1227 = arith.constant 144 : index
        %swap3A_1228 = tpu.vector_load %arg8[%swap3A_1226, %swap3A_1227] {strides = array<i32>} : memref<32x768xf32, #tpu.memory_space<vmem>>, vector<16xf32>,
        tpu.vector_store %arg8[%swap3A_1226, %swap3A_1227], %add3A_1225 {strides = array<i32>} : memref<32x768xf32, #tpu.memory_space<vmem>>, vector<16xf32>,
        %get3A_1229 = arith.index_cast %scan3A_86 : i32 to index
        %get3A_1230 = arith.constant 160 : index
        %get3A_1231 = tpu.vector_load %arg8[%get3A_1229, %get3A_1230] {strides = array<i32>} : memref<32x768xf32, #tpu.memory_space<vmem>>, vector<16xf32>,
        %sub3A_1232 = arith.subf %get3A_1231, %broadcast_in_dim3A_1018 : vector<16xf32>
        %mul3A_1233 = arith.mulf %sub3A_1232, %mul3A_1048 : vector<16xf32>
        %get3A_1234 = arith.constant 0 : i32
        %get3A_1235 = arith.index_cast %get3A_1234 : i32 to index
        %get3A_1236 = arith.constant 160 : index
        %get3A_1237 = tpu.vector_load %arg12[%get3A_1235, %get3A_1236] {strides = array<i32>} : memref<1x768xf32, #tpu.memory_space<vmem>>, vector<16xf32>,
        %mul3A_1238 = arith.mulf %mul3A_1233, %get3A_1237 : vector<16xf32>
        %get3A_1239 = arith.constant 0 : i32
        %get3A_1240 = arith.index_cast %get3A_1239 : i32 to index
        %get3A_1241 = arith.constant 160 : index
        %get3A_1242 = tpu.vector_load %arg13[%get3A_1240, %get3A_1241] {strides = array<i32>} : memref<1x768xf32, #tpu.memory_space<vmem>>, vector<16xf32>,
        %add3A_1243 = arith.addf %mul3A_1238, %get3A_1242 : vector<16xf32>
        %swap3A_1244 = arith.index_cast %scan3A_86 : i32 to index
        %swap3A_1245 = arith.constant 160 : index
        %swap3A_1246 = tpu.vector_load %arg8[%swap3A_1244, %swap3A_1245] {strides = array<i32>} : memref<32x768xf32, #tpu.memory_space<vmem>>, vector<16xf32>,
        tpu.vector_store %arg8[%swap3A_1244, %swap3A_1245], %add3A_1243 {strides = array<i32>} : memref<32x768xf32, #tpu.memory_space<vmem>>, vector<16xf32>,
        %get3A_1247 = arith.index_cast %scan3A_86 : i32 to index
        %get3A_1248 = arith.constant 176 : index
        %get3A_1249 = tpu.vector_load %arg8[%get3A_1247, %get3A_1248] {strides = array<i32>} : memref<32x768xf32, #tpu.memory_space<vmem>>, vector<16xf32>,
        %sub3A_1250 = arith.subf %get3A_1249, %broadcast_in_dim3A_1018 : vector<16xf32>
        %mul3A_1251 = arith.mulf %sub3A_1250, %mul3A_1048 : vector<16xf32>
        %get3A_1252 = arith.constant 0 : i32
        %get3A_1253 = arith.index_cast %get3A_1252 : i32 to index
        %get3A_1254 = arith.constant 176 : index
        %get3A_1255 = tpu.vector_load %arg12[%get3A_1253, %get3A_1254] {strides = array<i32>} : memref<1x768xf32, #tpu.memory_space<vmem>>, vector<16xf32>,
        %mul3A_1256 = arith.mulf %mul3A_1251, %get3A_1255 : vector<16xf32>
        %get3A_1257 = arith.constant 0 : i32
        %get3A_1258 = arith.index_cast %get3A_1257 : i32 to index
        %get3A_1259 = arith.constant 176 : index
        %get3A_1260 = tpu.vector_load %arg13[%get3A_1258, %get3A_1259] {strides = array<i32>} : memref<1x768xf32, #tpu.memory_space<vmem>>, vector<16xf32>,
        %add3A_1261 = arith.addf %mul3A_1256, %get3A_1260 : vector<16xf32>
        %swap3A_1262 = arith.index_cast %scan3A_86 : i32 to index
        %swap3A_1263 = arith.constant 176 : index
        %swap3A_1264 = tpu.vector_load %arg8[%swap3A_1262, %swap3A_1263] {strides = array<i32>} : memref<32x768xf32, #tpu.memory_space<vmem>>, vector<16xf32>,
        tpu.vector_store %arg8[%swap3A_1262, %swap3A_1263], %add3A_1261 {strides = array<i32>} : memref<32x768xf32, #tpu.memory_space<vmem>>, vector<16xf32>,
        %get3A_1265 = arith.index_cast %scan3A_86 : i32 to index
        %get3A_1266 = arith.constant 192 : index
        %get3A_1267 = tpu.vector_load %arg8[%get3A_1265, %get3A_1266] {strides = array<i32>} : memref<32x768xf32, #tpu.memory_space<vmem>>, vector<16xf32>,
        %sub3A_1268 = arith.subf %get3A_1267, %broadcast_in_dim3A_1018 : vector<16xf32>
        %mul3A_1269 = arith.mulf %sub3A_1268, %mul3A_1048 : vector<16xf32>
        %get3A_1270 = arith.constant 0 : i32
        %get3A_1271 = arith.index_cast %get3A_1270 : i32 to index
        %get3A_1272 = arith.constant 192 : index
        %get3A_1273 = tpu.vector_load %arg12[%get3A_1271, %get3A_1272] {strides = array<i32>} : memref<1x768xf32, #tpu.memory_space<vmem>>, vector<16xf32>,
        %mul3A_1274 = arith.mulf %mul3A_1269, %get3A_1273 : vector<16xf32>
        %get3A_1275 = arith.constant 0 : i32
        %get3A_1276 = arith.index_cast %get3A_1275 : i32 to index
        %get3A_1277 = arith.constant 192 : index
        %get3A_1278 = tpu.vector_load %arg13[%get3A_1276, %get3A_1277] {strides = array<i32>} : memref<1x768xf32, #tpu.memory_space<vmem>>, vector<16xf32>,
        %add3A_1279 = arith.addf %mul3A_1274, %get3A_1278 : vector<16xf32>
        %swap3A_1280 = arith.index_cast %scan3A_86 : i32 to index
        %swap3A_1281 = arith.constant 192 : index
        %swap3A_1282 = tpu.vector_load %arg8[%swap3A_1280, %swap3A_1281] {strides = array<i32>} : memref<32x768xf32, #tpu.memory_space<vmem>>, vector<16xf32>,
        tpu.vector_store %arg8[%swap3A_1280, %swap3A_1281], %add3A_1279 {strides = array<i32>} : memref<32x768xf32, #tpu.memory_space<vmem>>, vector<16xf32>,
        %get3A_1283 = arith.index_cast %scan3A_86 : i32 to index
        %get3A_1284 = arith.constant 208 : index
        %get3A_1285 = tpu.vector_load %arg8[%get3A_1283, %get3A_1284] {strides = array<i32>} : memref<32x768xf32, #tpu.memory_space<vmem>>, vector<16xf32>,
        %sub3A_1286 = arith.subf %get3A_1285, %broadcast_in_dim3A_1018 : vector<16xf32>
        %mul3A_1287 = arith.mulf %sub3A_1286, %mul3A_1048 : vector<16xf32>
        %get3A_1288 = arith.constant 0 : i32
        %get3A_1289 = arith.index_cast %get3A_1288 : i32 to index
        %get3A_1290 = arith.constant 208 : index
        %get3A_1291 = tpu.vector_load %arg12[%get3A_1289, %get3A_1290] {strides = array<i32>} : memref<1x768xf32, #tpu.memory_space<vmem>>, vector<16xf32>,
        %mul3A_1292 = arith.mulf %mul3A_1287, %get3A_1291 : vector<16xf32>
        %get3A_1293 = arith.constant 0 : i32
        %get3A_1294 = arith.index_cast %get3A_1293 : i32 to index
        %get3A_1295 = arith.constant 208 : index
        %get3A_1296 = tpu.vector_load %arg13[%get3A_1294, %get3A_1295] {strides = array<i32>} : memref<1x768xf32, #tpu.memory_space<vmem>>, vector<16xf32>,
        %add3A_1297 = arith.addf %mul3A_1292, %get3A_1296 : vector<16xf32>
        %swap3A_1298 = arith.index_cast %scan3A_86 : i32 to index
        %swap3A_1299 = arith.constant 208 : index
        %swap3A_1300 = tpu.vector_load %arg8[%swap3A_1298, %swap3A_1299] {strides = array<i32>} : memref<32x768xf32, #tpu.memory_space<vmem>>, vector<16xf32>,
        tpu.vector_store %arg8[%swap3A_1298, %swap3A_1299], %add3A_1297 {strides = array<i32>} : memref<32x768xf32, #tpu.memory_space<vmem>>, vector<16xf32>,
        %get3A_1301 = arith.index_cast %scan3A_86 : i32 to index
        %get3A_1302 = arith.constant 224 : index
        %get3A_1303 = tpu.vector_load %arg8[%get3A_1301, %get3A_1302] {strides = array<i32>} : memref<32x768xf32, #tpu.memory_space<vmem>>, vector<16xf32>,
        %sub3A_1304 = arith.subf %get3A_1303, %broadcast_in_dim3A_1018 : vector<16xf32>
        %mul3A_1305 = arith.mulf %sub3A_1304, %mul3A_1048 : vector<16xf32>
        %get3A_1306 = arith.constant 0 : i32
        %get3A_1307 = arith.index_cast %get3A_1306 : i32 to index
        %get3A_1308 = arith.constant 224 : index
        %get3A_1309 = tpu.vector_load %arg12[%get3A_1307, %get3A_1308] {strides = array<i32>} : memref<1x768xf32, #tpu.memory_space<vmem>>, vector<16xf32>,
        %mul3A_1310 = arith.mulf %mul3A_1305, %get3A_1309 : vector<16xf32>
        %get3A_1311 = arith.constant 0 : i32
        %get3A_1312 = arith.index_cast %get3A_1311 : i32 to index
        %get3A_1313 = arith.constant 224 : index
        %get3A_1314 = tpu.vector_load %arg13[%get3A_1312, %get3A_1313] {strides = array<i32>} : memref<1x768xf32, #tpu.memory_space<vmem>>, vector<16xf32>,
        %add3A_1315 = arith.addf %mul3A_1310, %get3A_1314 : vector<16xf32>
        %swap3A_1316 = arith.index_cast %scan3A_86 : i32 to index
        %swap3A_1317 = arith.constant 224 : index
        %swap3A_1318 = tpu.vector_load %arg8[%swap3A_1316, %swap3A_1317] {strides = array<i32>} : memref<32x768xf32, #tpu.memory_space<vmem>>, vector<16xf32>,
        tpu.vector_store %arg8[%swap3A_1316, %swap3A_1317], %add3A_1315 {strides = array<i32>} : memref<32x768xf32, #tpu.memory_space<vmem>>, vector<16xf32>,
        %get3A_1319 = arith.index_cast %scan3A_86 : i32 to index
        %get3A_1320 = arith.constant 240 : index
        %get3A_1321 = tpu.vector_load %arg8[%get3A_1319, %get3A_1320] {strides = array<i32>} : memref<32x768xf32, #tpu.memory_space<vmem>>, vector<16xf32>,
        %sub3A_1322 = arith.subf %get3A_1321, %broadcast_in_dim3A_1018 : vector<16xf32>
        %mul3A_1323 = arith.mulf %sub3A_1322, %mul3A_1048 : vector<16xf32>
        %get3A_1324 = arith.constant 0 : i32
        %get3A_1325 = arith.index_cast %get3A_1324 : i32 to index
        %get3A_1326 = arith.constant 240 : index
        %get3A_1327 = tpu.vector_load %arg12[%get3A_1325, %get3A_1326] {strides = array<i32>} : memref<1x768xf32, #tpu.memory_space<vmem>>, vector<16xf32>,
        %mul3A_1328 = arith.mulf %mul3A_1323, %get3A_1327 : vector<16xf32>
        %get3A_1329 = arith.constant 0 : i32
        %get3A_1330 = arith.index_cast %get3A_1329 : i32 to index
        %get3A_1331 = arith.constant 240 : index
        %get3A_1332 = tpu.vector_load %arg13[%get3A_1330, %get3A_1331] {strides = array<i32>} : memref<1x768xf32, #tpu.memory_space<vmem>>, vector<16xf32>,
        %add3A_1333 = arith.addf %mul3A_1328, %get3A_1332 : vector<16xf32>
        %swap3A_1334 = arith.index_cast %scan3A_86 : i32 to index
        %swap3A_1335 = arith.constant 240 : index
        %swap3A_1336 = tpu.vector_load %arg8[%swap3A_1334, %swap3A_1335] {strides = array<i32>} : memref<32x768xf32, #tpu.memory_space<vmem>>, vector<16xf32>,
        tpu.vector_store %arg8[%swap3A_1334, %swap3A_1335], %add3A_1333 {strides = array<i32>} : memref<32x768xf32, #tpu.memory_space<vmem>>, vector<16xf32>,
        %get3A_1337 = arith.index_cast %scan3A_86 : i32 to index
        %get3A_1338 = arith.constant 256 : index
        %get3A_1339 = tpu.vector_load %arg8[%get3A_1337, %get3A_1338] {strides = array<i32>} : memref<32x768xf32, #tpu.memory_space<vmem>>, vector<16xf32>,
        %sub3A_1340 = arith.subf %get3A_1339, %broadcast_in_dim3A_1018 : vector<16xf32>
        %mul3A_1341 = arith.mulf %sub3A_1340, %mul3A_1048 : vector<16xf32>
        %get3A_1342 = arith.constant 0 : i32
        %get3A_1343 = arith.index_cast %get3A_1342 : i32 to index
        %get3A_1344 = arith.constant 256 : index
        %get3A_1345 = tpu.vector_load %arg12[%get3A_1343, %get3A_1344] {strides = array<i32>} : memref<1x768xf32, #tpu.memory_space<vmem>>, vector<16xf32>,
        %mul3A_1346 = arith.mulf %mul3A_1341, %get3A_1345 : vector<16xf32>
        %get3A_1347 = arith.constant 0 : i32
        %get3A_1348 = arith.index_cast %get3A_1347 : i32 to index
        %get3A_1349 = arith.constant 256 : index
        %get3A_1350 = tpu.vector_load %arg13[%get3A_1348, %get3A_1349] {strides = array<i32>} : memref<1x768xf32, #tpu.memory_space<vmem>>, vector<16xf32>,
        %add3A_1351 = arith.addf %mul3A_1346, %get3A_1350 : vector<16xf32>
        %swap3A_1352 = arith.index_cast %scan3A_86 : i32 to index
        %swap3A_1353 = arith.constant 256 : index
        %swap3A_1354 = tpu.vector_load %arg8[%swap3A_1352, %swap3A_1353] {strides = array<i32>} : memref<32x768xf32, #tpu.memory_space<vmem>>, vector<16xf32>,
        tpu.vector_store %arg8[%swap3A_1352, %swap3A_1353], %add3A_1351 {strides = array<i32>} : memref<32x768xf32, #tpu.memory_space<vmem>>, vector<16xf32>,
        %get3A_1355 = arith.index_cast %scan3A_86 : i32 to index
        %get3A_1356 = arith.constant 272 : index
        %get3A_1357 = tpu.vector_load %arg8[%get3A_1355, %get3A_1356] {strides = array<i32>} : memref<32x768xf32, #tpu.memory_space<vmem>>, vector<16xf32>,
        %sub3A_1358 = arith.subf %get3A_1357, %broadcast_in_dim3A_1018 : vector<16xf32>
        %mul3A_1359 = arith.mulf %sub3A_1358, %mul3A_1048 : vector<16xf32>
        %get3A_1360 = arith.constant 0 : i32
        %get3A_1361 = arith.index_cast %get3A_1360 : i32 to index
        %get3A_1362 = arith.constant 272 : index
        %get3A_1363 = tpu.vector_load %arg12[%get3A_1361, %get3A_1362] {strides = array<i32>} : memref<1x768xf32, #tpu.memory_space<vmem>>, vector<16xf32>,
        %mul3A_1364 = arith.mulf %mul3A_1359, %get3A_1363 : vector<16xf32>
        %get3A_1365 = arith.constant 0 : i32
        %get3A_1366 = arith.index_cast %get3A_1365 : i32 to index
        %get3A_1367 = arith.constant 272 : index
        %get3A_1368 = tpu.vector_load %arg13[%get3A_1366, %get3A_1367] {strides = array<i32>} : memref<1x768xf32, #tpu.memory_space<vmem>>, vector<16xf32>,
        %add3A_1369 = arith.addf %mul3A_1364, %get3A_1368 : vector<16xf32>
        %swap3A_1370 = arith.index_cast %scan3A_86 : i32 to index
        %swap3A_1371 = arith.constant 272 : index
        %swap3A_1372 = tpu.vector_load %arg8[%swap3A_1370, %swap3A_1371] {strides = array<i32>} : memref<32x768xf32, #tpu.memory_space<vmem>>, vector<16xf32>,
        tpu.vector_store %arg8[%swap3A_1370, %swap3A_1371], %add3A_1369 {strides = array<i32>} : memref<32x768xf32, #tpu.memory_space<vmem>>, vector<16xf32>,
        %get3A_1373 = arith.index_cast %scan3A_86 : i32 to index
        %get3A_1374 = arith.constant 288 : index
        %get3A_1375 = tpu.vector_load %arg8[%get3A_1373, %get3A_1374] {strides = array<i32>} : memref<32x768xf32, #tpu.memory_space<vmem>>, vector<16xf32>,
        %sub3A_1376 = arith.subf %get3A_1375, %broadcast_in_dim3A_1018 : vector<16xf32>
        %mul3A_1377 = arith.mulf %sub3A_1376, %mul3A_1048 : vector<16xf32>
        %get3A_1378 = arith.constant 0 : i32
        %get3A_1379 = arith.index_cast %get3A_1378 : i32 to index
        %get3A_1380 = arith.constant 288 : index
        %get3A_1381 = tpu.vector_load %arg12[%get3A_1379, %get3A_1380] {strides = array<i32>} : memref<1x768xf32, #tpu.memory_space<vmem>>, vector<16xf32>,
        %mul3A_1382 = arith.mulf %mul3A_1377, %get3A_1381 : vector<16xf32>
        %get3A_1383 = arith.constant 0 : i32
        %get3A_1384 = arith.index_cast %get3A_1383 : i32 to index
        %get3A_1385 = arith.constant 288 : index
        %get3A_1386 = tpu.vector_load %arg13[%get3A_1384, %get3A_1385] {strides = array<i32>} : memref<1x768xf32, #tpu.memory_space<vmem>>, vector<16xf32>,
        %add3A_1387 = arith.addf %mul3A_1382, %get3A_1386 : vector<16xf32>
        %swap3A_1388 = arith.index_cast %scan3A_86 : i32 to index
        %swap3A_1389 = arith.constant 288 : index
        %swap3A_1390 = tpu.vector_load %arg8[%swap3A_1388, %swap3A_1389] {strides = array<i32>} : memref<32x768xf32, #tpu.memory_space<vmem>>, vector<16xf32>,
        tpu.vector_store %arg8[%swap3A_1388, %swap3A_1389], %add3A_1387 {strides = array<i32>} : memref<32x768xf32, #tpu.memory_space<vmem>>, vector<16xf32>,
        %get3A_1391 = arith.index_cast %scan3A_86 : i32 to index
        %get3A_1392 = arith.constant 304 : index
        %get3A_1393 = tpu.vector_load %arg8[%get3A_1391, %get3A_1392] {strides = array<i32>} : memref<32x768xf32, #tpu.memory_space<vmem>>, vector<16xf32>,
        %sub3A_1394 = arith.subf %get3A_1393, %broadcast_in_dim3A_1018 : vector<16xf32>
        %mul3A_1395 = arith.mulf %sub3A_1394, %mul3A_1048 : vector<16xf32>
        %get3A_1396 = arith.constant 0 : i32
        %get3A_1397 = arith.index_cast %get3A_1396 : i32 to index
        %get3A_1398 = arith.constant 304 : index
        %get3A_1399 = tpu.vector_load %arg12[%get3A_1397, %get3A_1398] {strides = array<i32>} : memref<1x768xf32, #tpu.memory_space<vmem>>, vector<16xf32>,
        %mul3A_1400 = arith.mulf %mul3A_1395, %get3A_1399 : vector<16xf32>
        %get3A_1401 = arith.constant 0 : i32
        %get3A_1402 = arith.index_cast %get3A_1401 : i32 to index
        %get3A_1403 = arith.constant 304 : index
        %get3A_1404 = tpu.vector_load %arg13[%get3A_1402, %get3A_1403] {strides = array<i32>} : memref<1x768xf32, #tpu.memory_space<vmem>>, vector<16xf32>,
        %add3A_1405 = arith.addf %mul3A_1400, %get3A_1404 : vector<16xf32>
        %swap3A_1406 = arith.index_cast %scan3A_86 : i32 to index
        %swap3A_1407 = arith.constant 304 : index
        %swap3A_1408 = tpu.vector_load %arg8[%swap3A_1406, %swap3A_1407] {strides = array<i32>} : memref<32x768xf32, #tpu.memory_space<vmem>>, vector<16xf32>,
        tpu.vector_store %arg8[%swap3A_1406, %swap3A_1407], %add3A_1405 {strides = array<i32>} : memref<32x768xf32, #tpu.memory_space<vmem>>, vector<16xf32>,
        %get3A_1409 = arith.index_cast %scan3A_86 : i32 to index
        %get3A_1410 = arith.constant 320 : index
        %get3A_1411 = tpu.vector_load %arg8[%get3A_1409, %get3A_1410] {strides = array<i32>} : memref<32x768xf32, #tpu.memory_space<vmem>>, vector<16xf32>,
        %sub3A_1412 = arith.subf %get3A_1411, %broadcast_in_dim3A_1018 : vector<16xf32>
        %mul3A_1413 = arith.mulf %sub3A_1412, %mul3A_1048 : vector<16xf32>
        %get3A_1414 = arith.constant 0 : i32
        %get3A_1415 = arith.index_cast %get3A_1414 : i32 to index
        %get3A_1416 = arith.constant 320 : index
        %get3A_1417 = tpu.vector_load %arg12[%get3A_1415, %get3A_1416] {strides = array<i32>} : memref<1x768xf32, #tpu.memory_space<vmem>>, vector<16xf32>,
        %mul3A_1418 = arith.mulf %mul3A_1413, %get3A_1417 : vector<16xf32>
        %get3A_1419 = arith.constant 0 : i32
        %get3A_1420 = arith.index_cast %get3A_1419 : i32 to index
        %get3A_1421 = arith.constant 320 : index
        %get3A_1422 = tpu.vector_load %arg13[%get3A_1420, %get3A_1421] {strides = array<i32>} : memref<1x768xf32, #tpu.memory_space<vmem>>, vector<16xf32>,
        %add3A_1423 = arith.addf %mul3A_1418, %get3A_1422 : vector<16xf32>
        %swap3A_1424 = arith.index_cast %scan3A_86 : i32 to index
        %swap3A_1425 = arith.constant 320 : index
        %swap3A_1426 = tpu.vector_load %arg8[%swap3A_1424, %swap3A_1425] {strides = array<i32>} : memref<32x768xf32, #tpu.memory_space<vmem>>, vector<16xf32>,
        tpu.vector_store %arg8[%swap3A_1424, %swap3A_1425], %add3A_1423 {strides = array<i32>} : memref<32x768xf32, #tpu.memory_space<vmem>>, vector<16xf32>,
        %get3A_1427 = arith.index_cast %scan3A_86 : i32 to index
        %get3A_1428 = arith.constant 336 : index
        %get3A_1429 = tpu.vector_load %arg8[%get3A_1427, %get3A_1428] {strides = array<i32>} : memref<32x768xf32, #tpu.memory_space<vmem>>, vector<16xf32>,
        %sub3A_1430 = arith.subf %get3A_1429, %broadcast_in_dim3A_1018 : vector<16xf32>
        %mul3A_1431 = arith.mulf %sub3A_1430, %mul3A_1048 : vector<16xf32>
        %get3A_1432 = arith.constant 0 : i32
        %get3A_1433 = arith.index_cast %get3A_1432 : i32 to index
        %get3A_1434 = arith.constant 336 : index
        %get3A_1435 = tpu.vector_load %arg12[%get3A_1433, %get3A_1434] {strides = array<i32>} : memref<1x768xf32, #tpu.memory_space<vmem>>, vector<16xf32>,
        %mul3A_1436 = arith.mulf %mul3A_1431, %get3A_1435 : vector<16xf32>
        %get3A_1437 = arith.constant 0 : i32
        %get3A_1438 = arith.index_cast %get3A_1437 : i32 to index
        %get3A_1439 = arith.constant 336 : index
        %get3A_1440 = tpu.vector_load %arg13[%get3A_1438, %get3A_1439] {strides = array<i32>} : memref<1x768xf32, #tpu.memory_space<vmem>>, vector<16xf32>,
        %add3A_1441 = arith.addf %mul3A_1436, %get3A_1440 : vector<16xf32>
        %swap3A_1442 = arith.index_cast %scan3A_86 : i32 to index
        %swap3A_1443 = arith.constant 336 : index
        %swap3A_1444 = tpu.vector_load %arg8[%swap3A_1442, %swap3A_1443] {strides = array<i32>} : memref<32x768xf32, #tpu.memory_space<vmem>>, vector<16xf32>,
        tpu.vector_store %arg8[%swap3A_1442, %swap3A_1443], %add3A_1441 {strides = array<i32>} : memref<32x768xf32, #tpu.memory_space<vmem>>, vector<16xf32>,
        %get3A_1445 = arith.index_cast %scan3A_86 : i32 to index
        %get3A_1446 = arith.constant 352 : index
        %get3A_1447 = tpu.vector_load %arg8[%get3A_1445, %get3A_1446] {strides = array<i32>} : memref<32x768xf32, #tpu.memory_space<vmem>>, vector<16xf32>,
        %sub3A_1448 = arith.subf %get3A_1447, %broadcast_in_dim3A_1018 : vector<16xf32>
        %mul3A_1449 = arith.mulf %sub3A_1448, %mul3A_1048 : vector<16xf32>
        %get3A_1450 = arith.constant 0 : i32
        %get3A_1451 = arith.index_cast %get3A_1450 : i32 to index
        %get3A_1452 = arith.constant 352 : index
        %get3A_1453 = tpu.vector_load %arg12[%get3A_1451, %get3A_1452] {strides = array<i32>} : memref<1x768xf32, #tpu.memory_space<vmem>>, vector<16xf32>,
        %mul3A_1454 = arith.mulf %mul3A_1449, %get3A_1453 : vector<16xf32>
        %get3A_1455 = arith.constant 0 : i32
        %get3A_1456 = arith.index_cast %get3A_1455 : i32 to index
        %get3A_1457 = arith.constant 352 : index
        %get3A_1458 = tpu.vector_load %arg13[%get3A_1456, %get3A_1457] {strides = array<i32>} : memref<1x768xf32, #tpu.memory_space<vmem>>, vector<16xf32>,
        %add3A_1459 = arith.addf %mul3A_1454, %get3A_1458 : vector<16xf32>
        %swap3A_1460 = arith.index_cast %scan3A_86 : i32 to index
        %swap3A_1461 = arith.constant 352 : index
        %swap3A_1462 = tpu.vector_load %arg8[%swap3A_1460, %swap3A_1461] {strides = array<i32>} : memref<32x768xf32, #tpu.memory_space<vmem>>, vector<16xf32>,
        tpu.vector_store %arg8[%swap3A_1460, %swap3A_1461], %add3A_1459 {strides = array<i32>} : memref<32x768xf32, #tpu.memory_space<vmem>>, vector<16xf32>,
        %get3A_1463 = arith.index_cast %scan3A_86 : i32 to index
        %get3A_1464 = arith.constant 368 : index
        %get3A_1465 = tpu.vector_load %arg8[%get3A_1463, %get3A_1464] {strides = array<i32>} : memref<32x768xf32, #tpu.memory_space<vmem>>, vector<16xf32>,
        %sub3A_1466 = arith.subf %get3A_1465, %broadcast_in_dim3A_1018 : vector<16xf32>
        %mul3A_1467 = arith.mulf %sub3A_1466, %mul3A_1048 : vector<16xf32>
        %get3A_1468 = arith.constant 0 : i32
        %get3A_1469 = arith.index_cast %get3A_1468 : i32 to index
        %get3A_1470 = arith.constant 368 : index
        %get3A_1471 = tpu.vector_load %arg12[%get3A_1469, %get3A_1470] {strides = array<i32>} : memref<1x768xf32, #tpu.memory_space<vmem>>, vector<16xf32>,
        %mul3A_1472 = arith.mulf %mul3A_1467, %get3A_1471 : vector<16xf32>
        %get3A_1473 = arith.constant 0 : i32
        %get3A_1474 = arith.index_cast %get3A_1473 : i32 to index
        %get3A_1475 = arith.constant 368 : index
        %get3A_1476 = tpu.vector_load %arg13[%get3A_1474, %get3A_1475] {strides = array<i32>} : memref<1x768xf32, #tpu.memory_space<vmem>>, vector<16xf32>,
        %add3A_1477 = arith.addf %mul3A_1472, %get3A_1476 : vector<16xf32>
        %swap3A_1478 = arith.index_cast %scan3A_86 : i32 to index
        %swap3A_1479 = arith.constant 368 : index
        %swap3A_1480 = tpu.vector_load %arg8[%swap3A_1478, %swap3A_1479] {strides = array<i32>} : memref<32x768xf32, #tpu.memory_space<vmem>>, vector<16xf32>,
        tpu.vector_store %arg8[%swap3A_1478, %swap3A_1479], %add3A_1477 {strides = array<i32>} : memref<32x768xf32, #tpu.memory_space<vmem>>, vector<16xf32>,
        %get3A_1481 = arith.index_cast %scan3A_86 : i32 to index
        %get3A_1482 = arith.constant 384 : index
        %get3A_1483 = tpu.vector_load %arg8[%get3A_1481, %get3A_1482] {strides = array<i32>} : memref<32x768xf32, #tpu.memory_space<vmem>>, vector<16xf32>,
        %sub3A_1484 = arith.subf %get3A_1483, %broadcast_in_dim3A_1018 : vector<16xf32>
        %mul3A_1485 = arith.mulf %sub3A_1484, %mul3A_1048 : vector<16xf32>
        %get3A_1486 = arith.constant 0 : i32
        %get3A_1487 = arith.index_cast %get3A_1486 : i32 to index
        %get3A_1488 = arith.constant 384 : index
        %get3A_1489 = tpu.vector_load %arg12[%get3A_1487, %get3A_1488] {strides = array<i32>} : memref<1x768xf32, #tpu.memory_space<vmem>>, vector<16xf32>,
        %mul3A_1490 = arith.mulf %mul3A_1485, %get3A_1489 : vector<16xf32>
        %get3A_1491 = arith.constant 0 : i32
        %get3A_1492 = arith.index_cast %get3A_1491 : i32 to index
        %get3A_1493 = arith.constant 384 : index
        %get3A_1494 = tpu.vector_load %arg13[%get3A_1492, %get3A_1493] {strides = array<i32>} : memref<1x768xf32, #tpu.memory_space<vmem>>, vector<16xf32>,
        %add3A_1495 = arith.addf %mul3A_1490, %get3A_1494 : vector<16xf32>
        %swap3A_1496 = arith.index_cast %scan3A_86 : i32 to index
        %swap3A_1497 = arith.constant 384 : index
        %swap3A_1498 = tpu.vector_load %arg8[%swap3A_1496, %swap3A_1497] {strides = array<i32>} : memref<32x768xf32, #tpu.memory_space<vmem>>, vector<16xf32>,
        tpu.vector_store %arg8[%swap3A_1496, %swap3A_1497], %add3A_1495 {strides = array<i32>} : memref<32x768xf32, #tpu.memory_space<vmem>>, vector<16xf32>,
        %get3A_1499 = arith.index_cast %scan3A_86 : i32 to index
        %get3A_1500 = arith.constant 400 : index
        %get3A_1501 = tpu.vector_load %arg8[%get3A_1499, %get3A_1500] {strides = array<i32>} : memref<32x768xf32, #tpu.memory_space<vmem>>, vector<16xf32>,
        %sub3A_1502 = arith.subf %get3A_1501, %broadcast_in_dim3A_1018 : vector<16xf32>
        %mul3A_1503 = arith.mulf %sub3A_1502, %mul3A_1048 : vector<16xf32>
        %get3A_1504 = arith.constant 0 : i32
        %get3A_1505 = arith.index_cast %get3A_1504 : i32 to index
        %get3A_1506 = arith.constant 400 : index
        %get3A_1507 = tpu.vector_load %arg12[%get3A_1505, %get3A_1506] {strides = array<i32>} : memref<1x768xf32, #tpu.memory_space<vmem>>, vector<16xf32>,
        %mul3A_1508 = arith.mulf %mul3A_1503, %get3A_1507 : vector<16xf32>
        %get3A_1509 = arith.constant 0 : i32
        %get3A_1510 = arith.index_cast %get3A_1509 : i32 to index
        %get3A_1511 = arith.constant 400 : index
        %get3A_1512 = tpu.vector_load %arg13[%get3A_1510, %get3A_1511] {strides = array<i32>} : memref<1x768xf32, #tpu.memory_space<vmem>>, vector<16xf32>,
        %add3A_1513 = arith.addf %mul3A_1508, %get3A_1512 : vector<16xf32>
        %swap3A_1514 = arith.index_cast %scan3A_86 : i32 to index
        %swap3A_1515 = arith.constant 400 : index
        %swap3A_1516 = tpu.vector_load %arg8[%swap3A_1514, %swap3A_1515] {strides = array<i32>} : memref<32x768xf32, #tpu.memory_space<vmem>>, vector<16xf32>,
        tpu.vector_store %arg8[%swap3A_1514, %swap3A_1515], %add3A_1513 {strides = array<i32>} : memref<32x768xf32, #tpu.memory_space<vmem>>, vector<16xf32>,
        %get3A_1517 = arith.index_cast %scan3A_86 : i32 to index
        %get3A_1518 = arith.constant 416 : index
        %get3A_1519 = tpu.vector_load %arg8[%get3A_1517, %get3A_1518] {strides = array<i32>} : memref<32x768xf32, #tpu.memory_space<vmem>>, vector<16xf32>,
        %sub3A_1520 = arith.subf %get3A_1519, %broadcast_in_dim3A_1018 : vector<16xf32>
        %mul3A_1521 = arith.mulf %sub3A_1520, %mul3A_1048 : vector<16xf32>
        %get3A_1522 = arith.constant 0 : i32
        %get3A_1523 = arith.index_cast %get3A_1522 : i32 to index
        %get3A_1524 = arith.constant 416 : index
        %get3A_1525 = tpu.vector_load %arg12[%get3A_1523, %get3A_1524] {strides = array<i32>} : memref<1x768xf32, #tpu.memory_space<vmem>>, vector<16xf32>,
        %mul3A_1526 = arith.mulf %mul3A_1521, %get3A_1525 : vector<16xf32>
        %get3A_1527 = arith.constant 0 : i32
        %get3A_1528 = arith.index_cast %get3A_1527 : i32 to index
        %get3A_1529 = arith.constant 416 : index
        %get3A_1530 = tpu.vector_load %arg13[%get3A_1528, %get3A_1529] {strides = array<i32>} : memref<1x768xf32, #tpu.memory_space<vmem>>, vector<16xf32>,
        %add3A_1531 = arith.addf %mul3A_1526, %get3A_1530 : vector<16xf32>
        %swap3A_1532 = arith.index_cast %scan3A_86 : i32 to index
        %swap3A_1533 = arith.constant 416 : index
        %swap3A_1534 = tpu.vector_load %arg8[%swap3A_1532, %swap3A_1533] {strides = array<i32>} : memref<32x768xf32, #tpu.memory_space<vmem>>, vector<16xf32>,
        tpu.vector_store %arg8[%swap3A_1532, %swap3A_1533], %add3A_1531 {strides = array<i32>} : memref<32x768xf32, #tpu.memory_space<vmem>>, vector<16xf32>,
        %get3A_1535 = arith.index_cast %scan3A_86 : i32 to index
        %get3A_1536 = arith.constant 432 : index
        %get3A_1537 = tpu.vector_load %arg8[%get3A_1535, %get3A_1536] {strides = array<i32>} : memref<32x768xf32, #tpu.memory_space<vmem>>, vector<16xf32>,
        %sub3A_1538 = arith.subf %get3A_1537, %broadcast_in_dim3A_1018 : vector<16xf32>
        %mul3A_1539 = arith.mulf %sub3A_1538, %mul3A_1048 : vector<16xf32>
        %get3A_1540 = arith.constant 0 : i32
        %get3A_1541 = arith.index_cast %get3A_1540 : i32 to index
        %get3A_1542 = arith.constant 432 : index
        %get3A_1543 = tpu.vector_load %arg12[%get3A_1541, %get3A_1542] {strides = array<i32>} : memref<1x768xf32, #tpu.memory_space<vmem>>, vector<16xf32>,
        %mul3A_1544 = arith.mulf %mul3A_1539, %get3A_1543 : vector<16xf32>
        %get3A_1545 = arith.constant 0 : i32
        %get3A_1546 = arith.index_cast %get3A_1545 : i32 to index
        %get3A_1547 = arith.constant 432 : index
        %get3A_1548 = tpu.vector_load %arg13[%get3A_1546, %get3A_1547] {strides = array<i32>} : memref<1x768xf32, #tpu.memory_space<vmem>>, vector<16xf32>,
        %add3A_1549 = arith.addf %mul3A_1544, %get3A_1548 : vector<16xf32>
        %swap3A_1550 = arith.index_cast %scan3A_86 : i32 to index
        %swap3A_1551 = arith.constant 432 : index
        %swap3A_1552 = tpu.vector_load %arg8[%swap3A_1550, %swap3A_1551] {strides = array<i32>} : memref<32x768xf32, #tpu.memory_space<vmem>>, vector<16xf32>,
        tpu.vector_store %arg8[%swap3A_1550, %swap3A_1551], %add3A_1549 {strides = array<i32>} : memref<32x768xf32, #tpu.memory_space<vmem>>, vector<16xf32>,
        %get3A_1553 = arith.index_cast %scan3A_86 : i32 to index
        %get3A_1554 = arith.constant 448 : index
        %get3A_1555 = tpu.vector_load %arg8[%get3A_1553, %get3A_1554] {strides = array<i32>} : memref<32x768xf32, #tpu.memory_space<vmem>>, vector<16xf32>,
        %sub3A_1556 = arith.subf %get3A_1555, %broadcast_in_dim3A_1018 : vector<16xf32>
        %mul3A_1557 = arith.mulf %sub3A_1556, %mul3A_1048 : vector<16xf32>
        %get3A_1558 = arith.constant 0 : i32
        %get3A_1559 = arith.index_cast %get3A_1558 : i32 to index
        %get3A_1560 = arith.constant 448 : index
        %get3A_1561 = tpu.vector_load %arg12[%get3A_1559, %get3A_1560] {strides = array<i32>} : memref<1x768xf32, #tpu.memory_space<vmem>>, vector<16xf32>,
        %mul3A_1562 = arith.mulf %mul3A_1557, %get3A_1561 : vector<16xf32>
        %get3A_1563 = arith.constant 0 : i32
        %get3A_1564 = arith.index_cast %get3A_1563 : i32 to index
        %get3A_1565 = arith.constant 448 : index
        %get3A_1566 = tpu.vector_load %arg13[%get3A_1564, %get3A_1565] {strides = array<i32>} : memref<1x768xf32, #tpu.memory_space<vmem>>, vector<16xf32>,
        %add3A_1567 = arith.addf %mul3A_1562, %get3A_1566 : vector<16xf32>
        %swap3A_1568 = arith.index_cast %scan3A_86 : i32 to index
        %swap3A_1569 = arith.constant 448 : index
        %swap3A_1570 = tpu.vector_load %arg8[%swap3A_1568, %swap3A_1569] {strides = array<i32>} : memref<32x768xf32, #tpu.memory_space<vmem>>, vector<16xf32>,
        tpu.vector_store %arg8[%swap3A_1568, %swap3A_1569], %add3A_1567 {strides = array<i32>} : memref<32x768xf32, #tpu.memory_space<vmem>>, vector<16xf32>,
        %get3A_1571 = arith.index_cast %scan3A_86 : i32 to index
        %get3A_1572 = arith.constant 464 : index
        %get3A_1573 = tpu.vector_load %arg8[%get3A_1571, %get3A_1572] {strides = array<i32>} : memref<32x768xf32, #tpu.memory_space<vmem>>, vector<16xf32>,
        %sub3A_1574 = arith.subf %get3A_1573, %broadcast_in_dim3A_1018 : vector<16xf32>
        %mul3A_1575 = arith.mulf %sub3A_1574, %mul3A_1048 : vector<16xf32>
        %get3A_1576 = arith.constant 0 : i32
        %get3A_1577 = arith.index_cast %get3A_1576 : i32 to index
        %get3A_1578 = arith.constant 464 : index
        %get3A_1579 = tpu.vector_load %arg12[%get3A_1577, %get3A_1578] {strides = array<i32>} : memref<1x768xf32, #tpu.memory_space<vmem>>, vector<16xf32>,
        %mul3A_1580 = arith.mulf %mul3A_1575, %get3A_1579 : vector<16xf32>
        %get3A_1581 = arith.constant 0 : i32
        %get3A_1582 = arith.index_cast %get3A_1581 : i32 to index
        %get3A_1583 = arith.constant 464 : index
        %get3A_1584 = tpu.vector_load %arg13[%get3A_1582, %get3A_1583] {strides = array<i32>} : memref<1x768xf32, #tpu.memory_space<vmem>>, vector<16xf32>,
        %add3A_1585 = arith.addf %mul3A_1580, %get3A_1584 : vector<16xf32>
        %swap3A_1586 = arith.index_cast %scan3A_86 : i32 to index
        %swap3A_1587 = arith.constant 464 : index
        %swap3A_1588 = tpu.vector_load %arg8[%swap3A_1586, %swap3A_1587] {strides = array<i32>} : memref<32x768xf32, #tpu.memory_space<vmem>>, vector<16xf32>,
        tpu.vector_store %arg8[%swap3A_1586, %swap3A_1587], %add3A_1585 {strides = array<i32>} : memref<32x768xf32, #tpu.memory_space<vmem>>, vector<16xf32>,
        %get3A_1589 = arith.index_cast %scan3A_86 : i32 to index
        %get3A_1590 = arith.constant 480 : index
        %get3A_1591 = tpu.vector_load %arg8[%get3A_1589, %get3A_1590] {strides = array<i32>} : memref<32x768xf32, #tpu.memory_space<vmem>>, vector<16xf32>,
        %sub3A_1592 = arith.subf %get3A_1591, %broadcast_in_dim3A_1018 : vector<16xf32>
        %mul3A_1593 = arith.mulf %sub3A_1592, %mul3A_1048 : vector<16xf32>
        %get3A_1594 = arith.constant 0 : i32
        %get3A_1595 = arith.index_cast %get3A_1594 : i32 to index
        %get3A_1596 = arith.constant 480 : index
        %get3A_1597 = tpu.vector_load %arg12[%get3A_1595, %get3A_1596] {strides = array<i32>} : memref<1x768xf32, #tpu.memory_space<vmem>>, vector<16xf32>,
        %mul3A_1598 = arith.mulf %mul3A_1593, %get3A_1597 : vector<16xf32>
        %get3A_1599 = arith.constant 0 : i32
        %get3A_1600 = arith.index_cast %get3A_1599 : i32 to index
        %get3A_1601 = arith.constant 480 : index
        %get3A_1602 = tpu.vector_load %arg13[%get3A_1600, %get3A_1601] {strides = array<i32>} : memref<1x768xf32, #tpu.memory_space<vmem>>, vector<16xf32>,
        %add3A_1603 = arith.addf %mul3A_1598, %get3A_1602 : vector<16xf32>
        %swap3A_1604 = arith.index_cast %scan3A_86 : i32 to index
        %swap3A_1605 = arith.constant 480 : index
        %swap3A_1606 = tpu.vector_load %arg8[%swap3A_1604, %swap3A_1605] {strides = array<i32>} : memref<32x768xf32, #tpu.memory_space<vmem>>, vector<16xf32>,
        tpu.vector_store %arg8[%swap3A_1604, %swap3A_1605], %add3A_1603 {strides = array<i32>} : memref<32x768xf32, #tpu.memory_space<vmem>>, vector<16xf32>,
        %get3A_1607 = arith.index_cast %scan3A_86 : i32 to index
        %get3A_1608 = arith.constant 496 : index
        %get3A_1609 = tpu.vector_load %arg8[%get3A_1607, %get3A_1608] {strides = array<i32>} : memref<32x768xf32, #tpu.memory_space<vmem>>, vector<16xf32>,
        %sub3A_1610 = arith.subf %get3A_1609, %broadcast_in_dim3A_1018 : vector<16xf32>
        %mul3A_1611 = arith.mulf %sub3A_1610, %mul3A_1048 : vector<16xf32>
        %get3A_1612 = arith.constant 0 : i32
        %get3A_1613 = arith.index_cast %get3A_1612 : i32 to index
        %get3A_1614 = arith.constant 496 : index
        %get3A_1615 = tpu.vector_load %arg12[%get3A_1613, %get3A_1614] {strides = array<i32>} : memref<1x768xf32, #tpu.memory_space<vmem>>, vector<16xf32>,
        %mul3A_1616 = arith.mulf %mul3A_1611, %get3A_1615 : vector<16xf32>
        %get3A_1617 = arith.constant 0 : i32
        %get3A_1618 = arith.index_cast %get3A_1617 : i32 to index
        %get3A_1619 = arith.constant 496 : index
        %get3A_1620 = tpu.vector_load %arg13[%get3A_1618, %get3A_1619] {strides = array<i32>} : memref<1x768xf32, #tpu.memory_space<vmem>>, vector<16xf32>,
        %add3A_1621 = arith.addf %mul3A_1616, %get3A_1620 : vector<16xf32>
        %swap3A_1622 = arith.index_cast %scan3A_86 : i32 to index
        %swap3A_1623 = arith.constant 496 : index
        %swap3A_1624 = tpu.vector_load %arg8[%swap3A_1622, %swap3A_1623] {strides = array<i32>} : memref<32x768xf32, #tpu.memory_space<vmem>>, vector<16xf32>,
        tpu.vector_store %arg8[%swap3A_1622, %swap3A_1623], %add3A_1621 {strides = array<i32>} : memref<32x768xf32, #tpu.memory_space<vmem>>, vector<16xf32>,
        %get3A_1625 = arith.index_cast %scan3A_86 : i32 to index
        %get3A_1626 = arith.constant 512 : index
        %get3A_1627 = tpu.vector_load %arg8[%get3A_1625, %get3A_1626] {strides = array<i32>} : memref<32x768xf32, #tpu.memory_space<vmem>>, vector<16xf32>,
        %sub3A_1628 = arith.subf %get3A_1627, %broadcast_in_dim3A_1018 : vector<16xf32>
        %mul3A_1629 = arith.mulf %sub3A_1628, %mul3A_1048 : vector<16xf32>
        %get3A_1630 = arith.constant 0 : i32
        %get3A_1631 = arith.index_cast %get3A_1630 : i32 to index
        %get3A_1632 = arith.constant 512 : index
        %get3A_1633 = tpu.vector_load %arg12[%get3A_1631, %get3A_1632] {strides = array<i32>} : memref<1x768xf32, #tpu.memory_space<vmem>>, vector<16xf32>,
        %mul3A_1634 = arith.mulf %mul3A_1629, %get3A_1633 : vector<16xf32>
        %get3A_1635 = arith.constant 0 : i32
        %get3A_1636 = arith.index_cast %get3A_1635 : i32 to index
        %get3A_1637 = arith.constant 512 : index
        %get3A_1638 = tpu.vector_load %arg13[%get3A_1636, %get3A_1637] {strides = array<i32>} : memref<1x768xf32, #tpu.memory_space<vmem>>, vector<16xf32>,
        %add3A_1639 = arith.addf %mul3A_1634, %get3A_1638 : vector<16xf32>
        %swap3A_1640 = arith.index_cast %scan3A_86 : i32 to index
        %swap3A_1641 = arith.constant 512 : index
        %swap3A_1642 = tpu.vector_load %arg8[%swap3A_1640, %swap3A_1641] {strides = array<i32>} : memref<32x768xf32, #tpu.memory_space<vmem>>, vector<16xf32>,
        tpu.vector_store %arg8[%swap3A_1640, %swap3A_1641], %add3A_1639 {strides = array<i32>} : memref<32x768xf32, #tpu.memory_space<vmem>>, vector<16xf32>,
        %get3A_1643 = arith.index_cast %scan3A_86 : i32 to index
        %get3A_1644 = arith.constant 528 : index
        %get3A_1645 = tpu.vector_load %arg8[%get3A_1643, %get3A_1644] {strides = array<i32>} : memref<32x768xf32, #tpu.memory_space<vmem>>, vector<16xf32>,
        %sub3A_1646 = arith.subf %get3A_1645, %broadcast_in_dim3A_1018 : vector<16xf32>
        %mul3A_1647 = arith.mulf %sub3A_1646, %mul3A_1048 : vector<16xf32>
        %get3A_1648 = arith.constant 0 : i32
        %get3A_1649 = arith.index_cast %get3A_1648 : i32 to index
        %get3A_1650 = arith.constant 528 : index
        %get3A_1651 = tpu.vector_load %arg12[%get3A_1649, %get3A_1650] {strides = array<i32>} : memref<1x768xf32, #tpu.memory_space<vmem>>, vector<16xf32>,
        %mul3A_1652 = arith.mulf %mul3A_1647, %get3A_1651 : vector<16xf32>
        %get3A_1653 = arith.constant 0 : i32
        %get3A_1654 = arith.index_cast %get3A_1653 : i32 to index
        %get3A_1655 = arith.constant 528 : index
        %get3A_1656 = tpu.vector_load %arg13[%get3A_1654, %get3A_1655] {strides = array<i32>} : memref<1x768xf32, #tpu.memory_space<vmem>>, vector<16xf32>,
        %add3A_1657 = arith.addf %mul3A_1652, %get3A_1656 : vector<16xf32>
        %swap3A_1658 = arith.index_cast %scan3A_86 : i32 to index
        %swap3A_1659 = arith.constant 528 : index
        %swap3A_1660 = tpu.vector_load %arg8[%swap3A_1658, %swap3A_1659] {strides = array<i32>} : memref<32x768xf32, #tpu.memory_space<vmem>>, vector<16xf32>,
        tpu.vector_store %arg8[%swap3A_1658, %swap3A_1659], %add3A_1657 {strides = array<i32>} : memref<32x768xf32, #tpu.memory_space<vmem>>, vector<16xf32>,
        %get3A_1661 = arith.index_cast %scan3A_86 : i32 to index
        %get3A_1662 = arith.constant 544 : index
        %get3A_1663 = tpu.vector_load %arg8[%get3A_1661, %get3A_1662] {strides = array<i32>} : memref<32x768xf32, #tpu.memory_space<vmem>>, vector<16xf32>,
        %sub3A_1664 = arith.subf %get3A_1663, %broadcast_in_dim3A_1018 : vector<16xf32>
        %mul3A_1665 = arith.mulf %sub3A_1664, %mul3A_1048 : vector<16xf32>
        %get3A_1666 = arith.constant 0 : i32
        %get3A_1667 = arith.index_cast %get3A_1666 : i32 to index
        %get3A_1668 = arith.constant 544 : index
        %get3A_1669 = tpu.vector_load %arg12[%get3A_1667, %get3A_1668] {strides = array<i32>} : memref<1x768xf32, #tpu.memory_space<vmem>>, vector<16xf32>,
        %mul3A_1670 = arith.mulf %mul3A_1665, %get3A_1669 : vector<16xf32>
        %get3A_1671 = arith.constant 0 : i32
        %get3A_1672 = arith.index_cast %get3A_1671 : i32 to index
        %get3A_1673 = arith.constant 544 : index
        %get3A_1674 = tpu.vector_load %arg13[%get3A_1672, %get3A_1673] {strides = array<i32>} : memref<1x768xf32, #tpu.memory_space<vmem>>, vector<16xf32>,
        %add3A_1675 = arith.addf %mul3A_1670, %get3A_1674 : vector<16xf32>
        %swap3A_1676 = arith.index_cast %scan3A_86 : i32 to index
        %swap3A_1677 = arith.constant 544 : index
        %swap3A_1678 = tpu.vector_load %arg8[%swap3A_1676, %swap3A_1677] {strides = array<i32>} : memref<32x768xf32, #tpu.memory_space<vmem>>, vector<16xf32>,
        tpu.vector_store %arg8[%swap3A_1676, %swap3A_1677], %add3A_1675 {strides = array<i32>} : memref<32x768xf32, #tpu.memory_space<vmem>>, vector<16xf32>,
        %get3A_1679 = arith.index_cast %scan3A_86 : i32 to index
        %get3A_1680 = arith.constant 560 : index
        %get3A_1681 = tpu.vector_load %arg8[%get3A_1679, %get3A_1680] {strides = array<i32>} : memref<32x768xf32, #tpu.memory_space<vmem>>, vector<16xf32>,
        %sub3A_1682 = arith.subf %get3A_1681, %broadcast_in_dim3A_1018 : vector<16xf32>
        %mul3A_1683 = arith.mulf %sub3A_1682, %mul3A_1048 : vector<16xf32>
        %get3A_1684 = arith.constant 0 : i32
        %get3A_1685 = arith.index_cast %get3A_1684 : i32 to index
        %get3A_1686 = arith.constant 560 : index
        %get3A_1687 = tpu.vector_load %arg12[%get3A_1685, %get3A_1686] {strides = array<i32>} : memref<1x768xf32, #tpu.memory_space<vmem>>, vector<16xf32>,
        %mul3A_1688 = arith.mulf %mul3A_1683, %get3A_1687 : vector<16xf32>
        %get3A_1689 = arith.constant 0 : i32
        %get3A_1690 = arith.index_cast %get3A_1689 : i32 to index
        %get3A_1691 = arith.constant 560 : index
        %get3A_1692 = tpu.vector_load %arg13[%get3A_1690, %get3A_1691] {strides = array<i32>} : memref<1x768xf32, #tpu.memory_space<vmem>>, vector<16xf32>,
        %add3A_1693 = arith.addf %mul3A_1688, %get3A_1692 : vector<16xf32>
        %swap3A_1694 = arith.index_cast %scan3A_86 : i32 to index
        %swap3A_1695 = arith.constant 560 : index
        %swap3A_1696 = tpu.vector_load %arg8[%swap3A_1694, %swap3A_1695] {strides = array<i32>} : memref<32x768xf32, #tpu.memory_space<vmem>>, vector<16xf32>,
        tpu.vector_store %arg8[%swap3A_1694, %swap3A_1695], %add3A_1693 {strides = array<i32>} : memref<32x768xf32, #tpu.memory_space<vmem>>, vector<16xf32>,
        %get3A_1697 = arith.index_cast %scan3A_86 : i32 to index
        %get3A_1698 = arith.constant 576 : index
        %get3A_1699 = tpu.vector_load %arg8[%get3A_1697, %get3A_1698] {strides = array<i32>} : memref<32x768xf32, #tpu.memory_space<vmem>>, vector<16xf32>,
        %sub3A_1700 = arith.subf %get3A_1699, %broadcast_in_dim3A_1018 : vector<16xf32>
        %mul3A_1701 = arith.mulf %sub3A_1700, %mul3A_1048 : vector<16xf32>
        %get3A_1702 = arith.constant 0 : i32
        %get3A_1703 = arith.index_cast %get3A_1702 : i32 to index
        %get3A_1704 = arith.constant 576 : index
        %get3A_1705 = tpu.vector_load %arg12[%get3A_1703, %get3A_1704] {strides = array<i32>} : memref<1x768xf32, #tpu.memory_space<vmem>>, vector<16xf32>,
        %mul3A_1706 = arith.mulf %mul3A_1701, %get3A_1705 : vector<16xf32>
        %get3A_1707 = arith.constant 0 : i32
        %get3A_1708 = arith.index_cast %get3A_1707 : i32 to index
        %get3A_1709 = arith.constant 576 : index
        %get3A_1710 = tpu.vector_load %arg13[%get3A_1708, %get3A_1709] {strides = array<i32>} : memref<1x768xf32, #tpu.memory_space<vmem>>, vector<16xf32>,
        %add3A_1711 = arith.addf %mul3A_1706, %get3A_1710 : vector<16xf32>
        %swap3A_1712 = arith.index_cast %scan3A_86 : i32 to index
        %swap3A_1713 = arith.constant 576 : index
        %swap3A_1714 = tpu.vector_load %arg8[%swap3A_1712, %swap3A_1713] {strides = array<i32>} : memref<32x768xf32, #tpu.memory_space<vmem>>, vector<16xf32>,
        tpu.vector_store %arg8[%swap3A_1712, %swap3A_1713], %add3A_1711 {strides = array<i32>} : memref<32x768xf32, #tpu.memory_space<vmem>>, vector<16xf32>,
        %get3A_1715 = arith.index_cast %scan3A_86 : i32 to index
        %get3A_1716 = arith.constant 592 : index
        %get3A_1717 = tpu.vector_load %arg8[%get3A_1715, %get3A_1716] {strides = array<i32>} : memref<32x768xf32, #tpu.memory_space<vmem>>, vector<16xf32>,
        %sub3A_1718 = arith.subf %get3A_1717, %broadcast_in_dim3A_1018 : vector<16xf32>
        %mul3A_1719 = arith.mulf %sub3A_1718, %mul3A_1048 : vector<16xf32>
        %get3A_1720 = arith.constant 0 : i32
        %get3A_1721 = arith.index_cast %get3A_1720 : i32 to index
        %get3A_1722 = arith.constant 592 : index
        %get3A_1723 = tpu.vector_load %arg12[%get3A_1721, %get3A_1722] {strides = array<i32>} : memref<1x768xf32, #tpu.memory_space<vmem>>, vector<16xf32>,
        %mul3A_1724 = arith.mulf %mul3A_1719, %get3A_1723 : vector<16xf32>
        %get3A_1725 = arith.constant 0 : i32
        %get3A_1726 = arith.index_cast %get3A_1725 : i32 to index
        %get3A_1727 = arith.constant 592 : index
        %get3A_1728 = tpu.vector_load %arg13[%get3A_1726, %get3A_1727] {strides = array<i32>} : memref<1x768xf32, #tpu.memory_space<vmem>>, vector<16xf32>,
        %add3A_1729 = arith.addf %mul3A_1724, %get3A_1728 : vector<16xf32>
        %swap3A_1730 = arith.index_cast %scan3A_86 : i32 to index
        %swap3A_1731 = arith.constant 592 : index
        %swap3A_1732 = tpu.vector_load %arg8[%swap3A_1730, %swap3A_1731] {strides = array<i32>} : memref<32x768xf32, #tpu.memory_space<vmem>>, vector<16xf32>,
        tpu.vector_store %arg8[%swap3A_1730, %swap3A_1731], %add3A_1729 {strides = array<i32>} : memref<32x768xf32, #tpu.memory_space<vmem>>, vector<16xf32>,
        %get3A_1733 = arith.index_cast %scan3A_86 : i32 to index
        %get3A_1734 = arith.constant 608 : index
        %get3A_1735 = tpu.vector_load %arg8[%get3A_1733, %get3A_1734] {strides = array<i32>} : memref<32x768xf32, #tpu.memory_space<vmem>>, vector<16xf32>,
        %sub3A_1736 = arith.subf %get3A_1735, %broadcast_in_dim3A_1018 : vector<16xf32>
        %mul3A_1737 = arith.mulf %sub3A_1736, %mul3A_1048 : vector<16xf32>
        %get3A_1738 = arith.constant 0 : i32
        %get3A_1739 = arith.index_cast %get3A_1738 : i32 to index
        %get3A_1740 = arith.constant 608 : index
        %get3A_1741 = tpu.vector_load %arg12[%get3A_1739, %get3A_1740] {strides = array<i32>} : memref<1x768xf32, #tpu.memory_space<vmem>>, vector<16xf32>,
        %mul3A_1742 = arith.mulf %mul3A_1737, %get3A_1741 : vector<16xf32>
        %get3A_1743 = arith.constant 0 : i32
        %get3A_1744 = arith.index_cast %get3A_1743 : i32 to index
        %get3A_1745 = arith.constant 608 : index
        %get3A_1746 = tpu.vector_load %arg13[%get3A_1744, %get3A_1745] {strides = array<i32>} : memref<1x768xf32, #tpu.memory_space<vmem>>, vector<16xf32>,
        %add3A_1747 = arith.addf %mul3A_1742, %get3A_1746 : vector<16xf32>
        %swap3A_1748 = arith.index_cast %scan3A_86 : i32 to index
        %swap3A_1749 = arith.constant 608 : index
        %swap3A_1750 = tpu.vector_load %arg8[%swap3A_1748, %swap3A_1749] {strides = array<i32>} : memref<32x768xf32, #tpu.memory_space<vmem>>, vector<16xf32>,
        tpu.vector_store %arg8[%swap3A_1748, %swap3A_1749], %add3A_1747 {strides = array<i32>} : memref<32x768xf32, #tpu.memory_space<vmem>>, vector<16xf32>,
        %get3A_1751 = arith.index_cast %scan3A_86 : i32 to index
        %get3A_1752 = arith.constant 624 : index
        %get3A_1753 = tpu.vector_load %arg8[%get3A_1751, %get3A_1752] {strides = array<i32>} : memref<32x768xf32, #tpu.memory_space<vmem>>, vector<16xf32>,
        %sub3A_1754 = arith.subf %get3A_1753, %broadcast_in_dim3A_1018 : vector<16xf32>
        %mul3A_1755 = arith.mulf %sub3A_1754, %mul3A_1048 : vector<16xf32>
        %get3A_1756 = arith.constant 0 : i32
        %get3A_1757 = arith.index_cast %get3A_1756 : i32 to index
        %get3A_1758 = arith.constant 624 : index
        %get3A_1759 = tpu.vector_load %arg12[%get3A_1757, %get3A_1758] {strides = array<i32>} : memref<1x768xf32, #tpu.memory_space<vmem>>, vector<16xf32>,
        %mul3A_1760 = arith.mulf %mul3A_1755, %get3A_1759 : vector<16xf32>
        %get3A_1761 = arith.constant 0 : i32
        %get3A_1762 = arith.index_cast %get3A_1761 : i32 to index
        %get3A_1763 = arith.constant 624 : index
        %get3A_1764 = tpu.vector_load %arg13[%get3A_1762, %get3A_1763] {strides = array<i32>} : memref<1x768xf32, #tpu.memory_space<vmem>>, vector<16xf32>,
        %add3A_1765 = arith.addf %mul3A_1760, %get3A_1764 : vector<16xf32>
        %swap3A_1766 = arith.index_cast %scan3A_86 : i32 to index
        %swap3A_1767 = arith.constant 624 : index
        %swap3A_1768 = tpu.vector_load %arg8[%swap3A_1766, %swap3A_1767] {strides = array<i32>} : memref<32x768xf32, #tpu.memory_space<vmem>>, vector<16xf32>,
        tpu.vector_store %arg8[%swap3A_1766, %swap3A_1767], %add3A_1765 {strides = array<i32>} : memref<32x768xf32, #tpu.memory_space<vmem>>, vector<16xf32>,
        %get3A_1769 = arith.index_cast %scan3A_86 : i32 to index
        %get3A_1770 = arith.constant 640 : index
        %get3A_1771 = tpu.vector_load %arg8[%get3A_1769, %get3A_1770] {strides = array<i32>} : memref<32x768xf32, #tpu.memory_space<vmem>>, vector<16xf32>,
        %sub3A_1772 = arith.subf %get3A_1771, %broadcast_in_dim3A_1018 : vector<16xf32>
        %mul3A_1773 = arith.mulf %sub3A_1772, %mul3A_1048 : vector<16xf32>
        %get3A_1774 = arith.constant 0 : i32
        %get3A_1775 = arith.index_cast %get3A_1774 : i32 to index
        %get3A_1776 = arith.constant 640 : index
        %get3A_1777 = tpu.vector_load %arg12[%get3A_1775, %get3A_1776] {strides = array<i32>} : memref<1x768xf32, #tpu.memory_space<vmem>>, vector<16xf32>,
        %mul3A_1778 = arith.mulf %mul3A_1773, %get3A_1777 : vector<16xf32>
        %get3A_1779 = arith.constant 0 : i32
        %get3A_1780 = arith.index_cast %get3A_1779 : i32 to index
        %get3A_1781 = arith.constant 640 : index
        %get3A_1782 = tpu.vector_load %arg13[%get3A_1780, %get3A_1781] {strides = array<i32>} : memref<1x768xf32, #tpu.memory_space<vmem>>, vector<16xf32>,
        %add3A_1783 = arith.addf %mul3A_1778, %get3A_1782 : vector<16xf32>
        %swap3A_1784 = arith.index_cast %scan3A_86 : i32 to index
        %swap3A_1785 = arith.constant 640 : index
        %swap3A_1786 = tpu.vector_load %arg8[%swap3A_1784, %swap3A_1785] {strides = array<i32>} : memref<32x768xf32, #tpu.memory_space<vmem>>, vector<16xf32>,
        tpu.vector_store %arg8[%swap3A_1784, %swap3A_1785], %add3A_1783 {strides = array<i32>} : memref<32x768xf32, #tpu.memory_space<vmem>>, vector<16xf32>,
        %get3A_1787 = arith.index_cast %scan3A_86 : i32 to index
        %get3A_1788 = arith.constant 656 : index
        %get3A_1789 = tpu.vector_load %arg8[%get3A_1787, %get3A_1788] {strides = array<i32>} : memref<32x768xf32, #tpu.memory_space<vmem>>, vector<16xf32>,
        %sub3A_1790 = arith.subf %get3A_1789, %broadcast_in_dim3A_1018 : vector<16xf32>
        %mul3A_1791 = arith.mulf %sub3A_1790, %mul3A_1048 : vector<16xf32>
        %get3A_1792 = arith.constant 0 : i32
        %get3A_1793 = arith.index_cast %get3A_1792 : i32 to index
        %get3A_1794 = arith.constant 656 : index
        %get3A_1795 = tpu.vector_load %arg12[%get3A_1793, %get3A_1794] {strides = array<i32>} : memref<1x768xf32, #tpu.memory_space<vmem>>, vector<16xf32>,
        %mul3A_1796 = arith.mulf %mul3A_1791, %get3A_1795 : vector<16xf32>
        %get3A_1797 = arith.constant 0 : i32
        %get3A_1798 = arith.index_cast %get3A_1797 : i32 to index
        %get3A_1799 = arith.constant 656 : index
        %get3A_1800 = tpu.vector_load %arg13[%get3A_1798, %get3A_1799] {strides = array<i32>} : memref<1x768xf32, #tpu.memory_space<vmem>>, vector<16xf32>,
        %add3A_1801 = arith.addf %mul3A_1796, %get3A_1800 : vector<16xf32>
        %swap3A_1802 = arith.index_cast %scan3A_86 : i32 to index
        %swap3A_1803 = arith.constant 656 : index
        %swap3A_1804 = tpu.vector_load %arg8[%swap3A_1802, %swap3A_1803] {strides = array<i32>} : memref<32x768xf32, #tpu.memory_space<vmem>>, vector<16xf32>,
        tpu.vector_store %arg8[%swap3A_1802, %swap3A_1803], %add3A_1801 {strides = array<i32>} : memref<32x768xf32, #tpu.memory_space<vmem>>, vector<16xf32>,
        %get3A_1805 = arith.index_cast %scan3A_86 : i32 to index
        %get3A_1806 = arith.constant 672 : index
        %get3A_1807 = tpu.vector_load %arg8[%get3A_1805, %get3A_1806] {strides = array<i32>} : memref<32x768xf32, #tpu.memory_space<vmem>>, vector<16xf32>,
        %sub3A_1808 = arith.subf %get3A_1807, %broadcast_in_dim3A_1018 : vector<16xf32>
        %mul3A_1809 = arith.mulf %sub3A_1808, %mul3A_1048 : vector<16xf32>
        %get3A_1810 = arith.constant 0 : i32
        %get3A_1811 = arith.index_cast %get3A_1810 : i32 to index
        %get3A_1812 = arith.constant 672 : index
        %get3A_1813 = tpu.vector_load %arg12[%get3A_1811, %get3A_1812] {strides = array<i32>} : memref<1x768xf32, #tpu.memory_space<vmem>>, vector<16xf32>,
        %mul3A_1814 = arith.mulf %mul3A_1809, %get3A_1813 : vector<16xf32>
        %get3A_1815 = arith.constant 0 : i32
        %get3A_1816 = arith.index_cast %get3A_1815 : i32 to index
        %get3A_1817 = arith.constant 672 : index
        %get3A_1818 = tpu.vector_load %arg13[%get3A_1816, %get3A_1817] {strides = array<i32>} : memref<1x768xf32, #tpu.memory_space<vmem>>, vector<16xf32>,
        %add3A_1819 = arith.addf %mul3A_1814, %get3A_1818 : vector<16xf32>
        %swap3A_1820 = arith.index_cast %scan3A_86 : i32 to index
        %swap3A_1821 = arith.constant 672 : index
        %swap3A_1822 = tpu.vector_load %arg8[%swap3A_1820, %swap3A_1821] {strides = array<i32>} : memref<32x768xf32, #tpu.memory_space<vmem>>, vector<16xf32>,
        tpu.vector_store %arg8[%swap3A_1820, %swap3A_1821], %add3A_1819 {strides = array<i32>} : memref<32x768xf32, #tpu.memory_space<vmem>>, vector<16xf32>,
        %get3A_1823 = arith.index_cast %scan3A_86 : i32 to index
        %get3A_1824 = arith.constant 688 : index
        %get3A_1825 = tpu.vector_load %arg8[%get3A_1823, %get3A_1824] {strides = array<i32>} : memref<32x768xf32, #tpu.memory_space<vmem>>, vector<16xf32>,
        %sub3A_1826 = arith.subf %get3A_1825, %broadcast_in_dim3A_1018 : vector<16xf32>
        %mul3A_1827 = arith.mulf %sub3A_1826, %mul3A_1048 : vector<16xf32>
        %get3A_1828 = arith.constant 0 : i32
        %get3A_1829 = arith.index_cast %get3A_1828 : i32 to index
        %get3A_1830 = arith.constant 688 : index
        %get3A_1831 = tpu.vector_load %arg12[%get3A_1829, %get3A_1830] {strides = array<i32>} : memref<1x768xf32, #tpu.memory_space<vmem>>, vector<16xf32>,
        %mul3A_1832 = arith.mulf %mul3A_1827, %get3A_1831 : vector<16xf32>
        %get3A_1833 = arith.constant 0 : i32
        %get3A_1834 = arith.index_cast %get3A_1833 : i32 to index
        %get3A_1835 = arith.constant 688 : index
        %get3A_1836 = tpu.vector_load %arg13[%get3A_1834, %get3A_1835] {strides = array<i32>} : memref<1x768xf32, #tpu.memory_space<vmem>>, vector<16xf32>,
        %add3A_1837 = arith.addf %mul3A_1832, %get3A_1836 : vector<16xf32>
        %swap3A_1838 = arith.index_cast %scan3A_86 : i32 to index
        %swap3A_1839 = arith.constant 688 : index
        %swap3A_1840 = tpu.vector_load %arg8[%swap3A_1838, %swap3A_1839] {strides = array<i32>} : memref<32x768xf32, #tpu.memory_space<vmem>>, vector<16xf32>,
        tpu.vector_store %arg8[%swap3A_1838, %swap3A_1839], %add3A_1837 {strides = array<i32>} : memref<32x768xf32, #tpu.memory_space<vmem>>, vector<16xf32>,
        %get3A_1841 = arith.index_cast %scan3A_86 : i32 to index
        %get3A_1842 = arith.constant 704 : index
        %get3A_1843 = tpu.vector_load %arg8[%get3A_1841, %get3A_1842] {strides = array<i32>} : memref<32x768xf32, #tpu.memory_space<vmem>>, vector<16xf32>,
        %sub3A_1844 = arith.subf %get3A_1843, %broadcast_in_dim3A_1018 : vector<16xf32>
        %mul3A_1845 = arith.mulf %sub3A_1844, %mul3A_1048 : vector<16xf32>
        %get3A_1846 = arith.constant 0 : i32
        %get3A_1847 = arith.index_cast %get3A_1846 : i32 to index
        %get3A_1848 = arith.constant 704 : index
        %get3A_1849 = tpu.vector_load %arg12[%get3A_1847, %get3A_1848] {strides = array<i32>} : memref<1x768xf32, #tpu.memory_space<vmem>>, vector<16xf32>,
        %mul3A_1850 = arith.mulf %mul3A_1845, %get3A_1849 : vector<16xf32>
        %get3A_1851 = arith.constant 0 : i32
        %get3A_1852 = arith.index_cast %get3A_1851 : i32 to index
        %get3A_1853 = arith.constant 704 : index
        %get3A_1854 = tpu.vector_load %arg13[%get3A_1852, %get3A_1853] {strides = array<i32>} : memref<1x768xf32, #tpu.memory_space<vmem>>, vector<16xf32>,
        %add3A_1855 = arith.addf %mul3A_1850, %get3A_1854 : vector<16xf32>
        %swap3A_1856 = arith.index_cast %scan3A_86 : i32 to index
        %swap3A_1857 = arith.constant 704 : index
        %swap3A_1858 = tpu.vector_load %arg8[%swap3A_1856, %swap3A_1857] {strides = array<i32>} : memref<32x768xf32, #tpu.memory_space<vmem>>, vector<16xf32>,
        tpu.vector_store %arg8[%swap3A_1856, %swap3A_1857], %add3A_1855 {strides = array<i32>} : memref<32x768xf32, #tpu.memory_space<vmem>>, vector<16xf32>,
        %get3A_1859 = arith.index_cast %scan3A_86 : i32 to index
        %get3A_1860 = arith.constant 720 : index
        %get3A_1861 = tpu.vector_load %arg8[%get3A_1859, %get3A_1860] {strides = array<i32>} : memref<32x768xf32, #tpu.memory_space<vmem>>, vector<16xf32>,
        %sub3A_1862 = arith.subf %get3A_1861, %broadcast_in_dim3A_1018 : vector<16xf32>
        %mul3A_1863 = arith.mulf %sub3A_1862, %mul3A_1048 : vector<16xf32>
        %get3A_1864 = arith.constant 0 : i32
        %get3A_1865 = arith.index_cast %get3A_1864 : i32 to index
        %get3A_1866 = arith.constant 720 : index
        %get3A_1867 = tpu.vector_load %arg12[%get3A_1865, %get3A_1866] {strides = array<i32>} : memref<1x768xf32, #tpu.memory_space<vmem>>, vector<16xf32>,
        %mul3A_1868 = arith.mulf %mul3A_1863, %get3A_1867 : vector<16xf32>
        %get3A_1869 = arith.constant 0 : i32
        %get3A_1870 = arith.index_cast %get3A_1869 : i32 to index
        %get3A_1871 = arith.constant 720 : index
        %get3A_1872 = tpu.vector_load %arg13[%get3A_1870, %get3A_1871] {strides = array<i32>} : memref<1x768xf32, #tpu.memory_space<vmem>>, vector<16xf32>,
        %add3A_1873 = arith.addf %mul3A_1868, %get3A_1872 : vector<16xf32>
        %swap3A_1874 = arith.index_cast %scan3A_86 : i32 to index
        %swap3A_1875 = arith.constant 720 : index
        %swap3A_1876 = tpu.vector_load %arg8[%swap3A_1874, %swap3A_1875] {strides = array<i32>} : memref<32x768xf32, #tpu.memory_space<vmem>>, vector<16xf32>,
        tpu.vector_store %arg8[%swap3A_1874, %swap3A_1875], %add3A_1873 {strides = array<i32>} : memref<32x768xf32, #tpu.memory_space<vmem>>, vector<16xf32>,
        %get3A_1877 = arith.index_cast %scan3A_86 : i32 to index
        %get3A_1878 = arith.constant 736 : index
        %get3A_1879 = tpu.vector_load %arg8[%get3A_1877, %get3A_1878] {strides = array<i32>} : memref<32x768xf32, #tpu.memory_space<vmem>>, vector<16xf32>,
        %sub3A_1880 = arith.subf %get3A_1879, %broadcast_in_dim3A_1018 : vector<16xf32>
        %mul3A_1881 = arith.mulf %sub3A_1880, %mul3A_1048 : vector<16xf32>
        %get3A_1882 = arith.constant 0 : i32
        %get3A_1883 = arith.index_cast %get3A_1882 : i32 to index
        %get3A_1884 = arith.constant 736 : index
        %get3A_1885 = tpu.vector_load %arg12[%get3A_1883, %get3A_1884] {strides = array<i32>} : memref<1x768xf32, #tpu.memory_space<vmem>>, vector<16xf32>,
        %mul3A_1886 = arith.mulf %mul3A_1881, %get3A_1885 : vector<16xf32>
        %get3A_1887 = arith.constant 0 : i32
        %get3A_1888 = arith.index_cast %get3A_1887 : i32 to index
        %get3A_1889 = arith.constant 736 : index
        %get3A_1890 = tpu.vector_load %arg13[%get3A_1888, %get3A_1889] {strides = array<i32>} : memref<1x768xf32, #tpu.memory_space<vmem>>, vector<16xf32>,
        %add3A_1891 = arith.addf %mul3A_1886, %get3A_1890 : vector<16xf32>
        %swap3A_1892 = arith.index_cast %scan3A_86 : i32 to index
        %swap3A_1893 = arith.constant 736 : index
        %swap3A_1894 = tpu.vector_load %arg8[%swap3A_1892, %swap3A_1893] {strides = array<i32>} : memref<32x768xf32, #tpu.memory_space<vmem>>, vector<16xf32>,
        tpu.vector_store %arg8[%swap3A_1892, %swap3A_1893], %add3A_1891 {strides = array<i32>} : memref<32x768xf32, #tpu.memory_space<vmem>>, vector<16xf32>,
        %get3A_1895 = arith.index_cast %scan3A_86 : i32 to index
        %get3A_1896 = arith.constant 752 : index
        %get3A_1897 = tpu.vector_load %arg8[%get3A_1895, %get3A_1896] {strides = array<i32>} : memref<32x768xf32, #tpu.memory_space<vmem>>, vector<16xf32>,
        %sub3A_1898 = arith.subf %get3A_1897, %broadcast_in_dim3A_1018 : vector<16xf32>
        %mul3A_1899 = arith.mulf %sub3A_1898, %mul3A_1048 : vector<16xf32>
        %get3A_1900 = arith.constant 0 : i32
        %get3A_1901 = arith.index_cast %get3A_1900 : i32 to index
        %get3A_1902 = arith.constant 752 : index
        %get3A_1903 = tpu.vector_load %arg12[%get3A_1901, %get3A_1902] {strides = array<i32>} : memref<1x768xf32, #tpu.memory_space<vmem>>, vector<16xf32>,
        %mul3A_1904 = arith.mulf %mul3A_1899, %get3A_1903 : vector<16xf32>
        %get3A_1905 = arith.constant 0 : i32
        %get3A_1906 = arith.index_cast %get3A_1905 : i32 to index
        %get3A_1907 = arith.constant 752 : index
        %get3A_1908 = tpu.vector_load %arg13[%get3A_1906, %get3A_1907] {strides = array<i32>} : memref<1x768xf32, #tpu.memory_space<vmem>>, vector<16xf32>,
        %add3A_1909 = arith.addf %mul3A_1904, %get3A_1908 : vector<16xf32>
        %swap3A_1910 = arith.index_cast %scan3A_86 : i32 to index
        %swap3A_1911 = arith.constant 752 : index
        %swap3A_1912 = tpu.vector_load %arg8[%swap3A_1910, %swap3A_1911] {strides = array<i32>} : memref<32x768xf32, #tpu.memory_space<vmem>>, vector<16xf32>,
        tpu.vector_store %arg8[%swap3A_1910, %swap3A_1911], %add3A_1909 {strides = array<i32>} : memref<32x768xf32, #tpu.memory_space<vmem>>, vector<16xf32>,
      }
      %scan3A_43 = arith.constant 32 : i32
      %sub3A_44 = arith.constant 28672 : i32
      %sub3A_45 = arith.subi %add3A_4, %sub3A_44 : i32
      %mul3A_46 = arith.constant 32 : i32
      %mul3A_47 = arith.muli %add3A_34, %mul3A_46 : i32
      %add3A_48 = arith.addi %sub3A_45, %mul3A_47 : i32
      %dma_start3A_49 = arith.constant 0 : i32
      %dma_start3A_50 = tpu.memref_slice %arg7[%add3A_48, %dma_start3A_49] : memref<4096x768xf32, #tpu.memory_space<hbm>> -> memref<32x768xf32, #tpu.memory_space<hbm>>
      %dma_start3A_51 = arith.constant 0 : i32
      %dma_start3A_52 = tpu.memref_slice %arg7[%add3A_48, %dma_start3A_51] : memref<4096x768xf32, #tpu.memory_space<hbm>> -> memref<32x768xf32, #tpu.memory_space<hbm>>
      tpu.enqueue_dma source(%arg8 : memref<32x768xf32, #tpu.memory_space<vmem>>) target(%dma_start3A_52 : memref<32x768xf32, #tpu.memory_space<hbm>>) target_semaphore(%arg16 : memref<!tpu.dma_semaphore, #tpu.memory_space<semaphore_mem>>)
      %add3A_53 = arith.constant 2 : i32
      %add3A_54 = arith.addi %add3A_34, %add3A_53 : i32
      %lt3A = arith.constant 4 : i32
      %lt3A_55 = arith.cmpi slt, %add3A_54, %lt3A : i32
      %convert_element_type3A = arith.extui %lt3A_55 : i1 to i32
      %cond3A = arith.constant 0 : i32
      %cond3A_56 = arith.cmpi ne, %convert_element_type3A, %cond3A : i32
      scf.if %cond3A_56 {
        %sub3A_86 = arith.constant 28672 : i32
        %sub3A_87 = arith.subi %add3A_4, %sub3A_86 : i32
        %dma_wait3A_88 = arith.constant 0 : i32
        %dma_wait3A_89 = tpu.memref_slice %arg7[%sub3A_87, %dma_wait3A_88] : memref<4096x768xf32, #tpu.memory_space<hbm>> -> memref<32x768xf32, #tpu.memory_space<hbm>>
        %dma_wait3A_90 = arith.constant 0 : i32
        %dma_wait3A_91 = tpu.memref_slice %arg7[%sub3A_87, %dma_wait3A_90] : memref<4096x768xf32, #tpu.memory_space<hbm>> -> memref<32x768xf32, #tpu.memory_space<hbm>>
        tpu.wait_dma2 semaphore(%arg16 : memref<!tpu.dma_semaphore, #tpu.memory_space<semaphore_mem>>) src(%arg8 : memref<32x768xf32, #tpu.memory_space<vmem>>) dst(%dma_wait3A_91 : memref<32x768xf32, #tpu.memory_space<hbm>>)
        %add3A_92 = arith.constant 2 : i32
        %add3A_93 = arith.addi %add3A_34, %add3A_92 : i32
        %mul3A_94 = arith.constant 32 : i32
        %mul3A_95 = arith.muli %add3A_93, %mul3A_94 : i32
        %add3A_96 = arith.addi %add3A_4, %mul3A_95 : i32
        %dma_start3A_97 = arith.constant 0 : i32
        %dma_start3A_98 = tpu.memref_slice %arg2[%add3A_96, %dma_start3A_97] : memref<32768x768xf32, #tpu.memory_space<hbm>> -> memref<32x768xf32, #tpu.memory_space<hbm>>
        %dma_start3A_99 = arith.constant 0 : i32
        %dma_start3A_100 = tpu.memref_slice %arg2[%add3A_96, %dma_start3A_99] : memref<32768x768xf32, #tpu.memory_space<hbm>> -> memref<32x768xf32, #tpu.memory_space<hbm>>
        tpu.enqueue_dma source(%dma_start3A_100 : memref<32x768xf32, #tpu.memory_space<hbm>>) target(%arg8 : memref<32x768xf32, #tpu.memory_space<vmem>>) target_semaphore(%arg14 : memref<!tpu.dma_semaphore, #tpu.memory_space<semaphore_mem>>)
      } else {
      }
      %mul3A_57 = arith.constant 2 : i32
      %mul3A_58 = arith.muli %mul3A_57, %scan3A_30 : i32
      %add3A_59 = arith.constant 1 : i32
      %add3A_60 = arith.addi %mul3A_58, %add3A_59 : i32
      %dma_wait3A_61 = arith.constant 0 : i32
      %dma_wait3A_62 = tpu.memref_slice %arg2[%add3A_4, %dma_wait3A_61] : memref<32768x768xf32, #tpu.memory_space<hbm>> -> memref<32x768xf32, #tpu.memory_space<hbm>>
      %dma_wait3A_63 = arith.constant 0 : i32
      %dma_wait3A_64 = tpu.memref_slice %arg2[%add3A_4, %dma_wait3A_63] : memref<32768x768xf32, #tpu.memory_space<hbm>> -> memref<32x768xf32, #tpu.memory_space<hbm>>
      tpu.wait_dma2 semaphore(%arg15 : memref<!tpu.dma_semaphore, #tpu.memory_space<semaphore_mem>>) src(%dma_wait3A_64 : memref<32x768xf32, #tpu.memory_space<hbm>>) dst(%arg9 : memref<32x768xf32, #tpu.memory_space<vmem>>)
      %scan3A_65 = arith.constant 0 : i32
      %scan3A_66 = arith.constant 32 : i32
      %scan3A_67 = arith.addi %scan3A_65, %scan3A_66 : i32
      %scan3A_68 = arith.constant 1 : i32
      scf.for %scan3A_86 = %scan3A_65 to %scan3A_67 step %scan3A_68  : i32 {
        %mul3A_87 = arith.constant 32 : i32
        %mul3A_88 = arith.muli %add3A_60, %mul3A_87 : i32
        %add3A_89 = arith.addi %mul3A_88, %scan3A_86 : i32
        %broadcast_in_dim3A = vector.broadcast %add3A_89 : i32 to vector<16xi32>
        %gather3A = tpu.vector_load_idx %arg10[%broadcast_in_dim3A] : memref<128xi32, #tpu.memory_space<vmem>>[vector<16xi32>], vector<16xi32>,
        %eq3A = arith.constant 1 : i32
        %eq3A_90 = vector.broadcast %eq3A : i32 to vector<16xi32>
        %eq3A_91 = arith.cmpi eq, %gather3A, %eq3A_90 : vector<16xi32>
        %broadcast_in_dim3A_92 = arith.constant 0.000000e+00 : f32
        %broadcast_in_dim3A_93 = vector.broadcast %broadcast_in_dim3A_92 : f32 to vector<16xf32>
        %broadcast_in_dim3A_94 = arith.constant 0.000000e+00 : f32
        %broadcast_in_dim3A_95 = vector.broadcast %broadcast_in_dim3A_94 : f32 to vector<16xf32>
        %get3A = arith.constant 1 : i32
        %get3A_96 = arith.index_cast %get3A : i32 to index
        %get3A_97 = arith.constant 0 : index
        %get3A_98 = tpu.vector_load %arg11[%get3A_96, %get3A_97] {strides = array<i32>} : memref<2x768xf32, #tpu.memory_space<vmem>>, vector<16xf32>,
        %get3A_99 = arith.constant 0 : i32
        %get3A_100 = arith.index_cast %get3A_99 : i32 to index
        %get3A_101 = arith.constant 0 : index
        %get3A_102 = tpu.vector_load %arg11[%get3A_100, %get3A_101] {strides = array<i32>} : memref<2x768xf32, #tpu.memory_space<vmem>>, vector<16xf32>,
        %select_n3A = arith.select %eq3A_91, %get3A_98, %get3A_102 : vector<16xi1>, vector<16xf32>
        %get3A_103 = arith.index_cast %scan3A_86 : i32 to index
        %get3A_104 = arith.constant 0 : index
        %get3A_105 = tpu.vector_load %arg9[%get3A_103, %get3A_104] {strides = array<i32>} : memref<32x768xf32, #tpu.memory_space<vmem>>, vector<16xf32>,
        %add3A_106 = arith.addf %get3A_105, %select_n3A : vector<16xf32>
        %swap3A = arith.index_cast %scan3A_86 : i32 to index
        %swap3A_107 = arith.constant 0 : index
        %swap3A_108 = tpu.vector_load %arg9[%swap3A, %swap3A_107] {strides = array<i32>} : memref<32x768xf32, #tpu.memory_space<vmem>>, vector<16xf32>,
        tpu.vector_store %arg9[%swap3A, %swap3A_107], %add3A_106 {strides = array<i32>} : memref<32x768xf32, #tpu.memory_space<vmem>>, vector<16xf32>,
        %add3A_109 = arith.addf %broadcast_in_dim3A_93, %add3A_106 : vector<16xf32>
        %mul3A_110 = arith.mulf %add3A_106, %add3A_106 : vector<16xf32>
        %add3A_111 = arith.addf %broadcast_in_dim3A_95, %mul3A_110 : vector<16xf32>
        %get3A_112 = arith.constant 1 : i32
        %get3A_113 = arith.index_cast %get3A_112 : i32 to index
        %get3A_114 = arith.constant 16 : index
        %get3A_115 = tpu.vector_load %arg11[%get3A_113, %get3A_114] {strides = array<i32>} : memref<2x768xf32, #tpu.memory_space<vmem>>, vector<16xf32>,
        %get3A_116 = arith.constant 0 : i32
        %get3A_117 = arith.index_cast %get3A_116 : i32 to index
        %get3A_118 = arith.constant 16 : index
        %get3A_119 = tpu.vector_load %arg11[%get3A_117, %get3A_118] {strides = array<i32>} : memref<2x768xf32, #tpu.memory_space<vmem>>, vector<16xf32>,
        %select_n3A_120 = arith.select %eq3A_91, %get3A_115, %get3A_119 : vector<16xi1>, vector<16xf32>
        %get3A_121 = arith.index_cast %scan3A_86 : i32 to index
        %get3A_122 = arith.constant 16 : index
        %get3A_123 = tpu.vector_load %arg9[%get3A_121, %get3A_122] {strides = array<i32>} : memref<32x768xf32, #tpu.memory_space<vmem>>, vector<16xf32>,
        %add3A_124 = arith.addf %get3A_123, %select_n3A_120 : vector<16xf32>
        %swap3A_125 = arith.index_cast %scan3A_86 : i32 to index
        %swap3A_126 = arith.constant 16 : index
        %swap3A_127 = tpu.vector_load %arg9[%swap3A_125, %swap3A_126] {strides = array<i32>} : memref<32x768xf32, #tpu.memory_space<vmem>>, vector<16xf32>,
        tpu.vector_store %arg9[%swap3A_125, %swap3A_126], %add3A_124 {strides = array<i32>} : memref<32x768xf32, #tpu.memory_space<vmem>>, vector<16xf32>,
        %add3A_128 = arith.addf %add3A_109, %add3A_124 : vector<16xf32>
        %mul3A_129 = arith.mulf %add3A_124, %add3A_124 : vector<16xf32>
        %add3A_130 = arith.addf %add3A_111, %mul3A_129 : vector<16xf32>
        %get3A_131 = arith.constant 1 : i32
        %get3A_132 = arith.index_cast %get3A_131 : i32 to index
        %get3A_133 = arith.constant 32 : index
        %get3A_134 = tpu.vector_load %arg11[%get3A_132, %get3A_133] {strides = array<i32>} : memref<2x768xf32, #tpu.memory_space<vmem>>, vector<16xf32>,
        %get3A_135 = arith.constant 0 : i32
        %get3A_136 = arith.index_cast %get3A_135 : i32 to index
        %get3A_137 = arith.constant 32 : index
        %get3A_138 = tpu.vector_load %arg11[%get3A_136, %get3A_137] {strides = array<i32>} : memref<2x768xf32, #tpu.memory_space<vmem>>, vector<16xf32>,
        %select_n3A_139 = arith.select %eq3A_91, %get3A_134, %get3A_138 : vector<16xi1>, vector<16xf32>
        %get3A_140 = arith.index_cast %scan3A_86 : i32 to index
        %get3A_141 = arith.constant 32 : index
        %get3A_142 = tpu.vector_load %arg9[%get3A_140, %get3A_141] {strides = array<i32>} : memref<32x768xf32, #tpu.memory_space<vmem>>, vector<16xf32>,
        %add3A_143 = arith.addf %get3A_142, %select_n3A_139 : vector<16xf32>
        %swap3A_144 = arith.index_cast %scan3A_86 : i32 to index
        %swap3A_145 = arith.constant 32 : index
        %swap3A_146 = tpu.vector_load %arg9[%swap3A_144, %swap3A_145] {strides = array<i32>} : memref<32x768xf32, #tpu.memory_space<vmem>>, vector<16xf32>,
        tpu.vector_store %arg9[%swap3A_144, %swap3A_145], %add3A_143 {strides = array<i32>} : memref<32x768xf32, #tpu.memory_space<vmem>>, vector<16xf32>,
        %add3A_147 = arith.addf %add3A_128, %add3A_143 : vector<16xf32>
        %mul3A_148 = arith.mulf %add3A_143, %add3A_143 : vector<16xf32>
        %add3A_149 = arith.addf %add3A_130, %mul3A_148 : vector<16xf32>
        %get3A_150 = arith.constant 1 : i32
        %get3A_151 = arith.index_cast %get3A_150 : i32 to index
        %get3A_152 = arith.constant 48 : index
        %get3A_153 = tpu.vector_load %arg11[%get3A_151, %get3A_152] {strides = array<i32>} : memref<2x768xf32, #tpu.memory_space<vmem>>, vector<16xf32>,
        %get3A_154 = arith.constant 0 : i32
        %get3A_155 = arith.index_cast %get3A_154 : i32 to index
        %get3A_156 = arith.constant 48 : index
        %get3A_157 = tpu.vector_load %arg11[%get3A_155, %get3A_156] {strides = array<i32>} : memref<2x768xf32, #tpu.memory_space<vmem>>, vector<16xf32>,
        %select_n3A_158 = arith.select %eq3A_91, %get3A_153, %get3A_157 : vector<16xi1>, vector<16xf32>
        %get3A_159 = arith.index_cast %scan3A_86 : i32 to index
        %get3A_160 = arith.constant 48 : index
        %get3A_161 = tpu.vector_load %arg9[%get3A_159, %get3A_160] {strides = array<i32>} : memref<32x768xf32, #tpu.memory_space<vmem>>, vector<16xf32>,
        %add3A_162 = arith.addf %get3A_161, %select_n3A_158 : vector<16xf32>
        %swap3A_163 = arith.index_cast %scan3A_86 : i32 to index
        %swap3A_164 = arith.constant 48 : index
        %swap3A_165 = tpu.vector_load %arg9[%swap3A_163, %swap3A_164] {strides = array<i32>} : memref<32x768xf32, #tpu.memory_space<vmem>>, vector<16xf32>,
        tpu.vector_store %arg9[%swap3A_163, %swap3A_164], %add3A_162 {strides = array<i32>} : memref<32x768xf32, #tpu.memory_space<vmem>>, vector<16xf32>,
        %add3A_166 = arith.addf %add3A_147, %add3A_162 : vector<16xf32>
        %mul3A_167 = arith.mulf %add3A_162, %add3A_162 : vector<16xf32>
        %add3A_168 = arith.addf %add3A_149, %mul3A_167 : vector<16xf32>
        %get3A_169 = arith.constant 1 : i32
        %get3A_170 = arith.index_cast %get3A_169 : i32 to index
        %get3A_171 = arith.constant 64 : index
        %get3A_172 = tpu.vector_load %arg11[%get3A_170, %get3A_171] {strides = array<i32>} : memref<2x768xf32, #tpu.memory_space<vmem>>, vector<16xf32>,
        %get3A_173 = arith.constant 0 : i32
        %get3A_174 = arith.index_cast %get3A_173 : i32 to index
        %get3A_175 = arith.constant 64 : index
        %get3A_176 = tpu.vector_load %arg11[%get3A_174, %get3A_175] {strides = array<i32>} : memref<2x768xf32, #tpu.memory_space<vmem>>, vector<16xf32>,
        %select_n3A_177 = arith.select %eq3A_91, %get3A_172, %get3A_176 : vector<16xi1>, vector<16xf32>
        %get3A_178 = arith.index_cast %scan3A_86 : i32 to index
        %get3A_179 = arith.constant 64 : index
        %get3A_180 = tpu.vector_load %arg9[%get3A_178, %get3A_179] {strides = array<i32>} : memref<32x768xf32, #tpu.memory_space<vmem>>, vector<16xf32>,
        %add3A_181 = arith.addf %get3A_180, %select_n3A_177 : vector<16xf32>
        %swap3A_182 = arith.index_cast %scan3A_86 : i32 to index
        %swap3A_183 = arith.constant 64 : index
        %swap3A_184 = tpu.vector_load %arg9[%swap3A_182, %swap3A_183] {strides = array<i32>} : memref<32x768xf32, #tpu.memory_space<vmem>>, vector<16xf32>,
        tpu.vector_store %arg9[%swap3A_182, %swap3A_183], %add3A_181 {strides = array<i32>} : memref<32x768xf32, #tpu.memory_space<vmem>>, vector<16xf32>,
        %add3A_185 = arith.addf %add3A_166, %add3A_181 : vector<16xf32>
        %mul3A_186 = arith.mulf %add3A_181, %add3A_181 : vector<16xf32>
        %add3A_187 = arith.addf %add3A_168, %mul3A_186 : vector<16xf32>
        %get3A_188 = arith.constant 1 : i32
        %get3A_189 = arith.index_cast %get3A_188 : i32 to index
        %get3A_190 = arith.constant 80 : index
        %get3A_191 = tpu.vector_load %arg11[%get3A_189, %get3A_190] {strides = array<i32>} : memref<2x768xf32, #tpu.memory_space<vmem>>, vector<16xf32>,
        %get3A_192 = arith.constant 0 : i32
        %get3A_193 = arith.index_cast %get3A_192 : i32 to index
        %get3A_194 = arith.constant 80 : index
        %get3A_195 = tpu.vector_load %arg11[%get3A_193, %get3A_194] {strides = array<i32>} : memref<2x768xf32, #tpu.memory_space<vmem>>, vector<16xf32>,
        %select_n3A_196 = arith.select %eq3A_91, %get3A_191, %get3A_195 : vector<16xi1>, vector<16xf32>
        %get3A_197 = arith.index_cast %scan3A_86 : i32 to index
        %get3A_198 = arith.constant 80 : index
        %get3A_199 = tpu.vector_load %arg9[%get3A_197, %get3A_198] {strides = array<i32>} : memref<32x768xf32, #tpu.memory_space<vmem>>, vector<16xf32>,
        %add3A_200 = arith.addf %get3A_199, %select_n3A_196 : vector<16xf32>
        %swap3A_201 = arith.index_cast %scan3A_86 : i32 to index
        %swap3A_202 = arith.constant 80 : index
        %swap3A_203 = tpu.vector_load %arg9[%swap3A_201, %swap3A_202] {strides = array<i32>} : memref<32x768xf32, #tpu.memory_space<vmem>>, vector<16xf32>,
        tpu.vector_store %arg9[%swap3A_201, %swap3A_202], %add3A_200 {strides = array<i32>} : memref<32x768xf32, #tpu.memory_space<vmem>>, vector<16xf32>,
        %add3A_204 = arith.addf %add3A_185, %add3A_200 : vector<16xf32>
        %mul3A_205 = arith.mulf %add3A_200, %add3A_200 : vector<16xf32>
        %add3A_206 = arith.addf %add3A_187, %mul3A_205 : vector<16xf32>
        %get3A_207 = arith.constant 1 : i32
        %get3A_208 = arith.index_cast %get3A_207 : i32 to index
        %get3A_209 = arith.constant 96 : index
        %get3A_210 = tpu.vector_load %arg11[%get3A_208, %get3A_209] {strides = array<i32>} : memref<2x768xf32, #tpu.memory_space<vmem>>, vector<16xf32>,
        %get3A_211 = arith.constant 0 : i32
        %get3A_212 = arith.index_cast %get3A_211 : i32 to index
        %get3A_213 = arith.constant 96 : index
        %get3A_214 = tpu.vector_load %arg11[%get3A_212, %get3A_213] {strides = array<i32>} : memref<2x768xf32, #tpu.memory_space<vmem>>, vector<16xf32>,
        %select_n3A_215 = arith.select %eq3A_91, %get3A_210, %get3A_214 : vector<16xi1>, vector<16xf32>
        %get3A_216 = arith.index_cast %scan3A_86 : i32 to index
        %get3A_217 = arith.constant 96 : index
        %get3A_218 = tpu.vector_load %arg9[%get3A_216, %get3A_217] {strides = array<i32>} : memref<32x768xf32, #tpu.memory_space<vmem>>, vector<16xf32>,
        %add3A_219 = arith.addf %get3A_218, %select_n3A_215 : vector<16xf32>
        %swap3A_220 = arith.index_cast %scan3A_86 : i32 to index
        %swap3A_221 = arith.constant 96 : index
        %swap3A_222 = tpu.vector_load %arg9[%swap3A_220, %swap3A_221] {strides = array<i32>} : memref<32x768xf32, #tpu.memory_space<vmem>>, vector<16xf32>,
        tpu.vector_store %arg9[%swap3A_220, %swap3A_221], %add3A_219 {strides = array<i32>} : memref<32x768xf32, #tpu.memory_space<vmem>>, vector<16xf32>,
        %add3A_223 = arith.addf %add3A_204, %add3A_219 : vector<16xf32>
        %mul3A_224 = arith.mulf %add3A_219, %add3A_219 : vector<16xf32>
        %add3A_225 = arith.addf %add3A_206, %mul3A_224 : vector<16xf32>
        %get3A_226 = arith.constant 1 : i32
        %get3A_227 = arith.index_cast %get3A_226 : i32 to index
        %get3A_228 = arith.constant 112 : index
        %get3A_229 = tpu.vector_load %arg11[%get3A_227, %get3A_228] {strides = array<i32>} : memref<2x768xf32, #tpu.memory_space<vmem>>, vector<16xf32>,
        %get3A_230 = arith.constant 0 : i32
        %get3A_231 = arith.index_cast %get3A_230 : i32 to index
        %get3A_232 = arith.constant 112 : index
        %get3A_233 = tpu.vector_load %arg11[%get3A_231, %get3A_232] {strides = array<i32>} : memref<2x768xf32, #tpu.memory_space<vmem>>, vector<16xf32>,
        %select_n3A_234 = arith.select %eq3A_91, %get3A_229, %get3A_233 : vector<16xi1>, vector<16xf32>
        %get3A_235 = arith.index_cast %scan3A_86 : i32 to index
        %get3A_236 = arith.constant 112 : index
        %get3A_237 = tpu.vector_load %arg9[%get3A_235, %get3A_236] {strides = array<i32>} : memref<32x768xf32, #tpu.memory_space<vmem>>, vector<16xf32>,
        %add3A_238 = arith.addf %get3A_237, %select_n3A_234 : vector<16xf32>
        %swap3A_239 = arith.index_cast %scan3A_86 : i32 to index
        %swap3A_240 = arith.constant 112 : index
        %swap3A_241 = tpu.vector_load %arg9[%swap3A_239, %swap3A_240] {strides = array<i32>} : memref<32x768xf32, #tpu.memory_space<vmem>>, vector<16xf32>,
        tpu.vector_store %arg9[%swap3A_239, %swap3A_240], %add3A_238 {strides = array<i32>} : memref<32x768xf32, #tpu.memory_space<vmem>>, vector<16xf32>,
        %add3A_242 = arith.addf %add3A_223, %add3A_238 : vector<16xf32>
        %mul3A_243 = arith.mulf %add3A_238, %add3A_238 : vector<16xf32>
        %add3A_244 = arith.addf %add3A_225, %mul3A_243 : vector<16xf32>
        %get3A_245 = arith.constant 1 : i32
        %get3A_246 = arith.index_cast %get3A_245 : i32 to index
        %get3A_247 = arith.constant 128 : index
        %get3A_248 = tpu.vector_load %arg11[%get3A_246, %get3A_247] {strides = array<i32>} : memref<2x768xf32, #tpu.memory_space<vmem>>, vector<16xf32>,
        %get3A_249 = arith.constant 0 : i32
        %get3A_250 = arith.index_cast %get3A_249 : i32 to index
        %get3A_251 = arith.constant 128 : index
        %get3A_252 = tpu.vector_load %arg11[%get3A_250, %get3A_251] {strides = array<i32>} : memref<2x768xf32, #tpu.memory_space<vmem>>, vector<16xf32>,
        %select_n3A_253 = arith.select %eq3A_91, %get3A_248, %get3A_252 : vector<16xi1>, vector<16xf32>
        %get3A_254 = arith.index_cast %scan3A_86 : i32 to index
        %get3A_255 = arith.constant 128 : index
        %get3A_256 = tpu.vector_load %arg9[%get3A_254, %get3A_255] {strides = array<i32>} : memref<32x768xf32, #tpu.memory_space<vmem>>, vector<16xf32>,
        %add3A_257 = arith.addf %get3A_256, %select_n3A_253 : vector<16xf32>
        %swap3A_258 = arith.index_cast %scan3A_86 : i32 to index
        %swap3A_259 = arith.constant 128 : index
        %swap3A_260 = tpu.vector_load %arg9[%swap3A_258, %swap3A_259] {strides = array<i32>} : memref<32x768xf32, #tpu.memory_space<vmem>>, vector<16xf32>,
        tpu.vector_store %arg9[%swap3A_258, %swap3A_259], %add3A_257 {strides = array<i32>} : memref<32x768xf32, #tpu.memory_space<vmem>>, vector<16xf32>,
        %add3A_261 = arith.addf %add3A_242, %add3A_257 : vector<16xf32>
        %mul3A_262 = arith.mulf %add3A_257, %add3A_257 : vector<16xf32>
        %add3A_263 = arith.addf %add3A_244, %mul3A_262 : vector<16xf32>
        %get3A_264 = arith.constant 1 : i32
        %get3A_265 = arith.index_cast %get3A_264 : i32 to index
        %get3A_266 = arith.constant 144 : index
        %get3A_267 = tpu.vector_load %arg11[%get3A_265, %get3A_266] {strides = array<i32>} : memref<2x768xf32, #tpu.memory_space<vmem>>, vector<16xf32>,
        %get3A_268 = arith.constant 0 : i32
        %get3A_269 = arith.index_cast %get3A_268 : i32 to index
        %get3A_270 = arith.constant 144 : index
        %get3A_271 = tpu.vector_load %arg11[%get3A_269, %get3A_270] {strides = array<i32>} : memref<2x768xf32, #tpu.memory_space<vmem>>, vector<16xf32>,
        %select_n3A_272 = arith.select %eq3A_91, %get3A_267, %get3A_271 : vector<16xi1>, vector<16xf32>
        %get3A_273 = arith.index_cast %scan3A_86 : i32 to index
        %get3A_274 = arith.constant 144 : index
        %get3A_275 = tpu.vector_load %arg9[%get3A_273, %get3A_274] {strides = array<i32>} : memref<32x768xf32, #tpu.memory_space<vmem>>, vector<16xf32>,
        %add3A_276 = arith.addf %get3A_275, %select_n3A_272 : vector<16xf32>
        %swap3A_277 = arith.index_cast %scan3A_86 : i32 to index
        %swap3A_278 = arith.constant 144 : index
        %swap3A_279 = tpu.vector_load %arg9[%swap3A_277, %swap3A_278] {strides = array<i32>} : memref<32x768xf32, #tpu.memory_space<vmem>>, vector<16xf32>,
        tpu.vector_store %arg9[%swap3A_277, %swap3A_278], %add3A_276 {strides = array<i32>} : memref<32x768xf32, #tpu.memory_space<vmem>>, vector<16xf32>,
        %add3A_280 = arith.addf %add3A_261, %add3A_276 : vector<16xf32>
        %mul3A_281 = arith.mulf %add3A_276, %add3A_276 : vector<16xf32>
        %add3A_282 = arith.addf %add3A_263, %mul3A_281 : vector<16xf32>
        %get3A_283 = arith.constant 1 : i32
        %get3A_284 = arith.index_cast %get3A_283 : i32 to index
        %get3A_285 = arith.constant 160 : index
        %get3A_286 = tpu.vector_load %arg11[%get3A_284, %get3A_285] {strides = array<i32>} : memref<2x768xf32, #tpu.memory_space<vmem>>, vector<16xf32>,
        %get3A_287 = arith.constant 0 : i32
        %get3A_288 = arith.index_cast %get3A_287 : i32 to index
        %get3A_289 = arith.constant 160 : index
        %get3A_290 = tpu.vector_load %arg11[%get3A_288, %get3A_289] {strides = array<i32>} : memref<2x768xf32, #tpu.memory_space<vmem>>, vector<16xf32>,
        %select_n3A_291 = arith.select %eq3A_91, %get3A_286, %get3A_290 : vector<16xi1>, vector<16xf32>
        %get3A_292 = arith.index_cast %scan3A_86 : i32 to index
        %get3A_293 = arith.constant 160 : index
        %get3A_294 = tpu.vector_load %arg9[%get3A_292, %get3A_293] {strides = array<i32>} : memref<32x768xf32, #tpu.memory_space<vmem>>, vector<16xf32>,
        %add3A_295 = arith.addf %get3A_294, %select_n3A_291 : vector<16xf32>
        %swap3A_296 = arith.index_cast %scan3A_86 : i32 to index
        %swap3A_297 = arith.constant 160 : index
        %swap3A_298 = tpu.vector_load %arg9[%swap3A_296, %swap3A_297] {strides = array<i32>} : memref<32x768xf32, #tpu.memory_space<vmem>>, vector<16xf32>,
        tpu.vector_store %arg9[%swap3A_296, %swap3A_297], %add3A_295 {strides = array<i32>} : memref<32x768xf32, #tpu.memory_space<vmem>>, vector<16xf32>,
        %add3A_299 = arith.addf %add3A_280, %add3A_295 : vector<16xf32>
        %mul3A_300 = arith.mulf %add3A_295, %add3A_295 : vector<16xf32>
        %add3A_301 = arith.addf %add3A_282, %mul3A_300 : vector<16xf32>
        %get3A_302 = arith.constant 1 : i32
        %get3A_303 = arith.index_cast %get3A_302 : i32 to index
        %get3A_304 = arith.constant 176 : index
        %get3A_305 = tpu.vector_load %arg11[%get3A_303, %get3A_304] {strides = array<i32>} : memref<2x768xf32, #tpu.memory_space<vmem>>, vector<16xf32>,
        %get3A_306 = arith.constant 0 : i32
        %get3A_307 = arith.index_cast %get3A_306 : i32 to index
        %get3A_308 = arith.constant 176 : index
        %get3A_309 = tpu.vector_load %arg11[%get3A_307, %get3A_308] {strides = array<i32>} : memref<2x768xf32, #tpu.memory_space<vmem>>, vector<16xf32>,
        %select_n3A_310 = arith.select %eq3A_91, %get3A_305, %get3A_309 : vector<16xi1>, vector<16xf32>
        %get3A_311 = arith.index_cast %scan3A_86 : i32 to index
        %get3A_312 = arith.constant 176 : index
        %get3A_313 = tpu.vector_load %arg9[%get3A_311, %get3A_312] {strides = array<i32>} : memref<32x768xf32, #tpu.memory_space<vmem>>, vector<16xf32>,
        %add3A_314 = arith.addf %get3A_313, %select_n3A_310 : vector<16xf32>
        %swap3A_315 = arith.index_cast %scan3A_86 : i32 to index
        %swap3A_316 = arith.constant 176 : index
        %swap3A_317 = tpu.vector_load %arg9[%swap3A_315, %swap3A_316] {strides = array<i32>} : memref<32x768xf32, #tpu.memory_space<vmem>>, vector<16xf32>,
        tpu.vector_store %arg9[%swap3A_315, %swap3A_316], %add3A_314 {strides = array<i32>} : memref<32x768xf32, #tpu.memory_space<vmem>>, vector<16xf32>,
        %add3A_318 = arith.addf %add3A_299, %add3A_314 : vector<16xf32>
        %mul3A_319 = arith.mulf %add3A_314, %add3A_314 : vector<16xf32>
        %add3A_320 = arith.addf %add3A_301, %mul3A_319 : vector<16xf32>
        %get3A_321 = arith.constant 1 : i32
        %get3A_322 = arith.index_cast %get3A_321 : i32 to index
        %get3A_323 = arith.constant 192 : index
        %get3A_324 = tpu.vector_load %arg11[%get3A_322, %get3A_323] {strides = array<i32>} : memref<2x768xf32, #tpu.memory_space<vmem>>, vector<16xf32>,
        %get3A_325 = arith.constant 0 : i32
        %get3A_326 = arith.index_cast %get3A_325 : i32 to index
        %get3A_327 = arith.constant 192 : index
        %get3A_328 = tpu.vector_load %arg11[%get3A_326, %get3A_327] {strides = array<i32>} : memref<2x768xf32, #tpu.memory_space<vmem>>, vector<16xf32>,
        %select_n3A_329 = arith.select %eq3A_91, %get3A_324, %get3A_328 : vector<16xi1>, vector<16xf32>
        %get3A_330 = arith.index_cast %scan3A_86 : i32 to index
        %get3A_331 = arith.constant 192 : index
        %get3A_332 = tpu.vector_load %arg9[%get3A_330, %get3A_331] {strides = array<i32>} : memref<32x768xf32, #tpu.memory_space<vmem>>, vector<16xf32>,
        %add3A_333 = arith.addf %get3A_332, %select_n3A_329 : vector<16xf32>
        %swap3A_334 = arith.index_cast %scan3A_86 : i32 to index
        %swap3A_335 = arith.constant 192 : index
        %swap3A_336 = tpu.vector_load %arg9[%swap3A_334, %swap3A_335] {strides = array<i32>} : memref<32x768xf32, #tpu.memory_space<vmem>>, vector<16xf32>,
        tpu.vector_store %arg9[%swap3A_334, %swap3A_335], %add3A_333 {strides = array<i32>} : memref<32x768xf32, #tpu.memory_space<vmem>>, vector<16xf32>,
        %add3A_337 = arith.addf %add3A_318, %add3A_333 : vector<16xf32>
        %mul3A_338 = arith.mulf %add3A_333, %add3A_333 : vector<16xf32>
        %add3A_339 = arith.addf %add3A_320, %mul3A_338 : vector<16xf32>
        %get3A_340 = arith.constant 1 : i32
        %get3A_341 = arith.index_cast %get3A_340 : i32 to index
        %get3A_342 = arith.constant 208 : index
        %get3A_343 = tpu.vector_load %arg11[%get3A_341, %get3A_342] {strides = array<i32>} : memref<2x768xf32, #tpu.memory_space<vmem>>, vector<16xf32>,
        %get3A_344 = arith.constant 0 : i32
        %get3A_345 = arith.index_cast %get3A_344 : i32 to index
        %get3A_346 = arith.constant 208 : index
        %get3A_347 = tpu.vector_load %arg11[%get3A_345, %get3A_346] {strides = array<i32>} : memref<2x768xf32, #tpu.memory_space<vmem>>, vector<16xf32>,
        %select_n3A_348 = arith.select %eq3A_91, %get3A_343, %get3A_347 : vector<16xi1>, vector<16xf32>
        %get3A_349 = arith.index_cast %scan3A_86 : i32 to index
        %get3A_350 = arith.constant 208 : index
        %get3A_351 = tpu.vector_load %arg9[%get3A_349, %get3A_350] {strides = array<i32>} : memref<32x768xf32, #tpu.memory_space<vmem>>, vector<16xf32>,
        %add3A_352 = arith.addf %get3A_351, %select_n3A_348 : vector<16xf32>
        %swap3A_353 = arith.index_cast %scan3A_86 : i32 to index
        %swap3A_354 = arith.constant 208 : index
        %swap3A_355 = tpu.vector_load %arg9[%swap3A_353, %swap3A_354] {strides = array<i32>} : memref<32x768xf32, #tpu.memory_space<vmem>>, vector<16xf32>,
        tpu.vector_store %arg9[%swap3A_353, %swap3A_354], %add3A_352 {strides = array<i32>} : memref<32x768xf32, #tpu.memory_space<vmem>>, vector<16xf32>,
        %add3A_356 = arith.addf %add3A_337, %add3A_352 : vector<16xf32>
        %mul3A_357 = arith.mulf %add3A_352, %add3A_352 : vector<16xf32>
        %add3A_358 = arith.addf %add3A_339, %mul3A_357 : vector<16xf32>
        %get3A_359 = arith.constant 1 : i32
        %get3A_360 = arith.index_cast %get3A_359 : i32 to index
        %get3A_361 = arith.constant 224 : index
        %get3A_362 = tpu.vector_load %arg11[%get3A_360, %get3A_361] {strides = array<i32>} : memref<2x768xf32, #tpu.memory_space<vmem>>, vector<16xf32>,
        %get3A_363 = arith.constant 0 : i32
        %get3A_364 = arith.index_cast %get3A_363 : i32 to index
        %get3A_365 = arith.constant 224 : index
        %get3A_366 = tpu.vector_load %arg11[%get3A_364, %get3A_365] {strides = array<i32>} : memref<2x768xf32, #tpu.memory_space<vmem>>, vector<16xf32>,
        %select_n3A_367 = arith.select %eq3A_91, %get3A_362, %get3A_366 : vector<16xi1>, vector<16xf32>
        %get3A_368 = arith.index_cast %scan3A_86 : i32 to index
        %get3A_369 = arith.constant 224 : index
        %get3A_370 = tpu.vector_load %arg9[%get3A_368, %get3A_369] {strides = array<i32>} : memref<32x768xf32, #tpu.memory_space<vmem>>, vector<16xf32>,
        %add3A_371 = arith.addf %get3A_370, %select_n3A_367 : vector<16xf32>
        %swap3A_372 = arith.index_cast %scan3A_86 : i32 to index
        %swap3A_373 = arith.constant 224 : index
        %swap3A_374 = tpu.vector_load %arg9[%swap3A_372, %swap3A_373] {strides = array<i32>} : memref<32x768xf32, #tpu.memory_space<vmem>>, vector<16xf32>,
        tpu.vector_store %arg9[%swap3A_372, %swap3A_373], %add3A_371 {strides = array<i32>} : memref<32x768xf32, #tpu.memory_space<vmem>>, vector<16xf32>,
        %add3A_375 = arith.addf %add3A_356, %add3A_371 : vector<16xf32>
        %mul3A_376 = arith.mulf %add3A_371, %add3A_371 : vector<16xf32>
        %add3A_377 = arith.addf %add3A_358, %mul3A_376 : vector<16xf32>
        %get3A_378 = arith.constant 1 : i32
        %get3A_379 = arith.index_cast %get3A_378 : i32 to index
        %get3A_380 = arith.constant 240 : index
        %get3A_381 = tpu.vector_load %arg11[%get3A_379, %get3A_380] {strides = array<i32>} : memref<2x768xf32, #tpu.memory_space<vmem>>, vector<16xf32>,
        %get3A_382 = arith.constant 0 : i32
        %get3A_383 = arith.index_cast %get3A_382 : i32 to index
        %get3A_384 = arith.constant 240 : index
        %get3A_385 = tpu.vector_load %arg11[%get3A_383, %get3A_384] {strides = array<i32>} : memref<2x768xf32, #tpu.memory_space<vmem>>, vector<16xf32>,
        %select_n3A_386 = arith.select %eq3A_91, %get3A_381, %get3A_385 : vector<16xi1>, vector<16xf32>
        %get3A_387 = arith.index_cast %scan3A_86 : i32 to index
        %get3A_388 = arith.constant 240 : index
        %get3A_389 = tpu.vector_load %arg9[%get3A_387, %get3A_388] {strides = array<i32>} : memref<32x768xf32, #tpu.memory_space<vmem>>, vector<16xf32>,
        %add3A_390 = arith.addf %get3A_389, %select_n3A_386 : vector<16xf32>
        %swap3A_391 = arith.index_cast %scan3A_86 : i32 to index
        %swap3A_392 = arith.constant 240 : index
        %swap3A_393 = tpu.vector_load %arg9[%swap3A_391, %swap3A_392] {strides = array<i32>} : memref<32x768xf32, #tpu.memory_space<vmem>>, vector<16xf32>,
        tpu.vector_store %arg9[%swap3A_391, %swap3A_392], %add3A_390 {strides = array<i32>} : memref<32x768xf32, #tpu.memory_space<vmem>>, vector<16xf32>,
        %add3A_394 = arith.addf %add3A_375, %add3A_390 : vector<16xf32>
        %mul3A_395 = arith.mulf %add3A_390, %add3A_390 : vector<16xf32>
        %add3A_396 = arith.addf %add3A_377, %mul3A_395 : vector<16xf32>
        %get3A_397 = arith.constant 1 : i32
        %get3A_398 = arith.index_cast %get3A_397 : i32 to index
        %get3A_399 = arith.constant 256 : index
        %get3A_400 = tpu.vector_load %arg11[%get3A_398, %get3A_399] {strides = array<i32>} : memref<2x768xf32, #tpu.memory_space<vmem>>, vector<16xf32>,
        %get3A_401 = arith.constant 0 : i32
        %get3A_402 = arith.index_cast %get3A_401 : i32 to index
        %get3A_403 = arith.constant 256 : index
        %get3A_404 = tpu.vector_load %arg11[%get3A_402, %get3A_403] {strides = array<i32>} : memref<2x768xf32, #tpu.memory_space<vmem>>, vector<16xf32>,
        %select_n3A_405 = arith.select %eq3A_91, %get3A_400, %get3A_404 : vector<16xi1>, vector<16xf32>
        %get3A_406 = arith.index_cast %scan3A_86 : i32 to index
        %get3A_407 = arith.constant 256 : index
        %get3A_408 = tpu.vector_load %arg9[%get3A_406, %get3A_407] {strides = array<i32>} : memref<32x768xf32, #tpu.memory_space<vmem>>, vector<16xf32>,
        %add3A_409 = arith.addf %get3A_408, %select_n3A_405 : vector<16xf32>
        %swap3A_410 = arith.index_cast %scan3A_86 : i32 to index
        %swap3A_411 = arith.constant 256 : index
        %swap3A_412 = tpu.vector_load %arg9[%swap3A_410, %swap3A_411] {strides = array<i32>} : memref<32x768xf32, #tpu.memory_space<vmem>>, vector<16xf32>,
        tpu.vector_store %arg9[%swap3A_410, %swap3A_411], %add3A_409 {strides = array<i32>} : memref<32x768xf32, #tpu.memory_space<vmem>>, vector<16xf32>,
        %add3A_413 = arith.addf %add3A_394, %add3A_409 : vector<16xf32>
        %mul3A_414 = arith.mulf %add3A_409, %add3A_409 : vector<16xf32>
        %add3A_415 = arith.addf %add3A_396, %mul3A_414 : vector<16xf32>
        %get3A_416 = arith.constant 1 : i32
        %get3A_417 = arith.index_cast %get3A_416 : i32 to index
        %get3A_418 = arith.constant 272 : index
        %get3A_419 = tpu.vector_load %arg11[%get3A_417, %get3A_418] {strides = array<i32>} : memref<2x768xf32, #tpu.memory_space<vmem>>, vector<16xf32>,
        %get3A_420 = arith.constant 0 : i32
        %get3A_421 = arith.index_cast %get3A_420 : i32 to index
        %get3A_422 = arith.constant 272 : index
        %get3A_423 = tpu.vector_load %arg11[%get3A_421, %get3A_422] {strides = array<i32>} : memref<2x768xf32, #tpu.memory_space<vmem>>, vector<16xf32>,
        %select_n3A_424 = arith.select %eq3A_91, %get3A_419, %get3A_423 : vector<16xi1>, vector<16xf32>
        %get3A_425 = arith.index_cast %scan3A_86 : i32 to index
        %get3A_426 = arith.constant 272 : index
        %get3A_427 = tpu.vector_load %arg9[%get3A_425, %get3A_426] {strides = array<i32>} : memref<32x768xf32, #tpu.memory_space<vmem>>, vector<16xf32>,
        %add3A_428 = arith.addf %get3A_427, %select_n3A_424 : vector<16xf32>
        %swap3A_429 = arith.index_cast %scan3A_86 : i32 to index
        %swap3A_430 = arith.constant 272 : index
        %swap3A_431 = tpu.vector_load %arg9[%swap3A_429, %swap3A_430] {strides = array<i32>} : memref<32x768xf32, #tpu.memory_space<vmem>>, vector<16xf32>,
        tpu.vector_store %arg9[%swap3A_429, %swap3A_430], %add3A_428 {strides = array<i32>} : memref<32x768xf32, #tpu.memory_space<vmem>>, vector<16xf32>,
        %add3A_432 = arith.addf %add3A_413, %add3A_428 : vector<16xf32>
        %mul3A_433 = arith.mulf %add3A_428, %add3A_428 : vector<16xf32>
        %add3A_434 = arith.addf %add3A_415, %mul3A_433 : vector<16xf32>
        %get3A_435 = arith.constant 1 : i32
        %get3A_436 = arith.index_cast %get3A_435 : i32 to index
        %get3A_437 = arith.constant 288 : index
        %get3A_438 = tpu.vector_load %arg11[%get3A_436, %get3A_437] {strides = array<i32>} : memref<2x768xf32, #tpu.memory_space<vmem>>, vector<16xf32>,
        %get3A_439 = arith.constant 0 : i32
        %get3A_440 = arith.index_cast %get3A_439 : i32 to index
        %get3A_441 = arith.constant 288 : index
        %get3A_442 = tpu.vector_load %arg11[%get3A_440, %get3A_441] {strides = array<i32>} : memref<2x768xf32, #tpu.memory_space<vmem>>, vector<16xf32>,
        %select_n3A_443 = arith.select %eq3A_91, %get3A_438, %get3A_442 : vector<16xi1>, vector<16xf32>
        %get3A_444 = arith.index_cast %scan3A_86 : i32 to index
        %get3A_445 = arith.constant 288 : index
        %get3A_446 = tpu.vector_load %arg9[%get3A_444, %get3A_445] {strides = array<i32>} : memref<32x768xf32, #tpu.memory_space<vmem>>, vector<16xf32>,
        %add3A_447 = arith.addf %get3A_446, %select_n3A_443 : vector<16xf32>
        %swap3A_448 = arith.index_cast %scan3A_86 : i32 to index
        %swap3A_449 = arith.constant 288 : index
        %swap3A_450 = tpu.vector_load %arg9[%swap3A_448, %swap3A_449] {strides = array<i32>} : memref<32x768xf32, #tpu.memory_space<vmem>>, vector<16xf32>,
        tpu.vector_store %arg9[%swap3A_448, %swap3A_449], %add3A_447 {strides = array<i32>} : memref<32x768xf32, #tpu.memory_space<vmem>>, vector<16xf32>,
        %add3A_451 = arith.addf %add3A_432, %add3A_447 : vector<16xf32>
        %mul3A_452 = arith.mulf %add3A_447, %add3A_447 : vector<16xf32>
        %add3A_453 = arith.addf %add3A_434, %mul3A_452 : vector<16xf32>
        %get3A_454 = arith.constant 1 : i32
        %get3A_455 = arith.index_cast %get3A_454 : i32 to index
        %get3A_456 = arith.constant 304 : index
        %get3A_457 = tpu.vector_load %arg11[%get3A_455, %get3A_456] {strides = array<i32>} : memref<2x768xf32, #tpu.memory_space<vmem>>, vector<16xf32>,
        %get3A_458 = arith.constant 0 : i32
        %get3A_459 = arith.index_cast %get3A_458 : i32 to index
        %get3A_460 = arith.constant 304 : index
        %get3A_461 = tpu.vector_load %arg11[%get3A_459, %get3A_460] {strides = array<i32>} : memref<2x768xf32, #tpu.memory_space<vmem>>, vector<16xf32>,
        %select_n3A_462 = arith.select %eq3A_91, %get3A_457, %get3A_461 : vector<16xi1>, vector<16xf32>
        %get3A_463 = arith.index_cast %scan3A_86 : i32 to index
        %get3A_464 = arith.constant 304 : index
        %get3A_465 = tpu.vector_load %arg9[%get3A_463, %get3A_464] {strides = array<i32>} : memref<32x768xf32, #tpu.memory_space<vmem>>, vector<16xf32>,
        %add3A_466 = arith.addf %get3A_465, %select_n3A_462 : vector<16xf32>
        %swap3A_467 = arith.index_cast %scan3A_86 : i32 to index
        %swap3A_468 = arith.constant 304 : index
        %swap3A_469 = tpu.vector_load %arg9[%swap3A_467, %swap3A_468] {strides = array<i32>} : memref<32x768xf32, #tpu.memory_space<vmem>>, vector<16xf32>,
        tpu.vector_store %arg9[%swap3A_467, %swap3A_468], %add3A_466 {strides = array<i32>} : memref<32x768xf32, #tpu.memory_space<vmem>>, vector<16xf32>,
        %add3A_470 = arith.addf %add3A_451, %add3A_466 : vector<16xf32>
        %mul3A_471 = arith.mulf %add3A_466, %add3A_466 : vector<16xf32>
        %add3A_472 = arith.addf %add3A_453, %mul3A_471 : vector<16xf32>
        %get3A_473 = arith.constant 1 : i32
        %get3A_474 = arith.index_cast %get3A_473 : i32 to index
        %get3A_475 = arith.constant 320 : index
        %get3A_476 = tpu.vector_load %arg11[%get3A_474, %get3A_475] {strides = array<i32>} : memref<2x768xf32, #tpu.memory_space<vmem>>, vector<16xf32>,
        %get3A_477 = arith.constant 0 : i32
        %get3A_478 = arith.index_cast %get3A_477 : i32 to index
        %get3A_479 = arith.constant 320 : index
        %get3A_480 = tpu.vector_load %arg11[%get3A_478, %get3A_479] {strides = array<i32>} : memref<2x768xf32, #tpu.memory_space<vmem>>, vector<16xf32>,
        %select_n3A_481 = arith.select %eq3A_91, %get3A_476, %get3A_480 : vector<16xi1>, vector<16xf32>
        %get3A_482 = arith.index_cast %scan3A_86 : i32 to index
        %get3A_483 = arith.constant 320 : index
        %get3A_484 = tpu.vector_load %arg9[%get3A_482, %get3A_483] {strides = array<i32>} : memref<32x768xf32, #tpu.memory_space<vmem>>, vector<16xf32>,
        %add3A_485 = arith.addf %get3A_484, %select_n3A_481 : vector<16xf32>
        %swap3A_486 = arith.index_cast %scan3A_86 : i32 to index
        %swap3A_487 = arith.constant 320 : index
        %swap3A_488 = tpu.vector_load %arg9[%swap3A_486, %swap3A_487] {strides = array<i32>} : memref<32x768xf32, #tpu.memory_space<vmem>>, vector<16xf32>,
        tpu.vector_store %arg9[%swap3A_486, %swap3A_487], %add3A_485 {strides = array<i32>} : memref<32x768xf32, #tpu.memory_space<vmem>>, vector<16xf32>,
        %add3A_489 = arith.addf %add3A_470, %add3A_485 : vector<16xf32>
        %mul3A_490 = arith.mulf %add3A_485, %add3A_485 : vector<16xf32>
        %add3A_491 = arith.addf %add3A_472, %mul3A_490 : vector<16xf32>
        %get3A_492 = arith.constant 1 : i32
        %get3A_493 = arith.index_cast %get3A_492 : i32 to index
        %get3A_494 = arith.constant 336 : index
        %get3A_495 = tpu.vector_load %arg11[%get3A_493, %get3A_494] {strides = array<i32>} : memref<2x768xf32, #tpu.memory_space<vmem>>, vector<16xf32>,
        %get3A_496 = arith.constant 0 : i32
        %get3A_497 = arith.index_cast %get3A_496 : i32 to index
        %get3A_498 = arith.constant 336 : index
        %get3A_499 = tpu.vector_load %arg11[%get3A_497, %get3A_498] {strides = array<i32>} : memref<2x768xf32, #tpu.memory_space<vmem>>, vector<16xf32>,
        %select_n3A_500 = arith.select %eq3A_91, %get3A_495, %get3A_499 : vector<16xi1>, vector<16xf32>
        %get3A_501 = arith.index_cast %scan3A_86 : i32 to index
        %get3A_502 = arith.constant 336 : index
        %get3A_503 = tpu.vector_load %arg9[%get3A_501, %get3A_502] {strides = array<i32>} : memref<32x768xf32, #tpu.memory_space<vmem>>, vector<16xf32>,
        %add3A_504 = arith.addf %get3A_503, %select_n3A_500 : vector<16xf32>
        %swap3A_505 = arith.index_cast %scan3A_86 : i32 to index
        %swap3A_506 = arith.constant 336 : index
        %swap3A_507 = tpu.vector_load %arg9[%swap3A_505, %swap3A_506] {strides = array<i32>} : memref<32x768xf32, #tpu.memory_space<vmem>>, vector<16xf32>,
        tpu.vector_store %arg9[%swap3A_505, %swap3A_506], %add3A_504 {strides = array<i32>} : memref<32x768xf32, #tpu.memory_space<vmem>>, vector<16xf32>,
        %add3A_508 = arith.addf %add3A_489, %add3A_504 : vector<16xf32>
        %mul3A_509 = arith.mulf %add3A_504, %add3A_504 : vector<16xf32>
        %add3A_510 = arith.addf %add3A_491, %mul3A_509 : vector<16xf32>
        %get3A_511 = arith.constant 1 : i32
        %get3A_512 = arith.index_cast %get3A_511 : i32 to index
        %get3A_513 = arith.constant 352 : index
        %get3A_514 = tpu.vector_load %arg11[%get3A_512, %get3A_513] {strides = array<i32>} : memref<2x768xf32, #tpu.memory_space<vmem>>, vector<16xf32>,
        %get3A_515 = arith.constant 0 : i32
        %get3A_516 = arith.index_cast %get3A_515 : i32 to index
        %get3A_517 = arith.constant 352 : index
        %get3A_518 = tpu.vector_load %arg11[%get3A_516, %get3A_517] {strides = array<i32>} : memref<2x768xf32, #tpu.memory_space<vmem>>, vector<16xf32>,
        %select_n3A_519 = arith.select %eq3A_91, %get3A_514, %get3A_518 : vector<16xi1>, vector<16xf32>
        %get3A_520 = arith.index_cast %scan3A_86 : i32 to index
        %get3A_521 = arith.constant 352 : index
        %get3A_522 = tpu.vector_load %arg9[%get3A_520, %get3A_521] {strides = array<i32>} : memref<32x768xf32, #tpu.memory_space<vmem>>, vector<16xf32>,
        %add3A_523 = arith.addf %get3A_522, %select_n3A_519 : vector<16xf32>
        %swap3A_524 = arith.index_cast %scan3A_86 : i32 to index
        %swap3A_525 = arith.constant 352 : index
        %swap3A_526 = tpu.vector_load %arg9[%swap3A_524, %swap3A_525] {strides = array<i32>} : memref<32x768xf32, #tpu.memory_space<vmem>>, vector<16xf32>,
        tpu.vector_store %arg9[%swap3A_524, %swap3A_525], %add3A_523 {strides = array<i32>} : memref<32x768xf32, #tpu.memory_space<vmem>>, vector<16xf32>,
        %add3A_527 = arith.addf %add3A_508, %add3A_523 : vector<16xf32>
        %mul3A_528 = arith.mulf %add3A_523, %add3A_523 : vector<16xf32>
        %add3A_529 = arith.addf %add3A_510, %mul3A_528 : vector<16xf32>
        %get3A_530 = arith.constant 1 : i32
        %get3A_531 = arith.index_cast %get3A_530 : i32 to index
        %get3A_532 = arith.constant 368 : index
        %get3A_533 = tpu.vector_load %arg11[%get3A_531, %get3A_532] {strides = array<i32>} : memref<2x768xf32, #tpu.memory_space<vmem>>, vector<16xf32>,
        %get3A_534 = arith.constant 0 : i32
        %get3A_535 = arith.index_cast %get3A_534 : i32 to index
        %get3A_536 = arith.constant 368 : index
        %get3A_537 = tpu.vector_load %arg11[%get3A_535, %get3A_536] {strides = array<i32>} : memref<2x768xf32, #tpu.memory_space<vmem>>, vector<16xf32>,
        %select_n3A_538 = arith.select %eq3A_91, %get3A_533, %get3A_537 : vector<16xi1>, vector<16xf32>
        %get3A_539 = arith.index_cast %scan3A_86 : i32 to index
        %get3A_540 = arith.constant 368 : index
        %get3A_541 = tpu.vector_load %arg9[%get3A_539, %get3A_540] {strides = array<i32>} : memref<32x768xf32, #tpu.memory_space<vmem>>, vector<16xf32>,
        %add3A_542 = arith.addf %get3A_541, %select_n3A_538 : vector<16xf32>
        %swap3A_543 = arith.index_cast %scan3A_86 : i32 to index
        %swap3A_544 = arith.constant 368 : index
        %swap3A_545 = tpu.vector_load %arg9[%swap3A_543, %swap3A_544] {strides = array<i32>} : memref<32x768xf32, #tpu.memory_space<vmem>>, vector<16xf32>,
        tpu.vector_store %arg9[%swap3A_543, %swap3A_544], %add3A_542 {strides = array<i32>} : memref<32x768xf32, #tpu.memory_space<vmem>>, vector<16xf32>,
        %add3A_546 = arith.addf %add3A_527, %add3A_542 : vector<16xf32>
        %mul3A_547 = arith.mulf %add3A_542, %add3A_542 : vector<16xf32>
        %add3A_548 = arith.addf %add3A_529, %mul3A_547 : vector<16xf32>
        %get3A_549 = arith.constant 1 : i32
        %get3A_550 = arith.index_cast %get3A_549 : i32 to index
        %get3A_551 = arith.constant 384 : index
        %get3A_552 = tpu.vector_load %arg11[%get3A_550, %get3A_551] {strides = array<i32>} : memref<2x768xf32, #tpu.memory_space<vmem>>, vector<16xf32>,
        %get3A_553 = arith.constant 0 : i32
        %get3A_554 = arith.index_cast %get3A_553 : i32 to index
        %get3A_555 = arith.constant 384 : index
        %get3A_556 = tpu.vector_load %arg11[%get3A_554, %get3A_555] {strides = array<i32>} : memref<2x768xf32, #tpu.memory_space<vmem>>, vector<16xf32>,
        %select_n3A_557 = arith.select %eq3A_91, %get3A_552, %get3A_556 : vector<16xi1>, vector<16xf32>
        %get3A_558 = arith.index_cast %scan3A_86 : i32 to index
        %get3A_559 = arith.constant 384 : index
        %get3A_560 = tpu.vector_load %arg9[%get3A_558, %get3A_559] {strides = array<i32>} : memref<32x768xf32, #tpu.memory_space<vmem>>, vector<16xf32>,
        %add3A_561 = arith.addf %get3A_560, %select_n3A_557 : vector<16xf32>
        %swap3A_562 = arith.index_cast %scan3A_86 : i32 to index
        %swap3A_563 = arith.constant 384 : index
        %swap3A_564 = tpu.vector_load %arg9[%swap3A_562, %swap3A_563] {strides = array<i32>} : memref<32x768xf32, #tpu.memory_space<vmem>>, vector<16xf32>,
        tpu.vector_store %arg9[%swap3A_562, %swap3A_563], %add3A_561 {strides = array<i32>} : memref<32x768xf32, #tpu.memory_space<vmem>>, vector<16xf32>,
        %add3A_565 = arith.addf %add3A_546, %add3A_561 : vector<16xf32>
        %mul3A_566 = arith.mulf %add3A_561, %add3A_561 : vector<16xf32>
        %add3A_567 = arith.addf %add3A_548, %mul3A_566 : vector<16xf32>
        %get3A_568 = arith.constant 1 : i32
        %get3A_569 = arith.index_cast %get3A_568 : i32 to index
        %get3A_570 = arith.constant 400 : index
        %get3A_571 = tpu.vector_load %arg11[%get3A_569, %get3A_570] {strides = array<i32>} : memref<2x768xf32, #tpu.memory_space<vmem>>, vector<16xf32>,
        %get3A_572 = arith.constant 0 : i32
        %get3A_573 = arith.index_cast %get3A_572 : i32 to index
        %get3A_574 = arith.constant 400 : index
        %get3A_575 = tpu.vector_load %arg11[%get3A_573, %get3A_574] {strides = array<i32>} : memref<2x768xf32, #tpu.memory_space<vmem>>, vector<16xf32>,
        %select_n3A_576 = arith.select %eq3A_91, %get3A_571, %get3A_575 : vector<16xi1>, vector<16xf32>
        %get3A_577 = arith.index_cast %scan3A_86 : i32 to index
        %get3A_578 = arith.constant 400 : index
        %get3A_579 = tpu.vector_load %arg9[%get3A_577, %get3A_578] {strides = array<i32>} : memref<32x768xf32, #tpu.memory_space<vmem>>, vector<16xf32>,
        %add3A_580 = arith.addf %get3A_579, %select_n3A_576 : vector<16xf32>
        %swap3A_581 = arith.index_cast %scan3A_86 : i32 to index
        %swap3A_582 = arith.constant 400 : index
        %swap3A_583 = tpu.vector_load %arg9[%swap3A_581, %swap3A_582] {strides = array<i32>} : memref<32x768xf32, #tpu.memory_space<vmem>>, vector<16xf32>,
        tpu.vector_store %arg9[%swap3A_581, %swap3A_582], %add3A_580 {strides = array<i32>} : memref<32x768xf32, #tpu.memory_space<vmem>>, vector<16xf32>,
        %add3A_584 = arith.addf %add3A_565, %add3A_580 : vector<16xf32>
        %mul3A_585 = arith.mulf %add3A_580, %add3A_580 : vector<16xf32>
        %add3A_586 = arith.addf %add3A_567, %mul3A_585 : vector<16xf32>
        %get3A_587 = arith.constant 1 : i32
        %get3A_588 = arith.index_cast %get3A_587 : i32 to index
        %get3A_589 = arith.constant 416 : index
        %get3A_590 = tpu.vector_load %arg11[%get3A_588, %get3A_589] {strides = array<i32>} : memref<2x768xf32, #tpu.memory_space<vmem>>, vector<16xf32>,
        %get3A_591 = arith.constant 0 : i32
        %get3A_592 = arith.index_cast %get3A_591 : i32 to index
        %get3A_593 = arith.constant 416 : index
        %get3A_594 = tpu.vector_load %arg11[%get3A_592, %get3A_593] {strides = array<i32>} : memref<2x768xf32, #tpu.memory_space<vmem>>, vector<16xf32>,
        %select_n3A_595 = arith.select %eq3A_91, %get3A_590, %get3A_594 : vector<16xi1>, vector<16xf32>
        %get3A_596 = arith.index_cast %scan3A_86 : i32 to index
        %get3A_597 = arith.constant 416 : index
        %get3A_598 = tpu.vector_load %arg9[%get3A_596, %get3A_597] {strides = array<i32>} : memref<32x768xf32, #tpu.memory_space<vmem>>, vector<16xf32>,
        %add3A_599 = arith.addf %get3A_598, %select_n3A_595 : vector<16xf32>
        %swap3A_600 = arith.index_cast %scan3A_86 : i32 to index
        %swap3A_601 = arith.constant 416 : index
        %swap3A_602 = tpu.vector_load %arg9[%swap3A_600, %swap3A_601] {strides = array<i32>} : memref<32x768xf32, #tpu.memory_space<vmem>>, vector<16xf32>,
        tpu.vector_store %arg9[%swap3A_600, %swap3A_601], %add3A_599 {strides = array<i32>} : memref<32x768xf32, #tpu.memory_space<vmem>>, vector<16xf32>,
        %add3A_603 = arith.addf %add3A_584, %add3A_599 : vector<16xf32>
        %mul3A_604 = arith.mulf %add3A_599, %add3A_599 : vector<16xf32>
        %add3A_605 = arith.addf %add3A_586, %mul3A_604 : vector<16xf32>
        %get3A_606 = arith.constant 1 : i32
        %get3A_607 = arith.index_cast %get3A_606 : i32 to index
        %get3A_608 = arith.constant 432 : index
        %get3A_609 = tpu.vector_load %arg11[%get3A_607, %get3A_608] {strides = array<i32>} : memref<2x768xf32, #tpu.memory_space<vmem>>, vector<16xf32>,
        %get3A_610 = arith.constant 0 : i32
        %get3A_611 = arith.index_cast %get3A_610 : i32 to index
        %get3A_612 = arith.constant 432 : index
        %get3A_613 = tpu.vector_load %arg11[%get3A_611, %get3A_612] {strides = array<i32>} : memref<2x768xf32, #tpu.memory_space<vmem>>, vector<16xf32>,
        %select_n3A_614 = arith.select %eq3A_91, %get3A_609, %get3A_613 : vector<16xi1>, vector<16xf32>
        %get3A_615 = arith.index_cast %scan3A_86 : i32 to index
        %get3A_616 = arith.constant 432 : index
        %get3A_617 = tpu.vector_load %arg9[%get3A_615, %get3A_616] {strides = array<i32>} : memref<32x768xf32, #tpu.memory_space<vmem>>, vector<16xf32>,
        %add3A_618 = arith.addf %get3A_617, %select_n3A_614 : vector<16xf32>
        %swap3A_619 = arith.index_cast %scan3A_86 : i32 to index
        %swap3A_620 = arith.constant 432 : index
        %swap3A_621 = tpu.vector_load %arg9[%swap3A_619, %swap3A_620] {strides = array<i32>} : memref<32x768xf32, #tpu.memory_space<vmem>>, vector<16xf32>,
        tpu.vector_store %arg9[%swap3A_619, %swap3A_620], %add3A_618 {strides = array<i32>} : memref<32x768xf32, #tpu.memory_space<vmem>>, vector<16xf32>,
        %add3A_622 = arith.addf %add3A_603, %add3A_618 : vector<16xf32>
        %mul3A_623 = arith.mulf %add3A_618, %add3A_618 : vector<16xf32>
        %add3A_624 = arith.addf %add3A_605, %mul3A_623 : vector<16xf32>
        %get3A_625 = arith.constant 1 : i32
        %get3A_626 = arith.index_cast %get3A_625 : i32 to index
        %get3A_627 = arith.constant 448 : index
        %get3A_628 = tpu.vector_load %arg11[%get3A_626, %get3A_627] {strides = array<i32>} : memref<2x768xf32, #tpu.memory_space<vmem>>, vector<16xf32>,
        %get3A_629 = arith.constant 0 : i32
        %get3A_630 = arith.index_cast %get3A_629 : i32 to index
        %get3A_631 = arith.constant 448 : index
        %get3A_632 = tpu.vector_load %arg11[%get3A_630, %get3A_631] {strides = array<i32>} : memref<2x768xf32, #tpu.memory_space<vmem>>, vector<16xf32>,
        %select_n3A_633 = arith.select %eq3A_91, %get3A_628, %get3A_632 : vector<16xi1>, vector<16xf32>
        %get3A_634 = arith.index_cast %scan3A_86 : i32 to index
        %get3A_635 = arith.constant 448 : index
        %get3A_636 = tpu.vector_load %arg9[%get3A_634, %get3A_635] {strides = array<i32>} : memref<32x768xf32, #tpu.memory_space<vmem>>, vector<16xf32>,
        %add3A_637 = arith.addf %get3A_636, %select_n3A_633 : vector<16xf32>
        %swap3A_638 = arith.index_cast %scan3A_86 : i32 to index
        %swap3A_639 = arith.constant 448 : index
        %swap3A_640 = tpu.vector_load %arg9[%swap3A_638, %swap3A_639] {strides = array<i32>} : memref<32x768xf32, #tpu.memory_space<vmem>>, vector<16xf32>,
        tpu.vector_store %arg9[%swap3A_638, %swap3A_639], %add3A_637 {strides = array<i32>} : memref<32x768xf32, #tpu.memory_space<vmem>>, vector<16xf32>,
        %add3A_641 = arith.addf %add3A_622, %add3A_637 : vector<16xf32>
        %mul3A_642 = arith.mulf %add3A_637, %add3A_637 : vector<16xf32>
        %add3A_643 = arith.addf %add3A_624, %mul3A_642 : vector<16xf32>
        %get3A_644 = arith.constant 1 : i32
        %get3A_645 = arith.index_cast %get3A_644 : i32 to index
        %get3A_646 = arith.constant 464 : index
        %get3A_647 = tpu.vector_load %arg11[%get3A_645, %get3A_646] {strides = array<i32>} : memref<2x768xf32, #tpu.memory_space<vmem>>, vector<16xf32>,
        %get3A_648 = arith.constant 0 : i32
        %get3A_649 = arith.index_cast %get3A_648 : i32 to index
        %get3A_650 = arith.constant 464 : index
        %get3A_651 = tpu.vector_load %arg11[%get3A_649, %get3A_650] {strides = array<i32>} : memref<2x768xf32, #tpu.memory_space<vmem>>, vector<16xf32>,
        %select_n3A_652 = arith.select %eq3A_91, %get3A_647, %get3A_651 : vector<16xi1>, vector<16xf32>
        %get3A_653 = arith.index_cast %scan3A_86 : i32 to index
        %get3A_654 = arith.constant 464 : index
        %get3A_655 = tpu.vector_load %arg9[%get3A_653, %get3A_654] {strides = array<i32>} : memref<32x768xf32, #tpu.memory_space<vmem>>, vector<16xf32>,
        %add3A_656 = arith.addf %get3A_655, %select_n3A_652 : vector<16xf32>
        %swap3A_657 = arith.index_cast %scan3A_86 : i32 to index
        %swap3A_658 = arith.constant 464 : index
        %swap3A_659 = tpu.vector_load %arg9[%swap3A_657, %swap3A_658] {strides = array<i32>} : memref<32x768xf32, #tpu.memory_space<vmem>>, vector<16xf32>,
        tpu.vector_store %arg9[%swap3A_657, %swap3A_658], %add3A_656 {strides = array<i32>} : memref<32x768xf32, #tpu.memory_space<vmem>>, vector<16xf32>,
        %add3A_660 = arith.addf %add3A_641, %add3A_656 : vector<16xf32>
        %mul3A_661 = arith.mulf %add3A_656, %add3A_656 : vector<16xf32>
        %add3A_662 = arith.addf %add3A_643, %mul3A_661 : vector<16xf32>
        %get3A_663 = arith.constant 1 : i32
        %get3A_664 = arith.index_cast %get3A_663 : i32 to index
        %get3A_665 = arith.constant 480 : index
        %get3A_666 = tpu.vector_load %arg11[%get3A_664, %get3A_665] {strides = array<i32>} : memref<2x768xf32, #tpu.memory_space<vmem>>, vector<16xf32>,
        %get3A_667 = arith.constant 0 : i32
        %get3A_668 = arith.index_cast %get3A_667 : i32 to index
        %get3A_669 = arith.constant 480 : index
        %get3A_670 = tpu.vector_load %arg11[%get3A_668, %get3A_669] {strides = array<i32>} : memref<2x768xf32, #tpu.memory_space<vmem>>, vector<16xf32>,
        %select_n3A_671 = arith.select %eq3A_91, %get3A_666, %get3A_670 : vector<16xi1>, vector<16xf32>
        %get3A_672 = arith.index_cast %scan3A_86 : i32 to index
        %get3A_673 = arith.constant 480 : index
        %get3A_674 = tpu.vector_load %arg9[%get3A_672, %get3A_673] {strides = array<i32>} : memref<32x768xf32, #tpu.memory_space<vmem>>, vector<16xf32>,
        %add3A_675 = arith.addf %get3A_674, %select_n3A_671 : vector<16xf32>
        %swap3A_676 = arith.index_cast %scan3A_86 : i32 to index
        %swap3A_677 = arith.constant 480 : index
        %swap3A_678 = tpu.vector_load %arg9[%swap3A_676, %swap3A_677] {strides = array<i32>} : memref<32x768xf32, #tpu.memory_space<vmem>>, vector<16xf32>,
        tpu.vector_store %arg9[%swap3A_676, %swap3A_677], %add3A_675 {strides = array<i32>} : memref<32x768xf32, #tpu.memory_space<vmem>>, vector<16xf32>,
        %add3A_679 = arith.addf %add3A_660, %add3A_675 : vector<16xf32>
        %mul3A_680 = arith.mulf %add3A_675, %add3A_675 : vector<16xf32>
        %add3A_681 = arith.addf %add3A_662, %mul3A_680 : vector<16xf32>
        %get3A_682 = arith.constant 1 : i32
        %get3A_683 = arith.index_cast %get3A_682 : i32 to index
        %get3A_684 = arith.constant 496 : index
        %get3A_685 = tpu.vector_load %arg11[%get3A_683, %get3A_684] {strides = array<i32>} : memref<2x768xf32, #tpu.memory_space<vmem>>, vector<16xf32>,
        %get3A_686 = arith.constant 0 : i32
        %get3A_687 = arith.index_cast %get3A_686 : i32 to index
        %get3A_688 = arith.constant 496 : index
        %get3A_689 = tpu.vector_load %arg11[%get3A_687, %get3A_688] {strides = array<i32>} : memref<2x768xf32, #tpu.memory_space<vmem>>, vector<16xf32>,
        %select_n3A_690 = arith.select %eq3A_91, %get3A_685, %get3A_689 : vector<16xi1>, vector<16xf32>
        %get3A_691 = arith.index_cast %scan3A_86 : i32 to index
        %get3A_692 = arith.constant 496 : index
        %get3A_693 = tpu.vector_load %arg9[%get3A_691, %get3A_692] {strides = array<i32>} : memref<32x768xf32, #tpu.memory_space<vmem>>, vector<16xf32>,
        %add3A_694 = arith.addf %get3A_693, %select_n3A_690 : vector<16xf32>
        %swap3A_695 = arith.index_cast %scan3A_86 : i32 to index
        %swap3A_696 = arith.constant 496 : index
        %swap3A_697 = tpu.vector_load %arg9[%swap3A_695, %swap3A_696] {strides = array<i32>} : memref<32x768xf32, #tpu.memory_space<vmem>>, vector<16xf32>,
        tpu.vector_store %arg9[%swap3A_695, %swap3A_696], %add3A_694 {strides = array<i32>} : memref<32x768xf32, #tpu.memory_space<vmem>>, vector<16xf32>,
        %add3A_698 = arith.addf %add3A_679, %add3A_694 : vector<16xf32>
        %mul3A_699 = arith.mulf %add3A_694, %add3A_694 : vector<16xf32>
        %add3A_700 = arith.addf %add3A_681, %mul3A_699 : vector<16xf32>
        %get3A_701 = arith.constant 1 : i32
        %get3A_702 = arith.index_cast %get3A_701 : i32 to index
        %get3A_703 = arith.constant 512 : index
        %get3A_704 = tpu.vector_load %arg11[%get3A_702, %get3A_703] {strides = array<i32>} : memref<2x768xf32, #tpu.memory_space<vmem>>, vector<16xf32>,
        %get3A_705 = arith.constant 0 : i32
        %get3A_706 = arith.index_cast %get3A_705 : i32 to index
        %get3A_707 = arith.constant 512 : index
        %get3A_708 = tpu.vector_load %arg11[%get3A_706, %get3A_707] {strides = array<i32>} : memref<2x768xf32, #tpu.memory_space<vmem>>, vector<16xf32>,
        %select_n3A_709 = arith.select %eq3A_91, %get3A_704, %get3A_708 : vector<16xi1>, vector<16xf32>
        %get3A_710 = arith.index_cast %scan3A_86 : i32 to index
        %get3A_711 = arith.constant 512 : index
        %get3A_712 = tpu.vector_load %arg9[%get3A_710, %get3A_711] {strides = array<i32>} : memref<32x768xf32, #tpu.memory_space<vmem>>, vector<16xf32>,
        %add3A_713 = arith.addf %get3A_712, %select_n3A_709 : vector<16xf32>
        %swap3A_714 = arith.index_cast %scan3A_86 : i32 to index
        %swap3A_715 = arith.constant 512 : index
        %swap3A_716 = tpu.vector_load %arg9[%swap3A_714, %swap3A_715] {strides = array<i32>} : memref<32x768xf32, #tpu.memory_space<vmem>>, vector<16xf32>,
        tpu.vector_store %arg9[%swap3A_714, %swap3A_715], %add3A_713 {strides = array<i32>} : memref<32x768xf32, #tpu.memory_space<vmem>>, vector<16xf32>,
        %add3A_717 = arith.addf %add3A_698, %add3A_713 : vector<16xf32>
        %mul3A_718 = arith.mulf %add3A_713, %add3A_713 : vector<16xf32>
        %add3A_719 = arith.addf %add3A_700, %mul3A_718 : vector<16xf32>
        %get3A_720 = arith.constant 1 : i32
        %get3A_721 = arith.index_cast %get3A_720 : i32 to index
        %get3A_722 = arith.constant 528 : index
        %get3A_723 = tpu.vector_load %arg11[%get3A_721, %get3A_722] {strides = array<i32>} : memref<2x768xf32, #tpu.memory_space<vmem>>, vector<16xf32>,
        %get3A_724 = arith.constant 0 : i32
        %get3A_725 = arith.index_cast %get3A_724 : i32 to index
        %get3A_726 = arith.constant 528 : index
        %get3A_727 = tpu.vector_load %arg11[%get3A_725, %get3A_726] {strides = array<i32>} : memref<2x768xf32, #tpu.memory_space<vmem>>, vector<16xf32>,
        %select_n3A_728 = arith.select %eq3A_91, %get3A_723, %get3A_727 : vector<16xi1>, vector<16xf32>
        %get3A_729 = arith.index_cast %scan3A_86 : i32 to index
        %get3A_730 = arith.constant 528 : index
        %get3A_731 = tpu.vector_load %arg9[%get3A_729, %get3A_730] {strides = array<i32>} : memref<32x768xf32, #tpu.memory_space<vmem>>, vector<16xf32>,
        %add3A_732 = arith.addf %get3A_731, %select_n3A_728 : vector<16xf32>
        %swap3A_733 = arith.index_cast %scan3A_86 : i32 to index
        %swap3A_734 = arith.constant 528 : index
        %swap3A_735 = tpu.vector_load %arg9[%swap3A_733, %swap3A_734] {strides = array<i32>} : memref<32x768xf32, #tpu.memory_space<vmem>>, vector<16xf32>,
        tpu.vector_store %arg9[%swap3A_733, %swap3A_734], %add3A_732 {strides = array<i32>} : memref<32x768xf32, #tpu.memory_space<vmem>>, vector<16xf32>,
        %add3A_736 = arith.addf %add3A_717, %add3A_732 : vector<16xf32>
        %mul3A_737 = arith.mulf %add3A_732, %add3A_732 : vector<16xf32>
        %add3A_738 = arith.addf %add3A_719, %mul3A_737 : vector<16xf32>
        %get3A_739 = arith.constant 1 : i32
        %get3A_740 = arith.index_cast %get3A_739 : i32 to index
        %get3A_741 = arith.constant 544 : index
        %get3A_742 = tpu.vector_load %arg11[%get3A_740, %get3A_741] {strides = array<i32>} : memref<2x768xf32, #tpu.memory_space<vmem>>, vector<16xf32>,
        %get3A_743 = arith.constant 0 : i32
        %get3A_744 = arith.index_cast %get3A_743 : i32 to index
        %get3A_745 = arith.constant 544 : index
        %get3A_746 = tpu.vector_load %arg11[%get3A_744, %get3A_745] {strides = array<i32>} : memref<2x768xf32, #tpu.memory_space<vmem>>, vector<16xf32>,
        %select_n3A_747 = arith.select %eq3A_91, %get3A_742, %get3A_746 : vector<16xi1>, vector<16xf32>
        %get3A_748 = arith.index_cast %scan3A_86 : i32 to index
        %get3A_749 = arith.constant 544 : index
        %get3A_750 = tpu.vector_load %arg9[%get3A_748, %get3A_749] {strides = array<i32>} : memref<32x768xf32, #tpu.memory_space<vmem>>, vector<16xf32>,
        %add3A_751 = arith.addf %get3A_750, %select_n3A_747 : vector<16xf32>
        %swap3A_752 = arith.index_cast %scan3A_86 : i32 to index
        %swap3A_753 = arith.constant 544 : index
        %swap3A_754 = tpu.vector_load %arg9[%swap3A_752, %swap3A_753] {strides = array<i32>} : memref<32x768xf32, #tpu.memory_space<vmem>>, vector<16xf32>,
        tpu.vector_store %arg9[%swap3A_752, %swap3A_753], %add3A_751 {strides = array<i32>} : memref<32x768xf32, #tpu.memory_space<vmem>>, vector<16xf32>,
        %add3A_755 = arith.addf %add3A_736, %add3A_751 : vector<16xf32>
        %mul3A_756 = arith.mulf %add3A_751, %add3A_751 : vector<16xf32>
        %add3A_757 = arith.addf %add3A_738, %mul3A_756 : vector<16xf32>
        %get3A_758 = arith.constant 1 : i32
        %get3A_759 = arith.index_cast %get3A_758 : i32 to index
        %get3A_760 = arith.constant 560 : index
        %get3A_761 = tpu.vector_load %arg11[%get3A_759, %get3A_760] {strides = array<i32>} : memref<2x768xf32, #tpu.memory_space<vmem>>, vector<16xf32>,
        %get3A_762 = arith.constant 0 : i32
        %get3A_763 = arith.index_cast %get3A_762 : i32 to index
        %get3A_764 = arith.constant 560 : index
        %get3A_765 = tpu.vector_load %arg11[%get3A_763, %get3A_764] {strides = array<i32>} : memref<2x768xf32, #tpu.memory_space<vmem>>, vector<16xf32>,
        %select_n3A_766 = arith.select %eq3A_91, %get3A_761, %get3A_765 : vector<16xi1>, vector<16xf32>
        %get3A_767 = arith.index_cast %scan3A_86 : i32 to index
        %get3A_768 = arith.constant 560 : index
        %get3A_769 = tpu.vector_load %arg9[%get3A_767, %get3A_768] {strides = array<i32>} : memref<32x768xf32, #tpu.memory_space<vmem>>, vector<16xf32>,
        %add3A_770 = arith.addf %get3A_769, %select_n3A_766 : vector<16xf32>
        %swap3A_771 = arith.index_cast %scan3A_86 : i32 to index
        %swap3A_772 = arith.constant 560 : index
        %swap3A_773 = tpu.vector_load %arg9[%swap3A_771, %swap3A_772] {strides = array<i32>} : memref<32x768xf32, #tpu.memory_space<vmem>>, vector<16xf32>,
        tpu.vector_store %arg9[%swap3A_771, %swap3A_772], %add3A_770 {strides = array<i32>} : memref<32x768xf32, #tpu.memory_space<vmem>>, vector<16xf32>,
        %add3A_774 = arith.addf %add3A_755, %add3A_770 : vector<16xf32>
        %mul3A_775 = arith.mulf %add3A_770, %add3A_770 : vector<16xf32>
        %add3A_776 = arith.addf %add3A_757, %mul3A_775 : vector<16xf32>
        %get3A_777 = arith.constant 1 : i32
        %get3A_778 = arith.index_cast %get3A_777 : i32 to index
        %get3A_779 = arith.constant 576 : index
        %get3A_780 = tpu.vector_load %arg11[%get3A_778, %get3A_779] {strides = array<i32>} : memref<2x768xf32, #tpu.memory_space<vmem>>, vector<16xf32>,
        %get3A_781 = arith.constant 0 : i32
        %get3A_782 = arith.index_cast %get3A_781 : i32 to index
        %get3A_783 = arith.constant 576 : index
        %get3A_784 = tpu.vector_load %arg11[%get3A_782, %get3A_783] {strides = array<i32>} : memref<2x768xf32, #tpu.memory_space<vmem>>, vector<16xf32>,
        %select_n3A_785 = arith.select %eq3A_91, %get3A_780, %get3A_784 : vector<16xi1>, vector<16xf32>
        %get3A_786 = arith.index_cast %scan3A_86 : i32 to index
        %get3A_787 = arith.constant 576 : index
        %get3A_788 = tpu.vector_load %arg9[%get3A_786, %get3A_787] {strides = array<i32>} : memref<32x768xf32, #tpu.memory_space<vmem>>, vector<16xf32>,
        %add3A_789 = arith.addf %get3A_788, %select_n3A_785 : vector<16xf32>
        %swap3A_790 = arith.index_cast %scan3A_86 : i32 to index
        %swap3A_791 = arith.constant 576 : index
        %swap3A_792 = tpu.vector_load %arg9[%swap3A_790, %swap3A_791] {strides = array<i32>} : memref<32x768xf32, #tpu.memory_space<vmem>>, vector<16xf32>,
        tpu.vector_store %arg9[%swap3A_790, %swap3A_791], %add3A_789 {strides = array<i32>} : memref<32x768xf32, #tpu.memory_space<vmem>>, vector<16xf32>,
        %add3A_793 = arith.addf %add3A_774, %add3A_789 : vector<16xf32>
        %mul3A_794 = arith.mulf %add3A_789, %add3A_789 : vector<16xf32>
        %add3A_795 = arith.addf %add3A_776, %mul3A_794 : vector<16xf32>
        %get3A_796 = arith.constant 1 : i32
        %get3A_797 = arith.index_cast %get3A_796 : i32 to index
        %get3A_798 = arith.constant 592 : index
        %get3A_799 = tpu.vector_load %arg11[%get3A_797, %get3A_798] {strides = array<i32>} : memref<2x768xf32, #tpu.memory_space<vmem>>, vector<16xf32>,
        %get3A_800 = arith.constant 0 : i32
        %get3A_801 = arith.index_cast %get3A_800 : i32 to index
        %get3A_802 = arith.constant 592 : index
        %get3A_803 = tpu.vector_load %arg11[%get3A_801, %get3A_802] {strides = array<i32>} : memref<2x768xf32, #tpu.memory_space<vmem>>, vector<16xf32>,
        %select_n3A_804 = arith.select %eq3A_91, %get3A_799, %get3A_803 : vector<16xi1>, vector<16xf32>
        %get3A_805 = arith.index_cast %scan3A_86 : i32 to index
        %get3A_806 = arith.constant 592 : index
        %get3A_807 = tpu.vector_load %arg9[%get3A_805, %get3A_806] {strides = array<i32>} : memref<32x768xf32, #tpu.memory_space<vmem>>, vector<16xf32>,
        %add3A_808 = arith.addf %get3A_807, %select_n3A_804 : vector<16xf32>
        %swap3A_809 = arith.index_cast %scan3A_86 : i32 to index
        %swap3A_810 = arith.constant 592 : index
        %swap3A_811 = tpu.vector_load %arg9[%swap3A_809, %swap3A_810] {strides = array<i32>} : memref<32x768xf32, #tpu.memory_space<vmem>>, vector<16xf32>,
        tpu.vector_store %arg9[%swap3A_809, %swap3A_810], %add3A_808 {strides = array<i32>} : memref<32x768xf32, #tpu.memory_space<vmem>>, vector<16xf32>,
        %add3A_812 = arith.addf %add3A_793, %add3A_808 : vector<16xf32>
        %mul3A_813 = arith.mulf %add3A_808, %add3A_808 : vector<16xf32>
        %add3A_814 = arith.addf %add3A_795, %mul3A_813 : vector<16xf32>
        %get3A_815 = arith.constant 1 : i32
        %get3A_816 = arith.index_cast %get3A_815 : i32 to index
        %get3A_817 = arith.constant 608 : index
        %get3A_818 = tpu.vector_load %arg11[%get3A_816, %get3A_817] {strides = array<i32>} : memref<2x768xf32, #tpu.memory_space<vmem>>, vector<16xf32>,
        %get3A_819 = arith.constant 0 : i32
        %get3A_820 = arith.index_cast %get3A_819 : i32 to index
        %get3A_821 = arith.constant 608 : index
        %get3A_822 = tpu.vector_load %arg11[%get3A_820, %get3A_821] {strides = array<i32>} : memref<2x768xf32, #tpu.memory_space<vmem>>, vector<16xf32>,
        %select_n3A_823 = arith.select %eq3A_91, %get3A_818, %get3A_822 : vector<16xi1>, vector<16xf32>
        %get3A_824 = arith.index_cast %scan3A_86 : i32 to index
        %get3A_825 = arith.constant 608 : index
        %get3A_826 = tpu.vector_load %arg9[%get3A_824, %get3A_825] {strides = array<i32>} : memref<32x768xf32, #tpu.memory_space<vmem>>, vector<16xf32>,
        %add3A_827 = arith.addf %get3A_826, %select_n3A_823 : vector<16xf32>
        %swap3A_828 = arith.index_cast %scan3A_86 : i32 to index
        %swap3A_829 = arith.constant 608 : index
        %swap3A_830 = tpu.vector_load %arg9[%swap3A_828, %swap3A_829] {strides = array<i32>} : memref<32x768xf32, #tpu.memory_space<vmem>>, vector<16xf32>,
        tpu.vector_store %arg9[%swap3A_828, %swap3A_829], %add3A_827 {strides = array<i32>} : memref<32x768xf32, #tpu.memory_space<vmem>>, vector<16xf32>,
        %add3A_831 = arith.addf %add3A_812, %add3A_827 : vector<16xf32>
        %mul3A_832 = arith.mulf %add3A_827, %add3A_827 : vector<16xf32>
        %add3A_833 = arith.addf %add3A_814, %mul3A_832 : vector<16xf32>
        %get3A_834 = arith.constant 1 : i32
        %get3A_835 = arith.index_cast %get3A_834 : i32 to index
        %get3A_836 = arith.constant 624 : index
        %get3A_837 = tpu.vector_load %arg11[%get3A_835, %get3A_836] {strides = array<i32>} : memref<2x768xf32, #tpu.memory_space<vmem>>, vector<16xf32>,
        %get3A_838 = arith.constant 0 : i32
        %get3A_839 = arith.index_cast %get3A_838 : i32 to index
        %get3A_840 = arith.constant 624 : index
        %get3A_841 = tpu.vector_load %arg11[%get3A_839, %get3A_840] {strides = array<i32>} : memref<2x768xf32, #tpu.memory_space<vmem>>, vector<16xf32>,
        %select_n3A_842 = arith.select %eq3A_91, %get3A_837, %get3A_841 : vector<16xi1>, vector<16xf32>
        %get3A_843 = arith.index_cast %scan3A_86 : i32 to index
        %get3A_844 = arith.constant 624 : index
        %get3A_845 = tpu.vector_load %arg9[%get3A_843, %get3A_844] {strides = array<i32>} : memref<32x768xf32, #tpu.memory_space<vmem>>, vector<16xf32>,
        %add3A_846 = arith.addf %get3A_845, %select_n3A_842 : vector<16xf32>
        %swap3A_847 = arith.index_cast %scan3A_86 : i32 to index
        %swap3A_848 = arith.constant 624 : index
        %swap3A_849 = tpu.vector_load %arg9[%swap3A_847, %swap3A_848] {strides = array<i32>} : memref<32x768xf32, #tpu.memory_space<vmem>>, vector<16xf32>,
        tpu.vector_store %arg9[%swap3A_847, %swap3A_848], %add3A_846 {strides = array<i32>} : memref<32x768xf32, #tpu.memory_space<vmem>>, vector<16xf32>,
        %add3A_850 = arith.addf %add3A_831, %add3A_846 : vector<16xf32>
        %mul3A_851 = arith.mulf %add3A_846, %add3A_846 : vector<16xf32>
        %add3A_852 = arith.addf %add3A_833, %mul3A_851 : vector<16xf32>
        %get3A_853 = arith.constant 1 : i32
        %get3A_854 = arith.index_cast %get3A_853 : i32 to index
        %get3A_855 = arith.constant 640 : index
        %get3A_856 = tpu.vector_load %arg11[%get3A_854, %get3A_855] {strides = array<i32>} : memref<2x768xf32, #tpu.memory_space<vmem>>, vector<16xf32>,
        %get3A_857 = arith.constant 0 : i32
        %get3A_858 = arith.index_cast %get3A_857 : i32 to index
        %get3A_859 = arith.constant 640 : index
        %get3A_860 = tpu.vector_load %arg11[%get3A_858, %get3A_859] {strides = array<i32>} : memref<2x768xf32, #tpu.memory_space<vmem>>, vector<16xf32>,
        %select_n3A_861 = arith.select %eq3A_91, %get3A_856, %get3A_860 : vector<16xi1>, vector<16xf32>
        %get3A_862 = arith.index_cast %scan3A_86 : i32 to index
        %get3A_863 = arith.constant 640 : index
        %get3A_864 = tpu.vector_load %arg9[%get3A_862, %get3A_863] {strides = array<i32>} : memref<32x768xf32, #tpu.memory_space<vmem>>, vector<16xf32>,
        %add3A_865 = arith.addf %get3A_864, %select_n3A_861 : vector<16xf32>
        %swap3A_866 = arith.index_cast %scan3A_86 : i32 to index
        %swap3A_867 = arith.constant 640 : index
        %swap3A_868 = tpu.vector_load %arg9[%swap3A_866, %swap3A_867] {strides = array<i32>} : memref<32x768xf32, #tpu.memory_space<vmem>>, vector<16xf32>,
        tpu.vector_store %arg9[%swap3A_866, %swap3A_867], %add3A_865 {strides = array<i32>} : memref<32x768xf32, #tpu.memory_space<vmem>>, vector<16xf32>,
        %add3A_869 = arith.addf %add3A_850, %add3A_865 : vector<16xf32>
        %mul3A_870 = arith.mulf %add3A_865, %add3A_865 : vector<16xf32>
        %add3A_871 = arith.addf %add3A_852, %mul3A_870 : vector<16xf32>
        %get3A_872 = arith.constant 1 : i32
        %get3A_873 = arith.index_cast %get3A_872 : i32 to index
        %get3A_874 = arith.constant 656 : index
        %get3A_875 = tpu.vector_load %arg11[%get3A_873, %get3A_874] {strides = array<i32>} : memref<2x768xf32, #tpu.memory_space<vmem>>, vector<16xf32>,
        %get3A_876 = arith.constant 0 : i32
        %get3A_877 = arith.index_cast %get3A_876 : i32 to index
        %get3A_878 = arith.constant 656 : index
        %get3A_879 = tpu.vector_load %arg11[%get3A_877, %get3A_878] {strides = array<i32>} : memref<2x768xf32, #tpu.memory_space<vmem>>, vector<16xf32>,
        %select_n3A_880 = arith.select %eq3A_91, %get3A_875, %get3A_879 : vector<16xi1>, vector<16xf32>
        %get3A_881 = arith.index_cast %scan3A_86 : i32 to index
        %get3A_882 = arith.constant 656 : index
        %get3A_883 = tpu.vector_load %arg9[%get3A_881, %get3A_882] {strides = array<i32>} : memref<32x768xf32, #tpu.memory_space<vmem>>, vector<16xf32>,
        %add3A_884 = arith.addf %get3A_883, %select_n3A_880 : vector<16xf32>
        %swap3A_885 = arith.index_cast %scan3A_86 : i32 to index
        %swap3A_886 = arith.constant 656 : index
        %swap3A_887 = tpu.vector_load %arg9[%swap3A_885, %swap3A_886] {strides = array<i32>} : memref<32x768xf32, #tpu.memory_space<vmem>>, vector<16xf32>,
        tpu.vector_store %arg9[%swap3A_885, %swap3A_886], %add3A_884 {strides = array<i32>} : memref<32x768xf32, #tpu.memory_space<vmem>>, vector<16xf32>,
        %add3A_888 = arith.addf %add3A_869, %add3A_884 : vector<16xf32>
        %mul3A_889 = arith.mulf %add3A_884, %add3A_884 : vector<16xf32>
        %add3A_890 = arith.addf %add3A_871, %mul3A_889 : vector<16xf32>
        %get3A_891 = arith.constant 1 : i32
        %get3A_892 = arith.index_cast %get3A_891 : i32 to index
        %get3A_893 = arith.constant 672 : index
        %get3A_894 = tpu.vector_load %arg11[%get3A_892, %get3A_893] {strides = array<i32>} : memref<2x768xf32, #tpu.memory_space<vmem>>, vector<16xf32>,
        %get3A_895 = arith.constant 0 : i32
        %get3A_896 = arith.index_cast %get3A_895 : i32 to index
        %get3A_897 = arith.constant 672 : index
        %get3A_898 = tpu.vector_load %arg11[%get3A_896, %get3A_897] {strides = array<i32>} : memref<2x768xf32, #tpu.memory_space<vmem>>, vector<16xf32>,
        %select_n3A_899 = arith.select %eq3A_91, %get3A_894, %get3A_898 : vector<16xi1>, vector<16xf32>
        %get3A_900 = arith.index_cast %scan3A_86 : i32 to index
        %get3A_901 = arith.constant 672 : index
        %get3A_902 = tpu.vector_load %arg9[%get3A_900, %get3A_901] {strides = array<i32>} : memref<32x768xf32, #tpu.memory_space<vmem>>, vector<16xf32>,
        %add3A_903 = arith.addf %get3A_902, %select_n3A_899 : vector<16xf32>
        %swap3A_904 = arith.index_cast %scan3A_86 : i32 to index
        %swap3A_905 = arith.constant 672 : index
        %swap3A_906 = tpu.vector_load %arg9[%swap3A_904, %swap3A_905] {strides = array<i32>} : memref<32x768xf32, #tpu.memory_space<vmem>>, vector<16xf32>,
        tpu.vector_store %arg9[%swap3A_904, %swap3A_905], %add3A_903 {strides = array<i32>} : memref<32x768xf32, #tpu.memory_space<vmem>>, vector<16xf32>,
        %add3A_907 = arith.addf %add3A_888, %add3A_903 : vector<16xf32>
        %mul3A_908 = arith.mulf %add3A_903, %add3A_903 : vector<16xf32>
        %add3A_909 = arith.addf %add3A_890, %mul3A_908 : vector<16xf32>
        %get3A_910 = arith.constant 1 : i32
        %get3A_911 = arith.index_cast %get3A_910 : i32 to index
        %get3A_912 = arith.constant 688 : index
        %get3A_913 = tpu.vector_load %arg11[%get3A_911, %get3A_912] {strides = array<i32>} : memref<2x768xf32, #tpu.memory_space<vmem>>, vector<16xf32>,
        %get3A_914 = arith.constant 0 : i32
        %get3A_915 = arith.index_cast %get3A_914 : i32 to index
        %get3A_916 = arith.constant 688 : index
        %get3A_917 = tpu.vector_load %arg11[%get3A_915, %get3A_916] {strides = array<i32>} : memref<2x768xf32, #tpu.memory_space<vmem>>, vector<16xf32>,
        %select_n3A_918 = arith.select %eq3A_91, %get3A_913, %get3A_917 : vector<16xi1>, vector<16xf32>
        %get3A_919 = arith.index_cast %scan3A_86 : i32 to index
        %get3A_920 = arith.constant 688 : index
        %get3A_921 = tpu.vector_load %arg9[%get3A_919, %get3A_920] {strides = array<i32>} : memref<32x768xf32, #tpu.memory_space<vmem>>, vector<16xf32>,
        %add3A_922 = arith.addf %get3A_921, %select_n3A_918 : vector<16xf32>
        %swap3A_923 = arith.index_cast %scan3A_86 : i32 to index
        %swap3A_924 = arith.constant 688 : index
        %swap3A_925 = tpu.vector_load %arg9[%swap3A_923, %swap3A_924] {strides = array<i32>} : memref<32x768xf32, #tpu.memory_space<vmem>>, vector<16xf32>,
        tpu.vector_store %arg9[%swap3A_923, %swap3A_924], %add3A_922 {strides = array<i32>} : memref<32x768xf32, #tpu.memory_space<vmem>>, vector<16xf32>,
        %add3A_926 = arith.addf %add3A_907, %add3A_922 : vector<16xf32>
        %mul3A_927 = arith.mulf %add3A_922, %add3A_922 : vector<16xf32>
        %add3A_928 = arith.addf %add3A_909, %mul3A_927 : vector<16xf32>
        %get3A_929 = arith.constant 1 : i32
        %get3A_930 = arith.index_cast %get3A_929 : i32 to index
        %get3A_931 = arith.constant 704 : index
        %get3A_932 = tpu.vector_load %arg11[%get3A_930, %get3A_931] {strides = array<i32>} : memref<2x768xf32, #tpu.memory_space<vmem>>, vector<16xf32>,
        %get3A_933 = arith.constant 0 : i32
        %get3A_934 = arith.index_cast %get3A_933 : i32 to index
        %get3A_935 = arith.constant 704 : index
        %get3A_936 = tpu.vector_load %arg11[%get3A_934, %get3A_935] {strides = array<i32>} : memref<2x768xf32, #tpu.memory_space<vmem>>, vector<16xf32>,
        %select_n3A_937 = arith.select %eq3A_91, %get3A_932, %get3A_936 : vector<16xi1>, vector<16xf32>
        %get3A_938 = arith.index_cast %scan3A_86 : i32 to index
        %get3A_939 = arith.constant 704 : index
        %get3A_940 = tpu.vector_load %arg9[%get3A_938, %get3A_939] {strides = array<i32>} : memref<32x768xf32, #tpu.memory_space<vmem>>, vector<16xf32>,
        %add3A_941 = arith.addf %get3A_940, %select_n3A_937 : vector<16xf32>
        %swap3A_942 = arith.index_cast %scan3A_86 : i32 to index
        %swap3A_943 = arith.constant 704 : index
        %swap3A_944 = tpu.vector_load %arg9[%swap3A_942, %swap3A_943] {strides = array<i32>} : memref<32x768xf32, #tpu.memory_space<vmem>>, vector<16xf32>,
        tpu.vector_store %arg9[%swap3A_942, %swap3A_943], %add3A_941 {strides = array<i32>} : memref<32x768xf32, #tpu.memory_space<vmem>>, vector<16xf32>,
        %add3A_945 = arith.addf %add3A_926, %add3A_941 : vector<16xf32>
        %mul3A_946 = arith.mulf %add3A_941, %add3A_941 : vector<16xf32>
        %add3A_947 = arith.addf %add3A_928, %mul3A_946 : vector<16xf32>
        %get3A_948 = arith.constant 1 : i32
        %get3A_949 = arith.index_cast %get3A_948 : i32 to index
        %get3A_950 = arith.constant 720 : index
        %get3A_951 = tpu.vector_load %arg11[%get3A_949, %get3A_950] {strides = array<i32>} : memref<2x768xf32, #tpu.memory_space<vmem>>, vector<16xf32>,
        %get3A_952 = arith.constant 0 : i32
        %get3A_953 = arith.index_cast %get3A_952 : i32 to index
        %get3A_954 = arith.constant 720 : index
        %get3A_955 = tpu.vector_load %arg11[%get3A_953, %get3A_954] {strides = array<i32>} : memref<2x768xf32, #tpu.memory_space<vmem>>, vector<16xf32>,
        %select_n3A_956 = arith.select %eq3A_91, %get3A_951, %get3A_955 : vector<16xi1>, vector<16xf32>
        %get3A_957 = arith.index_cast %scan3A_86 : i32 to index
        %get3A_958 = arith.constant 720 : index
        %get3A_959 = tpu.vector_load %arg9[%get3A_957, %get3A_958] {strides = array<i32>} : memref<32x768xf32, #tpu.memory_space<vmem>>, vector<16xf32>,
        %add3A_960 = arith.addf %get3A_959, %select_n3A_956 : vector<16xf32>
        %swap3A_961 = arith.index_cast %scan3A_86 : i32 to index
        %swap3A_962 = arith.constant 720 : index
        %swap3A_963 = tpu.vector_load %arg9[%swap3A_961, %swap3A_962] {strides = array<i32>} : memref<32x768xf32, #tpu.memory_space<vmem>>, vector<16xf32>,
        tpu.vector_store %arg9[%swap3A_961, %swap3A_962], %add3A_960 {strides = array<i32>} : memref<32x768xf32, #tpu.memory_space<vmem>>, vector<16xf32>,
        %add3A_964 = arith.addf %add3A_945, %add3A_960 : vector<16xf32>
        %mul3A_965 = arith.mulf %add3A_960, %add3A_960 : vector<16xf32>
        %add3A_966 = arith.addf %add3A_947, %mul3A_965 : vector<16xf32>
        %get3A_967 = arith.constant 1 : i32
        %get3A_968 = arith.index_cast %get3A_967 : i32 to index
        %get3A_969 = arith.constant 736 : index
        %get3A_970 = tpu.vector_load %arg11[%get3A_968, %get3A_969] {strides = array<i32>} : memref<2x768xf32, #tpu.memory_space<vmem>>, vector<16xf32>,
        %get3A_971 = arith.constant 0 : i32
        %get3A_972 = arith.index_cast %get3A_971 : i32 to index
        %get3A_973 = arith.constant 736 : index
        %get3A_974 = tpu.vector_load %arg11[%get3A_972, %get3A_973] {strides = array<i32>} : memref<2x768xf32, #tpu.memory_space<vmem>>, vector<16xf32>,
        %select_n3A_975 = arith.select %eq3A_91, %get3A_970, %get3A_974 : vector<16xi1>, vector<16xf32>
        %get3A_976 = arith.index_cast %scan3A_86 : i32 to index
        %get3A_977 = arith.constant 736 : index
        %get3A_978 = tpu.vector_load %arg9[%get3A_976, %get3A_977] {strides = array<i32>} : memref<32x768xf32, #tpu.memory_space<vmem>>, vector<16xf32>,
        %add3A_979 = arith.addf %get3A_978, %select_n3A_975 : vector<16xf32>
        %swap3A_980 = arith.index_cast %scan3A_86 : i32 to index
        %swap3A_981 = arith.constant 736 : index
        %swap3A_982 = tpu.vector_load %arg9[%swap3A_980, %swap3A_981] {strides = array<i32>} : memref<32x768xf32, #tpu.memory_space<vmem>>, vector<16xf32>,
        tpu.vector_store %arg9[%swap3A_980, %swap3A_981], %add3A_979 {strides = array<i32>} : memref<32x768xf32, #tpu.memory_space<vmem>>, vector<16xf32>,
        %add3A_983 = arith.addf %add3A_964, %add3A_979 : vector<16xf32>
        %mul3A_984 = arith.mulf %add3A_979, %add3A_979 : vector<16xf32>
        %add3A_985 = arith.addf %add3A_966, %mul3A_984 : vector<16xf32>
        %get3A_986 = arith.constant 1 : i32
        %get3A_987 = arith.index_cast %get3A_986 : i32 to index
        %get3A_988 = arith.constant 752 : index
        %get3A_989 = tpu.vector_load %arg11[%get3A_987, %get3A_988] {strides = array<i32>} : memref<2x768xf32, #tpu.memory_space<vmem>>, vector<16xf32>,
        %get3A_990 = arith.constant 0 : i32
        %get3A_991 = arith.index_cast %get3A_990 : i32 to index
        %get3A_992 = arith.constant 752 : index
        %get3A_993 = tpu.vector_load %arg11[%get3A_991, %get3A_992] {strides = array<i32>} : memref<2x768xf32, #tpu.memory_space<vmem>>, vector<16xf32>,
        %select_n3A_994 = arith.select %eq3A_91, %get3A_989, %get3A_993 : vector<16xi1>, vector<16xf32>
        %get3A_995 = arith.index_cast %scan3A_86 : i32 to index
        %get3A_996 = arith.constant 752 : index
        %get3A_997 = tpu.vector_load %arg9[%get3A_995, %get3A_996] {strides = array<i32>} : memref<32x768xf32, #tpu.memory_space<vmem>>, vector<16xf32>,
        %add3A_998 = arith.addf %get3A_997, %select_n3A_994 : vector<16xf32>
        %swap3A_999 = arith.index_cast %scan3A_86 : i32 to index
        %swap3A_1000 = arith.constant 752 : index
        %swap3A_1001 = tpu.vector_load %arg9[%swap3A_999, %swap3A_1000] {strides = array<i32>} : memref<32x768xf32, #tpu.memory_space<vmem>>, vector<16xf32>,
        tpu.vector_store %arg9[%swap3A_999, %swap3A_1000], %add3A_998 {strides = array<i32>} : memref<32x768xf32, #tpu.memory_space<vmem>>, vector<16xf32>,
        %add3A_1002 = arith.addf %add3A_983, %add3A_998 : vector<16xf32>
        %mul3A_1003 = arith.mulf %add3A_998, %add3A_998 : vector<16xf32>
        %add3A_1004 = arith.addf %add3A_985, %mul3A_1003 : vector<16xf32>
        %reduce_sum3A = arith.constant true
        %reduce_sum3A_1005 = vector.broadcast %reduce_sum3A : i1 to vector<16xi1>
        %reduce_sum3A_1006 = tpu.scan <sum>, %add3A_1002 masked %reduce_sum3A_1005 : vector<16xf32>, vector<16xi1> -> vector<16xf32>
        %reduce_sum3A_1007 = vector.extract %reduce_sum3A_1006[15] : f32 from vector<16xf32>
        %reduce_sum3A_1008 = arith.constant true
        %reduce_sum3A_1009 = vector.broadcast %reduce_sum3A_1008 : i1 to vector<16xi1>
        %reduce_sum3A_1010 = tpu.scan <sum>, %add3A_1004 masked %reduce_sum3A_1009 : vector<16xf32>, vector<16xi1> -> vector<16xf32>
        %reduce_sum3A_1011 = vector.extract %reduce_sum3A_1010[15] : f32 from vector<16xf32>
        %mul3A_1012 = arith.constant 0.00130208337 : f32
        %mul3A_1013 = arith.mulf %reduce_sum3A_1007, %mul3A_1012 : f32
        %mul3A_1014 = arith.constant 0.00130208337 : f32
        %mul3A_1015 = arith.mulf %reduce_sum3A_1011, %mul3A_1014 : f32
        %mul3A_1016 = arith.mulf %mul3A_1013, %mul3A_1013 : f32
        %sub3A_1017 = arith.subf %mul3A_1015, %mul3A_1016 : f32
        %broadcast_in_dim3A_1018 = vector.broadcast %mul3A_1013 : f32 to vector<16xf32>
        %add3A_1019 = arith.constant 9.99999996E-13 : f32
        %add3A_1020 = arith.addf %sub3A_1017, %add3A_1019 : f32
        %broadcast_in_dim3A_1021 = vector.broadcast %add3A_1020 : f32 to vector<16xf32>
        %bitcast3A = vector.bitcast %broadcast_in_dim3A_1021 : vector<16xf32> to vector<16xi32>
        %shift_right_logical3A = arith.constant 1 : i32
        %shift_right_logical3A_1022 = vector.broadcast %shift_right_logical3A : i32 to vector<16xi32>
        %shift_right_logical3A_1023 = arith.shrui %bitcast3A, %shift_right_logical3A_1022 : vector<16xi32>
        %sub3A_1024 = arith.constant 1597463007 : i32
        %sub3A_1025 = vector.broadcast %sub3A_1024 : i32 to vector<16xi32>
        %sub3A_1026 = arith.subi %sub3A_1025, %shift_right_logical3A_1023 : vector<16xi32>
        %bitcast3A_1027 = vector.bitcast %sub3A_1026 : vector<16xi32> to vector<16xf32>
        %mul3A_1028 = arith.constant 5.000000e-01 : f32
        %mul3A_1029 = vector.broadcast %mul3A_1028 : f32 to vector<16xf32>
        %mul3A_1030 = arith.mulf %broadcast_in_dim3A_1021, %mul3A_1029 : vector<16xf32>
        %mul3A_1031 = arith.mulf %mul3A_1030, %bitcast3A_1027 : vector<16xf32>
        %mul3A_1032 = arith.mulf %mul3A_1031, %bitcast3A_1027 : vector<16xf32>
        %sub3A_1033 = arith.constant 1.500000e+00 : f32
        %sub3A_1034 = vector.broadcast %sub3A_1033 : f32 to vector<16xf32>
        %sub3A_1035 = arith.subf %sub3A_1034, %mul3A_1032 : vector<16xf32>
        %mul3A_1036 = arith.mulf %bitcast3A_1027, %sub3A_1035 : vector<16xf32>
        %mul3A_1037 = arith.mulf %mul3A_1030, %mul3A_1036 : vector<16xf32>
        %mul3A_1038 = arith.mulf %mul3A_1037, %mul3A_1036 : vector<16xf32>
        %sub3A_1039 = arith.constant 1.500000e+00 : f32
        %sub3A_1040 = vector.broadcast %sub3A_1039 : f32 to vector<16xf32>
        %sub3A_1041 = arith.subf %sub3A_1040, %mul3A_1038 : vector<16xf32>
        %mul3A_1042 = arith.mulf %mul3A_1036, %sub3A_1041 : vector<16xf32>
        %mul3A_1043 = arith.mulf %mul3A_1030, %mul3A_1042 : vector<16xf32>
        %mul3A_1044 = arith.mulf %mul3A_1043, %mul3A_1042 : vector<16xf32>
        %sub3A_1045 = arith.constant 1.500000e+00 : f32
        %sub3A_1046 = vector.broadcast %sub3A_1045 : f32 to vector<16xf32>
        %sub3A_1047 = arith.subf %sub3A_1046, %mul3A_1044 : vector<16xf32>
        %mul3A_1048 = arith.mulf %mul3A_1042, %sub3A_1047 : vector<16xf32>
        %get3A_1049 = arith.index_cast %scan3A_86 : i32 to index
        %get3A_1050 = arith.constant 0 : index
        %get3A_1051 = tpu.vector_load %arg9[%get3A_1049, %get3A_1050] {strides = array<i32>} : memref<32x768xf32, #tpu.memory_space<vmem>>, vector<16xf32>,
        %sub3A_1052 = arith.subf %get3A_1051, %broadcast_in_dim3A_1018 : vector<16xf32>
        %mul3A_1053 = arith.mulf %sub3A_1052, %mul3A_1048 : vector<16xf32>
        %get3A_1054 = arith.constant 0 : i32
        %get3A_1055 = arith.index_cast %get3A_1054 : i32 to index
        %get3A_1056 = arith.constant 0 : index
        %get3A_1057 = tpu.vector_load %arg12[%get3A_1055, %get3A_1056] {strides = array<i32>} : memref<1x768xf32, #tpu.memory_space<vmem>>, vector<16xf32>,
        %mul3A_1058 = arith.mulf %mul3A_1053, %get3A_1057 : vector<16xf32>
        %get3A_1059 = arith.constant 0 : i32
        %get3A_1060 = arith.index_cast %get3A_1059 : i32 to index
        %get3A_1061 = arith.constant 0 : index
        %get3A_1062 = tpu.vector_load %arg13[%get3A_1060, %get3A_1061] {strides = array<i32>} : memref<1x768xf32, #tpu.memory_space<vmem>>, vector<16xf32>,
        %add3A_1063 = arith.addf %mul3A_1058, %get3A_1062 : vector<16xf32>
        %swap3A_1064 = arith.index_cast %scan3A_86 : i32 to index
        %swap3A_1065 = arith.constant 0 : index
        %swap3A_1066 = tpu.vector_load %arg9[%swap3A_1064, %swap3A_1065] {strides = array<i32>} : memref<32x768xf32, #tpu.memory_space<vmem>>, vector<16xf32>,
        tpu.vector_store %arg9[%swap3A_1064, %swap3A_1065], %add3A_1063 {strides = array<i32>} : memref<32x768xf32, #tpu.memory_space<vmem>>, vector<16xf32>,
        %get3A_1067 = arith.index_cast %scan3A_86 : i32 to index
        %get3A_1068 = arith.constant 16 : index
        %get3A_1069 = tpu.vector_load %arg9[%get3A_1067, %get3A_1068] {strides = array<i32>} : memref<32x768xf32, #tpu.memory_space<vmem>>, vector<16xf32>,
        %sub3A_1070 = arith.subf %get3A_1069, %broadcast_in_dim3A_1018 : vector<16xf32>
        %mul3A_1071 = arith.mulf %sub3A_1070, %mul3A_1048 : vector<16xf32>
        %get3A_1072 = arith.constant 0 : i32
        %get3A_1073 = arith.index_cast %get3A_1072 : i32 to index
        %get3A_1074 = arith.constant 16 : index
        %get3A_1075 = tpu.vector_load %arg12[%get3A_1073, %get3A_1074] {strides = array<i32>} : memref<1x768xf32, #tpu.memory_space<vmem>>, vector<16xf32>,
        %mul3A_1076 = arith.mulf %mul3A_1071, %get3A_1075 : vector<16xf32>
        %get3A_1077 = arith.constant 0 : i32
        %get3A_1078 = arith.index_cast %get3A_1077 : i32 to index
        %get3A_1079 = arith.constant 16 : index
        %get3A_1080 = tpu.vector_load %arg13[%get3A_1078, %get3A_1079] {strides = array<i32>} : memref<1x768xf32, #tpu.memory_space<vmem>>, vector<16xf32>,
        %add3A_1081 = arith.addf %mul3A_1076, %get3A_1080 : vector<16xf32>
        %swap3A_1082 = arith.index_cast %scan3A_86 : i32 to index
        %swap3A_1083 = arith.constant 16 : index
        %swap3A_1084 = tpu.vector_load %arg9[%swap3A_1082, %swap3A_1083] {strides = array<i32>} : memref<32x768xf32, #tpu.memory_space<vmem>>, vector<16xf32>,
        tpu.vector_store %arg9[%swap3A_1082, %swap3A_1083], %add3A_1081 {strides = array<i32>} : memref<32x768xf32, #tpu.memory_space<vmem>>, vector<16xf32>,
        %get3A_1085 = arith.index_cast %scan3A_86 : i32 to index
        %get3A_1086 = arith.constant 32 : index
        %get3A_1087 = tpu.vector_load %arg9[%get3A_1085, %get3A_1086] {strides = array<i32>} : memref<32x768xf32, #tpu.memory_space<vmem>>, vector<16xf32>,
        %sub3A_1088 = arith.subf %get3A_1087, %broadcast_in_dim3A_1018 : vector<16xf32>
        %mul3A_1089 = arith.mulf %sub3A_1088, %mul3A_1048 : vector<16xf32>
        %get3A_1090 = arith.constant 0 : i32
        %get3A_1091 = arith.index_cast %get3A_1090 : i32 to index
        %get3A_1092 = arith.constant 32 : index
        %get3A_1093 = tpu.vector_load %arg12[%get3A_1091, %get3A_1092] {strides = array<i32>} : memref<1x768xf32, #tpu.memory_space<vmem>>, vector<16xf32>,
        %mul3A_1094 = arith.mulf %mul3A_1089, %get3A_1093 : vector<16xf32>
        %get3A_1095 = arith.constant 0 : i32
        %get3A_1096 = arith.index_cast %get3A_1095 : i32 to index
        %get3A_1097 = arith.constant 32 : index
        %get3A_1098 = tpu.vector_load %arg13[%get3A_1096, %get3A_1097] {strides = array<i32>} : memref<1x768xf32, #tpu.memory_space<vmem>>, vector<16xf32>,
        %add3A_1099 = arith.addf %mul3A_1094, %get3A_1098 : vector<16xf32>
        %swap3A_1100 = arith.index_cast %scan3A_86 : i32 to index
        %swap3A_1101 = arith.constant 32 : index
        %swap3A_1102 = tpu.vector_load %arg9[%swap3A_1100, %swap3A_1101] {strides = array<i32>} : memref<32x768xf32, #tpu.memory_space<vmem>>, vector<16xf32>,
        tpu.vector_store %arg9[%swap3A_1100, %swap3A_1101], %add3A_1099 {strides = array<i32>} : memref<32x768xf32, #tpu.memory_space<vmem>>, vector<16xf32>,
        %get3A_1103 = arith.index_cast %scan3A_86 : i32 to index
        %get3A_1104 = arith.constant 48 : index
        %get3A_1105 = tpu.vector_load %arg9[%get3A_1103, %get3A_1104] {strides = array<i32>} : memref<32x768xf32, #tpu.memory_space<vmem>>, vector<16xf32>,
        %sub3A_1106 = arith.subf %get3A_1105, %broadcast_in_dim3A_1018 : vector<16xf32>
        %mul3A_1107 = arith.mulf %sub3A_1106, %mul3A_1048 : vector<16xf32>
        %get3A_1108 = arith.constant 0 : i32
        %get3A_1109 = arith.index_cast %get3A_1108 : i32 to index
        %get3A_1110 = arith.constant 48 : index
        %get3A_1111 = tpu.vector_load %arg12[%get3A_1109, %get3A_1110] {strides = array<i32>} : memref<1x768xf32, #tpu.memory_space<vmem>>, vector<16xf32>,
        %mul3A_1112 = arith.mulf %mul3A_1107, %get3A_1111 : vector<16xf32>
        %get3A_1113 = arith.constant 0 : i32
        %get3A_1114 = arith.index_cast %get3A_1113 : i32 to index
        %get3A_1115 = arith.constant 48 : index
        %get3A_1116 = tpu.vector_load %arg13[%get3A_1114, %get3A_1115] {strides = array<i32>} : memref<1x768xf32, #tpu.memory_space<vmem>>, vector<16xf32>,
        %add3A_1117 = arith.addf %mul3A_1112, %get3A_1116 : vector<16xf32>
        %swap3A_1118 = arith.index_cast %scan3A_86 : i32 to index
        %swap3A_1119 = arith.constant 48 : index
        %swap3A_1120 = tpu.vector_load %arg9[%swap3A_1118, %swap3A_1119] {strides = array<i32>} : memref<32x768xf32, #tpu.memory_space<vmem>>, vector<16xf32>,
        tpu.vector_store %arg9[%swap3A_1118, %swap3A_1119], %add3A_1117 {strides = array<i32>} : memref<32x768xf32, #tpu.memory_space<vmem>>, vector<16xf32>,
        %get3A_1121 = arith.index_cast %scan3A_86 : i32 to index
        %get3A_1122 = arith.constant 64 : index
        %get3A_1123 = tpu.vector_load %arg9[%get3A_1121, %get3A_1122] {strides = array<i32>} : memref<32x768xf32, #tpu.memory_space<vmem>>, vector<16xf32>,
        %sub3A_1124 = arith.subf %get3A_1123, %broadcast_in_dim3A_1018 : vector<16xf32>
        %mul3A_1125 = arith.mulf %sub3A_1124, %mul3A_1048 : vector<16xf32>
        %get3A_1126 = arith.constant 0 : i32
        %get3A_1127 = arith.index_cast %get3A_1126 : i32 to index
        %get3A_1128 = arith.constant 64 : index
        %get3A_1129 = tpu.vector_load %arg12[%get3A_1127, %get3A_1128] {strides = array<i32>} : memref<1x768xf32, #tpu.memory_space<vmem>>, vector<16xf32>,
        %mul3A_1130 = arith.mulf %mul3A_1125, %get3A_1129 : vector<16xf32>
        %get3A_1131 = arith.constant 0 : i32
        %get3A_1132 = arith.index_cast %get3A_1131 : i32 to index
        %get3A_1133 = arith.constant 64 : index
        %get3A_1134 = tpu.vector_load %arg13[%get3A_1132, %get3A_1133] {strides = array<i32>} : memref<1x768xf32, #tpu.memory_space<vmem>>, vector<16xf32>,
        %add3A_1135 = arith.addf %mul3A_1130, %get3A_1134 : vector<16xf32>
        %swap3A_1136 = arith.index_cast %scan3A_86 : i32 to index
        %swap3A_1137 = arith.constant 64 : index
        %swap3A_1138 = tpu.vector_load %arg9[%swap3A_1136, %swap3A_1137] {strides = array<i32>} : memref<32x768xf32, #tpu.memory_space<vmem>>, vector<16xf32>,
        tpu.vector_store %arg9[%swap3A_1136, %swap3A_1137], %add3A_1135 {strides = array<i32>} : memref<32x768xf32, #tpu.memory_space<vmem>>, vector<16xf32>,
        %get3A_1139 = arith.index_cast %scan3A_86 : i32 to index
        %get3A_1140 = arith.constant 80 : index
        %get3A_1141 = tpu.vector_load %arg9[%get3A_1139, %get3A_1140] {strides = array<i32>} : memref<32x768xf32, #tpu.memory_space<vmem>>, vector<16xf32>,
        %sub3A_1142 = arith.subf %get3A_1141, %broadcast_in_dim3A_1018 : vector<16xf32>
        %mul3A_1143 = arith.mulf %sub3A_1142, %mul3A_1048 : vector<16xf32>
        %get3A_1144 = arith.constant 0 : i32
        %get3A_1145 = arith.index_cast %get3A_1144 : i32 to index
        %get3A_1146 = arith.constant 80 : index
        %get3A_1147 = tpu.vector_load %arg12[%get3A_1145, %get3A_1146] {strides = array<i32>} : memref<1x768xf32, #tpu.memory_space<vmem>>, vector<16xf32>,
        %mul3A_1148 = arith.mulf %mul3A_1143, %get3A_1147 : vector<16xf32>
        %get3A_1149 = arith.constant 0 : i32
        %get3A_1150 = arith.index_cast %get3A_1149 : i32 to index
        %get3A_1151 = arith.constant 80 : index
        %get3A_1152 = tpu.vector_load %arg13[%get3A_1150, %get3A_1151] {strides = array<i32>} : memref<1x768xf32, #tpu.memory_space<vmem>>, vector<16xf32>,
        %add3A_1153 = arith.addf %mul3A_1148, %get3A_1152 : vector<16xf32>
        %swap3A_1154 = arith.index_cast %scan3A_86 : i32 to index
        %swap3A_1155 = arith.constant 80 : index
        %swap3A_1156 = tpu.vector_load %arg9[%swap3A_1154, %swap3A_1155] {strides = array<i32>} : memref<32x768xf32, #tpu.memory_space<vmem>>, vector<16xf32>,
        tpu.vector_store %arg9[%swap3A_1154, %swap3A_1155], %add3A_1153 {strides = array<i32>} : memref<32x768xf32, #tpu.memory_space<vmem>>, vector<16xf32>,
        %get3A_1157 = arith.index_cast %scan3A_86 : i32 to index
        %get3A_1158 = arith.constant 96 : index
        %get3A_1159 = tpu.vector_load %arg9[%get3A_1157, %get3A_1158] {strides = array<i32>} : memref<32x768xf32, #tpu.memory_space<vmem>>, vector<16xf32>,
        %sub3A_1160 = arith.subf %get3A_1159, %broadcast_in_dim3A_1018 : vector<16xf32>
        %mul3A_1161 = arith.mulf %sub3A_1160, %mul3A_1048 : vector<16xf32>
        %get3A_1162 = arith.constant 0 : i32
        %get3A_1163 = arith.index_cast %get3A_1162 : i32 to index
        %get3A_1164 = arith.constant 96 : index
        %get3A_1165 = tpu.vector_load %arg12[%get3A_1163, %get3A_1164] {strides = array<i32>} : memref<1x768xf32, #tpu.memory_space<vmem>>, vector<16xf32>,
        %mul3A_1166 = arith.mulf %mul3A_1161, %get3A_1165 : vector<16xf32>
        %get3A_1167 = arith.constant 0 : i32
        %get3A_1168 = arith.index_cast %get3A_1167 : i32 to index
        %get3A_1169 = arith.constant 96 : index
        %get3A_1170 = tpu.vector_load %arg13[%get3A_1168, %get3A_1169] {strides = array<i32>} : memref<1x768xf32, #tpu.memory_space<vmem>>, vector<16xf32>,
        %add3A_1171 = arith.addf %mul3A_1166, %get3A_1170 : vector<16xf32>
        %swap3A_1172 = arith.index_cast %scan3A_86 : i32 to index
        %swap3A_1173 = arith.constant 96 : index
        %swap3A_1174 = tpu.vector_load %arg9[%swap3A_1172, %swap3A_1173] {strides = array<i32>} : memref<32x768xf32, #tpu.memory_space<vmem>>, vector<16xf32>,
        tpu.vector_store %arg9[%swap3A_1172, %swap3A_1173], %add3A_1171 {strides = array<i32>} : memref<32x768xf32, #tpu.memory_space<vmem>>, vector<16xf32>,
        %get3A_1175 = arith.index_cast %scan3A_86 : i32 to index
        %get3A_1176 = arith.constant 112 : index
        %get3A_1177 = tpu.vector_load %arg9[%get3A_1175, %get3A_1176] {strides = array<i32>} : memref<32x768xf32, #tpu.memory_space<vmem>>, vector<16xf32>,
        %sub3A_1178 = arith.subf %get3A_1177, %broadcast_in_dim3A_1018 : vector<16xf32>
        %mul3A_1179 = arith.mulf %sub3A_1178, %mul3A_1048 : vector<16xf32>
        %get3A_1180 = arith.constant 0 : i32
        %get3A_1181 = arith.index_cast %get3A_1180 : i32 to index
        %get3A_1182 = arith.constant 112 : index
        %get3A_1183 = tpu.vector_load %arg12[%get3A_1181, %get3A_1182] {strides = array<i32>} : memref<1x768xf32, #tpu.memory_space<vmem>>, vector<16xf32>,
        %mul3A_1184 = arith.mulf %mul3A_1179, %get3A_1183 : vector<16xf32>
        %get3A_1185 = arith.constant 0 : i32
        %get3A_1186 = arith.index_cast %get3A_1185 : i32 to index
        %get3A_1187 = arith.constant 112 : index
        %get3A_1188 = tpu.vector_load %arg13[%get3A_1186, %get3A_1187] {strides = array<i32>} : memref<1x768xf32, #tpu.memory_space<vmem>>, vector<16xf32>,
        %add3A_1189 = arith.addf %mul3A_1184, %get3A_1188 : vector<16xf32>
        %swap3A_1190 = arith.index_cast %scan3A_86 : i32 to index
        %swap3A_1191 = arith.constant 112 : index
        %swap3A_1192 = tpu.vector_load %arg9[%swap3A_1190, %swap3A_1191] {strides = array<i32>} : memref<32x768xf32, #tpu.memory_space<vmem>>, vector<16xf32>,
        tpu.vector_store %arg9[%swap3A_1190, %swap3A_1191], %add3A_1189 {strides = array<i32>} : memref<32x768xf32, #tpu.memory_space<vmem>>, vector<16xf32>,
        %get3A_1193 = arith.index_cast %scan3A_86 : i32 to index
        %get3A_1194 = arith.constant 128 : index
        %get3A_1195 = tpu.vector_load %arg9[%get3A_1193, %get3A_1194] {strides = array<i32>} : memref<32x768xf32, #tpu.memory_space<vmem>>, vector<16xf32>,
        %sub3A_1196 = arith.subf %get3A_1195, %broadcast_in_dim3A_1018 : vector<16xf32>
        %mul3A_1197 = arith.mulf %sub3A_1196, %mul3A_1048 : vector<16xf32>
        %get3A_1198 = arith.constant 0 : i32
        %get3A_1199 = arith.index_cast %get3A_1198 : i32 to index
        %get3A_1200 = arith.constant 128 : index
        %get3A_1201 = tpu.vector_load %arg12[%get3A_1199, %get3A_1200] {strides = array<i32>} : memref<1x768xf32, #tpu.memory_space<vmem>>, vector<16xf32>,
        %mul3A_1202 = arith.mulf %mul3A_1197, %get3A_1201 : vector<16xf32>
        %get3A_1203 = arith.constant 0 : i32
        %get3A_1204 = arith.index_cast %get3A_1203 : i32 to index
        %get3A_1205 = arith.constant 128 : index
        %get3A_1206 = tpu.vector_load %arg13[%get3A_1204, %get3A_1205] {strides = array<i32>} : memref<1x768xf32, #tpu.memory_space<vmem>>, vector<16xf32>,
        %add3A_1207 = arith.addf %mul3A_1202, %get3A_1206 : vector<16xf32>
        %swap3A_1208 = arith.index_cast %scan3A_86 : i32 to index
        %swap3A_1209 = arith.constant 128 : index
        %swap3A_1210 = tpu.vector_load %arg9[%swap3A_1208, %swap3A_1209] {strides = array<i32>} : memref<32x768xf32, #tpu.memory_space<vmem>>, vector<16xf32>,
        tpu.vector_store %arg9[%swap3A_1208, %swap3A_1209], %add3A_1207 {strides = array<i32>} : memref<32x768xf32, #tpu.memory_space<vmem>>, vector<16xf32>,
        %get3A_1211 = arith.index_cast %scan3A_86 : i32 to index
        %get3A_1212 = arith.constant 144 : index
        %get3A_1213 = tpu.vector_load %arg9[%get3A_1211, %get3A_1212] {strides = array<i32>} : memref<32x768xf32, #tpu.memory_space<vmem>>, vector<16xf32>,
        %sub3A_1214 = arith.subf %get3A_1213, %broadcast_in_dim3A_1018 : vector<16xf32>
        %mul3A_1215 = arith.mulf %sub3A_1214, %mul3A_1048 : vector<16xf32>
        %get3A_1216 = arith.constant 0 : i32
        %get3A_1217 = arith.index_cast %get3A_1216 : i32 to index
        %get3A_1218 = arith.constant 144 : index
        %get3A_1219 = tpu.vector_load %arg12[%get3A_1217, %get3A_1218] {strides = array<i32>} : memref<1x768xf32, #tpu.memory_space<vmem>>, vector<16xf32>,
        %mul3A_1220 = arith.mulf %mul3A_1215, %get3A_1219 : vector<16xf32>
        %get3A_1221 = arith.constant 0 : i32
        %get3A_1222 = arith.index_cast %get3A_1221 : i32 to index
        %get3A_1223 = arith.constant 144 : index
        %get3A_1224 = tpu.vector_load %arg13[%get3A_1222, %get3A_1223] {strides = array<i32>} : memref<1x768xf32, #tpu.memory_space<vmem>>, vector<16xf32>,
        %add3A_1225 = arith.addf %mul3A_1220, %get3A_1224 : vector<16xf32>
        %swap3A_1226 = arith.index_cast %scan3A_86 : i32 to index
        %swap3A_1227 = arith.constant 144 : index
        %swap3A_1228 = tpu.vector_load %arg9[%swap3A_1226, %swap3A_1227] {strides = array<i32>} : memref<32x768xf32, #tpu.memory_space<vmem>>, vector<16xf32>,
        tpu.vector_store %arg9[%swap3A_1226, %swap3A_1227], %add3A_1225 {strides = array<i32>} : memref<32x768xf32, #tpu.memory_space<vmem>>, vector<16xf32>,
        %get3A_1229 = arith.index_cast %scan3A_86 : i32 to index
        %get3A_1230 = arith.constant 160 : index
        %get3A_1231 = tpu.vector_load %arg9[%get3A_1229, %get3A_1230] {strides = array<i32>} : memref<32x768xf32, #tpu.memory_space<vmem>>, vector<16xf32>,
        %sub3A_1232 = arith.subf %get3A_1231, %broadcast_in_dim3A_1018 : vector<16xf32>
        %mul3A_1233 = arith.mulf %sub3A_1232, %mul3A_1048 : vector<16xf32>
        %get3A_1234 = arith.constant 0 : i32
        %get3A_1235 = arith.index_cast %get3A_1234 : i32 to index
        %get3A_1236 = arith.constant 160 : index
        %get3A_1237 = tpu.vector_load %arg12[%get3A_1235, %get3A_1236] {strides = array<i32>} : memref<1x768xf32, #tpu.memory_space<vmem>>, vector<16xf32>,
        %mul3A_1238 = arith.mulf %mul3A_1233, %get3A_1237 : vector<16xf32>
        %get3A_1239 = arith.constant 0 : i32
        %get3A_1240 = arith.index_cast %get3A_1239 : i32 to index
        %get3A_1241 = arith.constant 160 : index
        %get3A_1242 = tpu.vector_load %arg13[%get3A_1240, %get3A_1241] {strides = array<i32>} : memref<1x768xf32, #tpu.memory_space<vmem>>, vector<16xf32>,
        %add3A_1243 = arith.addf %mul3A_1238, %get3A_1242 : vector<16xf32>
        %swap3A_1244 = arith.index_cast %scan3A_86 : i32 to index
        %swap3A_1245 = arith.constant 160 : index
        %swap3A_1246 = tpu.vector_load %arg9[%swap3A_1244, %swap3A_1245] {strides = array<i32>} : memref<32x768xf32, #tpu.memory_space<vmem>>, vector<16xf32>,
        tpu.vector_store %arg9[%swap3A_1244, %swap3A_1245], %add3A_1243 {strides = array<i32>} : memref<32x768xf32, #tpu.memory_space<vmem>>, vector<16xf32>,
        %get3A_1247 = arith.index_cast %scan3A_86 : i32 to index
        %get3A_1248 = arith.constant 176 : index
        %get3A_1249 = tpu.vector_load %arg9[%get3A_1247, %get3A_1248] {strides = array<i32>} : memref<32x768xf32, #tpu.memory_space<vmem>>, vector<16xf32>,
        %sub3A_1250 = arith.subf %get3A_1249, %broadcast_in_dim3A_1018 : vector<16xf32>
        %mul3A_1251 = arith.mulf %sub3A_1250, %mul3A_1048 : vector<16xf32>
        %get3A_1252 = arith.constant 0 : i32
        %get3A_1253 = arith.index_cast %get3A_1252 : i32 to index
        %get3A_1254 = arith.constant 176 : index
        %get3A_1255 = tpu.vector_load %arg12[%get3A_1253, %get3A_1254] {strides = array<i32>} : memref<1x768xf32, #tpu.memory_space<vmem>>, vector<16xf32>,
        %mul3A_1256 = arith.mulf %mul3A_1251, %get3A_1255 : vector<16xf32>
        %get3A_1257 = arith.constant 0 : i32
        %get3A_1258 = arith.index_cast %get3A_1257 : i32 to index
        %get3A_1259 = arith.constant 176 : index
        %get3A_1260 = tpu.vector_load %arg13[%get3A_1258, %get3A_1259] {strides = array<i32>} : memref<1x768xf32, #tpu.memory_space<vmem>>, vector<16xf32>,
        %add3A_1261 = arith.addf %mul3A_1256, %get3A_1260 : vector<16xf32>
        %swap3A_1262 = arith.index_cast %scan3A_86 : i32 to index
        %swap3A_1263 = arith.constant 176 : index
        %swap3A_1264 = tpu.vector_load %arg9[%swap3A_1262, %swap3A_1263] {strides = array<i32>} : memref<32x768xf32, #tpu.memory_space<vmem>>, vector<16xf32>,
        tpu.vector_store %arg9[%swap3A_1262, %swap3A_1263], %add3A_1261 {strides = array<i32>} : memref<32x768xf32, #tpu.memory_space<vmem>>, vector<16xf32>,
        %get3A_1265 = arith.index_cast %scan3A_86 : i32 to index
        %get3A_1266 = arith.constant 192 : index
        %get3A_1267 = tpu.vector_load %arg9[%get3A_1265, %get3A_1266] {strides = array<i32>} : memref<32x768xf32, #tpu.memory_space<vmem>>, vector<16xf32>,
        %sub3A_1268 = arith.subf %get3A_1267, %broadcast_in_dim3A_1018 : vector<16xf32>
        %mul3A_1269 = arith.mulf %sub3A_1268, %mul3A_1048 : vector<16xf32>
        %get3A_1270 = arith.constant 0 : i32
        %get3A_1271 = arith.index_cast %get3A_1270 : i32 to index
        %get3A_1272 = arith.constant 192 : index
        %get3A_1273 = tpu.vector_load %arg12[%get3A_1271, %get3A_1272] {strides = array<i32>} : memref<1x768xf32, #tpu.memory_space<vmem>>, vector<16xf32>,
        %mul3A_1274 = arith.mulf %mul3A_1269, %get3A_1273 : vector<16xf32>
        %get3A_1275 = arith.constant 0 : i32
        %get3A_1276 = arith.index_cast %get3A_1275 : i32 to index
        %get3A_1277 = arith.constant 192 : index
        %get3A_1278 = tpu.vector_load %arg13[%get3A_1276, %get3A_1277] {strides = array<i32>} : memref<1x768xf32, #tpu.memory_space<vmem>>, vector<16xf32>,
        %add3A_1279 = arith.addf %mul3A_1274, %get3A_1278 : vector<16xf32>
        %swap3A_1280 = arith.index_cast %scan3A_86 : i32 to index
        %swap3A_1281 = arith.constant 192 : index
        %swap3A_1282 = tpu.vector_load %arg9[%swap3A_1280, %swap3A_1281] {strides = array<i32>} : memref<32x768xf32, #tpu.memory_space<vmem>>, vector<16xf32>,
        tpu.vector_store %arg9[%swap3A_1280, %swap3A_1281], %add3A_1279 {strides = array<i32>} : memref<32x768xf32, #tpu.memory_space<vmem>>, vector<16xf32>,
        %get3A_1283 = arith.index_cast %scan3A_86 : i32 to index
        %get3A_1284 = arith.constant 208 : index
        %get3A_1285 = tpu.vector_load %arg9[%get3A_1283, %get3A_1284] {strides = array<i32>} : memref<32x768xf32, #tpu.memory_space<vmem>>, vector<16xf32>,
        %sub3A_1286 = arith.subf %get3A_1285, %broadcast_in_dim3A_1018 : vector<16xf32>
        %mul3A_1287 = arith.mulf %sub3A_1286, %mul3A_1048 : vector<16xf32>
        %get3A_1288 = arith.constant 0 : i32
        %get3A_1289 = arith.index_cast %get3A_1288 : i32 to index
        %get3A_1290 = arith.constant 208 : index
        %get3A_1291 = tpu.vector_load %arg12[%get3A_1289, %get3A_1290] {strides = array<i32>} : memref<1x768xf32, #tpu.memory_space<vmem>>, vector<16xf32>,
        %mul3A_1292 = arith.mulf %mul3A_1287, %get3A_1291 : vector<16xf32>
        %get3A_1293 = arith.constant 0 : i32
        %get3A_1294 = arith.index_cast %get3A_1293 : i32 to index
        %get3A_1295 = arith.constant 208 : index
        %get3A_1296 = tpu.vector_load %arg13[%get3A_1294, %get3A_1295] {strides = array<i32>} : memref<1x768xf32, #tpu.memory_space<vmem>>, vector<16xf32>,
        %add3A_1297 = arith.addf %mul3A_1292, %get3A_1296 : vector<16xf32>
        %swap3A_1298 = arith.index_cast %scan3A_86 : i32 to index
        %swap3A_1299 = arith.constant 208 : index
        %swap3A_1300 = tpu.vector_load %arg9[%swap3A_1298, %swap3A_1299] {strides = array<i32>} : memref<32x768xf32, #tpu.memory_space<vmem>>, vector<16xf32>,
        tpu.vector_store %arg9[%swap3A_1298, %swap3A_1299], %add3A_1297 {strides = array<i32>} : memref<32x768xf32, #tpu.memory_space<vmem>>, vector<16xf32>,
        %get3A_1301 = arith.index_cast %scan3A_86 : i32 to index
        %get3A_1302 = arith.constant 224 : index
        %get3A_1303 = tpu.vector_load %arg9[%get3A_1301, %get3A_1302] {strides = array<i32>} : memref<32x768xf32, #tpu.memory_space<vmem>>, vector<16xf32>,
        %sub3A_1304 = arith.subf %get3A_1303, %broadcast_in_dim3A_1018 : vector<16xf32>
        %mul3A_1305 = arith.mulf %sub3A_1304, %mul3A_1048 : vector<16xf32>
        %get3A_1306 = arith.constant 0 : i32
        %get3A_1307 = arith.index_cast %get3A_1306 : i32 to index
        %get3A_1308 = arith.constant 224 : index
        %get3A_1309 = tpu.vector_load %arg12[%get3A_1307, %get3A_1308] {strides = array<i32>} : memref<1x768xf32, #tpu.memory_space<vmem>>, vector<16xf32>,
        %mul3A_1310 = arith.mulf %mul3A_1305, %get3A_1309 : vector<16xf32>
        %get3A_1311 = arith.constant 0 : i32
        %get3A_1312 = arith.index_cast %get3A_1311 : i32 to index
        %get3A_1313 = arith.constant 224 : index
        %get3A_1314 = tpu.vector_load %arg13[%get3A_1312, %get3A_1313] {strides = array<i32>} : memref<1x768xf32, #tpu.memory_space<vmem>>, vector<16xf32>,
        %add3A_1315 = arith.addf %mul3A_1310, %get3A_1314 : vector<16xf32>
        %swap3A_1316 = arith.index_cast %scan3A_86 : i32 to index
        %swap3A_1317 = arith.constant 224 : index
        %swap3A_1318 = tpu.vector_load %arg9[%swap3A_1316, %swap3A_1317] {strides = array<i32>} : memref<32x768xf32, #tpu.memory_space<vmem>>, vector<16xf32>,
        tpu.vector_store %arg9[%swap3A_1316, %swap3A_1317], %add3A_1315 {strides = array<i32>} : memref<32x768xf32, #tpu.memory_space<vmem>>, vector<16xf32>,
        %get3A_1319 = arith.index_cast %scan3A_86 : i32 to index
        %get3A_1320 = arith.constant 240 : index
        %get3A_1321 = tpu.vector_load %arg9[%get3A_1319, %get3A_1320] {strides = array<i32>} : memref<32x768xf32, #tpu.memory_space<vmem>>, vector<16xf32>,
        %sub3A_1322 = arith.subf %get3A_1321, %broadcast_in_dim3A_1018 : vector<16xf32>
        %mul3A_1323 = arith.mulf %sub3A_1322, %mul3A_1048 : vector<16xf32>
        %get3A_1324 = arith.constant 0 : i32
        %get3A_1325 = arith.index_cast %get3A_1324 : i32 to index
        %get3A_1326 = arith.constant 240 : index
        %get3A_1327 = tpu.vector_load %arg12[%get3A_1325, %get3A_1326] {strides = array<i32>} : memref<1x768xf32, #tpu.memory_space<vmem>>, vector<16xf32>,
        %mul3A_1328 = arith.mulf %mul3A_1323, %get3A_1327 : vector<16xf32>
        %get3A_1329 = arith.constant 0 : i32
        %get3A_1330 = arith.index_cast %get3A_1329 : i32 to index
        %get3A_1331 = arith.constant 240 : index
        %get3A_1332 = tpu.vector_load %arg13[%get3A_1330, %get3A_1331] {strides = array<i32>} : memref<1x768xf32, #tpu.memory_space<vmem>>, vector<16xf32>,
        %add3A_1333 = arith.addf %mul3A_1328, %get3A_1332 : vector<16xf32>
        %swap3A_1334 = arith.index_cast %scan3A_86 : i32 to index
        %swap3A_1335 = arith.constant 240 : index
        %swap3A_1336 = tpu.vector_load %arg9[%swap3A_1334, %swap3A_1335] {strides = array<i32>} : memref<32x768xf32, #tpu.memory_space<vmem>>, vector<16xf32>,
        tpu.vector_store %arg9[%swap3A_1334, %swap3A_1335], %add3A_1333 {strides = array<i32>} : memref<32x768xf32, #tpu.memory_space<vmem>>, vector<16xf32>,
        %get3A_1337 = arith.index_cast %scan3A_86 : i32 to index
        %get3A_1338 = arith.constant 256 : index
        %get3A_1339 = tpu.vector_load %arg9[%get3A_1337, %get3A_1338] {strides = array<i32>} : memref<32x768xf32, #tpu.memory_space<vmem>>, vector<16xf32>,
        %sub3A_1340 = arith.subf %get3A_1339, %broadcast_in_dim3A_1018 : vector<16xf32>
        %mul3A_1341 = arith.mulf %sub3A_1340, %mul3A_1048 : vector<16xf32>
        %get3A_1342 = arith.constant 0 : i32
        %get3A_1343 = arith.index_cast %get3A_1342 : i32 to index
        %get3A_1344 = arith.constant 256 : index
        %get3A_1345 = tpu.vector_load %arg12[%get3A_1343, %get3A_1344] {strides = array<i32>} : memref<1x768xf32, #tpu.memory_space<vmem>>, vector<16xf32>,
        %mul3A_1346 = arith.mulf %mul3A_1341, %get3A_1345 : vector<16xf32>
        %get3A_1347 = arith.constant 0 : i32
        %get3A_1348 = arith.index_cast %get3A_1347 : i32 to index
        %get3A_1349 = arith.constant 256 : index
        %get3A_1350 = tpu.vector_load %arg13[%get3A_1348, %get3A_1349] {strides = array<i32>} : memref<1x768xf32, #tpu.memory_space<vmem>>, vector<16xf32>,
        %add3A_1351 = arith.addf %mul3A_1346, %get3A_1350 : vector<16xf32>
        %swap3A_1352 = arith.index_cast %scan3A_86 : i32 to index
        %swap3A_1353 = arith.constant 256 : index
        %swap3A_1354 = tpu.vector_load %arg9[%swap3A_1352, %swap3A_1353] {strides = array<i32>} : memref<32x768xf32, #tpu.memory_space<vmem>>, vector<16xf32>,
        tpu.vector_store %arg9[%swap3A_1352, %swap3A_1353], %add3A_1351 {strides = array<i32>} : memref<32x768xf32, #tpu.memory_space<vmem>>, vector<16xf32>,
        %get3A_1355 = arith.index_cast %scan3A_86 : i32 to index
        %get3A_1356 = arith.constant 272 : index
        %get3A_1357 = tpu.vector_load %arg9[%get3A_1355, %get3A_1356] {strides = array<i32>} : memref<32x768xf32, #tpu.memory_space<vmem>>, vector<16xf32>,
        %sub3A_1358 = arith.subf %get3A_1357, %broadcast_in_dim3A_1018 : vector<16xf32>
        %mul3A_1359 = arith.mulf %sub3A_1358, %mul3A_1048 : vector<16xf32>
        %get3A_1360 = arith.constant 0 : i32
        %get3A_1361 = arith.index_cast %get3A_1360 : i32 to index
        %get3A_1362 = arith.constant 272 : index
        %get3A_1363 = tpu.vector_load %arg12[%get3A_1361, %get3A_1362] {strides = array<i32>} : memref<1x768xf32, #tpu.memory_space<vmem>>, vector<16xf32>,
        %mul3A_1364 = arith.mulf %mul3A_1359, %get3A_1363 : vector<16xf32>
        %get3A_1365 = arith.constant 0 : i32
        %get3A_1366 = arith.index_cast %get3A_1365 : i32 to index
        %get3A_1367 = arith.constant 272 : index
        %get3A_1368 = tpu.vector_load %arg13[%get3A_1366, %get3A_1367] {strides = array<i32>} : memref<1x768xf32, #tpu.memory_space<vmem>>, vector<16xf32>,
        %add3A_1369 = arith.addf %mul3A_1364, %get3A_1368 : vector<16xf32>
        %swap3A_1370 = arith.index_cast %scan3A_86 : i32 to index
        %swap3A_1371 = arith.constant 272 : index
        %swap3A_1372 = tpu.vector_load %arg9[%swap3A_1370, %swap3A_1371] {strides = array<i32>} : memref<32x768xf32, #tpu.memory_space<vmem>>, vector<16xf32>,
        tpu.vector_store %arg9[%swap3A_1370, %swap3A_1371], %add3A_1369 {strides = array<i32>} : memref<32x768xf32, #tpu.memory_space<vmem>>, vector<16xf32>,
        %get3A_1373 = arith.index_cast %scan3A_86 : i32 to index
        %get3A_1374 = arith.constant 288 : index
        %get3A_1375 = tpu.vector_load %arg9[%get3A_1373, %get3A_1374] {strides = array<i32>} : memref<32x768xf32, #tpu.memory_space<vmem>>, vector<16xf32>,
        %sub3A_1376 = arith.subf %get3A_1375, %broadcast_in_dim3A_1018 : vector<16xf32>
        %mul3A_1377 = arith.mulf %sub3A_1376, %mul3A_1048 : vector<16xf32>
        %get3A_1378 = arith.constant 0 : i32
        %get3A_1379 = arith.index_cast %get3A_1378 : i32 to index
        %get3A_1380 = arith.constant 288 : index
        %get3A_1381 = tpu.vector_load %arg12[%get3A_1379, %get3A_1380] {strides = array<i32>} : memref<1x768xf32, #tpu.memory_space<vmem>>, vector<16xf32>,
        %mul3A_1382 = arith.mulf %mul3A_1377, %get3A_1381 : vector<16xf32>
        %get3A_1383 = arith.constant 0 : i32
        %get3A_1384 = arith.index_cast %get3A_1383 : i32 to index
        %get3A_1385 = arith.constant 288 : index
        %get3A_1386 = tpu.vector_load %arg13[%get3A_1384, %get3A_1385] {strides = array<i32>} : memref<1x768xf32, #tpu.memory_space<vmem>>, vector<16xf32>,
        %add3A_1387 = arith.addf %mul3A_1382, %get3A_1386 : vector<16xf32>
        %swap3A_1388 = arith.index_cast %scan3A_86 : i32 to index
        %swap3A_1389 = arith.constant 288 : index
        %swap3A_1390 = tpu.vector_load %arg9[%swap3A_1388, %swap3A_1389] {strides = array<i32>} : memref<32x768xf32, #tpu.memory_space<vmem>>, vector<16xf32>,
        tpu.vector_store %arg9[%swap3A_1388, %swap3A_1389], %add3A_1387 {strides = array<i32>} : memref<32x768xf32, #tpu.memory_space<vmem>>, vector<16xf32>,
        %get3A_1391 = arith.index_cast %scan3A_86 : i32 to index
        %get3A_1392 = arith.constant 304 : index
        %get3A_1393 = tpu.vector_load %arg9[%get3A_1391, %get3A_1392] {strides = array<i32>} : memref<32x768xf32, #tpu.memory_space<vmem>>, vector<16xf32>,
        %sub3A_1394 = arith.subf %get3A_1393, %broadcast_in_dim3A_1018 : vector<16xf32>
        %mul3A_1395 = arith.mulf %sub3A_1394, %mul3A_1048 : vector<16xf32>
        %get3A_1396 = arith.constant 0 : i32
        %get3A_1397 = arith.index_cast %get3A_1396 : i32 to index
        %get3A_1398 = arith.constant 304 : index
        %get3A_1399 = tpu.vector_load %arg12[%get3A_1397, %get3A_1398] {strides = array<i32>} : memref<1x768xf32, #tpu.memory_space<vmem>>, vector<16xf32>,
        %mul3A_1400 = arith.mulf %mul3A_1395, %get3A_1399 : vector<16xf32>
        %get3A_1401 = arith.constant 0 : i32
        %get3A_1402 = arith.index_cast %get3A_1401 : i32 to index
        %get3A_1403 = arith.constant 304 : index
        %get3A_1404 = tpu.vector_load %arg13[%get3A_1402, %get3A_1403] {strides = array<i32>} : memref<1x768xf32, #tpu.memory_space<vmem>>, vector<16xf32>,
        %add3A_1405 = arith.addf %mul3A_1400, %get3A_1404 : vector<16xf32>
        %swap3A_1406 = arith.index_cast %scan3A_86 : i32 to index
        %swap3A_1407 = arith.constant 304 : index
        %swap3A_1408 = tpu.vector_load %arg9[%swap3A_1406, %swap3A_1407] {strides = array<i32>} : memref<32x768xf32, #tpu.memory_space<vmem>>, vector<16xf32>,
        tpu.vector_store %arg9[%swap3A_1406, %swap3A_1407], %add3A_1405 {strides = array<i32>} : memref<32x768xf32, #tpu.memory_space<vmem>>, vector<16xf32>,
        %get3A_1409 = arith.index_cast %scan3A_86 : i32 to index
        %get3A_1410 = arith.constant 320 : index
        %get3A_1411 = tpu.vector_load %arg9[%get3A_1409, %get3A_1410] {strides = array<i32>} : memref<32x768xf32, #tpu.memory_space<vmem>>, vector<16xf32>,
        %sub3A_1412 = arith.subf %get3A_1411, %broadcast_in_dim3A_1018 : vector<16xf32>
        %mul3A_1413 = arith.mulf %sub3A_1412, %mul3A_1048 : vector<16xf32>
        %get3A_1414 = arith.constant 0 : i32
        %get3A_1415 = arith.index_cast %get3A_1414 : i32 to index
        %get3A_1416 = arith.constant 320 : index
        %get3A_1417 = tpu.vector_load %arg12[%get3A_1415, %get3A_1416] {strides = array<i32>} : memref<1x768xf32, #tpu.memory_space<vmem>>, vector<16xf32>,
        %mul3A_1418 = arith.mulf %mul3A_1413, %get3A_1417 : vector<16xf32>
        %get3A_1419 = arith.constant 0 : i32
        %get3A_1420 = arith.index_cast %get3A_1419 : i32 to index
        %get3A_1421 = arith.constant 320 : index
        %get3A_1422 = tpu.vector_load %arg13[%get3A_1420, %get3A_1421] {strides = array<i32>} : memref<1x768xf32, #tpu.memory_space<vmem>>, vector<16xf32>,
        %add3A_1423 = arith.addf %mul3A_1418, %get3A_1422 : vector<16xf32>
        %swap3A_1424 = arith.index_cast %scan3A_86 : i32 to index
        %swap3A_1425 = arith.constant 320 : index
        %swap3A_1426 = tpu.vector_load %arg9[%swap3A_1424, %swap3A_1425] {strides = array<i32>} : memref<32x768xf32, #tpu.memory_space<vmem>>, vector<16xf32>,
        tpu.vector_store %arg9[%swap3A_1424, %swap3A_1425], %add3A_1423 {strides = array<i32>} : memref<32x768xf32, #tpu.memory_space<vmem>>, vector<16xf32>,
        %get3A_1427 = arith.index_cast %scan3A_86 : i32 to index
        %get3A_1428 = arith.constant 336 : index
        %get3A_1429 = tpu.vector_load %arg9[%get3A_1427, %get3A_1428] {strides = array<i32>} : memref<32x768xf32, #tpu.memory_space<vmem>>, vector<16xf32>,
        %sub3A_1430 = arith.subf %get3A_1429, %broadcast_in_dim3A_1018 : vector<16xf32>
        %mul3A_1431 = arith.mulf %sub3A_1430, %mul3A_1048 : vector<16xf32>
        %get3A_1432 = arith.constant 0 : i32
        %get3A_1433 = arith.index_cast %get3A_1432 : i32 to index
        %get3A_1434 = arith.constant 336 : index
        %get3A_1435 = tpu.vector_load %arg12[%get3A_1433, %get3A_1434] {strides = array<i32>} : memref<1x768xf32, #tpu.memory_space<vmem>>, vector<16xf32>,
        %mul3A_1436 = arith.mulf %mul3A_1431, %get3A_1435 : vector<16xf32>
        %get3A_1437 = arith.constant 0 : i32
        %get3A_1438 = arith.index_cast %get3A_1437 : i32 to index
        %get3A_1439 = arith.constant 336 : index
        %get3A_1440 = tpu.vector_load %arg13[%get3A_1438, %get3A_1439] {strides = array<i32>} : memref<1x768xf32, #tpu.memory_space<vmem>>, vector<16xf32>,
        %add3A_1441 = arith.addf %mul3A_1436, %get3A_1440 : vector<16xf32>
        %swap3A_1442 = arith.index_cast %scan3A_86 : i32 to index
        %swap3A_1443 = arith.constant 336 : index
        %swap3A_1444 = tpu.vector_load %arg9[%swap3A_1442, %swap3A_1443] {strides = array<i32>} : memref<32x768xf32, #tpu.memory_space<vmem>>, vector<16xf32>,
        tpu.vector_store %arg9[%swap3A_1442, %swap3A_1443], %add3A_1441 {strides = array<i32>} : memref<32x768xf32, #tpu.memory_space<vmem>>, vector<16xf32>,
        %get3A_1445 = arith.index_cast %scan3A_86 : i32 to index
        %get3A_1446 = arith.constant 352 : index
        %get3A_1447 = tpu.vector_load %arg9[%get3A_1445, %get3A_1446] {strides = array<i32>} : memref<32x768xf32, #tpu.memory_space<vmem>>, vector<16xf32>,
        %sub3A_1448 = arith.subf %get3A_1447, %broadcast_in_dim3A_1018 : vector<16xf32>
        %mul3A_1449 = arith.mulf %sub3A_1448, %mul3A_1048 : vector<16xf32>
        %get3A_1450 = arith.constant 0 : i32
        %get3A_1451 = arith.index_cast %get3A_1450 : i32 to index
        %get3A_1452 = arith.constant 352 : index
        %get3A_1453 = tpu.vector_load %arg12[%get3A_1451, %get3A_1452] {strides = array<i32>} : memref<1x768xf32, #tpu.memory_space<vmem>>, vector<16xf32>,
        %mul3A_1454 = arith.mulf %mul3A_1449, %get3A_1453 : vector<16xf32>
        %get3A_1455 = arith.constant 0 : i32
        %get3A_1456 = arith.index_cast %get3A_1455 : i32 to index
        %get3A_1457 = arith.constant 352 : index
        %get3A_1458 = tpu.vector_load %arg13[%get3A_1456, %get3A_1457] {strides = array<i32>} : memref<1x768xf32, #tpu.memory_space<vmem>>, vector<16xf32>,
        %add3A_1459 = arith.addf %mul3A_1454, %get3A_1458 : vector<16xf32>
        %swap3A_1460 = arith.index_cast %scan3A_86 : i32 to index
        %swap3A_1461 = arith.constant 352 : index
        %swap3A_1462 = tpu.vector_load %arg9[%swap3A_1460, %swap3A_1461] {strides = array<i32>} : memref<32x768xf32, #tpu.memory_space<vmem>>, vector<16xf32>,
        tpu.vector_store %arg9[%swap3A_1460, %swap3A_1461], %add3A_1459 {strides = array<i32>} : memref<32x768xf32, #tpu.memory_space<vmem>>, vector<16xf32>,
        %get3A_1463 = arith.index_cast %scan3A_86 : i32 to index
        %get3A_1464 = arith.constant 368 : index
        %get3A_1465 = tpu.vector_load %arg9[%get3A_1463, %get3A_1464] {strides = array<i32>} : memref<32x768xf32, #tpu.memory_space<vmem>>, vector<16xf32>,
        %sub3A_1466 = arith.subf %get3A_1465, %broadcast_in_dim3A_1018 : vector<16xf32>
        %mul3A_1467 = arith.mulf %sub3A_1466, %mul3A_1048 : vector<16xf32>
        %get3A_1468 = arith.constant 0 : i32
        %get3A_1469 = arith.index_cast %get3A_1468 : i32 to index
        %get3A_1470 = arith.constant 368 : index
        %get3A_1471 = tpu.vector_load %arg12[%get3A_1469, %get3A_1470] {strides = array<i32>} : memref<1x768xf32, #tpu.memory_space<vmem>>, vector<16xf32>,
        %mul3A_1472 = arith.mulf %mul3A_1467, %get3A_1471 : vector<16xf32>
        %get3A_1473 = arith.constant 0 : i32
        %get3A_1474 = arith.index_cast %get3A_1473 : i32 to index
        %get3A_1475 = arith.constant 368 : index
        %get3A_1476 = tpu.vector_load %arg13[%get3A_1474, %get3A_1475] {strides = array<i32>} : memref<1x768xf32, #tpu.memory_space<vmem>>, vector<16xf32>,
        %add3A_1477 = arith.addf %mul3A_1472, %get3A_1476 : vector<16xf32>
        %swap3A_1478 = arith.index_cast %scan3A_86 : i32 to index
        %swap3A_1479 = arith.constant 368 : index
        %swap3A_1480 = tpu.vector_load %arg9[%swap3A_1478, %swap3A_1479] {strides = array<i32>} : memref<32x768xf32, #tpu.memory_space<vmem>>, vector<16xf32>,
        tpu.vector_store %arg9[%swap3A_1478, %swap3A_1479], %add3A_1477 {strides = array<i32>} : memref<32x768xf32, #tpu.memory_space<vmem>>, vector<16xf32>,
        %get3A_1481 = arith.index_cast %scan3A_86 : i32 to index
        %get3A_1482 = arith.constant 384 : index
        %get3A_1483 = tpu.vector_load %arg9[%get3A_1481, %get3A_1482] {strides = array<i32>} : memref<32x768xf32, #tpu.memory_space<vmem>>, vector<16xf32>,
        %sub3A_1484 = arith.subf %get3A_1483, %broadcast_in_dim3A_1018 : vector<16xf32>
        %mul3A_1485 = arith.mulf %sub3A_1484, %mul3A_1048 : vector<16xf32>
        %get3A_1486 = arith.constant 0 : i32
        %get3A_1487 = arith.index_cast %get3A_1486 : i32 to index
        %get3A_1488 = arith.constant 384 : index
        %get3A_1489 = tpu.vector_load %arg12[%get3A_1487, %get3A_1488] {strides = array<i32>} : memref<1x768xf32, #tpu.memory_space<vmem>>, vector<16xf32>,
        %mul3A_1490 = arith.mulf %mul3A_1485, %get3A_1489 : vector<16xf32>
        %get3A_1491 = arith.constant 0 : i32
        %get3A_1492 = arith.index_cast %get3A_1491 : i32 to index
        %get3A_1493 = arith.constant 384 : index
        %get3A_1494 = tpu.vector_load %arg13[%get3A_1492, %get3A_1493] {strides = array<i32>} : memref<1x768xf32, #tpu.memory_space<vmem>>, vector<16xf32>,
        %add3A_1495 = arith.addf %mul3A_1490, %get3A_1494 : vector<16xf32>
        %swap3A_1496 = arith.index_cast %scan3A_86 : i32 to index
        %swap3A_1497 = arith.constant 384 : index
        %swap3A_1498 = tpu.vector_load %arg9[%swap3A_1496, %swap3A_1497] {strides = array<i32>} : memref<32x768xf32, #tpu.memory_space<vmem>>, vector<16xf32>,
        tpu.vector_store %arg9[%swap3A_1496, %swap3A_1497], %add3A_1495 {strides = array<i32>} : memref<32x768xf32, #tpu.memory_space<vmem>>, vector<16xf32>,
        %get3A_1499 = arith.index_cast %scan3A_86 : i32 to index
        %get3A_1500 = arith.constant 400 : index
        %get3A_1501 = tpu.vector_load %arg9[%get3A_1499, %get3A_1500] {strides = array<i32>} : memref<32x768xf32, #tpu.memory_space<vmem>>, vector<16xf32>,
        %sub3A_1502 = arith.subf %get3A_1501, %broadcast_in_dim3A_1018 : vector<16xf32>
        %mul3A_1503 = arith.mulf %sub3A_1502, %mul3A_1048 : vector<16xf32>
        %get3A_1504 = arith.constant 0 : i32
        %get3A_1505 = arith.index_cast %get3A_1504 : i32 to index
        %get3A_1506 = arith.constant 400 : index
        %get3A_1507 = tpu.vector_load %arg12[%get3A_1505, %get3A_1506] {strides = array<i32>} : memref<1x768xf32, #tpu.memory_space<vmem>>, vector<16xf32>,
        %mul3A_1508 = arith.mulf %mul3A_1503, %get3A_1507 : vector<16xf32>
        %get3A_1509 = arith.constant 0 : i32
        %get3A_1510 = arith.index_cast %get3A_1509 : i32 to index
        %get3A_1511 = arith.constant 400 : index
        %get3A_1512 = tpu.vector_load %arg13[%get3A_1510, %get3A_1511] {strides = array<i32>} : memref<1x768xf32, #tpu.memory_space<vmem>>, vector<16xf32>,
        %add3A_1513 = arith.addf %mul3A_1508, %get3A_1512 : vector<16xf32>
        %swap3A_1514 = arith.index_cast %scan3A_86 : i32 to index
        %swap3A_1515 = arith.constant 400 : index
        %swap3A_1516 = tpu.vector_load %arg9[%swap3A_1514, %swap3A_1515] {strides = array<i32>} : memref<32x768xf32, #tpu.memory_space<vmem>>, vector<16xf32>,
        tpu.vector_store %arg9[%swap3A_1514, %swap3A_1515], %add3A_1513 {strides = array<i32>} : memref<32x768xf32, #tpu.memory_space<vmem>>, vector<16xf32>,
        %get3A_1517 = arith.index_cast %scan3A_86 : i32 to index
        %get3A_1518 = arith.constant 416 : index
        %get3A_1519 = tpu.vector_load %arg9[%get3A_1517, %get3A_1518] {strides = array<i32>} : memref<32x768xf32, #tpu.memory_space<vmem>>, vector<16xf32>,
        %sub3A_1520 = arith.subf %get3A_1519, %broadcast_in_dim3A_1018 : vector<16xf32>
        %mul3A_1521 = arith.mulf %sub3A_1520, %mul3A_1048 : vector<16xf32>
        %get3A_1522 = arith.constant 0 : i32
        %get3A_1523 = arith.index_cast %get3A_1522 : i32 to index
        %get3A_1524 = arith.constant 416 : index
        %get3A_1525 = tpu.vector_load %arg12[%get3A_1523, %get3A_1524] {strides = array<i32>} : memref<1x768xf32, #tpu.memory_space<vmem>>, vector<16xf32>,
        %mul3A_1526 = arith.mulf %mul3A_1521, %get3A_1525 : vector<16xf32>
        %get3A_1527 = arith.constant 0 : i32
        %get3A_1528 = arith.index_cast %get3A_1527 : i32 to index
        %get3A_1529 = arith.constant 416 : index
        %get3A_1530 = tpu.vector_load %arg13[%get3A_1528, %get3A_1529] {strides = array<i32>} : memref<1x768xf32, #tpu.memory_space<vmem>>, vector<16xf32>,
        %add3A_1531 = arith.addf %mul3A_1526, %get3A_1530 : vector<16xf32>
        %swap3A_1532 = arith.index_cast %scan3A_86 : i32 to index
        %swap3A_1533 = arith.constant 416 : index
        %swap3A_1534 = tpu.vector_load %arg9[%swap3A_1532, %swap3A_1533] {strides = array<i32>} : memref<32x768xf32, #tpu.memory_space<vmem>>, vector<16xf32>,
        tpu.vector_store %arg9[%swap3A_1532, %swap3A_1533], %add3A_1531 {strides = array<i32>} : memref<32x768xf32, #tpu.memory_space<vmem>>, vector<16xf32>,
        %get3A_1535 = arith.index_cast %scan3A_86 : i32 to index
        %get3A_1536 = arith.constant 432 : index
        %get3A_1537 = tpu.vector_load %arg9[%get3A_1535, %get3A_1536] {strides = array<i32>} : memref<32x768xf32, #tpu.memory_space<vmem>>, vector<16xf32>,
        %sub3A_1538 = arith.subf %get3A_1537, %broadcast_in_dim3A_1018 : vector<16xf32>
        %mul3A_1539 = arith.mulf %sub3A_1538, %mul3A_1048 : vector<16xf32>
        %get3A_1540 = arith.constant 0 : i32
        %get3A_1541 = arith.index_cast %get3A_1540 : i32 to index
        %get3A_1542 = arith.constant 432 : index
        %get3A_1543 = tpu.vector_load %arg12[%get3A_1541, %get3A_1542] {strides = array<i32>} : memref<1x768xf32, #tpu.memory_space<vmem>>, vector<16xf32>,
        %mul3A_1544 = arith.mulf %mul3A_1539, %get3A_1543 : vector<16xf32>
        %get3A_1545 = arith.constant 0 : i32
        %get3A_1546 = arith.index_cast %get3A_1545 : i32 to index
        %get3A_1547 = arith.constant 432 : index
        %get3A_1548 = tpu.vector_load %arg13[%get3A_1546, %get3A_1547] {strides = array<i32>} : memref<1x768xf32, #tpu.memory_space<vmem>>, vector<16xf32>,
        %add3A_1549 = arith.addf %mul3A_1544, %get3A_1548 : vector<16xf32>
        %swap3A_1550 = arith.index_cast %scan3A_86 : i32 to index
        %swap3A_1551 = arith.constant 432 : index
        %swap3A_1552 = tpu.vector_load %arg9[%swap3A_1550, %swap3A_1551] {strides = array<i32>} : memref<32x768xf32, #tpu.memory_space<vmem>>, vector<16xf32>,
        tpu.vector_store %arg9[%swap3A_1550, %swap3A_1551], %add3A_1549 {strides = array<i32>} : memref<32x768xf32, #tpu.memory_space<vmem>>, vector<16xf32>,
        %get3A_1553 = arith.index_cast %scan3A_86 : i32 to index
        %get3A_1554 = arith.constant 448 : index
        %get3A_1555 = tpu.vector_load %arg9[%get3A_1553, %get3A_1554] {strides = array<i32>} : memref<32x768xf32, #tpu.memory_space<vmem>>, vector<16xf32>,
        %sub3A_1556 = arith.subf %get3A_1555, %broadcast_in_dim3A_1018 : vector<16xf32>
        %mul3A_1557 = arith.mulf %sub3A_1556, %mul3A_1048 : vector<16xf32>
        %get3A_1558 = arith.constant 0 : i32
        %get3A_1559 = arith.index_cast %get3A_1558 : i32 to index
        %get3A_1560 = arith.constant 448 : index
        %get3A_1561 = tpu.vector_load %arg12[%get3A_1559, %get3A_1560] {strides = array<i32>} : memref<1x768xf32, #tpu.memory_space<vmem>>, vector<16xf32>,
        %mul3A_1562 = arith.mulf %mul3A_1557, %get3A_1561 : vector<16xf32>
        %get3A_1563 = arith.constant 0 : i32
        %get3A_1564 = arith.index_cast %get3A_1563 : i32 to index
        %get3A_1565 = arith.constant 448 : index
        %get3A_1566 = tpu.vector_load %arg13[%get3A_1564, %get3A_1565] {strides = array<i32>} : memref<1x768xf32, #tpu.memory_space<vmem>>, vector<16xf32>,
        %add3A_1567 = arith.addf %mul3A_1562, %get3A_1566 : vector<16xf32>
        %swap3A_1568 = arith.index_cast %scan3A_86 : i32 to index
        %swap3A_1569 = arith.constant 448 : index
        %swap3A_1570 = tpu.vector_load %arg9[%swap3A_1568, %swap3A_1569] {strides = array<i32>} : memref<32x768xf32, #tpu.memory_space<vmem>>, vector<16xf32>,
        tpu.vector_store %arg9[%swap3A_1568, %swap3A_1569], %add3A_1567 {strides = array<i32>} : memref<32x768xf32, #tpu.memory_space<vmem>>, vector<16xf32>,
        %get3A_1571 = arith.index_cast %scan3A_86 : i32 to index
        %get3A_1572 = arith.constant 464 : index
        %get3A_1573 = tpu.vector_load %arg9[%get3A_1571, %get3A_1572] {strides = array<i32>} : memref<32x768xf32, #tpu.memory_space<vmem>>, vector<16xf32>,
        %sub3A_1574 = arith.subf %get3A_1573, %broadcast_in_dim3A_1018 : vector<16xf32>
        %mul3A_1575 = arith.mulf %sub3A_1574, %mul3A_1048 : vector<16xf32>
        %get3A_1576 = arith.constant 0 : i32
        %get3A_1577 = arith.index_cast %get3A_1576 : i32 to index
        %get3A_1578 = arith.constant 464 : index
        %get3A_1579 = tpu.vector_load %arg12[%get3A_1577, %get3A_1578] {strides = array<i32>} : memref<1x768xf32, #tpu.memory_space<vmem>>, vector<16xf32>,
        %mul3A_1580 = arith.mulf %mul3A_1575, %get3A_1579 : vector<16xf32>
        %get3A_1581 = arith.constant 0 : i32
        %get3A_1582 = arith.index_cast %get3A_1581 : i32 to index
        %get3A_1583 = arith.constant 464 : index
        %get3A_1584 = tpu.vector_load %arg13[%get3A_1582, %get3A_1583] {strides = array<i32>} : memref<1x768xf32, #tpu.memory_space<vmem>>, vector<16xf32>,
        %add3A_1585 = arith.addf %mul3A_1580, %get3A_1584 : vector<16xf32>
        %swap3A_1586 = arith.index_cast %scan3A_86 : i32 to index
        %swap3A_1587 = arith.constant 464 : index
        %swap3A_1588 = tpu.vector_load %arg9[%swap3A_1586, %swap3A_1587] {strides = array<i32>} : memref<32x768xf32, #tpu.memory_space<vmem>>, vector<16xf32>,
        tpu.vector_store %arg9[%swap3A_1586, %swap3A_1587], %add3A_1585 {strides = array<i32>} : memref<32x768xf32, #tpu.memory_space<vmem>>, vector<16xf32>,
        %get3A_1589 = arith.index_cast %scan3A_86 : i32 to index
        %get3A_1590 = arith.constant 480 : index
        %get3A_1591 = tpu.vector_load %arg9[%get3A_1589, %get3A_1590] {strides = array<i32>} : memref<32x768xf32, #tpu.memory_space<vmem>>, vector<16xf32>,
        %sub3A_1592 = arith.subf %get3A_1591, %broadcast_in_dim3A_1018 : vector<16xf32>
        %mul3A_1593 = arith.mulf %sub3A_1592, %mul3A_1048 : vector<16xf32>
        %get3A_1594 = arith.constant 0 : i32
        %get3A_1595 = arith.index_cast %get3A_1594 : i32 to index
        %get3A_1596 = arith.constant 480 : index
        %get3A_1597 = tpu.vector_load %arg12[%get3A_1595, %get3A_1596] {strides = array<i32>} : memref<1x768xf32, #tpu.memory_space<vmem>>, vector<16xf32>,
        %mul3A_1598 = arith.mulf %mul3A_1593, %get3A_1597 : vector<16xf32>
        %get3A_1599 = arith.constant 0 : i32
        %get3A_1600 = arith.index_cast %get3A_1599 : i32 to index
        %get3A_1601 = arith.constant 480 : index
        %get3A_1602 = tpu.vector_load %arg13[%get3A_1600, %get3A_1601] {strides = array<i32>} : memref<1x768xf32, #tpu.memory_space<vmem>>, vector<16xf32>,
        %add3A_1603 = arith.addf %mul3A_1598, %get3A_1602 : vector<16xf32>
        %swap3A_1604 = arith.index_cast %scan3A_86 : i32 to index
        %swap3A_1605 = arith.constant 480 : index
        %swap3A_1606 = tpu.vector_load %arg9[%swap3A_1604, %swap3A_1605] {strides = array<i32>} : memref<32x768xf32, #tpu.memory_space<vmem>>, vector<16xf32>,
        tpu.vector_store %arg9[%swap3A_1604, %swap3A_1605], %add3A_1603 {strides = array<i32>} : memref<32x768xf32, #tpu.memory_space<vmem>>, vector<16xf32>,
        %get3A_1607 = arith.index_cast %scan3A_86 : i32 to index
        %get3A_1608 = arith.constant 496 : index
        %get3A_1609 = tpu.vector_load %arg9[%get3A_1607, %get3A_1608] {strides = array<i32>} : memref<32x768xf32, #tpu.memory_space<vmem>>, vector<16xf32>,
        %sub3A_1610 = arith.subf %get3A_1609, %broadcast_in_dim3A_1018 : vector<16xf32>
        %mul3A_1611 = arith.mulf %sub3A_1610, %mul3A_1048 : vector<16xf32>
        %get3A_1612 = arith.constant 0 : i32
        %get3A_1613 = arith.index_cast %get3A_1612 : i32 to index
        %get3A_1614 = arith.constant 496 : index
        %get3A_1615 = tpu.vector_load %arg12[%get3A_1613, %get3A_1614] {strides = array<i32>} : memref<1x768xf32, #tpu.memory_space<vmem>>, vector<16xf32>,
        %mul3A_1616 = arith.mulf %mul3A_1611, %get3A_1615 : vector<16xf32>
        %get3A_1617 = arith.constant 0 : i32
        %get3A_1618 = arith.index_cast %get3A_1617 : i32 to index
        %get3A_1619 = arith.constant 496 : index
        %get3A_1620 = tpu.vector_load %arg13[%get3A_1618, %get3A_1619] {strides = array<i32>} : memref<1x768xf32, #tpu.memory_space<vmem>>, vector<16xf32>,
        %add3A_1621 = arith.addf %mul3A_1616, %get3A_1620 : vector<16xf32>
        %swap3A_1622 = arith.index_cast %scan3A_86 : i32 to index
        %swap3A_1623 = arith.constant 496 : index
        %swap3A_1624 = tpu.vector_load %arg9[%swap3A_1622, %swap3A_1623] {strides = array<i32>} : memref<32x768xf32, #tpu.memory_space<vmem>>, vector<16xf32>,
        tpu.vector_store %arg9[%swap3A_1622, %swap3A_1623], %add3A_1621 {strides = array<i32>} : memref<32x768xf32, #tpu.memory_space<vmem>>, vector<16xf32>,
        %get3A_1625 = arith.index_cast %scan3A_86 : i32 to index
        %get3A_1626 = arith.constant 512 : index
        %get3A_1627 = tpu.vector_load %arg9[%get3A_1625, %get3A_1626] {strides = array<i32>} : memref<32x768xf32, #tpu.memory_space<vmem>>, vector<16xf32>,
        %sub3A_1628 = arith.subf %get3A_1627, %broadcast_in_dim3A_1018 : vector<16xf32>
        %mul3A_1629 = arith.mulf %sub3A_1628, %mul3A_1048 : vector<16xf32>
        %get3A_1630 = arith.constant 0 : i32
        %get3A_1631 = arith.index_cast %get3A_1630 : i32 to index
        %get3A_1632 = arith.constant 512 : index
        %get3A_1633 = tpu.vector_load %arg12[%get3A_1631, %get3A_1632] {strides = array<i32>} : memref<1x768xf32, #tpu.memory_space<vmem>>, vector<16xf32>,
        %mul3A_1634 = arith.mulf %mul3A_1629, %get3A_1633 : vector<16xf32>
        %get3A_1635 = arith.constant 0 : i32
        %get3A_1636 = arith.index_cast %get3A_1635 : i32 to index
        %get3A_1637 = arith.constant 512 : index
        %get3A_1638 = tpu.vector_load %arg13[%get3A_1636, %get3A_1637] {strides = array<i32>} : memref<1x768xf32, #tpu.memory_space<vmem>>, vector<16xf32>,
        %add3A_1639 = arith.addf %mul3A_1634, %get3A_1638 : vector<16xf32>
        %swap3A_1640 = arith.index_cast %scan3A_86 : i32 to index
        %swap3A_1641 = arith.constant 512 : index
        %swap3A_1642 = tpu.vector_load %arg9[%swap3A_1640, %swap3A_1641] {strides = array<i32>} : memref<32x768xf32, #tpu.memory_space<vmem>>, vector<16xf32>,
        tpu.vector_store %arg9[%swap3A_1640, %swap3A_1641], %add3A_1639 {strides = array<i32>} : memref<32x768xf32, #tpu.memory_space<vmem>>, vector<16xf32>,
        %get3A_1643 = arith.index_cast %scan3A_86 : i32 to index
        %get3A_1644 = arith.constant 528 : index
        %get3A_1645 = tpu.vector_load %arg9[%get3A_1643, %get3A_1644] {strides = array<i32>} : memref<32x768xf32, #tpu.memory_space<vmem>>, vector<16xf32>,
        %sub3A_1646 = arith.subf %get3A_1645, %broadcast_in_dim3A_1018 : vector<16xf32>
        %mul3A_1647 = arith.mulf %sub3A_1646, %mul3A_1048 : vector<16xf32>
        %get3A_1648 = arith.constant 0 : i32
        %get3A_1649 = arith.index_cast %get3A_1648 : i32 to index
        %get3A_1650 = arith.constant 528 : index
        %get3A_1651 = tpu.vector_load %arg12[%get3A_1649, %get3A_1650] {strides = array<i32>} : memref<1x768xf32, #tpu.memory_space<vmem>>, vector<16xf32>,
        %mul3A_1652 = arith.mulf %mul3A_1647, %get3A_1651 : vector<16xf32>
        %get3A_1653 = arith.constant 0 : i32
        %get3A_1654 = arith.index_cast %get3A_1653 : i32 to index
        %get3A_1655 = arith.constant 528 : index
        %get3A_1656 = tpu.vector_load %arg13[%get3A_1654, %get3A_1655] {strides = array<i32>} : memref<1x768xf32, #tpu.memory_space<vmem>>, vector<16xf32>,
        %add3A_1657 = arith.addf %mul3A_1652, %get3A_1656 : vector<16xf32>
        %swap3A_1658 = arith.index_cast %scan3A_86 : i32 to index
        %swap3A_1659 = arith.constant 528 : index
        %swap3A_1660 = tpu.vector_load %arg9[%swap3A_1658, %swap3A_1659] {strides = array<i32>} : memref<32x768xf32, #tpu.memory_space<vmem>>, vector<16xf32>,
        tpu.vector_store %arg9[%swap3A_1658, %swap3A_1659], %add3A_1657 {strides = array<i32>} : memref<32x768xf32, #tpu.memory_space<vmem>>, vector<16xf32>,
        %get3A_1661 = arith.index_cast %scan3A_86 : i32 to index
        %get3A_1662 = arith.constant 544 : index
        %get3A_1663 = tpu.vector_load %arg9[%get3A_1661, %get3A_1662] {strides = array<i32>} : memref<32x768xf32, #tpu.memory_space<vmem>>, vector<16xf32>,
        %sub3A_1664 = arith.subf %get3A_1663, %broadcast_in_dim3A_1018 : vector<16xf32>
        %mul3A_1665 = arith.mulf %sub3A_1664, %mul3A_1048 : vector<16xf32>
        %get3A_1666 = arith.constant 0 : i32
        %get3A_1667 = arith.index_cast %get3A_1666 : i32 to index
        %get3A_1668 = arith.constant 544 : index
        %get3A_1669 = tpu.vector_load %arg12[%get3A_1667, %get3A_1668] {strides = array<i32>} : memref<1x768xf32, #tpu.memory_space<vmem>>, vector<16xf32>,
        %mul3A_1670 = arith.mulf %mul3A_1665, %get3A_1669 : vector<16xf32>
        %get3A_1671 = arith.constant 0 : i32
        %get3A_1672 = arith.index_cast %get3A_1671 : i32 to index
        %get3A_1673 = arith.constant 544 : index
        %get3A_1674 = tpu.vector_load %arg13[%get3A_1672, %get3A_1673] {strides = array<i32>} : memref<1x768xf32, #tpu.memory_space<vmem>>, vector<16xf32>,
        %add3A_1675 = arith.addf %mul3A_1670, %get3A_1674 : vector<16xf32>
        %swap3A_1676 = arith.index_cast %scan3A_86 : i32 to index
        %swap3A_1677 = arith.constant 544 : index
        %swap3A_1678 = tpu.vector_load %arg9[%swap3A_1676, %swap3A_1677] {strides = array<i32>} : memref<32x768xf32, #tpu.memory_space<vmem>>, vector<16xf32>,
        tpu.vector_store %arg9[%swap3A_1676, %swap3A_1677], %add3A_1675 {strides = array<i32>} : memref<32x768xf32, #tpu.memory_space<vmem>>, vector<16xf32>,
        %get3A_1679 = arith.index_cast %scan3A_86 : i32 to index
        %get3A_1680 = arith.constant 560 : index
        %get3A_1681 = tpu.vector_load %arg9[%get3A_1679, %get3A_1680] {strides = array<i32>} : memref<32x768xf32, #tpu.memory_space<vmem>>, vector<16xf32>,
        %sub3A_1682 = arith.subf %get3A_1681, %broadcast_in_dim3A_1018 : vector<16xf32>
        %mul3A_1683 = arith.mulf %sub3A_1682, %mul3A_1048 : vector<16xf32>
        %get3A_1684 = arith.constant 0 : i32
        %get3A_1685 = arith.index_cast %get3A_1684 : i32 to index
        %get3A_1686 = arith.constant 560 : index
        %get3A_1687 = tpu.vector_load %arg12[%get3A_1685, %get3A_1686] {strides = array<i32>} : memref<1x768xf32, #tpu.memory_space<vmem>>, vector<16xf32>,
        %mul3A_1688 = arith.mulf %mul3A_1683, %get3A_1687 : vector<16xf32>
        %get3A_1689 = arith.constant 0 : i32
        %get3A_1690 = arith.index_cast %get3A_1689 : i32 to index
        %get3A_1691 = arith.constant 560 : index
        %get3A_1692 = tpu.vector_load %arg13[%get3A_1690, %get3A_1691] {strides = array<i32>} : memref<1x768xf32, #tpu.memory_space<vmem>>, vector<16xf32>,
        %add3A_1693 = arith.addf %mul3A_1688, %get3A_1692 : vector<16xf32>
        %swap3A_1694 = arith.index_cast %scan3A_86 : i32 to index
        %swap3A_1695 = arith.constant 560 : index
        %swap3A_1696 = tpu.vector_load %arg9[%swap3A_1694, %swap3A_1695] {strides = array<i32>} : memref<32x768xf32, #tpu.memory_space<vmem>>, vector<16xf32>,
        tpu.vector_store %arg9[%swap3A_1694, %swap3A_1695], %add3A_1693 {strides = array<i32>} : memref<32x768xf32, #tpu.memory_space<vmem>>, vector<16xf32>,
        %get3A_1697 = arith.index_cast %scan3A_86 : i32 to index
        %get3A_1698 = arith.constant 576 : index
        %get3A_1699 = tpu.vector_load %arg9[%get3A_1697, %get3A_1698] {strides = array<i32>} : memref<32x768xf32, #tpu.memory_space<vmem>>, vector<16xf32>,
        %sub3A_1700 = arith.subf %get3A_1699, %broadcast_in_dim3A_1018 : vector<16xf32>
        %mul3A_1701 = arith.mulf %sub3A_1700, %mul3A_1048 : vector<16xf32>
        %get3A_1702 = arith.constant 0 : i32
        %get3A_1703 = arith.index_cast %get3A_1702 : i32 to index
        %get3A_1704 = arith.constant 576 : index
        %get3A_1705 = tpu.vector_load %arg12[%get3A_1703, %get3A_1704] {strides = array<i32>} : memref<1x768xf32, #tpu.memory_space<vmem>>, vector<16xf32>,
        %mul3A_1706 = arith.mulf %mul3A_1701, %get3A_1705 : vector<16xf32>
        %get3A_1707 = arith.constant 0 : i32
        %get3A_1708 = arith.index_cast %get3A_1707 : i32 to index
        %get3A_1709 = arith.constant 576 : index
        %get3A_1710 = tpu.vector_load %arg13[%get3A_1708, %get3A_1709] {strides = array<i32>} : memref<1x768xf32, #tpu.memory_space<vmem>>, vector<16xf32>,
        %add3A_1711 = arith.addf %mul3A_1706, %get3A_1710 : vector<16xf32>
        %swap3A_1712 = arith.index_cast %scan3A_86 : i32 to index
        %swap3A_1713 = arith.constant 576 : index
        %swap3A_1714 = tpu.vector_load %arg9[%swap3A_1712, %swap3A_1713] {strides = array<i32>} : memref<32x768xf32, #tpu.memory_space<vmem>>, vector<16xf32>,
        tpu.vector_store %arg9[%swap3A_1712, %swap3A_1713], %add3A_1711 {strides = array<i32>} : memref<32x768xf32, #tpu.memory_space<vmem>>, vector<16xf32>,
        %get3A_1715 = arith.index_cast %scan3A_86 : i32 to index
        %get3A_1716 = arith.constant 592 : index
        %get3A_1717 = tpu.vector_load %arg9[%get3A_1715, %get3A_1716] {strides = array<i32>} : memref<32x768xf32, #tpu.memory_space<vmem>>, vector<16xf32>,
        %sub3A_1718 = arith.subf %get3A_1717, %broadcast_in_dim3A_1018 : vector<16xf32>
        %mul3A_1719 = arith.mulf %sub3A_1718, %mul3A_1048 : vector<16xf32>
        %get3A_1720 = arith.constant 0 : i32
        %get3A_1721 = arith.index_cast %get3A_1720 : i32 to index
        %get3A_1722 = arith.constant 592 : index
        %get3A_1723 = tpu.vector_load %arg12[%get3A_1721, %get3A_1722] {strides = array<i32>} : memref<1x768xf32, #tpu.memory_space<vmem>>, vector<16xf32>,
        %mul3A_1724 = arith.mulf %mul3A_1719, %get3A_1723 : vector<16xf32>
        %get3A_1725 = arith.constant 0 : i32
        %get3A_1726 = arith.index_cast %get3A_1725 : i32 to index
        %get3A_1727 = arith.constant 592 : index
        %get3A_1728 = tpu.vector_load %arg13[%get3A_1726, %get3A_1727] {strides = array<i32>} : memref<1x768xf32, #tpu.memory_space<vmem>>, vector<16xf32>,
        %add3A_1729 = arith.addf %mul3A_1724, %get3A_1728 : vector<16xf32>
        %swap3A_1730 = arith.index_cast %scan3A_86 : i32 to index
        %swap3A_1731 = arith.constant 592 : index
        %swap3A_1732 = tpu.vector_load %arg9[%swap3A_1730, %swap3A_1731] {strides = array<i32>} : memref<32x768xf32, #tpu.memory_space<vmem>>, vector<16xf32>,
        tpu.vector_store %arg9[%swap3A_1730, %swap3A_1731], %add3A_1729 {strides = array<i32>} : memref<32x768xf32, #tpu.memory_space<vmem>>, vector<16xf32>,
        %get3A_1733 = arith.index_cast %scan3A_86 : i32 to index
        %get3A_1734 = arith.constant 608 : index
        %get3A_1735 = tpu.vector_load %arg9[%get3A_1733, %get3A_1734] {strides = array<i32>} : memref<32x768xf32, #tpu.memory_space<vmem>>, vector<16xf32>,
        %sub3A_1736 = arith.subf %get3A_1735, %broadcast_in_dim3A_1018 : vector<16xf32>
        %mul3A_1737 = arith.mulf %sub3A_1736, %mul3A_1048 : vector<16xf32>
        %get3A_1738 = arith.constant 0 : i32
        %get3A_1739 = arith.index_cast %get3A_1738 : i32 to index
        %get3A_1740 = arith.constant 608 : index
        %get3A_1741 = tpu.vector_load %arg12[%get3A_1739, %get3A_1740] {strides = array<i32>} : memref<1x768xf32, #tpu.memory_space<vmem>>, vector<16xf32>,
        %mul3A_1742 = arith.mulf %mul3A_1737, %get3A_1741 : vector<16xf32>
        %get3A_1743 = arith.constant 0 : i32
        %get3A_1744 = arith.index_cast %get3A_1743 : i32 to index
        %get3A_1745 = arith.constant 608 : index
        %get3A_1746 = tpu.vector_load %arg13[%get3A_1744, %get3A_1745] {strides = array<i32>} : memref<1x768xf32, #tpu.memory_space<vmem>>, vector<16xf32>,
        %add3A_1747 = arith.addf %mul3A_1742, %get3A_1746 : vector<16xf32>
        %swap3A_1748 = arith.index_cast %scan3A_86 : i32 to index
        %swap3A_1749 = arith.constant 608 : index
        %swap3A_1750 = tpu.vector_load %arg9[%swap3A_1748, %swap3A_1749] {strides = array<i32>} : memref<32x768xf32, #tpu.memory_space<vmem>>, vector<16xf32>,
        tpu.vector_store %arg9[%swap3A_1748, %swap3A_1749], %add3A_1747 {strides = array<i32>} : memref<32x768xf32, #tpu.memory_space<vmem>>, vector<16xf32>,
        %get3A_1751 = arith.index_cast %scan3A_86 : i32 to index
        %get3A_1752 = arith.constant 624 : index
        %get3A_1753 = tpu.vector_load %arg9[%get3A_1751, %get3A_1752] {strides = array<i32>} : memref<32x768xf32, #tpu.memory_space<vmem>>, vector<16xf32>,
        %sub3A_1754 = arith.subf %get3A_1753, %broadcast_in_dim3A_1018 : vector<16xf32>
        %mul3A_1755 = arith.mulf %sub3A_1754, %mul3A_1048 : vector<16xf32>
        %get3A_1756 = arith.constant 0 : i32
        %get3A_1757 = arith.index_cast %get3A_1756 : i32 to index
        %get3A_1758 = arith.constant 624 : index
        %get3A_1759 = tpu.vector_load %arg12[%get3A_1757, %get3A_1758] {strides = array<i32>} : memref<1x768xf32, #tpu.memory_space<vmem>>, vector<16xf32>,
        %mul3A_1760 = arith.mulf %mul3A_1755, %get3A_1759 : vector<16xf32>
        %get3A_1761 = arith.constant 0 : i32
        %get3A_1762 = arith.index_cast %get3A_1761 : i32 to index
        %get3A_1763 = arith.constant 624 : index
        %get3A_1764 = tpu.vector_load %arg13[%get3A_1762, %get3A_1763] {strides = array<i32>} : memref<1x768xf32, #tpu.memory_space<vmem>>, vector<16xf32>,
        %add3A_1765 = arith.addf %mul3A_1760, %get3A_1764 : vector<16xf32>
        %swap3A_1766 = arith.index_cast %scan3A_86 : i32 to index
        %swap3A_1767 = arith.constant 624 : index
        %swap3A_1768 = tpu.vector_load %arg9[%swap3A_1766, %swap3A_1767] {strides = array<i32>} : memref<32x768xf32, #tpu.memory_space<vmem>>, vector<16xf32>,
        tpu.vector_store %arg9[%swap3A_1766, %swap3A_1767], %add3A_1765 {strides = array<i32>} : memref<32x768xf32, #tpu.memory_space<vmem>>, vector<16xf32>,
        %get3A_1769 = arith.index_cast %scan3A_86 : i32 to index
        %get3A_1770 = arith.constant 640 : index
        %get3A_1771 = tpu.vector_load %arg9[%get3A_1769, %get3A_1770] {strides = array<i32>} : memref<32x768xf32, #tpu.memory_space<vmem>>, vector<16xf32>,
        %sub3A_1772 = arith.subf %get3A_1771, %broadcast_in_dim3A_1018 : vector<16xf32>
        %mul3A_1773 = arith.mulf %sub3A_1772, %mul3A_1048 : vector<16xf32>
        %get3A_1774 = arith.constant 0 : i32
        %get3A_1775 = arith.index_cast %get3A_1774 : i32 to index
        %get3A_1776 = arith.constant 640 : index
        %get3A_1777 = tpu.vector_load %arg12[%get3A_1775, %get3A_1776] {strides = array<i32>} : memref<1x768xf32, #tpu.memory_space<vmem>>, vector<16xf32>,
        %mul3A_1778 = arith.mulf %mul3A_1773, %get3A_1777 : vector<16xf32>
        %get3A_1779 = arith.constant 0 : i32
        %get3A_1780 = arith.index_cast %get3A_1779 : i32 to index
        %get3A_1781 = arith.constant 640 : index
        %get3A_1782 = tpu.vector_load %arg13[%get3A_1780, %get3A_1781] {strides = array<i32>} : memref<1x768xf32, #tpu.memory_space<vmem>>, vector<16xf32>,
        %add3A_1783 = arith.addf %mul3A_1778, %get3A_1782 : vector<16xf32>
        %swap3A_1784 = arith.index_cast %scan3A_86 : i32 to index
        %swap3A_1785 = arith.constant 640 : index
        %swap3A_1786 = tpu.vector_load %arg9[%swap3A_1784, %swap3A_1785] {strides = array<i32>} : memref<32x768xf32, #tpu.memory_space<vmem>>, vector<16xf32>,
        tpu.vector_store %arg9[%swap3A_1784, %swap3A_1785], %add3A_1783 {strides = array<i32>} : memref<32x768xf32, #tpu.memory_space<vmem>>, vector<16xf32>,
        %get3A_1787 = arith.index_cast %scan3A_86 : i32 to index
        %get3A_1788 = arith.constant 656 : index
        %get3A_1789 = tpu.vector_load %arg9[%get3A_1787, %get3A_1788] {strides = array<i32>} : memref<32x768xf32, #tpu.memory_space<vmem>>, vector<16xf32>,
        %sub3A_1790 = arith.subf %get3A_1789, %broadcast_in_dim3A_1018 : vector<16xf32>
        %mul3A_1791 = arith.mulf %sub3A_1790, %mul3A_1048 : vector<16xf32>
        %get3A_1792 = arith.constant 0 : i32
        %get3A_1793 = arith.index_cast %get3A_1792 : i32 to index
        %get3A_1794 = arith.constant 656 : index
        %get3A_1795 = tpu.vector_load %arg12[%get3A_1793, %get3A_1794] {strides = array<i32>} : memref<1x768xf32, #tpu.memory_space<vmem>>, vector<16xf32>,
        %mul3A_1796 = arith.mulf %mul3A_1791, %get3A_1795 : vector<16xf32>
        %get3A_1797 = arith.constant 0 : i32
        %get3A_1798 = arith.index_cast %get3A_1797 : i32 to index
        %get3A_1799 = arith.constant 656 : index
        %get3A_1800 = tpu.vector_load %arg13[%get3A_1798, %get3A_1799] {strides = array<i32>} : memref<1x768xf32, #tpu.memory_space<vmem>>, vector<16xf32>,
        %add3A_1801 = arith.addf %mul3A_1796, %get3A_1800 : vector<16xf32>
        %swap3A_1802 = arith.index_cast %scan3A_86 : i32 to index
        %swap3A_1803 = arith.constant 656 : index
        %swap3A_1804 = tpu.vector_load %arg9[%swap3A_1802, %swap3A_1803] {strides = array<i32>} : memref<32x768xf32, #tpu.memory_space<vmem>>, vector<16xf32>,
        tpu.vector_store %arg9[%swap3A_1802, %swap3A_1803], %add3A_1801 {strides = array<i32>} : memref<32x768xf32, #tpu.memory_space<vmem>>, vector<16xf32>,
        %get3A_1805 = arith.index_cast %scan3A_86 : i32 to index
        %get3A_1806 = arith.constant 672 : index
        %get3A_1807 = tpu.vector_load %arg9[%get3A_1805, %get3A_1806] {strides = array<i32>} : memref<32x768xf32, #tpu.memory_space<vmem>>, vector<16xf32>,
        %sub3A_1808 = arith.subf %get3A_1807, %broadcast_in_dim3A_1018 : vector<16xf32>
        %mul3A_1809 = arith.mulf %sub3A_1808, %mul3A_1048 : vector<16xf32>
        %get3A_1810 = arith.constant 0 : i32
        %get3A_1811 = arith.index_cast %get3A_1810 : i32 to index
        %get3A_1812 = arith.constant 672 : index
        %get3A_1813 = tpu.vector_load %arg12[%get3A_1811, %get3A_1812] {strides = array<i32>} : memref<1x768xf32, #tpu.memory_space<vmem>>, vector<16xf32>,
        %mul3A_1814 = arith.mulf %mul3A_1809, %get3A_1813 : vector<16xf32>
        %get3A_1815 = arith.constant 0 : i32
        %get3A_1816 = arith.index_cast %get3A_1815 : i32 to index
        %get3A_1817 = arith.constant 672 : index
        %get3A_1818 = tpu.vector_load %arg13[%get3A_1816, %get3A_1817] {strides = array<i32>} : memref<1x768xf32, #tpu.memory_space<vmem>>, vector<16xf32>,
        %add3A_1819 = arith.addf %mul3A_1814, %get3A_1818 : vector<16xf32>
        %swap3A_1820 = arith.index_cast %scan3A_86 : i32 to index
        %swap3A_1821 = arith.constant 672 : index
        %swap3A_1822 = tpu.vector_load %arg9[%swap3A_1820, %swap3A_1821] {strides = array<i32>} : memref<32x768xf32, #tpu.memory_space<vmem>>, vector<16xf32>,
        tpu.vector_store %arg9[%swap3A_1820, %swap3A_1821], %add3A_1819 {strides = array<i32>} : memref<32x768xf32, #tpu.memory_space<vmem>>, vector<16xf32>,
        %get3A_1823 = arith.index_cast %scan3A_86 : i32 to index
        %get3A_1824 = arith.constant 688 : index
        %get3A_1825 = tpu.vector_load %arg9[%get3A_1823, %get3A_1824] {strides = array<i32>} : memref<32x768xf32, #tpu.memory_space<vmem>>, vector<16xf32>,
        %sub3A_1826 = arith.subf %get3A_1825, %broadcast_in_dim3A_1018 : vector<16xf32>
        %mul3A_1827 = arith.mulf %sub3A_1826, %mul3A_1048 : vector<16xf32>
        %get3A_1828 = arith.constant 0 : i32
        %get3A_1829 = arith.index_cast %get3A_1828 : i32 to index
        %get3A_1830 = arith.constant 688 : index
        %get3A_1831 = tpu.vector_load %arg12[%get3A_1829, %get3A_1830] {strides = array<i32>} : memref<1x768xf32, #tpu.memory_space<vmem>>, vector<16xf32>,
        %mul3A_1832 = arith.mulf %mul3A_1827, %get3A_1831 : vector<16xf32>
        %get3A_1833 = arith.constant 0 : i32
        %get3A_1834 = arith.index_cast %get3A_1833 : i32 to index
        %get3A_1835 = arith.constant 688 : index
        %get3A_1836 = tpu.vector_load %arg13[%get3A_1834, %get3A_1835] {strides = array<i32>} : memref<1x768xf32, #tpu.memory_space<vmem>>, vector<16xf32>,
        %add3A_1837 = arith.addf %mul3A_1832, %get3A_1836 : vector<16xf32>
        %swap3A_1838 = arith.index_cast %scan3A_86 : i32 to index
        %swap3A_1839 = arith.constant 688 : index
        %swap3A_1840 = tpu.vector_load %arg9[%swap3A_1838, %swap3A_1839] {strides = array<i32>} : memref<32x768xf32, #tpu.memory_space<vmem>>, vector<16xf32>,
        tpu.vector_store %arg9[%swap3A_1838, %swap3A_1839], %add3A_1837 {strides = array<i32>} : memref<32x768xf32, #tpu.memory_space<vmem>>, vector<16xf32>,
        %get3A_1841 = arith.index_cast %scan3A_86 : i32 to index
        %get3A_1842 = arith.constant 704 : index
        %get3A_1843 = tpu.vector_load %arg9[%get3A_1841, %get3A_1842] {strides = array<i32>} : memref<32x768xf32, #tpu.memory_space<vmem>>, vector<16xf32>,
        %sub3A_1844 = arith.subf %get3A_1843, %broadcast_in_dim3A_1018 : vector<16xf32>
        %mul3A_1845 = arith.mulf %sub3A_1844, %mul3A_1048 : vector<16xf32>
        %get3A_1846 = arith.constant 0 : i32
        %get3A_1847 = arith.index_cast %get3A_1846 : i32 to index
        %get3A_1848 = arith.constant 704 : index
        %get3A_1849 = tpu.vector_load %arg12[%get3A_1847, %get3A_1848] {strides = array<i32>} : memref<1x768xf32, #tpu.memory_space<vmem>>, vector<16xf32>,
        %mul3A_1850 = arith.mulf %mul3A_1845, %get3A_1849 : vector<16xf32>
        %get3A_1851 = arith.constant 0 : i32
        %get3A_1852 = arith.index_cast %get3A_1851 : i32 to index
        %get3A_1853 = arith.constant 704 : index
        %get3A_1854 = tpu.vector_load %arg13[%get3A_1852, %get3A_1853] {strides = array<i32>} : memref<1x768xf32, #tpu.memory_space<vmem>>, vector<16xf32>,
        %add3A_1855 = arith.addf %mul3A_1850, %get3A_1854 : vector<16xf32>
        %swap3A_1856 = arith.index_cast %scan3A_86 : i32 to index
        %swap3A_1857 = arith.constant 704 : index
        %swap3A_1858 = tpu.vector_load %arg9[%swap3A_1856, %swap3A_1857] {strides = array<i32>} : memref<32x768xf32, #tpu.memory_space<vmem>>, vector<16xf32>,
        tpu.vector_store %arg9[%swap3A_1856, %swap3A_1857], %add3A_1855 {strides = array<i32>} : memref<32x768xf32, #tpu.memory_space<vmem>>, vector<16xf32>,
        %get3A_1859 = arith.index_cast %scan3A_86 : i32 to index
        %get3A_1860 = arith.constant 720 : index
        %get3A_1861 = tpu.vector_load %arg9[%get3A_1859, %get3A_1860] {strides = array<i32>} : memref<32x768xf32, #tpu.memory_space<vmem>>, vector<16xf32>,
        %sub3A_1862 = arith.subf %get3A_1861, %broadcast_in_dim3A_1018 : vector<16xf32>
        %mul3A_1863 = arith.mulf %sub3A_1862, %mul3A_1048 : vector<16xf32>
        %get3A_1864 = arith.constant 0 : i32
        %get3A_1865 = arith.index_cast %get3A_1864 : i32 to index
        %get3A_1866 = arith.constant 720 : index
        %get3A_1867 = tpu.vector_load %arg12[%get3A_1865, %get3A_1866] {strides = array<i32>} : memref<1x768xf32, #tpu.memory_space<vmem>>, vector<16xf32>,
        %mul3A_1868 = arith.mulf %mul3A_1863, %get3A_1867 : vector<16xf32>
        %get3A_1869 = arith.constant 0 : i32
        %get3A_1870 = arith.index_cast %get3A_1869 : i32 to index
        %get3A_1871 = arith.constant 720 : index
        %get3A_1872 = tpu.vector_load %arg13[%get3A_1870, %get3A_1871] {strides = array<i32>} : memref<1x768xf32, #tpu.memory_space<vmem>>, vector<16xf32>,
        %add3A_1873 = arith.addf %mul3A_1868, %get3A_1872 : vector<16xf32>
        %swap3A_1874 = arith.index_cast %scan3A_86 : i32 to index
        %swap3A_1875 = arith.constant 720 : index
        %swap3A_1876 = tpu.vector_load %arg9[%swap3A_1874, %swap3A_1875] {strides = array<i32>} : memref<32x768xf32, #tpu.memory_space<vmem>>, vector<16xf32>,
        tpu.vector_store %arg9[%swap3A_1874, %swap3A_1875], %add3A_1873 {strides = array<i32>} : memref<32x768xf32, #tpu.memory_space<vmem>>, vector<16xf32>,
        %get3A_1877 = arith.index_cast %scan3A_86 : i32 to index
        %get3A_1878 = arith.constant 736 : index
        %get3A_1879 = tpu.vector_load %arg9[%get3A_1877, %get3A_1878] {strides = array<i32>} : memref<32x768xf32, #tpu.memory_space<vmem>>, vector<16xf32>,
        %sub3A_1880 = arith.subf %get3A_1879, %broadcast_in_dim3A_1018 : vector<16xf32>
        %mul3A_1881 = arith.mulf %sub3A_1880, %mul3A_1048 : vector<16xf32>
        %get3A_1882 = arith.constant 0 : i32
        %get3A_1883 = arith.index_cast %get3A_1882 : i32 to index
        %get3A_1884 = arith.constant 736 : index
        %get3A_1885 = tpu.vector_load %arg12[%get3A_1883, %get3A_1884] {strides = array<i32>} : memref<1x768xf32, #tpu.memory_space<vmem>>, vector<16xf32>,
        %mul3A_1886 = arith.mulf %mul3A_1881, %get3A_1885 : vector<16xf32>
        %get3A_1887 = arith.constant 0 : i32
        %get3A_1888 = arith.index_cast %get3A_1887 : i32 to index
        %get3A_1889 = arith.constant 736 : index
        %get3A_1890 = tpu.vector_load %arg13[%get3A_1888, %get3A_1889] {strides = array<i32>} : memref<1x768xf32, #tpu.memory_space<vmem>>, vector<16xf32>,
        %add3A_1891 = arith.addf %mul3A_1886, %get3A_1890 : vector<16xf32>
        %swap3A_1892 = arith.index_cast %scan3A_86 : i32 to index
        %swap3A_1893 = arith.constant 736 : index
        %swap3A_1894 = tpu.vector_load %arg9[%swap3A_1892, %swap3A_1893] {strides = array<i32>} : memref<32x768xf32, #tpu.memory_space<vmem>>, vector<16xf32>,
        tpu.vector_store %arg9[%swap3A_1892, %swap3A_1893], %add3A_1891 {strides = array<i32>} : memref<32x768xf32, #tpu.memory_space<vmem>>, vector<16xf32>,
        %get3A_1895 = arith.index_cast %scan3A_86 : i32 to index
        %get3A_1896 = arith.constant 752 : index
        %get3A_1897 = tpu.vector_load %arg9[%get3A_1895, %get3A_1896] {strides = array<i32>} : memref<32x768xf32, #tpu.memory_space<vmem>>, vector<16xf32>,
        %sub3A_1898 = arith.subf %get3A_1897, %broadcast_in_dim3A_1018 : vector<16xf32>
        %mul3A_1899 = arith.mulf %sub3A_1898, %mul3A_1048 : vector<16xf32>
        %get3A_1900 = arith.constant 0 : i32
        %get3A_1901 = arith.index_cast %get3A_1900 : i32 to index
        %get3A_1902 = arith.constant 752 : index
        %get3A_1903 = tpu.vector_load %arg12[%get3A_1901, %get3A_1902] {strides = array<i32>} : memref<1x768xf32, #tpu.memory_space<vmem>>, vector<16xf32>,
        %mul3A_1904 = arith.mulf %mul3A_1899, %get3A_1903 : vector<16xf32>
        %get3A_1905 = arith.constant 0 : i32
        %get3A_1906 = arith.index_cast %get3A_1905 : i32 to index
        %get3A_1907 = arith.constant 752 : index
        %get3A_1908 = tpu.vector_load %arg13[%get3A_1906, %get3A_1907] {strides = array<i32>} : memref<1x768xf32, #tpu.memory_space<vmem>>, vector<16xf32>,
        %add3A_1909 = arith.addf %mul3A_1904, %get3A_1908 : vector<16xf32>
        %swap3A_1910 = arith.index_cast %scan3A_86 : i32 to index
        %swap3A_1911 = arith.constant 752 : index
        %swap3A_1912 = tpu.vector_load %arg9[%swap3A_1910, %swap3A_1911] {strides = array<i32>} : memref<32x768xf32, #tpu.memory_space<vmem>>, vector<16xf32>,
        tpu.vector_store %arg9[%swap3A_1910, %swap3A_1911], %add3A_1909 {strides = array<i32>} : memref<32x768xf32, #tpu.memory_space<vmem>>, vector<16xf32>,
      }
      %scan3A_69 = arith.constant 32 : i32
      %sub3A_70 = arith.constant 28672 : i32
      %sub3A_71 = arith.subi %add3A_4, %sub3A_70 : i32
      %mul3A_72 = arith.constant 32 : i32
      %mul3A_73 = arith.muli %add3A_60, %mul3A_72 : i32
      %add3A_74 = arith.addi %sub3A_71, %mul3A_73 : i32
      %dma_start3A_75 = arith.constant 0 : i32
      %dma_start3A_76 = tpu.memref_slice %arg7[%add3A_74, %dma_start3A_75] : memref<4096x768xf32, #tpu.memory_space<hbm>> -> memref<32x768xf32, #tpu.memory_space<hbm>>
      %dma_start3A_77 = arith.constant 0 : i32
      %dma_start3A_78 = tpu.memref_slice %arg7[%add3A_74, %dma_start3A_77] : memref<4096x768xf32, #tpu.memory_space<hbm>> -> memref<32x768xf32, #tpu.memory_space<hbm>>
      tpu.enqueue_dma source(%arg9 : memref<32x768xf32, #tpu.memory_space<vmem>>) target(%dma_start3A_78 : memref<32x768xf32, #tpu.memory_space<hbm>>) target_semaphore(%arg17 : memref<!tpu.dma_semaphore, #tpu.memory_space<semaphore_mem>>)
      %add3A_79 = arith.constant 2 : i32
      %add3A_80 = arith.addi %add3A_60, %add3A_79 : i32
      %lt3A_81 = arith.constant 4 : i32
      %lt3A_82 = arith.cmpi slt, %add3A_80, %lt3A_81 : i32
      %convert_element_type3A_83 = arith.extui %lt3A_82 : i1 to i32
      %cond3A_84 = arith.constant 0 : i32
      %cond3A_85 = arith.cmpi ne, %convert_element_type3A_83, %cond3A_84 : i32
      scf.if %cond3A_85 {
        %sub3A_86 = arith.constant 28672 : i32
        %sub3A_87 = arith.subi %add3A_4, %sub3A_86 : i32
        %dma_wait3A_88 = arith.constant 0 : i32
        %dma_wait3A_89 = tpu.memref_slice %arg7[%sub3A_87, %dma_wait3A_88] : memref<4096x768xf32, #tpu.memory_space<hbm>> -> memref<32x768xf32, #tpu.memory_space<hbm>>
        %dma_wait3A_90 = arith.constant 0 : i32
        %dma_wait3A_91 = tpu.memref_slice %arg7[%sub3A_87, %dma_wait3A_90] : memref<4096x768xf32, #tpu.memory_space<hbm>> -> memref<32x768xf32, #tpu.memory_space<hbm>>
        tpu.wait_dma2 semaphore(%arg17 : memref<!tpu.dma_semaphore, #tpu.memory_space<semaphore_mem>>) src(%arg9 : memref<32x768xf32, #tpu.memory_space<vmem>>) dst(%dma_wait3A_91 : memref<32x768xf32, #tpu.memory_space<hbm>>)
        %add3A_92 = arith.constant 2 : i32
        %add3A_93 = arith.addi %add3A_60, %add3A_92 : i32
        %mul3A_94 = arith.constant 32 : i32
        %mul3A_95 = arith.muli %add3A_93, %mul3A_94 : i32
        %add3A_96 = arith.addi %add3A_4, %mul3A_95 : i32
        %dma_start3A_97 = arith.constant 0 : i32
        %dma_start3A_98 = tpu.memref_slice %arg2[%add3A_96, %dma_start3A_97] : memref<32768x768xf32, #tpu.memory_space<hbm>> -> memref<32x768xf32, #tpu.memory_space<hbm>>
        %dma_start3A_99 = arith.constant 0 : i32
        %dma_start3A_100 = tpu.memref_slice %arg2[%add3A_96, %dma_start3A_99] : memref<32768x768xf32, #tpu.memory_space<hbm>> -> memref<32x768xf32, #tpu.memory_space<hbm>>
        tpu.enqueue_dma source(%dma_start3A_100 : memref<32x768xf32, #tpu.memory_space<hbm>>) target(%arg9 : memref<32x768xf32, #tpu.memory_space<vmem>>) target_semaphore(%arg15 : memref<!tpu.dma_semaphore, #tpu.memory_space<semaphore_mem>>)
      } else {
      }
    }
    %scan3A_19 = arith.constant 2 : i32
    %sub3A = arith.constant 28672 : i32
    %sub3A_20 = arith.subi %add3A_4, %sub3A : i32
    %dma_wait3A = arith.constant 0 : i32
    %dma_wait3A_21 = tpu.memref_slice %arg7[%sub3A_20, %dma_wait3A] : memref<4096x768xf32, #tpu.memory_space<hbm>> -> memref<32x768xf32, #tpu.memory_space<hbm>>
    %dma_wait3A_22 = arith.constant 0 : i32
    %dma_wait3A_23 = tpu.memref_slice %arg7[%sub3A_20, %dma_wait3A_22] : memref<4096x768xf32, #tpu.memory_space<hbm>> -> memref<32x768xf32, #tpu.memory_space<hbm>>
    tpu.wait_dma2 semaphore(%arg16 : memref<!tpu.dma_semaphore, #tpu.memory_space<semaphore_mem>>) src(%arg8 : memref<32x768xf32, #tpu.memory_space<vmem>>) dst(%dma_wait3A_23 : memref<32x768xf32, #tpu.memory_space<hbm>>)
    %sub3A_24 = arith.constant 28672 : i32
    %sub3A_25 = arith.subi %add3A_4, %sub3A_24 : i32
    %dma_wait3A_26 = arith.constant 0 : i32
    %dma_wait3A_27 = tpu.memref_slice %arg7[%sub3A_25, %dma_wait3A_26] : memref<4096x768xf32, #tpu.memory_space<hbm>> -> memref<32x768xf32, #tpu.memory_space<hbm>>
    %dma_wait3A_28 = arith.constant 0 : i32
    %dma_wait3A_29 = tpu.memref_slice %arg7[%sub3A_25, %dma_wait3A_28] : memref<4096x768xf32, #tpu.memory_space<hbm>> -> memref<32x768xf32, #tpu.memory_space<hbm>>
    tpu.wait_dma2 semaphore(%arg17 : memref<!tpu.dma_semaphore, #tpu.memory_space<semaphore_mem>>) src(%arg9 : memref<32x768xf32, #tpu.memory_space<vmem>>) dst(%dma_wait3A_29 : memref<32x768xf32, #tpu.memory_space<hbm>>)
    return
  }
}

module attributes {stable_mosaic.version = 14 : i64} {
  func.func @_ln_body(%arg0: i32, %arg1: memref<1x1x2048xi32, #tpu.memory_space<vmem>>, %arg2: memref<2048x768xf32, #tpu.memory_space<vmem>>, %arg3: memref<2x768xf32, #tpu.memory_space<vmem>>, %arg4: memref<1x768xf32, #tpu.memory_space<vmem>>, %arg5: memref<1x768xf32, #tpu.memory_space<vmem>>, %arg6: memref<2048x768xf32, #tpu.memory_space<vmem>>) attributes {dimension_semantics = [#tpu.dimension_semantics<arbitrary>], iteration_bounds = array<i64: 14>, scalar_prefetch = 0 : i64, scratch_operands = 0 : i64, tpu.core_type = #tpu.core_type<tc>, window_params = [{transform_indices = @transform_0, window_bounds = array<i64: 1, 1, 2048>}, {transform_indices = @transform_1, window_bounds = array<i64: 2048, 768>}, {pipeline_mode = #tpu.pipeline_mode<synchronous>, transform_indices = @transform_2, window_bounds = array<i64: 2, 768>}, {pipeline_mode = #tpu.pipeline_mode<synchronous>, transform_indices = @transform_3, window_bounds = array<i64: 1, 768>}, {pipeline_mode = #tpu.pipeline_mode<synchronous>, transform_indices = @transform_4, window_bounds = array<i64: 1, 768>}, {transform_indices = @transform_5, window_bounds = array<i64: 2048, 768>}]} {
    %get3A = arith.constant 0 : index
    %get3A_0 = arith.constant 0 : index
    %get3A_1 = arith.constant 0 : index
    %get3A_2 = vector.load %arg1[%get3A, %get3A_0, %get3A_1] : memref<1x1x2048xi32, #tpu.memory_space<vmem>>, vector<1x1x2048xi32>
    %get3A_3 = vector.shape_cast %get3A_2 : vector<1x1x2048xi32> to vector<1x2048xi32>
    %reshape3A = vector.shape_cast %get3A_3 : vector<1x2048xi32> to vector<2048x1xi32>
    %get3A_4 = arith.constant 0 : index
    %get3A_5 = arith.constant 0 : index
    %get3A_6 = vector.load %arg2[%get3A_4, %get3A_5] : memref<2048x768xf32, #tpu.memory_space<vmem>>, vector<2048x768xf32>
    %get3A_7 = arith.constant 0 : index
    %get3A_8 = arith.constant 0 : index
    %get3A_9 = vector.load %arg3[%get3A_7, %get3A_8] : memref<2x768xf32, #tpu.memory_space<vmem>>, vector<1x768xf32>
    %get3A_10 = arith.constant 1 : index
    %get3A_11 = arith.constant 0 : index
    %get3A_12 = vector.load %arg3[%get3A_10, %get3A_11] : memref<2x768xf32, #tpu.memory_space<vmem>>, vector<1x768xf32>
    %eq3A = arith.constant 1 : i32
    %eq3A_13 = vector.broadcast %eq3A : i32 to vector<2048x1xi32>
    %eq3A_14 = arith.cmpi eq, %reshape3A, %eq3A_13 : vector<2048x1xi32>
    %broadcast_in_dim3A = vector.shape_cast %eq3A_14 : vector<2048x1xi1> to vector<2048x1xi1>
    %broadcast_in_dim3A_15 = vector.broadcast %broadcast_in_dim3A : vector<2048x1xi1> to vector<2048x768xi1>
    %broadcast_in_dim3A_16 = vector.shape_cast %get3A_12 : vector<1x768xf32> to vector<1x768xf32>
    %broadcast_in_dim3A_17 = vector.broadcast %broadcast_in_dim3A_16 : vector<1x768xf32> to vector<2048x768xf32>
    %broadcast_in_dim3A_18 = vector.shape_cast %get3A_9 : vector<1x768xf32> to vector<1x768xf32>
    %broadcast_in_dim3A_19 = vector.broadcast %broadcast_in_dim3A_18 : vector<1x768xf32> to vector<2048x768xf32>
    %select_n3A = arith.select %broadcast_in_dim3A_15, %broadcast_in_dim3A_17, %broadcast_in_dim3A_19 : vector<2048x768xi1>, vector<2048x768xf32>
    %add3A = arith.addf %get3A_6, %select_n3A : vector<2048x768xf32>
    %reduce_sum3A = arith.constant dense<0.000000e+00> : vector<2048xf32>
    %reduce_sum3A_20 = vector.multi_reduction <add>, %add3A, %reduce_sum3A [1] : vector<2048x768xf32> to vector<2048xf32>
    %broadcast_in_dim3A_21 = vector.shape_cast %reduce_sum3A_20 : vector<2048xf32> to vector<2048x1xf32>
    %div3A = arith.constant 7.680000e+02 : f32
    %div3A_22 = vector.broadcast %div3A : f32 to vector<2048x1xf32>
    %div3A_23 = arith.divf %broadcast_in_dim3A_21, %div3A_22 : vector<2048x1xf32>
    %sub3A = vector.broadcast %div3A_23 : vector<2048x1xf32> to vector<2048x768xf32>
    %sub3A_24 = arith.subf %add3A, %sub3A : vector<2048x768xf32>
    %mul3A = arith.mulf %sub3A_24, %sub3A_24 : vector<2048x768xf32>
    %reduce_sum3A_25 = arith.constant dense<0.000000e+00> : vector<2048xf32>
    %reduce_sum3A_26 = vector.multi_reduction <add>, %mul3A, %reduce_sum3A_25 [1] : vector<2048x768xf32> to vector<2048xf32>
    %broadcast_in_dim3A_27 = vector.shape_cast %reduce_sum3A_26 : vector<2048xf32> to vector<2048x1xf32>
    %div3A_28 = arith.constant 7.680000e+02 : f32
    %div3A_29 = vector.broadcast %div3A_28 : f32 to vector<2048x1xf32>
    %div3A_30 = arith.divf %broadcast_in_dim3A_27, %div3A_29 : vector<2048x1xf32>
    %add3A_31 = arith.constant 9.99999996E-13 : f32
    %add3A_32 = vector.broadcast %add3A_31 : f32 to vector<2048x1xf32>
    %add3A_33 = arith.addf %div3A_30, %add3A_32 : vector<2048x1xf32>
    %rsqrt3A = math.rsqrt %add3A_33 : vector<2048x1xf32>
    %mul3A_34 = vector.broadcast %rsqrt3A : vector<2048x1xf32> to vector<2048x768xf32>
    %mul3A_35 = arith.mulf %sub3A_24, %mul3A_34 : vector<2048x768xf32>
    %get3A_36 = arith.constant 0 : index
    %get3A_37 = arith.constant 0 : index
    %get3A_38 = vector.load %arg4[%get3A_36, %get3A_37] : memref<1x768xf32, #tpu.memory_space<vmem>>, vector<1x768xf32>
    %mul3A_39 = vector.broadcast %get3A_38 : vector<1x768xf32> to vector<2048x768xf32>
    %mul3A_40 = arith.mulf %mul3A_35, %mul3A_39 : vector<2048x768xf32>
    %get3A_41 = arith.constant 0 : index
    %get3A_42 = arith.constant 0 : index
    %get3A_43 = vector.load %arg5[%get3A_41, %get3A_42] : memref<1x768xf32, #tpu.memory_space<vmem>>, vector<1x768xf32>
    %add3A_44 = vector.broadcast %get3A_43 : vector<1x768xf32> to vector<2048x768xf32>
    %add3A_45 = arith.addf %mul3A_40, %add3A_44 : vector<2048x768xf32>
    %swap3A = arith.constant 0 : index
    %swap3A_46 = arith.constant 0 : index
    %swap3A_47 = vector.load %arg6[%swap3A, %swap3A_46] : memref<2048x768xf32, #tpu.memory_space<vmem>>, vector<2048x768xf32>
    tpu.vector_store %arg6[%swap3A, %swap3A_46], %add3A_45 {strides = array<i32>} : memref<2048x768xf32, #tpu.memory_space<vmem>>, vector<2048x768xf32>,
    return
  }
  func.func @transform_0(%arg0: i32) -> (i32, i32, i32) {
    %c0_i32 = arith.constant 0 : i32
    %c0_i32_0 = arith.constant 0 : i32
    %c0_i32_1 = arith.constant 0 : i32
    return %arg0, %c0_i32, %c0_i32_0 : i32, i32, i32
  }
  func.func @transform_1(%arg0: i32) -> (i32, i32) {
    %c0_i32 = arith.constant 0 : i32
    %c0_i32_0 = arith.constant 0 : i32
    return %arg0, %c0_i32 : i32, i32
  }
  func.func @transform_2(%arg0: i32) -> (i32, i32) {
    %c0_i32 = arith.constant 0 : i32
    %c0_i32_0 = arith.constant 0 : i32
    %c0_i32_1 = arith.constant 0 : i32
    return %c0_i32, %c0_i32_0 : i32, i32
  }
  func.func @transform_3(%arg0: i32) -> (i32, i32) {
    %c0_i32 = arith.constant 0 : i32
    %c0_i32_0 = arith.constant 0 : i32
    %c0_i32_1 = arith.constant 0 : i32
    return %c0_i32, %c0_i32_0 : i32, i32
  }
  func.func @transform_4(%arg0: i32) -> (i32, i32) {
    %c0_i32 = arith.constant 0 : i32
    %c0_i32_0 = arith.constant 0 : i32
    %c0_i32_1 = arith.constant 0 : i32
    return %c0_i32, %c0_i32_0 : i32, i32
  }
  func.func @transform_5(%arg0: i32) -> (i32, i32) {
    %c0_i32 = arith.constant 0 : i32
    %c0_i32_0 = arith.constant 0 : i32
    return %arg0, %c0_i32 : i32, i32
  }
}

</mosaic_0001>

<sc_bundles>
// kernel: kernel.4.cloned.1.call-start
scs
__scs_entry_jumppad:
0x0: {  	(pc) =	sbr.rel $0x88, $3  }
0x1: {  	(tag) =	ssettag $0x0;
	lr =	simm.s32 $0x1  }
0x2: {  	[smem:$0x3F9C] =	sst lr;
	_ =	strace $0xD0000000  }
0x3: {  	_ = 	snop  }
0x4: {  	_ = 	snop  }
0x5: {  	_ = 	snop  }
0x6: {  	_ = 	snop  }
0x7: {  	_ = 	snop  }
__scs_overlays_trampoline_lowered:
0x8: {  	[smem:$0x3FAB] =	sst s0  }
0x9: {  	[smem:$0x3FAC] =	sst s1  }
0xa: {  	[smem:$0x3FAD] =	sst s2  }
0xb: {  	[smem:$0x3FAE] =	sst s3  }
0xc: {  	[smem:$0x3FAF] =	sst s4  }
0xd: {  	[smem:$0x3FB0] =	sst s5  }
0xe: {  	[smem:$0x3FB1] =	sst s6  }
0xf: {  	[smem:$0x3FB2] =	sst s7  }
0x10: {  	[smem:$0x3FB3] =	sst s8  }
0x11: {  	[smem:$0x3FB4] =	sst s9;
	s0 =	simm.s32 @!p0 $0x0  }
0x12: {  	s1 =	sld [smem:$0x3F9A];
	s0 =	simm.s32 @p0 $0x1  }
0x13: {  	[smem:$0x3FB5] =	sst s0;
	s0 =	simm.s32 @!p1 $0x0  }
0x14: {  	s2 =	sld [smem:$0x3F99];
	s0 =	simm.s32 @p1 $0x1  }
0x15: {  	[smem:$0x3FB6] =	sst s0;
	s0 =	simm.s32 @!p2 $0x0  }
0x16: {  	s3 =	sld [smem:$0x3FDB];
	s0 =	simm.s32 @p2 $0x1  }
0x17: {  	s4 =	simm.s32 $0x1BF5;
	[smem:$0x3FB8] =	sst s0  }
0x18: {  	s0 =	sld [smem:$0x3F9B];
	_ =	swait.ge [sflag:s4], $0x0  }
0x19: {  	s7 =	sld [smem:$0x3F9C]  }
0x1a: {  	s8 =	sadd.s32 $0xFFFFE003, lr  }
0x1b: {  	s9 =	sadd.s32 $0xFFFFFEF7, lr;
	s5 =	simm.s32 $0xFFFFFFFF;
	p2 =	slt.u32 s8, $0xFFFFF086  }
0x1c: {  	p1 =	slt.u32 s9, $0xF7A;
	s5 =	simm.s32 @!p2 $0x0  }
0x1d: {  	s5 =	simm.s32 @p1 $0x1;
	p0 =	seq.s32 s7, s2  }
0x1e: {  	s7 =	smul.u32 @!p0 $0xF7A, s2;
	p2 =	seq.s32 @!p0 s5, $0x0  }
0x1f: {  	s9 =	smul.u32 $0xF7A, s1;
	s8 =	simm.s32 @!p0 $0x1BF5;
	p2 =	por !p2, p0  }
0x20: {  	[sflag:s8] =	ssyncset.s32 @!p0 $0xFFFFF086;
	s6 =	sadd.s32 @!p0 s3, s7;
	s7 =	simm.s32 @!p0 $0x108  }
0x21: {  	s3 =	sadd.s32 s3, s9;
	s6 =	sadd.s32 @!p0 $0x88, s6;
	s7 =	simm.s32 @p2 $0x1082  }
0x22: {  	[simem:s7], [sflag:s8] =	dma.local @!p0 [hbm:s6], $0xF7A  }
0x23: {  	s9 =	sor.u32 $0xD0000000, s2;
	s6 =	simm.s32 $0x108;
	_ =	swait.ge @!p0 [sflag:s8], $0x0  }
0x24: {  	s3 =	sadd.s32 $0x88, s3;
	s6 =	simm.s32 @!p1 $0x1082;
	[sflag:s4] =	ssyncset.s32 $0xFFFFF086  }
0x25: {  	[simem:s6], [sflag:s4] =	dma.local [hbm:s3], $0xF7A  }
0x26: {  	[smem:$0x3F9C] =	sst s1;
	(tag) =	ssettag s2;
	_ =	strace s9  }
0x27: {  	s1 =	sld [smem:$0x3FAC]  }
0x28: {  	s2 =	sld [smem:$0x3FAD]  }
0x29: {  	s4 =	sld [smem:$0x3FAF]  }
0x2a: {  	p0 =	seq.s32 s5, $0x0;
	s5 =	sld [smem:$0x3FB0]  }
0x2b: {  	s6 =	sld [smem:$0x3FB1]  }
0x2c: {  	s7 =	sld [smem:$0x3FB2]  }
0x2d: {  	s3 =	simm.s32 $0x108;
	s8 =	sld [smem:$0x3FB3]  }
0x2e: {  	s3 =	simm.s32 @!p0 $0x1082;
	s9 =	sld [smem:$0x3FB4]  }
0x2f: {  	lr =	sadd.s32 s0, s3;
	s0 =	sld [smem:$0x3FAB]  }
0x30: {  	s3 =	sld [smem:$0x3FAE]  }
0x31: {  	[smem:$0x3FB7] =	sst s10  }
0x32: {  	s10 =	sld [smem:$0x3FB5];
	_ =	sdelay $0x3  }
0x33: {  	p0 =	seq.s32 s10, $0x1;
	s10 =	sld [smem:$0x3FB7];
	_ =	sdelay $0x3  }
0x34: {  	[smem:$0x3FB7] =	sst s10  }
0x35: {  	s10 =	sld [smem:$0x3FB6];
	_ =	sdelay $0x3  }
0x36: {  	p1 =	seq.s32 s10, $0x1;
	s10 =	sld [smem:$0x3FB7];
	_ =	sdelay $0x3  }
0x37: {  	[smem:$0x3FB7] =	sst s10  }
0x38: {  	s10 =	sld [smem:$0x3FB8]  }
0x39: {  	_ = 	snop;
	(pc) =	sbr.ind lr, $3  }
0x3a: {  	_ = 	snop  }
0x3b: {  	_ = 	snop  }
0x3c: {  	p2 =	seq.s32 s10, $0x1;
	s10 =	sld [smem:$0x3FB7]  }
0x3d: {  	_ =	shalt  }
0x3e: {  	_ =	shalt  }
0x3f: {  	_ =	shalt  }
0x40: {  	_ =	shalt  }
0x41: {  	_ =	shalt  }
0x42: {  	_ =	shalt  }
0x43: {  	_ =	shalt  }
0x44: {  	_ =	shalt  }
0x45: {  	_ =	shalt  }
0x46: {  	_ =	shalt  }
0x47: {  	_ =	shalt  }
0x48: {  	_ =	shalt  }
0x49: {  	_ =	shalt  }
0x4a: {  	_ =	shalt  }
0x4b: {  	_ =	shalt  }
0x4c: {  	_ =	shalt  }
0x4d: {  	_ =	shalt  }
0x4e: {  	_ =	shalt  }
0x4f: {  	_ =	shalt  }
0x50: {  	_ =	shalt  }
0x51: {  	_ =	shalt  }
0x52: {  	_ =	shalt  }
0x53: {  	_ =	shalt  }
0x54: {  	_ =	shalt  }
0x55: {  	_ =	shalt  }
0x56: {  	_ =	shalt  }
0x57: {  	_ =	shalt  }
0x58: {  	_ =	shalt  }
0x59: {  	_ =	shalt  }
0x5a: {  	_ =	shalt  }
0x5b: {  	_ =	shalt  }
0x5c: {  	_ =	shalt  }
0x5d: {  	_ =	shalt  }
0x5e: {  	_ =	shalt  }
0x5f: {  	_ =	shalt  }
0x60: {  	_ =	shalt  }
0x61: {  	_ =	shalt  }
0x62: {  	_ =	shalt  }
0x63: {  	_ =	shalt  }
0x64: {  	_ =	shalt  }
0x65: {  	_ =	shalt  }
0x66: {  	_ =	shalt  }
0x67: {  	_ =	shalt  }
0x68: {  	_ =	shalt  }
0x69: {  	_ =	shalt  }
0x6a: {  	_ =	shalt  }
0x6b: {  	_ =	shalt  }
0x6c: {  	_ =	shalt  }
0x6d: {  	_ =	shalt  }
0x6e: {  	_ =	shalt  }
0x6f: {  	_ =	shalt  }
0x70: {  	_ =	shalt  }
0x71: {  	_ =	shalt  }
0x72: {  	_ =	shalt  }
0x73: {  	_ =	shalt  }
0x74: {  	_ =	shalt  }
0x75: {  	_ =	shalt  }
0x76: {  	_ =	shalt  }
0x77: {  	_ =	shalt  }
0x78: {  	_ =	shalt  }
0x79: {  	_ =	shalt  }
0x7a: {  	_ =	shalt  }
0x7b: {  	_ =	shalt  }
0x7c: {  	_ =	shalt  }
0x7d: {  	_ =	shalt  }
0x7e: {  	_ =	shalt  }
0x7f: {  	_ =	shalt  }
0x80: {  	_ =	shalt  }
0x81: {  	_ =	shalt  }
0x82: {  	_ =	shalt  }
0x83: {  	_ =	shalt  }
0x84: {  	_ =	shalt  }
0x85: {  	_ =	shalt  }
0x86: {  	_ =	shalt  }
0x87: {  	_ =	shalt  }
.Lfunc_end0:
.L_simem_size_0:
called_computation_lowered:
.L_overlay_start_0:
0x88: {  	s2 =	sld [smem:$0x3FD9]  }
0x89: {  	s3 =	sld [smem:$0x3FFE];
	_ =	sdelay $0x1  }
0x8a: {  	s1 =	srdreg.scid  }
0x8b: {  	s0 =	sand.u32 $0x1, s1  }
0x8c: {  	s17 =	sshll.u32 s0, $0xA;
	s2 =	sadd.s32 s3, s2  }
0x8d: {  	s2 =	sadd.s32 s2, s17  }
0x8e: {  	[smem:$0x3FC3] =	sst s2  }
0x8f: {  	_ = 	snop  }
0x90: {  	s2 =	sld [smem:$0x3FC8]  }
0x91: {  	s18 =	sld [smem:$0x3FC7];
	(tm) =	ssettm $0x1  }
0x92: {  	s4 =	sld [smem:$0x3FFB];
	_ =	sdelay $0x3  }
0x93: {  	_ =	strace s4  }
0x94: {  	s4 =	sld [smem:$0x3FFC];
	_ =	sdelay $0x3  }
0x95: {  	_ =	strace s4  }
0x96: {  	s4 =	sld [smem:$0x3FFD];
	_ =	sdelay $0x3  }
0x97: {  	_ =	strace s4  }
0x98: {  	_ =	strace $0x8FFFFFFF  }
0x99: {  	s19 =	sld [smem:$0x3FDB];
	_ =	sdelay $0x1  }
0x9a: {  	s5 =	simm.s32 $_scs_section_size  }
0x9b: {  	s6 =	simm.s32 $_size__tile_overlayer_lowered;
	s7 =	simm.s32 $_tile_overlayer_lowered  }
0x9c: {  	s22 =	simm.s32 $0x1BFF;
	s21 =	sshll.u32 s7, $0x1;
	s4 =	sadd.s32 s5, s19  }
0x9d: {  	s8 =	simm.s32 $0x0;
	s20 =	sshll.u32 s6, $0x1;
	s6 =	sadd.s32 s21, s4  }
0x9e: {  	[timem:s8], [sflag:s22] =	dma.local [hbm:s6], s20  }
0x9f: {  	_ =	swait.ge [sflag:s22], s20  }
0xa0: {  	s5 =	ssub.s32 $0x0, s20;
	[sflag:s22] =	ssyncset.done $0x0  }
0xa1: {  	[sflag:s22] =	ssyncadd.s32 s5;
	_ =	sdelay $0x1  }
0xa2: {  	s23 =	simm.s32 $0x1B8B  }
0xa3: {  	_ =	swait.ge [sflag:s23], $0x1  }
0xa4: {  	[sflag:s23] =	ssyncset.done $0x0  }
0xa5: {  	s25 =	simm.s32 $0x1B8E;
	s24 =	sld [smem:$0x3FFE];
	[sflag:s23] =	ssyncadd.s32 $0xFFFFFFFF  }
0xa6: {  	s26 =	simm.s32 $execute0_lowered;
	[smem:$0x3FD2] =	sst s25  }
0xa7: {  	s6 =	sshll.u32 s26, $0x1;
	_ =	strace $0x80000046;
	[dreg:$0x1] =	wrdreg $0xFFFFFFFF  }
0xa8: {  	s28 =	simm.s32 $_size_execute0_lowered;
	s4 =	sadd.s32 s4, s6;
	[dreg:$0x0] =	wrdreg $0x0  }
0xa9: {  	s6 =	sshll.u32 s28, $0x1;
	[dreg:$0x2] =	wrdreg s4  }
0xaa: {  	[dreg:$0x3] =	wrdreg s6  }
0xab: {  	[dreg:$0x4] =	wrdreg $0xC0  }
0xac: {  	_ =	task [dreg:s8], $0x5FFFF  }
0xad: {  	[dreg:$0x1] =	wrdreg $0xFFFFFFFF  }
0xae: {  	[dreg:$0x0] =	wrdreg $0x60  }
0xaf: {  	[dreg:$0x2] =	wrdreg s2  }
0xb0: {  	[dreg:$0x3] =	wrdreg s24  }
0xb1: {  	[dreg:$0x4] =	wrdreg s18  }
0xb2: {  	[dreg:$0x5] =	wrdreg $0x9  }
0xb3: {  	_ =	task.clear_ibuf [dreg:s8], $0x6FFFF;
	_ =	strace $0x90000046  }
0xb4: {  	s29 =	simm.s32 $0x9;
	_ =	strace $0x80000048  }
0xb5: {  	_ =	swait.ge [sflag:s29], $0x1  }
0xb6: {  	[sflag:s29] =	ssyncadd.s32 $0xFFFFFFFF  }
0xb7: {  	_ =	strace $0x90000048  }
0xb8: {  	_ =	sfence  }
0xb9: {  	s30 =	sld [smem:$0x0];
	_ =	sdelay $0x2  }
0xba: {  	s31 =	sshll.u32 s1, $0xD;
	s1 =	sshrl.u32 s1, $0x2  }
0xbb: {  	s3 =	sand.u32 $0x4000, s31;
	s1 =	sadd.s32 s1, s30  }
0xbc: {  	s0 =	sor.u32 s3, s0;
	s1 =	sshll.u32 s1, $0x11  }
0xbd: {  	s0 =	sor.u32 s1, s0  }
0xbe: {  	s0 =	sadd.s32 $0x8F2B, s0  }
0xbf: {  	[sflag:s0] =	ssyncadd.remote.s32 $0x1  }
0xc0: {  	_ =	sfence.sel $0xFFFF  }
0xc1: {  	[dreg:$0x0] =	wrdreg $0xFFFFFFFF;
	(pc) =	sbr.abs _section_cstart, $3  }
0xc2: {  	[dreg:$0x1] =	wrdreg $0xFFFFFFFF  }
0xc3: {  	_ =	task.clear_ibuf [dreg:s8], $0x2FFFF;
	_ =	strace $0x9FFFFFFF  }
0xc4: {  	(tm) =	ssettm $0x7FFFFFFF  }
0xc5: {  	_ =	shalt  }
tec
execute0_lowered:
.L_overlay_start_1:
0x0: {  	(tag) =	ssettag $0x1  }
0x1: {  	s13 =	rddreg [dreg:$0x0];
	s1 =	srdreg.scid  }
0x2: {  	s8 =	rddreg [dreg:$0x1];
	s0 =	stileid.u32;
	s3 =	simm.s32 $0x0  }
0x3: {  	s15 =	simm.s32 $0xC080;
	s16 =	simm.s32 $0x5;
	s17 =	simm.s32 $0xC680  }
0x4: {  	s18 =	simm.s32 $0xC980;
	s19 =	simm.s32 $0xC000;
	s20 =	simm.s32 $0x6000  }
0x5: {  	s21 =	simm.s32 $0x1;
	s22 =	simm.s32 $0x2;
	s23 =	simm.s32 $0x4  }
0x6: {  	s24 =	simm.s32 $0x3;
	s25 =	simm.s32 $0x0;
	s6 =	sand.u32 $0x1, s1  }
0x7: {  	s4 =	sshll.u32 s0, $0x8;
	[smem:$0x7FF] =	sst s3;
	s5 =	sshll.u32 s6, $0x7  }
0x8: {  	_ =	strace $0x80000047;
	s11 =	ssub.s32 $0x2, s6;
	s6 =	sadd.s32 $0xE00, s8  }
0x9: {  	s4 =	sor.u32 s5, s4;
	s5 =	sadd.s32 $0xC00, s8;
	s12 =	sshrl.u32 s11, $0x1  }
.Ltmp0:
0xa: {  	s7 =	sshrl.u32 s4, $0x3;
	s14 =	ssub.s32 s11, s12;
	(pc) =	sbr.rel .LBB2_1-.Ltmp0, $4  }
0xb: {  	s9 =	sor.u32 $0xE00, s7;
	s7 =	smul.u32 $0x300, s7;
	s14 =	smax.u32 s14, $0x1  }
0xc: {  	s10 =	sadd.s32 s9, s8;
	s8 =	sadd.s32 $0x2000, s8;
	s30 =	smul.u32 $0x300, s9  }
0xd: {  	s9 =	sadd.s32 $0x1000, s10;
	s10 =	sadd.s32 $0x2A0C00, s13;
	s31 =	sadd.s32 s7, s13  }
0xe: {  	s11 =	sadd.s32 s13, s30;
	s12 =	sadd.s32 $0x2A1800, s31;
	s13 =	sadd.s32 $0x2A2400, s13  }
.LBB2_8:
0xf: {  	s25 =	sadd.s32 $0x1, s25  }
0x10: {  	_ =	swait.ge [sflag:s24], $0x6000;
	p0 =	sne.s32 s25, s14  }
.Ltmp1:
0x11: {  	[sflag:s24] =	ssyncset.done $0x0;
	(pc) =	sbr.rel @!p0 .LBB2_9-.Ltmp1, $4  }
0x12: {  	[sflag:s24] =	ssyncadd.s32 $0xFFFFA000  }
0x13: {  	_ =	swait.ge [sflag:s23], $0x6000  }
0x14: {  	[sflag:s23] =	ssyncset.done $0x0  }
0x15: {  	[sflag:s23] =	ssyncadd.s32 $0xFFFFA000  }
.LBB2_1:
0x16: {  	s0 =	rddreg [dreg:$0x2]  }
0x17: {  	[tilespmem:s15], [sflag:$0x5] =	stream.linear.gather [hbm4b:s0+s3], $0x600, $0x38;
	[tilespmem:$0xCC80] =	vst v63  }
0x18: {  	_ =	swait.ge [sflag:s16], $0x600  }
0x19: {  	[sflag:s16] =	ssyncset.done $0x0  }
0x1a: {  	[sflag:s16] =	ssyncadd.s32 $0xFFFFFA00  }
0x1b: {  	[tilespmem:s17], [sflag:$0x5] =	stream.linear.gather [hbm4b:s5+s3], $0x300, $0x38;
	[tilespmem:$0xCC80] =	vst v63  }
0x1c: {  	_ =	swait.ge [sflag:s16], $0x300  }
0x1d: {  	[sflag:s16] =	ssyncset.done $0x0  }
0x1e: {  	[sflag:s16] =	ssyncadd.s32 $0xFFFFFD00  }
0x1f: {  	[tilespmem:s18], [sflag:$0x5] =	stream.linear.gather [hbm4b:s6+s3], $0x300, $0x38;
	[tilespmem:$0xCC80] =	vst v63  }
0x20: {  	_ =	swait.ge [sflag:s16], $0x300  }
0x21: {  	[sflag:s16] =	ssyncset.done $0x0  }
0x22: {  	[sflag:s16] =	ssyncadd.s32 $0xFFFFFD00  }
0x23: {  	[tilespmem:s19], [sflag:$0x5] =	stream.linear.gather [hbm4b:s9+s3], $0x80, $0x38;
	[tilespmem:$0xCC80] =	vst v63  }
0x24: {  	_ =	swait.ge [sflag:s16], $0x80  }
0x25: {  	p0 =	por $0x1, $0x1;
	[sflag:s16] =	ssyncset.done $0x0  }
0x26: {  	s28 =	smov.u32 s10;
	s26 =	simm.s32 $0x0;
	[sflag:s16] =	ssyncadd.s32 $0xFFFFFF80  }
0x27: {  	[tilespmem:s3], [sflag:$0x1] =	stream.linear.gather [hbm4b:s11+s3], $0x6000, $0x38;
	[tilespmem:$0xCC80] =	vst v63  }
.LBB2_2:
0x28: {  	s29 =	sadd.s32 s7, s28;
	s28 =	simm.s32 $0x0  }
0x29: {  	[tilespmem:s20], [sflag:$0x2] =	stream.linear.gather [hbm4b:s29+s28], $0x6000, $0x38;
	[tilespmem:$0xCC80] =	vst v63  }
0x2a: {  	_ =	swait.ge [sflag:s21], $0x6000  }
0x2b: {  	[sflag:s21] =	ssyncset.done $0x0  }
0x2c: {  	s29 =	simm.s32 $0x0;
	[sflag:s21] =	ssyncadd.s32 $0xFFFFA000  }
.LBB2_3:
0x2d: {  	s30 =	sadd.s32 s29, s26  }
0x2e: {  	v0 =	vmov s30;
	_ =	sdelay $0x1  }
0x2f: {  	s1 =	sshrl.u32 s29, $0x3  }
0x30: {  	s30 =	smul.u32 $0x6000, s1  }
0x31: {  	v1 =	vld [tilespmem:$0xC100]  }
0x32: {  	s31 =	sand.u32 $0x380, s28;
	s30 =	sshra.s32 s30, $0x2;
	v0 =	vld.idx.msk [tilespmem:v0+s19+$0x0], $0xffff  }
0x33: {  	v2 =	vld [tilespmem:$0xC080];
	s30 =	sor.u32 s31, s30  }
0x34: {  	v3 =	vld [tilespmem:s30+$0x0];
	_ =	sdelay $0x2  }
0x35: {  	vm0 =	veq.s32 v0, $0x1  }
0x36: {  	v0 =	vsel vm0, v1, v2  }
0x37: {  	v0 =	vadd.f32 v0, v3;
	_ =	sdelay $0x1  }
0x38: {  	[tilespmem:s30+$0x0] =	vst v0  }
0x39: {  	v59 =	vld [tilespmem:$0xC110]  }
0x3a: {  	v60 =	vld [tilespmem:$0xC090]  }
0x3b: {  	v61 =	vld [tilespmem:s30+$0x10];
	_ =	sdelay $0x3  }
0x3c: {  	v1 =	vsel vm0, v59, v60  }
0x3d: {  	v1 =	vadd.f32 v1, v61;
	_ =	sdelay $0x1  }
0x3e: {  	[tilespmem:s30+$0x10] =	vst v1  }
0x3f: {  	v62 =	vld [tilespmem:$0xC120]  }
0x40: {  	v63 =	vld [tilespmem:$0xC0A0]  }
0x41: {  	v4 =	vld [tilespmem:s30+$0x20];
	_ =	sdelay $0x3  }
0x42: {  	v2 =	vsel vm0, v62, v63  }
0x43: {  	v2 =	vadd.f32 v2, v4;
	_ =	sdelay $0x1  }
0x44: {  	[tilespmem:s30+$0x20] =	vst v2  }
0x45: {  	v8 =	vld [tilespmem:$0xC130]  }
0x46: {  	v9 =	vld [tilespmem:$0xC0B0]  }
0x47: {  	v5 =	vld [tilespmem:s30+$0x30];
	_ =	sdelay $0x3  }
0x48: {  	v3 =	vsel vm0, v8, v9  }
0x49: {  	v3 =	vadd.f32 v3, v5;
	_ =	sdelay $0x1  }
0x4a: {  	[tilespmem:s30+$0x30] =	vst v3  }
0x4b: {  	v10 =	vld [tilespmem:$0xC140]  }
0x4c: {  	v11 =	vld [tilespmem:$0xC0C0]  }
0x4d: {  	v6 =	vld [tilespmem:s30+$0x40];
	_ =	sdelay $0x3  }
0x4e: {  	v4 =	vsel vm0, v10, v11  }
0x4f: {  	v4 =	vadd.f32 v4, v6;
	_ =	sdelay $0x1  }
0x50: {  	[tilespmem:s30+$0x40] =	vst v4  }
0x51: {  	v12 =	vld [tilespmem:$0xC150]  }
0x52: {  	v13 =	vld [tilespmem:$0xC0D0]  }
0x53: {  	v7 =	vld [tilespmem:s30+$0x50];
	_ =	sdelay $0x3  }
0x54: {  	v5 =	vsel vm0, v12, v13  }
0x55: {  	v5 =	vadd.f32 v5, v7;
	_ =	sdelay $0x1  }
0x56: {  	[tilespmem:s30+$0x50] =	vst v5  }
0x57: {  	v14 =	vld [tilespmem:$0xC160]  }
0x58: {  	v15 =	vld [tilespmem:$0xC0E0]  }
0x59: {  	v8 =	vld [tilespmem:s30+$0x60];
	_ =	sdelay $0x3  }
0x5a: {  	v6 =	vsel vm0, v14, v15  }
0x5b: {  	v6 =	vadd.f32 v6, v8;
	_ =	sdelay $0x1  }
0x5c: {  	[tilespmem:s30+$0x60] =	vst v6  }
0x5d: {  	v16 =	vld [tilespmem:$0xC170]  }
0x5e: {  	v17 =	vld [tilespmem:$0xC0F0]  }
0x5f: {  	v9 =	vld [tilespmem:s30+$0x70];
	_ =	sdelay $0x3  }
0x60: {  	v7 =	vsel vm0, v16, v17  }
0x61: {  	v7 =	vadd.f32 v7, v9;
	_ =	sdelay $0x1  }
0x62: {  	[tilespmem:s30+$0x70] =	vst v7  }
0x63: {  	v18 =	vld [tilespmem:$0xC200]  }
0x64: {  	v19 =	vld [tilespmem:$0xC180]  }
0x65: {  	v10 =	vld [tilespmem:s30+$0x400];
	_ =	sdelay $0x3  }
0x66: {  	v8 =	vsel vm0, v18, v19  }
0x67: {  	v8 =	vadd.f32 v8, v10;
	_ =	sdelay $0x1  }
0x68: {  	[tilespmem:s30+$0x400] =	vst v8  }
0x69: {  	v20 =	vld [tilespmem:$0xC210]  }
0x6a: {  	v21 =	vld [tilespmem:$0xC190]  }
0x6b: {  	v11 =	vld [tilespmem:s30+$0x410];
	_ =	sdelay $0x3  }
0x6c: {  	v9 =	vsel vm0, v20, v21  }
0x6d: {  	v9 =	vadd.f32 v9, v11;
	_ =	sdelay $0x1  }
0x6e: {  	[tilespmem:s30+$0x410] =	vst v9  }
0x6f: {  	v22 =	vld [tilespmem:$0xC220]  }
0x70: {  	v23 =	vld [tilespmem:$0xC1A0]  }
0x71: {  	v12 =	vld [tilespmem:s30+$0x420];
	_ =	sdelay $0x3  }
0x72: {  	v10 =	vsel vm0, v22, v23  }
0x73: {  	v10 =	vadd.f32 v10, v12;
	_ =	sdelay $0x1  }
0x74: {  	[tilespmem:s30+$0x420] =	vst v10  }
0x75: {  	v24 =	vld [tilespmem:$0xC230]  }
0x76: {  	v25 =	vld [tilespmem:$0xC1B0]  }
0x77: {  	v13 =	vld [tilespmem:s30+$0x430];
	_ =	sdelay $0x3  }
0x78: {  	v11 =	vsel vm0, v24, v25  }
0x79: {  	v11 =	vadd.f32 v11, v13;
	_ =	sdelay $0x1  }
0x7a: {  	[tilespmem:s30+$0x430] =	vst v11  }
0x7b: {  	v26 =	vld [tilespmem:$0xC240]  }
0x7c: {  	v27 =	vld [tilespmem:$0xC1C0]  }
0x7d: {  	v14 =	vld [tilespmem:s30+$0x440];
	_ =	sdelay $0x3  }
0x7e: {  	v12 =	vsel vm0, v26, v27  }
0x7f: {  	v12 =	vadd.f32 v12, v14;
	_ =	sdelay $0x1  }
0x80: {  	[tilespmem:s30+$0x440] =	vst v12  }
0x81: {  	v28 =	vld [tilespmem:$0xC250]  }
0x82: {  	v29 =	vld [tilespmem:$0xC1D0]  }
0x83: {  	v15 =	vld [tilespmem:s30+$0x450];
	_ =	sdelay $0x3  }
0x84: {  	v13 =	vsel vm0, v28, v29  }
0x85: {  	v13 =	vadd.f32 v13, v15;
	_ =	sdelay $0x1  }
0x86: {  	[tilespmem:s30+$0x450] =	vst v13  }
0x87: {  	v30 =	vld [tilespmem:$0xC260]  }
0x88: {  	v31 =	vld [tilespmem:$0xC1E0]  }
0x89: {  	v16 =	vld [tilespmem:s30+$0x460];
	_ =	sdelay $0x3  }
0x8a: {  	v14 =	vsel vm0, v30, v31  }
0x8b: {  	v14 =	vadd.f32 v14, v16;
	_ =	sdelay $0x1  }
0x8c: {  	[tilespmem:s30+$0x460] =	vst v14  }
0x8d: {  	v32 =	vld [tilespmem:$0xC270]  }
0x8e: {  	v33 =	vld [tilespmem:$0xC1F0]  }
0x8f: {  	v17 =	vld [tilespmem:s30+$0x470];
	_ =	sdelay $0x3  }
0x90: {  	v15 =	vsel vm0, v32, v33  }
0x91: {  	v15 =	vadd.f32 v15, v17;
	_ =	sdelay $0x1  }
0x92: {  	[tilespmem:s30+$0x470] =	vst v15  }
0x93: {  	v34 =	vld [tilespmem:$0xC300]  }
0x94: {  	v35 =	vld [tilespmem:$0xC280]  }
0x95: {  	v18 =	vld [tilespmem:s30+$0x800];
	_ =	sdelay $0x3  }
0x96: {  	v16 =	vsel vm0, v34, v35  }
0x97: {  	v16 =	vadd.f32 v16, v18;
	_ =	sdelay $0x1  }
0x98: {  	[tilespmem:s30+$0x800] =	vst v16  }
0x99: {  	v36 =	vld [tilespmem:$0xC310]  }
0x9a: {  	v37 =	vld [tilespmem:$0xC290]  }
0x9b: {  	v19 =	vld [tilespmem:s30+$0x810];
	_ =	sdelay $0x3  }
0x9c: {  	v17 =	vsel vm0, v36, v37  }
0x9d: {  	v17 =	vadd.f32 v17, v19;
	_ =	sdelay $0x1  }
0x9e: {  	[tilespmem:s30+$0x810] =	vst v17  }
0x9f: {  	v38 =	vld [tilespmem:$0xC320]  }
0xa0: {  	v39 =	vld [tilespmem:$0xC2A0]  }
0xa1: {  	v20 =	vld [tilespmem:s30+$0x820];
	_ =	sdelay $0x3  }
0xa2: {  	v18 =	vsel vm0, v38, v39  }
0xa3: {  	v18 =	vadd.f32 v18, v20;
	_ =	sdelay $0x1  }
0xa4: {  	[tilespmem:s30+$0x820] =	vst v18  }
0xa5: {  	v40 =	vld [tilespmem:$0xC330]  }
0xa6: {  	v41 =	vld [tilespmem:$0xC2B0]  }
0xa7: {  	v21 =	vld [tilespmem:s30+$0x830];
	_ =	sdelay $0x3  }
0xa8: {  	v19 =	vsel vm0, v40, v41  }
0xa9: {  	v19 =	vadd.f32 v19, v21;
	_ =	sdelay $0x1  }
0xaa: {  	[tilespmem:s30+$0x830] =	vst v19  }
0xab: {  	v42 =	vld [tilespmem:$0xC340]  }
0xac: {  	v43 =	vld [tilespmem:$0xC2C0]  }
0xad: {  	v22 =	vld [tilespmem:s30+$0x840];
	_ =	sdelay $0x3  }
0xae: {  	v20 =	vsel vm0, v42, v43  }
0xaf: {  	v20 =	vadd.f32 v20, v22;
	_ =	sdelay $0x1  }
0xb0: {  	[tilespmem:s30+$0x840] =	vst v20  }
0xb1: {  	v44 =	vld [tilespmem:$0xC350]  }
0xb2: {  	v45 =	vld [tilespmem:$0xC2D0]  }
0xb3: {  	v23 =	vld [tilespmem:s30+$0x850];
	_ =	sdelay $0x3  }
0xb4: {  	v21 =	vsel vm0, v44, v45  }
0xb5: {  	v21 =	vadd.f32 v21, v23;
	_ =	sdelay $0x1  }
0xb6: {  	[tilespmem:s30+$0x850] =	vst v21  }
0xb7: {  	v46 =	vld [tilespmem:$0xC360]  }
0xb8: {  	v47 =	vld [tilespmem:$0xC2E0]  }
0xb9: {  	v24 =	vld [tilespmem:s30+$0x860];
	_ =	sdelay $0x3  }
0xba: {  	v22 =	vsel vm0, v46, v47  }
0xbb: {  	v22 =	vadd.f32 v22, v24;
	_ =	sdelay $0x1  }
0xbc: {  	[tilespmem:s30+$0x860] =	vst v22  }
0xbd: {  	v48 =	vld [tilespmem:$0xC370]  }
0xbe: {  	v49 =	vld [tilespmem:$0xC2F0]  }
0xbf: {  	v25 =	vld [tilespmem:s30+$0x870];
	_ =	sdelay $0x3  }
0xc0: {  	v23 =	vsel vm0, v48, v49  }
0xc1: {  	v23 =	vadd.f32 v23, v25;
	_ =	sdelay $0x1  }
0xc2: {  	[tilespmem:s30+$0x870] =	vst v23  }
0xc3: {  	v50 =	vld [tilespmem:$0xC400]  }
0xc4: {  	v51 =	vld [tilespmem:$0xC380]  }
0xc5: {  	v26 =	vld [tilespmem:s30+$0xC00];
	_ =	sdelay $0x3  }
0xc6: {  	v24 =	vsel vm0, v50, v51  }
0xc7: {  	v24 =	vadd.f32 v24, v26;
	_ =	sdelay $0x1  }
0xc8: {  	[tilespmem:s30+$0xC00] =	vst v24  }
0xc9: {  	v52 =	vld [tilespmem:$0xC410]  }
0xca: {  	v53 =	vld [tilespmem:$0xC390]  }
0xcb: {  	v27 =	vld [tilespmem:s30+$0xC10];
	_ =	sdelay $0x3  }
0xcc: {  	v25 =	vsel vm0, v52, v53  }
0xcd: {  	v25 =	vadd.f32 v25, v27;
	_ =	sdelay $0x1  }
0xce: {  	[tilespmem:s30+$0xC10] =	vst v25  }
0xcf: {  	v54 =	vld [tilespmem:$0xC420]  }
0xd0: {  	v55 =	vld [tilespmem:$0xC3A0]  }
0xd1: {  	v28 =	vld [tilespmem:s30+$0xC20];
	_ =	sdelay $0x3  }
0xd2: {  	v26 =	vsel vm0, v54, v55  }
0xd3: {  	v26 =	vadd.f32 v26, v28;
	_ =	sdelay $0x1  }
0xd4: {  	[tilespmem:s30+$0xC20] =	vst v26  }
0xd5: {  	v56 =	vld [tilespmem:$0xC430]  }
0xd6: {  	v57 =	vld [tilespmem:$0xC3B0]  }
0xd7: {  	v29 =	vld [tilespmem:s30+$0xC30];
	_ =	sdelay $0x3  }
0xd8: {  	v27 =	vsel vm0, v56, v57  }
0xd9: {  	v27 =	vadd.f32 v27, v29;
	_ =	sdelay $0x1  }
0xda: {  	[tilespmem:s30+$0xC30] =	vst v27  }
0xdb: {  	v58 =	vld [tilespmem:$0xC440]  }
0xdc: {  	v59 =	vld [tilespmem:$0xC3C0]  }
0xdd: {  	v30 =	vld [tilespmem:s30+$0xC40];
	_ =	sdelay $0x3  }
0xde: {  	v28 =	vsel vm0, v58, v59  }
0xdf: {  	v28 =	vadd.f32 v28, v30;
	_ =	sdelay $0x1  }
0xe0: {  	[tilespmem:s30+$0xC40] =	vst v28  }
0xe1: {  	v60 =	vld [tilespmem:$0xC450]  }
0xe2: {  	v61 =	vld [tilespmem:$0xC3D0]  }
0xe3: {  	v31 =	vld [tilespmem:s30+$0xC50];
	_ =	sdelay $0x3  }
0xe4: {  	v29 =	vsel vm0, v60, v61  }
0xe5: {  	v29 =	vadd.f32 v29, v31;
	_ =	sdelay $0x1  }
0xe6: {  	[tilespmem:s30+$0xC50] =	vst v29  }
0xe7: {  	v62 =	vld [tilespmem:$0xC460]  }
0xe8: {  	v63 =	vld [tilespmem:$0xC3E0]  }
0xe9: {  	v32 =	vld [tilespmem:s30+$0xC60];
	_ =	sdelay $0x3  }
0xea: {  	v30 =	vsel vm0, v62, v63  }
0xeb: {  	v30 =	vadd.f32 v30, v32;
	_ =	sdelay $0x1  }
0xec: {  	[tilespmem:s30+$0xC60] =	vst v30  }
0xed: {  	v36 =	vld [tilespmem:$0xC470]  }
0xee: {  	v37 =	vld [tilespmem:$0xC3F0]  }
0xef: {  	v33 =	vld [tilespmem:s30+$0xC70];
	_ =	sdelay $0x3  }
0xf0: {  	v31 =	vsel vm0, v36, v37  }
0xf1: {  	v31 =	vadd.f32 v31, v33;
	_ =	sdelay $0x1  }
0xf2: {  	[tilespmem:s30+$0xC70] =	vst v31  }
0xf3: {  	v38 =	vld [tilespmem:$0xC500]  }
0xf4: {  	v39 =	vld [tilespmem:$0xC480]  }
0xf5: {  	v34 =	vld [tilespmem:s30+$0x1000];
	_ =	sdelay $0x3  }
0xf6: {  	v32 =	vsel vm0, v38, v39  }
0xf7: {  	v32 =	vadd.f32 v32, v34;
	_ =	sdelay $0x1  }
0xf8: {  	[tilespmem:s30+$0x1000] =	vst v32  }
0xf9: {  	v40 =	vld [tilespmem:$0xC510]  }
0xfa: {  	v41 =	vld [tilespmem:$0xC490]  }
0xfb: {  	v35 =	vld [tilespmem:s30+$0x1010];
	_ =	sdelay $0x3  }
0xfc: {  	v33 =	vsel vm0, v40, v41  }
0xfd: {  	v33 =	vadd.f32 v33, v35;
	_ =	sdelay $0x1  }
0xfe: {  	[tilespmem:s30+$0x1010] =	vst v33  }
0xff: {  	v42 =	vld [tilespmem:$0xC520]  }
0x100: {  	v43 =	vld [tilespmem:$0xC4A0]  }
0x101: {  	v36 =	vld [tilespmem:s30+$0x1020];
	_ =	sdelay $0x3  }
0x102: {  	v34 =	vsel vm0, v42, v43  }
0x103: {  	v34 =	vadd.f32 v34, v36;
	_ =	sdelay $0x1  }
0x104: {  	[tilespmem:s30+$0x1020] =	vst v34  }
0x105: {  	v44 =	vld [tilespmem:$0xC530]  }
0x106: {  	v45 =	vld [tilespmem:$0xC4B0]  }
0x107: {  	v37 =	vld [tilespmem:s30+$0x1030];
	_ =	sdelay $0x3  }
0x108: {  	v35 =	vsel vm0, v44, v45  }
0x109: {  	v35 =	vadd.f32 v35, v37;
	_ =	sdelay $0x1  }
0x10a: {  	[tilespmem:s30+$0x1030] =	vst v35  }
0x10b: {  	v46 =	vld [tilespmem:$0xC540]  }
0x10c: {  	v47 =	vld [tilespmem:$0xC4C0]  }
0x10d: {  	v38 =	vld [tilespmem:s30+$0x1040];
	_ =	sdelay $0x3  }
0x10e: {  	v36 =	vsel vm0, v46, v47  }
0x10f: {  	v36 =	vadd.f32 v36, v38;
	_ =	sdelay $0x1  }
0x110: {  	[tilespmem:s30+$0x1040] =	vst v36  }
0x111: {  	v48 =	vld [tilespmem:$0xC550]  }
0x112: {  	v49 =	vld [tilespmem:$0xC4D0]  }
0x113: {  	v39 =	vld [tilespmem:s30+$0x1050];
	_ =	sdelay $0x3  }
0x114: {  	v37 =	vsel vm0, v48, v49  }
0x115: {  	v37 =	vadd.f32 v37, v39;
	_ =	sdelay $0x1  }
0x116: {  	[tilespmem:s30+$0x1050] =	vst v37  }
0x117: {  	v50 =	vld [tilespmem:$0xC560]  }
0x118: {  	v51 =	vld [tilespmem:$0xC4E0]  }
0x119: {  	v40 =	vld [tilespmem:s30+$0x1060];
	_ =	sdelay $0x2  }
0x11a: {  	v52 =	vadd.f32 $0.0e+00, v0  }
0x11b: {  	v53 =	vmul.f32 v1, v1;
	v38 =	vsel vm0, v50, v51  }
0x11c: {  	v1 =	vadd.f32 v1, v52;
	v41 =	vmul.f32 v0, v0;
	v0 =	vadd.f32 v38, v40;
	_ =	sdelay $0x1  }
0x11d: {  	v1 =	vadd.f32 v2, v1;
	[tilespmem:s30+$0x1060] =	vst v0  }
0x11e: {  	v54 =	vmul.f32 v2, v2;
	v38 =	vadd.f32 v53, v41;
	v55 =	vld [tilespmem:$0xC570]  }
0x11f: {  	v1 =	vadd.f32 v3, v1;
	v57 =	vld [tilespmem:$0xC4F0]  }
0x120: {  	v56 =	vmul.f32 v3, v3;
	v58 =	vld [tilespmem:s30+$0x1070];
	v38 =	vadd.f32 v54, v38  }
0x121: {  	v1 =	vadd.f32 v4, v1  }
0x122: {  	v59 =	vmul.f32 v4, v4;
	v38 =	vadd.f32 v56, v38  }
0x123: {  	v61 =	vmul.f32 v5, v5;
	v5 =	vadd.f32 v5, v1  }
0x124: {  	v60 =	vadd.f32 v59, v38;
	v62 =	vsel vm0, v55, v57  }
0x125: {  	v39 =	vadd.f32 v6, v5;
	v1 =	vadd.f32 v62, v58  }
0x126: {  	v38 =	vmul.f32 v6, v6;
	v63 =	vadd.f32 v61, v60  }
0x127: {  	v4 =	vadd.f32 v7, v39;
	[tilespmem:s30+$0x1070] =	vst v1  }
0x128: {  	v40 =	vmul.f32 v7, v7;
	v2 =	vadd.f32 v38, v63;
	v41 =	vld [tilespmem:$0xC600]  }
0x129: {  	v4 =	vadd.f32 v8, v4;
	v43 =	vld [tilespmem:$0xC580]  }
0x12a: {  	v42 =	vmul.f32 v8, v8;
	v44 =	vld [tilespmem:s30+$0x1400];
	v2 =	vadd.f32 v40, v2  }
0x12b: {  	v4 =	vadd.f32 v9, v4  }
0x12c: {  	v45 =	vmul.f32 v9, v9;
	v2 =	vadd.f32 v42, v2  }
0x12d: {  	v4 =	vadd.f32 v10, v4  }
0x12e: {  	v46 =	vmul.f32 v10, v10;
	v2 =	vadd.f32 v45, v2;
	v5 =	vsel vm0, v41, v43  }
0x12f: {  	v4 =	vadd.f32 v11, v4;
	v3 =	vadd.f32 v5, v44  }
0x130: {  	v47 =	vmul.f32 v11, v11;
	v2 =	vadd.f32 v46, v2  }
0x131: {  	v4 =	vadd.f32 v12, v4;
	[tilespmem:s30+$0x1400] =	vst v3  }
0x132: {  	v48 =	vmul.f32 v12, v12;
	v2 =	vadd.f32 v47, v2;
	v49 =	vld [tilespmem:$0xC610]  }
0x133: {  	v4 =	vadd.f32 v13, v4;
	v51 =	vld [tilespmem:$0xC590]  }
0x134: {  	v52 =	vld [tilespmem:s30+$0x1410];
	v50 =	vmul.f32 v13, v13;
	v2 =	vadd.f32 v48, v2  }
0x135: {  	v4 =	vadd.f32 v14, v4  }
0x136: {  	v53 =	vmul.f32 v14, v14;
	v2 =	vadd.f32 v50, v2  }
0x137: {  	v4 =	vadd.f32 v15, v4  }
0x138: {  	v54 =	vmul.f32 v15, v15;
	v2 =	vadd.f32 v53, v2;
	v6 =	vsel vm0, v49, v51  }
0x139: {  	v4 =	vadd.f32 v16, v4;
	v5 =	vadd.f32 v6, v52  }
0x13a: {  	v55 =	vmul.f32 v16, v16;
	v2 =	vadd.f32 v54, v2  }
0x13b: {  	v4 =	vadd.f32 v17, v4;
	[tilespmem:s30+$0x1410] =	vst v5  }
0x13c: {  	v56 =	vmul.f32 v17, v17;
	v2 =	vadd.f32 v55, v2;
	v57 =	vld [tilespmem:$0xC620]  }
0x13d: {  	v4 =	vadd.f32 v18, v4;
	v59 =	vld [tilespmem:$0xC5A0]  }
0x13e: {  	v60 =	vld [tilespmem:s30+$0x1420];
	v58 =	vmul.f32 v18, v18;
	v2 =	vadd.f32 v56, v2  }
0x13f: {  	v4 =	vadd.f32 v19, v4  }
0x140: {  	v61 =	vmul.f32 v19, v19;
	v2 =	vadd.f32 v58, v2  }
0x141: {  	v4 =	vadd.f32 v20, v4  }
0x142: {  	v62 =	vmul.f32 v20, v20;
	v7 =	vsel vm0, v57, v59;
	v2 =	vadd.f32 v61, v2  }
0x143: {  	v4 =	vadd.f32 v21, v4;
	v63 =	vadd.f32 v7, v60  }
0x144: {  	v13 =	vmul.f32 v21, v21;
	v2 =	vadd.f32 v62, v2  }
0x145: {  	v4 =	vadd.f32 v22, v4;
	[tilespmem:s30+$0x1420] =	vst v63  }
0x146: {  	v14 =	vmul.f32 v22, v22;
	v15 =	vld [tilespmem:$0xC630];
	v2 =	vadd.f32 v13, v2  }
0x147: {  	v4 =	vadd.f32 v23, v4;
	v17 =	vld [tilespmem:$0xC5B0]  }
0x148: {  	v16 =	vmul.f32 v23, v23;
	v18 =	vld [tilespmem:s30+$0x1430];
	v2 =	vadd.f32 v14, v2  }
0x149: {  	v4 =	vadd.f32 v24, v4  }
0x14a: {  	v19 =	vmul.f32 v24, v24;
	v2 =	vadd.f32 v16, v2  }
0x14b: {  	v4 =	vadd.f32 v25, v4  }
0x14c: {  	v20 =	vmul.f32 v25, v25;
	v8 =	vsel vm0, v15, v17;
	v2 =	vadd.f32 v19, v2  }
0x14d: {  	v4 =	vadd.f32 v26, v4;
	v21 =	vadd.f32 v8, v18  }
0x14e: {  	v22 =	vmul.f32 v26, v26;
	v2 =	vadd.f32 v20, v2  }
0x14f: {  	v4 =	vadd.f32 v27, v4;
	[tilespmem:s30+$0x1430] =	vst v21  }
0x150: {  	v23 =	vmul.f32 v27, v27;
	v24 =	vld [tilespmem:$0xC640];
	v2 =	vadd.f32 v22, v2  }
0x151: {  	v4 =	vadd.f32 v28, v4;
	v26 =	vld [tilespmem:$0xC5C0]  }
0x152: {  	v25 =	vmul.f32 v28, v28;
	v27 =	vld [tilespmem:s30+$0x1440];
	v2 =	vadd.f32 v23, v2  }
0x153: {  	v4 =	vadd.f32 v29, v4  }
0x154: {  	v28 =	vmul.f32 v29, v29;
	v2 =	vadd.f32 v25, v2  }
0x155: {  	v4 =	vadd.f32 v30, v4  }
0x156: {  	v38 =	vmul.f32 v30, v30;
	v9 =	vsel vm0, v24, v26;
	v2 =	vadd.f32 v28, v2  }
0x157: {  	v4 =	vadd.f32 v31, v4;
	v39 =	vadd.f32 v9, v27  }
0x158: {  	v40 =	vmul.f32 v31, v31;
	v2 =	vadd.f32 v38, v2  }
0x159: {  	v4 =	vadd.f32 v32, v4;
	[tilespmem:s30+$0x1440] =	vst v39  }
0x15a: {  	v41 =	vmul.f32 v32, v32;
	v42 =	vld [tilespmem:$0xC650];
	v2 =	vadd.f32 v40, v2  }
0x15b: {  	v4 =	vadd.f32 v33, v4;
	v44 =	vld [tilespmem:$0xC5D0]  }
0x15c: {  	v45 =	vld [tilespmem:s30+$0x1450];
	v43 =	vmul.f32 v33, v33;
	v2 =	vadd.f32 v41, v2  }
0x15d: {  	v4 =	vadd.f32 v34, v4  }
0x15e: {  	v46 =	vmul.f32 v34, v34;
	v2 =	vadd.f32 v43, v2  }
0x15f: {  	v4 =	vadd.f32 v35, v4  }
0x160: {  	v47 =	vmul.f32 v35, v35;
	v10 =	vsel vm0, v42, v44;
	v2 =	vadd.f32 v46, v2  }
0x161: {  	v4 =	vadd.f32 v36, v4;
	v48 =	vadd.f32 v10, v45  }
0x162: {  	v49 =	vmul.f32 v36, v36;
	v2 =	vadd.f32 v47, v2  }
0x163: {  	v4 =	vadd.f32 v37, v4;
	[tilespmem:s30+$0x1450] =	vst v48  }
0x164: {  	v50 =	vmul.f32 v37, v37;
	v51 =	vld [tilespmem:$0xC660];
	v2 =	vadd.f32 v49, v2  }
0x165: {  	v52 =	vmul.f32 v0, v0;
	v0 =	vadd.f32 v0, v4;
	v53 =	vld [tilespmem:$0xC5E0]  }
0x166: {  	v54 =	vld [tilespmem:s30+$0x1460];
	v2 =	vadd.f32 v50, v2  }
0x167: {  	v0 =	vadd.f32 v1, v0  }
0x168: {  	v55 =	vmul.f32 v1, v1;
	v2 =	vadd.f32 v52, v2  }
0x169: {  	v0 =	vadd.f32 v3, v0  }
0x16a: {  	v57 =	vmul.f32 v3, v3;
	v58 =	vsel vm0, v51, v53;
	v56 =	vadd.f32 v55, v2  }
0x16b: {  	v0 =	vadd.f32 v5, v0;
	v59 =	vadd.f32 v58, v54  }
0x16c: {  	v60 =	vmul.f32 v5, v5;
	v1 =	vadd.f32 v57, v56  }
0x16d: {  	v0 =	vadd.f32 v63, v0;
	[tilespmem:s30+$0x1460] =	vst v59  }
0x16e: {  	v61 =	vmul.f32 v63, v63;
	v62 =	vld [tilespmem:$0xC670];
	v1 =	vadd.f32 v60, v1  }
0x16f: {  	v0 =	vadd.f32 v21, v0;
	v10 =	vld [tilespmem:$0xC5F0]  }
0x170: {  	v11 =	vld [tilespmem:s30+$0x1470];
	v63 =	vmul.f32 v21, v21;
	v1 =	vadd.f32 v61, v1  }
0x171: {  	v0 =	vadd.f32 v39, v0  }
0x172: {  	v12 =	vmul.f32 v39, v39;
	v1 =	vadd.f32 v63, v1  }
0x173: {  	v0 =	vadd.f32 v48, v0  }
0x174: {  	v13 =	vmul.f32 v48, v48;
	v4 =	vsel vm0, v62, v10;
	v1 =	vadd.f32 v12, v1  }
0x175: {  	v0 =	vadd.f32 v59, v0;
	v14 =	vadd.f32 v4, v11  }
0x176: {  	v15 =	vmul.f32 v59, v59;
	v1 =	vadd.f32 v13, v1  }
0x177: {  	v0 =	vadd.f32 v14, v0  }
0x178: {  	v16 =	vmul.f32 v14, v14;
	v1 =	vadd.f32 v15, v1  }
0x179: {  	(xrf2) =	vadd.scan.msk.f32 $0xffff, v0  }
0x17a: {  	v1 =	vadd.f32 v16, v1;
	_ =	sdelay $0x1  }
0x17b: {  	(xrf2) =	vadd.scan.msk.f32 $0xffff, v1;
	_ =	sdelay $0x6  }
0x17c: {  	v0, _, _ =	vpop (xrf2)  }
0x17d: {  	(v2sf) =	vpush v0, $0xF;
	_ =	sdelay $0x1  }
0x17e: {  	v17, _, _ =	vpop (xrf2)  }
0x17f: {  	(v2sf) =	vpush v17, $0xF;
	_ =	sdelay $0xb  }
0x180: {  	s2 =	spop (v2sf)  }
0x181: {  	s31 =	smul.f32 $1.302083370e-03, s2;
	_ =	sdelay $0x1  }
0x182: {  	s0 =	smul.f32 s31, s31;
	s1 =	spop (v2sf)  }
0x183: {  	s1 =	smul.f32 $1.302083370e-03, s1;
	_ =	sdelay $0x1  }
0x184: {  	s0 =	ssub.f32 s1, s0;
	_ =	sdelay $0x1  }
0x185: {  	s0 =	sadd.f32 $9.999999960e-13, s0;
	_ =	sdelay $0x1  }
0x186: {  	v18 =	vmov s0  }
0x187: {  	v19 =	vshrl.u32 v18, $0x1;
	v0 =	vmul.f32 $5.000000000e-01, v18  }
0x188: {  	v1 =	vsub.s32 $0x5F3759DF, v19  }
0x189: {  	v20 =	vmul.f32 v1, v0;
	_ =	sdelay $0x1  }
0x18a: {  	v2 =	vmul.f32 v1, v20;
	_ =	sdelay $0x1  }
0x18b: {  	v2 =	vsub.f32 $1.500000000e+00, v2;
	_ =	sdelay $0x1  }
0x18c: {  	v1 =	vmul.f32 v1, v2;
	_ =	sdelay $0x1  }
0x18d: {  	v2 =	vmul.f32 v1, v0;
	_ =	sdelay $0x1  }
0x18e: {  	v2 =	vmul.f32 v2, v1;
	_ =	sdelay $0x1  }
0x18f: {  	v2 =	vsub.f32 $1.500000000e+00, v2;
	_ =	sdelay $0x1  }
0x190: {  	v1 =	vmul.f32 v2, v1;
	_ =	sdelay $0x1  }
0x191: {  	v0 =	vmul.f32 v1, v0  }
0x192: {  	v21 =	vld [tilespmem:s30+$0x0]  }
0x193: {  	v0 =	vmul.f32 v0, v1;
	_ =	sdelay $0x1  }
0x194: {  	[tilespmem:s30+$0x1470] =	vst v14;
	v22 =	vsub.f32 $1.500000000e+00, v0  }
0x195: {  	v23 =	vld [tilespmem:$0xC680];
	v0 =	vmov s31  }
0x196: {  	v2 =	vsub.f32 v21, v0;
	v1 =	vmul.f32 v22, v1  }
0x197: {  	v24 =	vld [tilespmem:$0xC980]  }
0x198: {  	v2 =	vmul.f32 v1, v2;
	_ =	sdelay $0x1  }
0x199: {  	v2 =	vmul.f32 v2, v23  }
0x19a: {  	v25 =	vld [tilespmem:s30+$0x10]  }
0x19b: {  	v2 =	vadd.f32 v2, v24;
	_ =	sdelay $0x1  }
0x19c: {  	[tilespmem:s30+$0x0] =	vst v2  }
0x19d: {  	v2 =	vld [tilespmem:$0xC690]  }
0x19e: {  	v26 =	vsub.f32 v25, v0  }
0x19f: {  	v27 =	vld [tilespmem:$0xC990]  }
0x1a0: {  	v3 =	vmul.f32 v1, v26;
	_ =	sdelay $0x1  }
0x1a1: {  	v2 =	vmul.f32 v3, v2  }
0x1a2: {  	v28 =	vld [tilespmem:s30+$0x20]  }
0x1a3: {  	v2 =	vadd.f32 v2, v27;
	_ =	sdelay $0x1  }
0x1a4: {  	[tilespmem:s30+$0x10] =	vst v2  }
0x1a5: {  	v2 =	vld [tilespmem:$0xC6A0]  }
0x1a6: {  	v3 =	vsub.f32 v28, v0  }
0x1a7: {  	v29 =	vld [tilespmem:$0xC9A0]  }
0x1a8: {  	v3 =	vmul.f32 v1, v3;
	_ =	sdelay $0x1  }
0x1a9: {  	v2 =	vmul.f32 v3, v2  }
0x1aa: {  	v30 =	vld [tilespmem:s30+$0x30]  }
0x1ab: {  	v2 =	vadd.f32 v2, v29;
	_ =	sdelay $0x1  }
0x1ac: {  	[tilespmem:s30+$0x20] =	vst v2  }
0x1ad: {  	v2 =	vld [tilespmem:$0xC6B0]  }
0x1ae: {  	v3 =	vsub.f32 v30, v0  }
0x1af: {  	v31 =	vld [tilespmem:$0xC9B0]  }
0x1b0: {  	v3 =	vmul.f32 v1, v3;
	_ =	sdelay $0x1  }
0x1b1: {  	v2 =	vmul.f32 v3, v2  }
0x1b2: {  	v32 =	vld [tilespmem:s30+$0x40]  }
0x1b3: {  	v2 =	vadd.f32 v2, v31;
	_ =	sdelay $0x1  }
0x1b4: {  	[tilespmem:s30+$0x30] =	vst v2  }
0x1b5: {  	v2 =	vld [tilespmem:$0xC6C0]  }
0x1b6: {  	v3 =	vsub.f32 v32, v0  }
0x1b7: {  	v33 =	vld [tilespmem:$0xC9C0]  }
0x1b8: {  	v3 =	vmul.f32 v1, v3;
	_ =	sdelay $0x1  }
0x1b9: {  	v2 =	vmul.f32 v3, v2  }
0x1ba: {  	v34 =	vld [tilespmem:s30+$0x50]  }
0x1bb: {  	v2 =	vadd.f32 v2, v33;
	_ =	sdelay $0x1  }
0x1bc: {  	[tilespmem:s30+$0x40] =	vst v2  }
0x1bd: {  	v2 =	vld [tilespmem:$0xC6D0]  }
0x1be: {  	v3 =	vsub.f32 v34, v0  }
0x1bf: {  	v35 =	vld [tilespmem:$0xC9D0]  }
0x1c0: {  	v3 =	vmul.f32 v1, v3;
	_ =	sdelay $0x1  }
0x1c1: {  	v2 =	vmul.f32 v3, v2  }
0x1c2: {  	v36 =	vld [tilespmem:s30+$0x60]  }
0x1c3: {  	v2 =	vadd.f32 v2, v35;
	_ =	sdelay $0x1  }
0x1c4: {  	[tilespmem:s30+$0x50] =	vst v2  }
0x1c5: {  	v2 =	vld [tilespmem:$0xC6E0]  }
0x1c6: {  	v3 =	vsub.f32 v36, v0  }
0x1c7: {  	v37 =	vld [tilespmem:$0xC9E0]  }
0x1c8: {  	v3 =	vmul.f32 v1, v3;
	_ =	sdelay $0x1  }
0x1c9: {  	v2 =	vmul.f32 v3, v2  }
0x1ca: {  	v38 =	vld [tilespmem:s30+$0x70]  }
0x1cb: {  	v2 =	vadd.f32 v2, v37;
	_ =	sdelay $0x1  }
0x1cc: {  	[tilespmem:s30+$0x60] =	vst v2  }
0x1cd: {  	v2 =	vld [tilespmem:$0xC6F0]  }
0x1ce: {  	v3 =	vsub.f32 v38, v0  }
0x1cf: {  	v39 =	vld [tilespmem:$0xC9F0]  }
0x1d0: {  	v3 =	vmul.f32 v3, v1;
	_ =	sdelay $0x1  }
0x1d1: {  	v2 =	vmul.f32 v3, v2  }
0x1d2: {  	v40 =	vld [tilespmem:s30+$0x400]  }
0x1d3: {  	v2 =	vadd.f32 v2, v39;
	_ =	sdelay $0x1  }
0x1d4: {  	[tilespmem:s30+$0x70] =	vst v2  }
0x1d5: {  	v2 =	vld [tilespmem:$0xC700]  }
0x1d6: {  	v3 =	vsub.f32 v40, v0  }
0x1d7: {  	v41 =	vld [tilespmem:$0xCA00]  }
0x1d8: {  	v3 =	vmul.f32 v3, v1;
	_ =	sdelay $0x1  }
0x1d9: {  	v2 =	vmul.f32 v3, v2  }
0x1da: {  	v42 =	vld [tilespmem:s30+$0x410]  }
0x1db: {  	v2 =	vadd.f32 v2, v41;
	_ =	sdelay $0x1  }
0x1dc: {  	[tilespmem:s30+$0x400] =	vst v2  }
0x1dd: {  	v2 =	vld [tilespmem:$0xC710]  }
0x1de: {  	v3 =	vsub.f32 v42, v0  }
0x1df: {  	v43 =	vld [tilespmem:$0xCA10]  }
0x1e0: {  	v3 =	vmul.f32 v3, v1;
	_ =	sdelay $0x1  }
0x1e1: {  	v2 =	vmul.f32 v3, v2  }
0x1e2: {  	v44 =	vld [tilespmem:s30+$0x420]  }
0x1e3: {  	v2 =	vadd.f32 v2, v43;
	_ =	sdelay $0x1  }
0x1e4: {  	[tilespmem:s30+$0x410] =	vst v2  }
0x1e5: {  	v2 =	vld [tilespmem:$0xC720]  }
0x1e6: {  	v3 =	vsub.f32 v44, v0  }
0x1e7: {  	v45 =	vld [tilespmem:$0xCA20]  }
0x1e8: {  	v3 =	vmul.f32 v3, v1;
	_ =	sdelay $0x1  }
0x1e9: {  	v2 =	vmul.f32 v3, v2  }
0x1ea: {  	v46 =	vld [tilespmem:s30+$0x430]  }
0x1eb: {  	v2 =	vadd.f32 v2, v45;
	_ =	sdelay $0x1  }
0x1ec: {  	[tilespmem:s30+$0x420] =	vst v2  }
0x1ed: {  	v2 =	vld [tilespmem:$0xC730]  }
0x1ee: {  	v3 =	vsub.f32 v46, v0  }
0x1ef: {  	v47 =	vld [tilespmem:$0xCA30]  }
0x1f0: {  	v3 =	vmul.f32 v3, v1;
	_ =	sdelay $0x1  }
0x1f1: {  	v2 =	vmul.f32 v3, v2  }
0x1f2: {  	v48 =	vld [tilespmem:s30+$0x440]  }
0x1f3: {  	v2 =	vadd.f32 v2, v47;
	_ =	sdelay $0x1  }
0x1f4: {  	[tilespmem:s30+$0x430] =	vst v2  }
0x1f5: {  	v2 =	vld [tilespmem:$0xC740]  }
0x1f6: {  	v3 =	vsub.f32 v48, v0  }
0x1f7: {  	v49 =	vld [tilespmem:$0xCA40]  }
0x1f8: {  	v3 =	vmul.f32 v3, v1;
	_ =	sdelay $0x1  }
0x1f9: {  	v2 =	vmul.f32 v3, v2  }
0x1fa: {  	v50 =	vld [tilespmem:s30+$0x450]  }
0x1fb: {  	v2 =	vadd.f32 v2, v49;
	_ =	sdelay $0x1  }
0x1fc: {  	[tilespmem:s30+$0x440] =	vst v2  }
0x1fd: {  	v2 =	vld [tilespmem:$0xC750]  }
0x1fe: {  	v3 =	vsub.f32 v50, v0  }
0x1ff: {  	v51 =	vld [tilespmem:$0xCA50]  }
0x200: {  	v3 =	vmul.f32 v3, v1;
	_ =	sdelay $0x1  }
0x201: {  	v2 =	vmul.f32 v3, v2  }
0x202: {  	v52 =	vld [tilespmem:s30+$0x460]  }
0x203: {  	v2 =	vadd.f32 v2, v51;
	_ =	sdelay $0x1  }
0x204: {  	[tilespmem:s30+$0x450] =	vst v2  }
0x205: {  	v2 =	vld [tilespmem:$0xC760]  }
0x206: {  	v3 =	vsub.f32 v52, v0  }
0x207: {  	v53 =	vld [tilespmem:$0xCA60]  }
0x208: {  	v3 =	vmul.f32 v3, v1;
	_ =	sdelay $0x1  }
0x209: {  	v2 =	vmul.f32 v3, v2  }
0x20a: {  	v54 =	vld [tilespmem:s30+$0x470]  }
0x20b: {  	v2 =	vadd.f32 v2, v53;
	_ =	sdelay $0x1  }
0x20c: {  	[tilespmem:s30+$0x460] =	vst v2  }
0x20d: {  	v2 =	vld [tilespmem:$0xC770]  }
0x20e: {  	v3 =	vsub.f32 v54, v0  }
0x20f: {  	v55 =	vld [tilespmem:$0xCA70]  }
0x210: {  	v3 =	vmul.f32 v3, v1;
	_ =	sdelay $0x1  }
0x211: {  	v2 =	vmul.f32 v3, v2  }
0x212: {  	v56 =	vld [tilespmem:s30+$0x800]  }
0x213: {  	v2 =	vadd.f32 v2, v55;
	_ =	sdelay $0x1  }
0x214: {  	[tilespmem:s30+$0x470] =	vst v2  }
0x215: {  	v2 =	vld [tilespmem:$0xC780]  }
0x216: {  	v3 =	vsub.f32 v56, v0  }
0x217: {  	v57 =	vld [tilespmem:$0xCA80]  }
0x218: {  	v3 =	vmul.f32 v3, v1;
	_ =	sdelay $0x1  }
0x219: {  	v2 =	vmul.f32 v3, v2  }
0x21a: {  	v58 =	vld [tilespmem:s30+$0x810]  }
0x21b: {  	v2 =	vadd.f32 v2, v57;
	_ =	sdelay $0x1  }
0x21c: {  	[tilespmem:s30+$0x800] =	vst v2  }
0x21d: {  	v2 =	vld [tilespmem:$0xC790]  }
0x21e: {  	v3 =	vsub.f32 v58, v0  }
0x21f: {  	v59 =	vld [tilespmem:$0xCA90]  }
0x220: {  	v3 =	vmul.f32 v3, v1;
	_ =	sdelay $0x1  }
0x221: {  	v2 =	vmul.f32 v3, v2  }
0x222: {  	v60 =	vld [tilespmem:s30+$0x820]  }
0x223: {  	v2 =	vadd.f32 v2, v59;
	_ =	sdelay $0x1  }
0x224: {  	[tilespmem:s30+$0x810] =	vst v2  }
0x225: {  	v2 =	vld [tilespmem:$0xC7A0]  }
0x226: {  	v3 =	vsub.f32 v60, v0  }
0x227: {  	v61 =	vld [tilespmem:$0xCAA0]  }
0x228: {  	v3 =	vmul.f32 v3, v1;
	_ =	sdelay $0x1  }
0x229: {  	v2 =	vmul.f32 v3, v2  }
0x22a: {  	v62 =	vld [tilespmem:s30+$0x830]  }
0x22b: {  	v2 =	vadd.f32 v2, v61;
	_ =	sdelay $0x1  }
0x22c: {  	[tilespmem:s30+$0x820] =	vst v2  }
0x22d: {  	v2 =	vld [tilespmem:$0xC7B0]  }
0x22e: {  	v3 =	vsub.f32 v62, v0  }
0x22f: {  	v63 =	vld [tilespmem:$0xCAB0]  }
0x230: {  	v3 =	vmul.f32 v3, v1;
	_ =	sdelay $0x1  }
0x231: {  	v2 =	vmul.f32 v3, v2  }
0x232: {  	v8 =	vld [tilespmem:s30+$0x840]  }
0x233: {  	v2 =	vadd.f32 v2, v63;
	_ =	sdelay $0x1  }
0x234: {  	[tilespmem:s30+$0x830] =	vst v2  }
0x235: {  	v2 =	vld [tilespmem:$0xC7C0]  }
0x236: {  	v3 =	vsub.f32 v8, v0  }
0x237: {  	v9 =	vld [tilespmem:$0xCAC0]  }
0x238: {  	v3 =	vmul.f32 v3, v1;
	_ =	sdelay $0x1  }
0x239: {  	v2 =	vmul.f32 v3, v2  }
0x23a: {  	v10 =	vld [tilespmem:s30+$0x850]  }
0x23b: {  	v2 =	vadd.f32 v2, v9;
	_ =	sdelay $0x1  }
0x23c: {  	[tilespmem:s30+$0x840] =	vst v2  }
0x23d: {  	v2 =	vld [tilespmem:$0xC7D0]  }
0x23e: {  	v3 =	vsub.f32 v10, v0  }
0x23f: {  	v11 =	vld [tilespmem:$0xCAD0]  }
0x240: {  	v3 =	vmul.f32 v3, v1;
	_ =	sdelay $0x1  }
0x241: {  	v2 =	vmul.f32 v3, v2  }
0x242: {  	v12 =	vld [tilespmem:s30+$0x860]  }
0x243: {  	v2 =	vadd.f32 v2, v11;
	_ =	sdelay $0x1  }
0x244: {  	[tilespmem:s30+$0x850] =	vst v2  }
0x245: {  	v2 =	vld [tilespmem:$0xC7E0]  }
0x246: {  	v3 =	vsub.f32 v12, v0  }
0x247: {  	v13 =	vld [tilespmem:$0xCAE0]  }
0x248: {  	v3 =	vmul.f32 v3, v1;
	_ =	sdelay $0x1  }
0x249: {  	v2 =	vmul.f32 v3, v2  }
0x24a: {  	v14 =	vld [tilespmem:s30+$0x870]  }
0x24b: {  	v2 =	vadd.f32 v2, v13;
	_ =	sdelay $0x1  }
0x24c: {  	[tilespmem:s30+$0x860] =	vst v2  }
0x24d: {  	v2 =	vld [tilespmem:$0xC7F0]  }
0x24e: {  	v3 =	vsub.f32 v14, v0  }
0x24f: {  	v15 =	vld [tilespmem:$0xCAF0]  }
0x250: {  	v3 =	vmul.f32 v3, v1;
	_ =	sdelay $0x1  }
0x251: {  	v2 =	vmul.f32 v3, v2  }
0x252: {  	v16 =	vld [tilespmem:s30+$0xC00]  }
0x253: {  	v2 =	vadd.f32 v2, v15;
	_ =	sdelay $0x1  }
0x254: {  	[tilespmem:s30+$0x870] =	vst v2  }
0x255: {  	v2 =	vld [tilespmem:$0xC800]  }
0x256: {  	v3 =	vsub.f32 v16, v0  }
0x257: {  	v17 =	vld [tilespmem:$0xCB00]  }
0x258: {  	v3 =	vmul.f32 v3, v1;
	_ =	sdelay $0x1  }
0x259: {  	v2 =	vmul.f32 v3, v2  }
0x25a: {  	v18 =	vld [tilespmem:s30+$0xC10]  }
0x25b: {  	v2 =	vadd.f32 v2, v17;
	_ =	sdelay $0x1  }
0x25c: {  	[tilespmem:s30+$0xC00] =	vst v2  }
0x25d: {  	v2 =	vld [tilespmem:$0xC810]  }
0x25e: {  	v3 =	vsub.f32 v18, v0  }
0x25f: {  	v19 =	vld [tilespmem:$0xCB10]  }
0x260: {  	v3 =	vmul.f32 v3, v1;
	_ =	sdelay $0x1  }
0x261: {  	v2 =	vmul.f32 v3, v2  }
0x262: {  	v20 =	vld [tilespmem:s30+$0xC20]  }
0x263: {  	v2 =	vadd.f32 v2, v19;
	_ =	sdelay $0x1  }
0x264: {  	[tilespmem:s30+$0xC10] =	vst v2  }
0x265: {  	v2 =	vld [tilespmem:$0xC820]  }
0x266: {  	v3 =	vsub.f32 v20, v0  }
0x267: {  	v21 =	vld [tilespmem:$0xCB20]  }
0x268: {  	v3 =	vmul.f32 v3, v1;
	_ =	sdelay $0x1  }
0x269: {  	v2 =	vmul.f32 v3, v2  }
0x26a: {  	v22 =	vld [tilespmem:s30+$0xC30]  }
0x26b: {  	v2 =	vadd.f32 v2, v21;
	_ =	sdelay $0x1  }
0x26c: {  	[tilespmem:s30+$0xC20] =	vst v2  }
0x26d: {  	v2 =	vld [tilespmem:$0xC830]  }
0x26e: {  	v3 =	vsub.f32 v22, v0  }
0x26f: {  	v23 =	vld [tilespmem:$0xCB30]  }
0x270: {  	v3 =	vmul.f32 v3, v1;
	_ =	sdelay $0x1  }
0x271: {  	v2 =	vmul.f32 v3, v2  }
0x272: {  	v24 =	vld [tilespmem:s30+$0xC40]  }
0x273: {  	v2 =	vadd.f32 v2, v23;
	_ =	sdelay $0x1  }
0x274: {  	[tilespmem:s30+$0xC30] =	vst v2  }
0x275: {  	v2 =	vld [tilespmem:$0xC840]  }
0x276: {  	v3 =	vsub.f32 v24, v0  }
0x277: {  	v25 =	vld [tilespmem:$0xCB40]  }
0x278: {  	v3 =	vmul.f32 v3, v1;
	_ =	sdelay $0x1  }
0x279: {  	v2 =	vmul.f32 v3, v2  }
0x27a: {  	v26 =	vld [tilespmem:s30+$0xC50]  }
0x27b: {  	v2 =	vadd.f32 v2, v25;
	_ =	sdelay $0x1  }
0x27c: {  	[tilespmem:s30+$0xC40] =	vst v2  }
0x27d: {  	v2 =	vld [tilespmem:$0xC850]  }
0x27e: {  	v3 =	vsub.f32 v26, v0  }
0x27f: {  	v27 =	vld [tilespmem:$0xCB50]  }
0x280: {  	v3 =	vmul.f32 v3, v1;
	_ =	sdelay $0x1  }
0x281: {  	v2 =	vmul.f32 v3, v2  }
0x282: {  	v28 =	vld [tilespmem:s30+$0xC60]  }
0x283: {  	v2 =	vadd.f32 v2, v27;
	_ =	sdelay $0x1  }
0x284: {  	[tilespmem:s30+$0xC50] =	vst v2  }
0x285: {  	v2 =	vld [tilespmem:$0xC860]  }
0x286: {  	v3 =	vsub.f32 v28, v0  }
0x287: {  	v29 =	vld [tilespmem:$0xCB60]  }
0x288: {  	v3 =	vmul.f32 v3, v1;
	_ =	sdelay $0x1  }
0x289: {  	v2 =	vmul.f32 v3, v2  }
0x28a: {  	v30 =	vld [tilespmem:s30+$0xC70]  }
0x28b: {  	v2 =	vadd.f32 v2, v29;
	_ =	sdelay $0x1  }
0x28c: {  	[tilespmem:s30+$0xC60] =	vst v2  }
0x28d: {  	v2 =	vld [tilespmem:$0xC870]  }
0x28e: {  	v3 =	vsub.f32 v30, v0  }
0x28f: {  	v31 =	vld [tilespmem:$0xCB70]  }
0x290: {  	v3 =	vmul.f32 v3, v1;
	_ =	sdelay $0x1  }
0x291: {  	v2 =	vmul.f32 v3, v2  }
0x292: {  	v32 =	vld [tilespmem:s30+$0x1000]  }
0x293: {  	v2 =	vadd.f32 v2, v31;
	_ =	sdelay $0x1  }
0x294: {  	[tilespmem:s30+$0xC70] =	vst v2  }
0x295: {  	v2 =	vld [tilespmem:$0xC880]  }
0x296: {  	v3 =	vsub.f32 v32, v0  }
0x297: {  	v33 =	vld [tilespmem:$0xCB80]  }
0x298: {  	v3 =	vmul.f32 v3, v1;
	_ =	sdelay $0x1  }
0x299: {  	v2 =	vmul.f32 v3, v2  }
0x29a: {  	v34 =	vld [tilespmem:s30+$0x1010]  }
0x29b: {  	v2 =	vadd.f32 v2, v33;
	_ =	sdelay $0x1  }
0x29c: {  	[tilespmem:s30+$0x1000] =	vst v2  }
0x29d: {  	v2 =	vld [tilespmem:$0xC890]  }
0x29e: {  	v3 =	vsub.f32 v34, v0  }
0x29f: {  	v35 =	vld [tilespmem:$0xCB90]  }
0x2a0: {  	v3 =	vmul.f32 v3, v1;
	_ =	sdelay $0x1  }
0x2a1: {  	v2 =	vmul.f32 v3, v2  }
0x2a2: {  	v36 =	vld [tilespmem:s30+$0x1020]  }
0x2a3: {  	v2 =	vadd.f32 v2, v35;
	_ =	sdelay $0x1  }
0x2a4: {  	[tilespmem:s30+$0x1010] =	vst v2  }
0x2a5: {  	v2 =	vld [tilespmem:$0xC8A0]  }
0x2a6: {  	v3 =	vsub.f32 v36, v0  }
0x2a7: {  	v37 =	vld [tilespmem:$0xCBA0]  }
0x2a8: {  	v3 =	vmul.f32 v3, v1;
	_ =	sdelay $0x1  }
0x2a9: {  	v2 =	vmul.f32 v3, v2  }
0x2aa: {  	v38 =	vld [tilespmem:s30+$0x1030]  }
0x2ab: {  	v2 =	vadd.f32 v2, v37;
	_ =	sdelay $0x1  }
0x2ac: {  	[tilespmem:s30+$0x1020] =	vst v2  }
0x2ad: {  	v2 =	vld [tilespmem:$0xC8B0]  }
0x2ae: {  	v3 =	vsub.f32 v38, v0  }
0x2af: {  	v39 =	vld [tilespmem:$0xCBB0]  }
0x2b0: {  	v3 =	vmul.f32 v3, v1;
	_ =	sdelay $0x1  }
0x2b1: {  	v2 =	vmul.f32 v3, v2  }
0x2b2: {  	v40 =	vld [tilespmem:s30+$0x1040]  }
0x2b3: {  	v2 =	vadd.f32 v2, v39;
	_ =	sdelay $0x1  }
0x2b4: {  	[tilespmem:s30+$0x1030] =	vst v2  }
0x2b5: {  	v2 =	vld [tilespmem:$0xC8C0]  }
0x2b6: {  	v3 =	vsub.f32 v40, v0  }
0x2b7: {  	v41 =	vld [tilespmem:$0xCBC0]  }
0x2b8: {  	v3 =	vmul.f32 v3, v1;
	_ =	sdelay $0x1  }
0x2b9: {  	v2 =	vmul.f32 v3, v2  }
0x2ba: {  	v42 =	vld [tilespmem:s30+$0x1050]  }
0x2bb: {  	v2 =	vadd.f32 v2, v41;
	_ =	sdelay $0x1  }
0x2bc: {  	[tilespmem:s30+$0x1040] =	vst v2  }
0x2bd: {  	v2 =	vld [tilespmem:$0xC8D0]  }
0x2be: {  	v3 =	vsub.f32 v42, v0  }
0x2bf: {  	v43 =	vld [tilespmem:$0xCBD0]  }
0x2c0: {  	v3 =	vmul.f32 v3, v1;
	_ =	sdelay $0x1  }
0x2c1: {  	v2 =	vmul.f32 v3, v2  }
0x2c2: {  	v44 =	vld [tilespmem:s30+$0x1060]  }
0x2c3: {  	v2 =	vadd.f32 v2, v43;
	_ =	sdelay $0x1  }
0x2c4: {  	[tilespmem:s30+$0x1050] =	vst v2  }
0x2c5: {  	v2 =	vld [tilespmem:$0xC8E0]  }
0x2c6: {  	v3 =	vsub.f32 v44, v0  }
0x2c7: {  	v45 =	vld [tilespmem:$0xCBE0]  }
0x2c8: {  	v3 =	vmul.f32 v3, v1;
	_ =	sdelay $0x1  }
0x2c9: {  	v2 =	vmul.f32 v3, v2  }
0x2ca: {  	v46 =	vld [tilespmem:s30+$0x1070]  }
0x2cb: {  	v2 =	vadd.f32 v2, v45;
	_ =	sdelay $0x1  }
0x2cc: {  	[tilespmem:s30+$0x1060] =	vst v2  }
0x2cd: {  	v2 =	vld [tilespmem:$0xC8F0]  }
0x2ce: {  	v3 =	vsub.f32 v46, v0  }
0x2cf: {  	v47 =	vld [tilespmem:$0xCBF0]  }
0x2d0: {  	v3 =	vmul.f32 v3, v1;
	_ =	sdelay $0x1  }
0x2d1: {  	v2 =	vmul.f32 v3, v2  }
0x2d2: {  	v48 =	vld [tilespmem:s30+$0x1400]  }
0x2d3: {  	v2 =	vadd.f32 v2, v47;
	_ =	sdelay $0x1  }
0x2d4: {  	[tilespmem:s30+$0x1070] =	vst v2  }
0x2d5: {  	v2 =	vld [tilespmem:$0xC900]  }
0x2d6: {  	v3 =	vsub.f32 v48, v0  }
0x2d7: {  	v49 =	vld [tilespmem:$0xCC00]  }
0x2d8: {  	v3 =	vmul.f32 v3, v1;
	_ =	sdelay $0x1  }
0x2d9: {  	v2 =	vmul.f32 v3, v2  }
0x2da: {  	v50 =	vld [tilespmem:s30+$0x1410]  }
0x2db: {  	v2 =	vadd.f32 v2, v49;
	_ =	sdelay $0x1  }
0x2dc: {  	[tilespmem:s30+$0x1400] =	vst v2  }
0x2dd: {  	v2 =	vld [tilespmem:$0xC910]  }
0x2de: {  	v3 =	vsub.f32 v50, v0  }
0x2df: {  	v51 =	vld [tilespmem:$0xCC10]  }
0x2e0: {  	v3 =	vmul.f32 v3, v1;
	_ =	sdelay $0x1  }
0x2e1: {  	v2 =	vmul.f32 v3, v2  }
0x2e2: {  	v52 =	vld [tilespmem:s30+$0x1420]  }
0x2e3: {  	v2 =	vadd.f32 v2, v51;
	_ =	sdelay $0x1  }
0x2e4: {  	[tilespmem:s30+$0x1410] =	vst v2  }
0x2e5: {  	v2 =	vld [tilespmem:$0xC920]  }
0x2e6: {  	v3 =	vsub.f32 v52, v0  }
0x2e7: {  	v53 =	vld [tilespmem:$0xCC20]  }
0x2e8: {  	v3 =	vmul.f32 v3, v1;
	_ =	sdelay $0x1  }
0x2e9: {  	v2 =	vmul.f32 v3, v2  }
0x2ea: {  	v54 =	vld [tilespmem:s30+$0x1430]  }
0x2eb: {  	v2 =	vadd.f32 v2, v53;
	_ =	sdelay $0x1  }
0x2ec: {  	[tilespmem:s30+$0x1420] =	vst v2  }
0x2ed: {  	v2 =	vld [tilespmem:$0xC930]  }
0x2ee: {  	v3 =	vsub.f32 v54, v0  }
0x2ef: {  	v55 =	vld [tilespmem:$0xCC30]  }
0x2f0: {  	v3 =	vmul.f32 v3, v1;
	_ =	sdelay $0x1  }
0x2f1: {  	v2 =	vmul.f32 v3, v2  }
0x2f2: {  	v56 =	vld [tilespmem:s30+$0x1440]  }
0x2f3: {  	v2 =	vadd.f32 v2, v55;
	_ =	sdelay $0x1  }
0x2f4: {  	[tilespmem:s30+$0x1430] =	vst v2  }
0x2f5: {  	v2 =	vld [tilespmem:$0xC940]  }
0x2f6: {  	v3 =	vsub.f32 v56, v0  }
0x2f7: {  	v57 =	vld [tilespmem:$0xCC40]  }
0x2f8: {  	v3 =	vmul.f32 v3, v1;
	_ =	sdelay $0x1  }
0x2f9: {  	v2 =	vmul.f32 v3, v2  }
0x2fa: {  	v58 =	vld [tilespmem:s30+$0x1450]  }
0x2fb: {  	v2 =	vadd.f32 v2, v57;
	_ =	sdelay $0x1  }
0x2fc: {  	[tilespmem:s30+$0x1440] =	vst v2  }
0x2fd: {  	v2 =	vld [tilespmem:$0xC950]  }
0x2fe: {  	v3 =	vsub.f32 v58, v0  }
0x2ff: {  	v59 =	vld [tilespmem:$0xCC50]  }
0x300: {  	v3 =	vmul.f32 v3, v1;
	_ =	sdelay $0x1  }
0x301: {  	v2 =	vmul.f32 v3, v2  }
0x302: {  	v60 =	vld [tilespmem:s30+$0x1460]  }
0x303: {  	v2 =	vadd.f32 v2, v59;
	_ =	sdelay $0x1  }
0x304: {  	[tilespmem:s30+$0x1450] =	vst v2  }
0x305: {  	v2 =	vld [tilespmem:$0xC960]  }
0x306: {  	v3 =	vsub.f32 v60, v0  }
0x307: {  	v61 =	vld [tilespmem:$0xCC60]  }
0x308: {  	v3 =	vmul.f32 v3, v1;
	_ =	sdelay $0x1  }
0x309: {  	v2 =	vmul.f32 v3, v2  }
0x30a: {  	v62 =	vld [tilespmem:s30+$0x1470]  }
0x30b: {  	v2 =	vadd.f32 v2, v61;
	_ =	sdelay $0x1  }
0x30c: {  	[tilespmem:s30+$0x1460] =	vst v2  }
0x30d: {  	v2 =	vld [tilespmem:$0xC970]  }
0x30e: {  	v0 =	vsub.f32 v62, v0  }
0x30f: {  	v63 =	vld [tilespmem:$0xCC70]  }
0x310: {  	v0 =	vmul.f32 v0, v1  }
0x311: {  	p1 =	sne.s32 s29, $0x1F  }
.Ltmp2:
0x312: {  	v0 =	vmul.f32 v0, v2;
	(pc) =	sbr.rel @p1 .LBB2_3-.Ltmp2, $3  }
0x313: {  	_ = 	snop  }
0x314: {  	v0 =	vadd.f32 v0, v63;
	_ =	sdelay $0x1  }
0x315: {  	s28 =	sadd.s32 $0x80, s28;
	s29 =	sadd.s32 $0x1, s29;
	[tilespmem:s30+$0x1470] =	vst v0  }
0x316: {  	s0 =	sor.u32 s4, s26  }
0x317: {  	s0 =	sshrl.u32 s0, $0x3  }
0x318: {  	s0 =	smul.u32 $0x300, s0;
	_ =	sdelay $0x1  }
0x319: {  	s0 =	sadd.s32 s8, s0  }
0x31a: {  	[hbm4b:s0+s3] =	stream.linear.scatter [tilespmem:s3], [sflag:$0x3], $0x6000, $0x38;
	[tilespmem:$0xCC80] =	vst v63  }
0x31b: {  	s0 =	simm.s32 @p0 $0x3  }
0x31c: {  	_ =	swait.ge @p0 [sflag:s0], $0x6000  }
0x31d: {  	[sflag:s0] =	ssyncset.done @p0 $0x0  }
0x31e: {  	[sflag:s0] =	ssyncadd.s32 @p0 $0xFFFFA000;
	s0 =	simm.s32 @p0 $0x0  }
0x31f: {  	[tilespmem:s0], [sflag:$0x1] =	stream.linear.gather @p0 [hbm4b:s12+s0], $0x6000, $0x38;
	[tilespmem:$0xCC80] =	vst v63  }
0x320: {  	_ =	swait.ge [sflag:s22], $0x6000  }
0x321: {  	s28 =	sor.u32 $0x20, s26;
	s26 =	sadd.s32 $0x20, s26;
	[sflag:s22] =	ssyncset.done $0x0  }
0x322: {  	s29 =	simm.s32 $0x0;
	s30 =	simm.s32 $0x0;
	[sflag:s22] =	ssyncadd.s32 $0xFFFFA000  }
.LBB2_5:
0x323: {  	s0 =	sadd.s32 s30, s26  }
0x324: {  	v0 =	vmov s0;
	_ =	sdelay $0x1  }
0x325: {  	s31 =	sshrl.u32 s30, $0x3  }
0x326: {  	s0 =	smul.u32 $0x6000, s31  }
0x327: {  	v1 =	vld [tilespmem:$0xC100]  }
0x328: {  	s1 =	sand.u32 $0x380, s29;
	s0 =	sshra.s32 s0, $0x2;
	v0 =	vld.idx.msk [tilespmem:v0+s19+$0x0], $0xffff  }
0x329: {  	v2 =	vld [tilespmem:$0xC080];
	s31 =	sor.u32 s1, s0  }
0x32a: {  	v3 =	vld [tilespmem:s31+$0x6000];
	_ =	sdelay $0x2  }
0x32b: {  	vm0 =	veq.s32 v0, $0x1  }
0x32c: {  	v0 =	vsel vm0, v1, v2  }
0x32d: {  	v0 =	vadd.f32 v0, v3;
	_ =	sdelay $0x1  }
0x32e: {  	[tilespmem:s31+$0x6000] =	vst v0  }
0x32f: {  	v59 =	vld [tilespmem:$0xC110]  }
0x330: {  	v60 =	vld [tilespmem:$0xC090]  }
0x331: {  	v61 =	vld [tilespmem:s31+$0x6010];
	_ =	sdelay $0x3  }
0x332: {  	v1 =	vsel vm0, v59, v60  }
0x333: {  	v1 =	vadd.f32 v1, v61;
	_ =	sdelay $0x1  }
0x334: {  	[tilespmem:s31+$0x6010] =	vst v1  }
0x335: {  	v62 =	vld [tilespmem:$0xC120]  }
0x336: {  	v63 =	vld [tilespmem:$0xC0A0]  }
0x337: {  	v4 =	vld [tilespmem:s31+$0x6020];
	_ =	sdelay $0x3  }
0x338: {  	v2 =	vsel vm0, v62, v63  }
0x339: {  	v2 =	vadd.f32 v2, v4;
	_ =	sdelay $0x1  }
0x33a: {  	[tilespmem:s31+$0x6020] =	vst v2  }
0x33b: {  	v8 =	vld [tilespmem:$0xC130]  }
0x33c: {  	v9 =	vld [tilespmem:$0xC0B0]  }
0x33d: {  	v5 =	vld [tilespmem:s31+$0x6030];
	_ =	sdelay $0x3  }
0x33e: {  	v3 =	vsel vm0, v8, v9  }
0x33f: {  	v3 =	vadd.f32 v3, v5;
	_ =	sdelay $0x1  }
0x340: {  	[tilespmem:s31+$0x6030] =	vst v3  }
0x341: {  	v10 =	vld [tilespmem:$0xC140]  }
0x342: {  	v11 =	vld [tilespmem:$0xC0C0]  }
0x343: {  	v6 =	vld [tilespmem:s31+$0x6040];
	_ =	sdelay $0x3  }
0x344: {  	v4 =	vsel vm0, v10, v11  }
0x345: {  	v4 =	vadd.f32 v4, v6;
	_ =	sdelay $0x1  }
0x346: {  	[tilespmem:s31+$0x6040] =	vst v4  }
0x347: {  	v12 =	vld [tilespmem:$0xC150]  }
0x348: {  	v13 =	vld [tilespmem:$0xC0D0]  }
0x349: {  	v7 =	vld [tilespmem:s31+$0x6050];
	_ =	sdelay $0x3  }
0x34a: {  	v5 =	vsel vm0, v12, v13  }
0x34b: {  	v5 =	vadd.f32 v5, v7;
	_ =	sdelay $0x1  }
0x34c: {  	[tilespmem:s31+$0x6050] =	vst v5  }
0x34d: {  	v14 =	vld [tilespmem:$0xC160]  }
0x34e: {  	v15 =	vld [tilespmem:$0xC0E0]  }
0x34f: {  	v8 =	vld [tilespmem:s31+$0x6060];
	_ =	sdelay $0x3  }
0x350: {  	v6 =	vsel vm0, v14, v15  }
0x351: {  	v6 =	vadd.f32 v6, v8;
	_ =	sdelay $0x1  }
0x352: {  	[tilespmem:s31+$0x6060] =	vst v6  }
0x353: {  	v16 =	vld [tilespmem:$0xC170]  }
0x354: {  	v17 =	vld [tilespmem:$0xC0F0]  }
0x355: {  	v9 =	vld [tilespmem:s31+$0x6070];
	_ =	sdelay $0x3  }
0x356: {  	v7 =	vsel vm0, v16, v17  }
0x357: {  	v7 =	vadd.f32 v7, v9;
	_ =	sdelay $0x1  }
0x358: {  	[tilespmem:s31+$0x6070] =	vst v7  }
0x359: {  	v18 =	vld [tilespmem:$0xC200]  }
0x35a: {  	v19 =	vld [tilespmem:$0xC180]  }
0x35b: {  	v10 =	vld [tilespmem:s31+$0x6400];
	_ =	sdelay $0x3  }
0x35c: {  	v8 =	vsel vm0, v18, v19  }
0x35d: {  	v8 =	vadd.f32 v8, v10;
	_ =	sdelay $0x1  }
0x35e: {  	[tilespmem:s31+$0x6400] =	vst v8  }
0x35f: {  	v20 =	vld [tilespmem:$0xC210]  }
0x360: {  	v21 =	vld [tilespmem:$0xC190]  }
0x361: {  	v11 =	vld [tilespmem:s31+$0x6410];
	_ =	sdelay $0x3  }
0x362: {  	v9 =	vsel vm0, v20, v21  }
0x363: {  	v9 =	vadd.f32 v9, v11;
	_ =	sdelay $0x1  }
0x364: {  	[tilespmem:s31+$0x6410] =	vst v9  }
0x365: {  	v22 =	vld [tilespmem:$0xC220]  }
0x366: {  	v23 =	vld [tilespmem:$0xC1A0]  }
0x367: {  	v12 =	vld [tilespmem:s31+$0x6420];
	_ =	sdelay $0x3  }
0x368: {  	v10 =	vsel vm0, v22, v23  }
0x369: {  	v10 =	vadd.f32 v10, v12;
	_ =	sdelay $0x1  }
0x36a: {  	[tilespmem:s31+$0x6420] =	vst v10  }
0x36b: {  	v24 =	vld [tilespmem:$0xC230]  }
0x36c: {  	v25 =	vld [tilespmem:$0xC1B0]  }
0x36d: {  	v13 =	vld [tilespmem:s31+$0x6430];
	_ =	sdelay $0x3  }
0x36e: {  	v11 =	vsel vm0, v24, v25  }
0x36f: {  	v11 =	vadd.f32 v11, v13;
	_ =	sdelay $0x1  }
0x370: {  	[tilespmem:s31+$0x6430] =	vst v11  }
0x371: {  	v26 =	vld [tilespmem:$0xC240]  }
0x372: {  	v27 =	vld [tilespmem:$0xC1C0]  }
0x373: {  	v14 =	vld [tilespmem:s31+$0x6440];
	_ =	sdelay $0x3  }
0x374: {  	v12 =	vsel vm0, v26, v27  }
0x375: {  	v12 =	vadd.f32 v12, v14;
	_ =	sdelay $0x1  }
0x376: {  	[tilespmem:s31+$0x6440] =	vst v12  }
0x377: {  	v28 =	vld [tilespmem:$0xC250]  }
0x378: {  	v29 =	vld [tilespmem:$0xC1D0]  }
0x379: {  	v15 =	vld [tilespmem:s31+$0x6450];
	_ =	sdelay $0x3  }
0x37a: {  	v13 =	vsel vm0, v28, v29  }
0x37b: {  	v13 =	vadd.f32 v13, v15;
	_ =	sdelay $0x1  }
0x37c: {  	[tilespmem:s31+$0x6450] =	vst v13  }
0x37d: {  	v30 =	vld [tilespmem:$0xC260]  }
0x37e: {  	v31 =	vld [tilespmem:$0xC1E0]  }
0x37f: {  	v16 =	vld [tilespmem:s31+$0x6460];
	_ =	sdelay $0x3  }
0x380: {  	v14 =	vsel vm0, v30, v31  }
0x381: {  	v14 =	vadd.f32 v14, v16;
	_ =	sdelay $0x1  }
0x382: {  	[tilespmem:s31+$0x6460] =	vst v14  }
0x383: {  	v32 =	vld [tilespmem:$0xC270]  }
0x384: {  	v33 =	vld [tilespmem:$0xC1F0]  }
0x385: {  	v17 =	vld [tilespmem:s31+$0x6470];
	_ =	sdelay $0x3  }
0x386: {  	v15 =	vsel vm0, v32, v33  }
0x387: {  	v15 =	vadd.f32 v15, v17;
	_ =	sdelay $0x1  }
0x388: {  	[tilespmem:s31+$0x6470] =	vst v15  }
0x389: {  	v34 =	vld [tilespmem:$0xC300]  }
0x38a: {  	v35 =	vld [tilespmem:$0xC280]  }
0x38b: {  	v18 =	vld [tilespmem:s31+$0x6800];
	_ =	sdelay $0x3  }
0x38c: {  	v16 =	vsel vm0, v34, v35  }
0x38d: {  	v16 =	vadd.f32 v16, v18;
	_ =	sdelay $0x1  }
0x38e: {  	[tilespmem:s31+$0x6800] =	vst v16  }
0x38f: {  	v36 =	vld [tilespmem:$0xC310]  }
0x390: {  	v37 =	vld [tilespmem:$0xC290]  }
0x391: {  	v19 =	vld [tilespmem:s31+$0x6810];
	_ =	sdelay $0x3  }
0x392: {  	v17 =	vsel vm0, v36, v37  }
0x393: {  	v17 =	vadd.f32 v17, v19;
	_ =	sdelay $0x1  }
0x394: {  	[tilespmem:s31+$0x6810] =	vst v17  }
0x395: {  	v38 =	vld [tilespmem:$0xC320]  }
0x396: {  	v39 =	vld [tilespmem:$0xC2A0]  }
0x397: {  	v20 =	vld [tilespmem:s31+$0x6820];
	_ =	sdelay $0x3  }
0x398: {  	v18 =	vsel vm0, v38, v39  }
0x399: {  	v18 =	vadd.f32 v18, v20;
	_ =	sdelay $0x1  }
0x39a: {  	[tilespmem:s31+$0x6820] =	vst v18  }
0x39b: {  	v40 =	vld [tilespmem:$0xC330]  }
0x39c: {  	v41 =	vld [tilespmem:$0xC2B0]  }
0x39d: {  	v21 =	vld [tilespmem:s31+$0x6830];
	_ =	sdelay $0x3  }
0x39e: {  	v19 =	vsel vm0, v40, v41  }
0x39f: {  	v19 =	vadd.f32 v19, v21;
	_ =	sdelay $0x1  }
0x3a0: {  	[tilespmem:s31+$0x6830] =	vst v19  }
0x3a1: {  	v42 =	vld [tilespmem:$0xC340]  }
0x3a2: {  	v43 =	vld [tilespmem:$0xC2C0]  }
0x3a3: {  	v22 =	vld [tilespmem:s31+$0x6840];
	_ =	sdelay $0x3  }
0x3a4: {  	v20 =	vsel vm0, v42, v43  }
0x3a5: {  	v20 =	vadd.f32 v20, v22;
	_ =	sdelay $0x1  }
0x3a6: {  	[tilespmem:s31+$0x6840] =	vst v20  }
0x3a7: {  	v44 =	vld [tilespmem:$0xC350]  }
0x3a8: {  	v45 =	vld [tilespmem:$0xC2D0]  }
0x3a9: {  	v23 =	vld [tilespmem:s31+$0x6850];
	_ =	sdelay $0x3  }
0x3aa: {  	v21 =	vsel vm0, v44, v45  }
0x3ab: {  	v21 =	vadd.f32 v21, v23;
	_ =	sdelay $0x1  }
0x3ac: {  	[tilespmem:s31+$0x6850] =	vst v21  }
0x3ad: {  	v46 =	vld [tilespmem:$0xC360]  }
0x3ae: {  	v47 =	vld [tilespmem:$0xC2E0]  }
0x3af: {  	v24 =	vld [tilespmem:s31+$0x6860];
	_ =	sdelay $0x3  }
0x3b0: {  	v22 =	vsel vm0, v46, v47  }
0x3b1: {  	v22 =	vadd.f32 v22, v24;
	_ =	sdelay $0x1  }
0x3b2: {  	[tilespmem:s31+$0x6860] =	vst v22  }
0x3b3: {  	v48 =	vld [tilespmem:$0xC370]  }
0x3b4: {  	v49 =	vld [tilespmem:$0xC2F0]  }
0x3b5: {  	v25 =	vld [tilespmem:s31+$0x6870];
	_ =	sdelay $0x3  }
0x3b6: {  	v23 =	vsel vm0, v48, v49  }
0x3b7: {  	v23 =	vadd.f32 v23, v25;
	_ =	sdelay $0x1  }
0x3b8: {  	[tilespmem:s31+$0x6870] =	vst v23  }
0x3b9: {  	v50 =	vld [tilespmem:$0xC400]  }
0x3ba: {  	v51 =	vld [tilespmem:$0xC380]  }
0x3bb: {  	v26 =	vld [tilespmem:s31+$0x6C00];
	_ =	sdelay $0x3  }
0x3bc: {  	v24 =	vsel vm0, v50, v51  }
0x3bd: {  	v24 =	vadd.f32 v24, v26;
	_ =	sdelay $0x1  }
0x3be: {  	[tilespmem:s31+$0x6C00] =	vst v24  }
0x3bf: {  	v52 =	vld [tilespmem:$0xC410]  }
0x3c0: {  	v53 =	vld [tilespmem:$0xC390]  }
0x3c1: {  	v27 =	vld [tilespmem:s31+$0x6C10];
	_ =	sdelay $0x3  }
0x3c2: {  	v25 =	vsel vm0, v52, v53  }
0x3c3: {  	v25 =	vadd.f32 v25, v27;
	_ =	sdelay $0x1  }
0x3c4: {  	[tilespmem:s31+$0x6C10] =	vst v25  }
0x3c5: {  	v54 =	vld [tilespmem:$0xC420]  }
0x3c6: {  	v55 =	vld [tilespmem:$0xC3A0]  }
0x3c7: {  	v28 =	vld [tilespmem:s31+$0x6C20];
	_ =	sdelay $0x3  }
0x3c8: {  	v26 =	vsel vm0, v54, v55  }
0x3c9: {  	v26 =	vadd.f32 v26, v28;
	_ =	sdelay $0x1  }
0x3ca: {  	[tilespmem:s31+$0x6C20] =	vst v26  }
0x3cb: {  	v56 =	vld [tilespmem:$0xC430]  }
0x3cc: {  	v57 =	vld [tilespmem:$0xC3B0]  }
0x3cd: {  	v29 =	vld [tilespmem:s31+$0x6C30];
	_ =	sdelay $0x3  }
0x3ce: {  	v27 =	vsel vm0, v56, v57  }
0x3cf: {  	v27 =	vadd.f32 v27, v29;
	_ =	sdelay $0x1  }
0x3d0: {  	[tilespmem:s31+$0x6C30] =	vst v27  }
0x3d1: {  	v58 =	vld [tilespmem:$0xC440]  }
0x3d2: {  	v59 =	vld [tilespmem:$0xC3C0]  }
0x3d3: {  	v30 =	vld [tilespmem:s31+$0x6C40];
	_ =	sdelay $0x3  }
0x3d4: {  	v28 =	vsel vm0, v58, v59  }
0x3d5: {  	v28 =	vadd.f32 v28, v30;
	_ =	sdelay $0x1  }
0x3d6: {  	[tilespmem:s31+$0x6C40] =	vst v28  }
0x3d7: {  	v60 =	vld [tilespmem:$0xC450]  }
0x3d8: {  	v61 =	vld [tilespmem:$0xC3D0]  }
0x3d9: {  	v31 =	vld [tilespmem:s31+$0x6C50];
	_ =	sdelay $0x3  }
0x3da: {  	v29 =	vsel vm0, v60, v61  }
0x3db: {  	v29 =	vadd.f32 v29, v31;
	_ =	sdelay $0x1  }
0x3dc: {  	[tilespmem:s31+$0x6C50] =	vst v29  }
0x3dd: {  	v62 =	vld [tilespmem:$0xC460]  }
0x3de: {  	v63 =	vld [tilespmem:$0xC3E0]  }
0x3df: {  	v32 =	vld [tilespmem:s31+$0x6C60];
	_ =	sdelay $0x3  }
0x3e0: {  	v30 =	vsel vm0, v62, v63  }
0x3e1: {  	v30 =	vadd.f32 v30, v32;
	_ =	sdelay $0x1  }
0x3e2: {  	[tilespmem:s31+$0x6C60] =	vst v30  }
0x3e3: {  	v36 =	vld [tilespmem:$0xC470]  }
0x3e4: {  	v37 =	vld [tilespmem:$0xC3F0]  }
0x3e5: {  	v33 =	vld [tilespmem:s31+$0x6C70];
	_ =	sdelay $0x3  }
0x3e6: {  	v31 =	vsel vm0, v36, v37  }
0x3e7: {  	v31 =	vadd.f32 v31, v33;
	_ =	sdelay $0x1  }
0x3e8: {  	[tilespmem:s31+$0x6C70] =	vst v31  }
0x3e9: {  	v38 =	vld [tilespmem:$0xC500]  }
0x3ea: {  	v39 =	vld [tilespmem:$0xC480]  }
0x3eb: {  	v34 =	vld [tilespmem:s31+$0x7000];
	_ =	sdelay $0x3  }
0x3ec: {  	v32 =	vsel vm0, v38, v39  }
0x3ed: {  	v32 =	vadd.f32 v32, v34;
	_ =	sdelay $0x1  }
0x3ee: {  	[tilespmem:s31+$0x7000] =	vst v32  }
0x3ef: {  	v40 =	vld [tilespmem:$0xC510]  }
0x3f0: {  	v41 =	vld [tilespmem:$0xC490]  }
0x3f1: {  	v35 =	vld [tilespmem:s31+$0x7010];
	_ =	sdelay $0x3  }
0x3f2: {  	v33 =	vsel vm0, v40, v41  }
0x3f3: {  	v33 =	vadd.f32 v33, v35;
	_ =	sdelay $0x1  }
0x3f4: {  	[tilespmem:s31+$0x7010] =	vst v33  }
0x3f5: {  	v42 =	vld [tilespmem:$0xC520]  }
0x3f6: {  	v43 =	vld [tilespmem:$0xC4A0]  }
0x3f7: {  	v36 =	vld [tilespmem:s31+$0x7020];
	_ =	sdelay $0x3  }
0x3f8: {  	v34 =	vsel vm0, v42, v43  }
0x3f9: {  	v34 =	vadd.f32 v34, v36;
	_ =	sdelay $0x1  }
0x3fa: {  	[tilespmem:s31+$0x7020] =	vst v34  }
0x3fb: {  	v44 =	vld [tilespmem:$0xC530]  }
0x3fc: {  	v45 =	vld [tilespmem:$0xC4B0]  }
0x3fd: {  	v37 =	vld [tilespmem:s31+$0x7030];
	_ =	sdelay $0x3  }
0x3fe: {  	v35 =	vsel vm0, v44, v45  }
0x3ff: {  	v35 =	vadd.f32 v35, v37;
	_ =	sdelay $0x1  }
0x400: {  	[tilespmem:s31+$0x7030] =	vst v35  }
0x401: {  	v46 =	vld [tilespmem:$0xC540]  }
0x402: {  	v47 =	vld [tilespmem:$0xC4C0]  }
0x403: {  	v38 =	vld [tilespmem:s31+$0x7040];
	_ =	sdelay $0x3  }
0x404: {  	v36 =	vsel vm0, v46, v47  }
0x405: {  	v36 =	vadd.f32 v36, v38;
	_ =	sdelay $0x1  }
0x406: {  	[tilespmem:s31+$0x7040] =	vst v36  }
0x407: {  	v48 =	vld [tilespmem:$0xC550]  }
0x408: {  	v49 =	vld [tilespmem:$0xC4D0]  }
0x409: {  	v39 =	vld [tilespmem:s31+$0x7050];
	_ =	sdelay $0x3  }
0x40a: {  	v37 =	vsel vm0, v48, v49  }
0x40b: {  	v37 =	vadd.f32 v37, v39;
	_ =	sdelay $0x1  }
0x40c: {  	[tilespmem:s31+$0x7050] =	vst v37  }
0x40d: {  	v50 =	vld [tilespmem:$0xC560]  }
0x40e: {  	v51 =	vld [tilespmem:$0xC4E0]  }
0x40f: {  	v40 =	vld [tilespmem:s31+$0x7060];
	_ =	sdelay $0x3  }
0x410: {  	v52 =	vadd.f32 $0.0e+00, v0;
	v38 =	vsel vm0, v50, v51  }
0x411: {  	v53 =	vmul.f32 v1, v1;
	v41 =	vmul.f32 v0, v0;
	v0 =	vadd.f32 v38, v40  }
0x412: {  	v1 =	vadd.f32 v1, v52  }
0x413: {  	v54 =	vmul.f32 v2, v2;
	v38 =	vadd.f32 v53, v41;
	[tilespmem:s31+$0x7060] =	vst v0  }
0x414: {  	v1 =	vadd.f32 v2, v1;
	v55 =	vld [tilespmem:$0xC570]  }
0x415: {  	v56 =	vmul.f32 v3, v3;
	v38 =	vadd.f32 v54, v38;
	v57 =	vld [tilespmem:$0xC4F0]  }
0x416: {  	v1 =	vadd.f32 v3, v1;
	v58 =	vld [tilespmem:s31+$0x7070]  }
0x417: {  	v59 =	vmul.f32 v4, v4;
	v38 =	vadd.f32 v56, v38  }
0x418: {  	v1 =	vadd.f32 v4, v1  }
0x419: {  	v61 =	vmul.f32 v5, v5;
	v60 =	vadd.f32 v59, v38  }
0x41a: {  	v5 =	vadd.f32 v5, v1;
	v62 =	vsel vm0, v55, v57  }
0x41b: {  	v38 =	vmul.f32 v6, v6;
	v63 =	vadd.f32 v61, v60;
	v1 =	vadd.f32 v62, v58  }
0x41c: {  	v39 =	vadd.f32 v6, v5  }
0x41d: {  	v40 =	vmul.f32 v7, v7;
	v2 =	vadd.f32 v38, v63;
	[tilespmem:s31+$0x7070] =	vst v1  }
0x41e: {  	v4 =	vadd.f32 v7, v39;
	v41 =	vld [tilespmem:$0xC600]  }
0x41f: {  	v42 =	vmul.f32 v8, v8;
	v2 =	vadd.f32 v40, v2;
	v43 =	vld [tilespmem:$0xC580]  }
0x420: {  	v44 =	vld [tilespmem:s31+$0x7400];
	v4 =	vadd.f32 v8, v4  }
0x421: {  	v45 =	vmul.f32 v9, v9;
	v2 =	vadd.f32 v42, v2  }
0x422: {  	v4 =	vadd.f32 v9, v4  }
0x423: {  	v46 =	vmul.f32 v10, v10;
	v2 =	vadd.f32 v45, v2  }
0x424: {  	v4 =	vadd.f32 v10, v4;
	v5 =	vsel vm0, v41, v43  }
0x425: {  	v47 =	vmul.f32 v11, v11;
	v2 =	vadd.f32 v46, v2;
	v3 =	vadd.f32 v5, v44  }
0x426: {  	v4 =	vadd.f32 v11, v4  }
0x427: {  	v48 =	vmul.f32 v12, v12;
	v2 =	vadd.f32 v47, v2;
	[tilespmem:s31+$0x7400] =	vst v3  }
0x428: {  	v4 =	vadd.f32 v12, v4;
	v49 =	vld [tilespmem:$0xC610]  }
0x429: {  	v50 =	vmul.f32 v13, v13;
	v51 =	vld [tilespmem:$0xC590];
	v2 =	vadd.f32 v48, v2  }
0x42a: {  	v52 =	vld [tilespmem:s31+$0x7410];
	v4 =	vadd.f32 v13, v4  }
0x42b: {  	v53 =	vmul.f32 v14, v14;
	v2 =	vadd.f32 v50, v2  }
0x42c: {  	v4 =	vadd.f32 v14, v4  }
0x42d: {  	v54 =	vmul.f32 v15, v15;
	v2 =	vadd.f32 v53, v2  }
0x42e: {  	v4 =	vadd.f32 v15, v4;
	v6 =	vsel vm0, v49, v51  }
0x42f: {  	v55 =	vmul.f32 v16, v16;
	v5 =	vadd.f32 v6, v52;
	v2 =	vadd.f32 v54, v2  }
0x430: {  	v4 =	vadd.f32 v16, v4  }
0x431: {  	v56 =	vmul.f32 v17, v17;
	[tilespmem:s31+$0x7410] =	vst v5;
	v2 =	vadd.f32 v55, v2  }
0x432: {  	v4 =	vadd.f32 v17, v4;
	v57 =	vld [tilespmem:$0xC620]  }
0x433: {  	v58 =	vmul.f32 v18, v18;
	v59 =	vld [tilespmem:$0xC5A0];
	v2 =	vadd.f32 v56, v2  }
0x434: {  	v60 =	vld [tilespmem:s31+$0x7420];
	v4 =	vadd.f32 v18, v4  }
0x435: {  	v61 =	vmul.f32 v19, v19;
	v2 =	vadd.f32 v58, v2  }
0x436: {  	v4 =	vadd.f32 v19, v4  }
0x437: {  	v62 =	vmul.f32 v20, v20;
	v2 =	vadd.f32 v61, v2  }
0x438: {  	v4 =	vadd.f32 v20, v4;
	v7 =	vsel vm0, v57, v59  }
0x439: {  	v13 =	vmul.f32 v21, v21;
	v63 =	vadd.f32 v7, v60;
	v2 =	vadd.f32 v62, v2  }
0x43a: {  	v4 =	vadd.f32 v21, v4  }
0x43b: {  	v14 =	vmul.f32 v22, v22;
	[tilespmem:s31+$0x7420] =	vst v63;
	v2 =	vadd.f32 v13, v2  }
0x43c: {  	v4 =	vadd.f32 v22, v4;
	v15 =	vld [tilespmem:$0xC630]  }
0x43d: {  	v16 =	vmul.f32 v23, v23;
	v17 =	vld [tilespmem:$0xC5B0];
	v2 =	vadd.f32 v14, v2  }
0x43e: {  	v18 =	vld [tilespmem:s31+$0x7430];
	v4 =	vadd.f32 v23, v4  }
0x43f: {  	v19 =	vmul.f32 v24, v24;
	v2 =	vadd.f32 v16, v2  }
0x440: {  	v4 =	vadd.f32 v24, v4  }
0x441: {  	v20 =	vmul.f32 v25, v25;
	v2 =	vadd.f32 v19, v2  }
0x442: {  	v4 =	vadd.f32 v25, v4;
	v8 =	vsel vm0, v15, v17  }
0x443: {  	v22 =	vmul.f32 v26, v26;
	v21 =	vadd.f32 v8, v18;
	v2 =	vadd.f32 v20, v2  }
0x444: {  	v4 =	vadd.f32 v26, v4  }
0x445: {  	v23 =	vmul.f32 v27, v27;
	[tilespmem:s31+$0x7430] =	vst v21;
	v2 =	vadd.f32 v22, v2  }
0x446: {  	v4 =	vadd.f32 v27, v4;
	v24 =	vld [tilespmem:$0xC640]  }
0x447: {  	v25 =	vmul.f32 v28, v28;
	v26 =	vld [tilespmem:$0xC5C0];
	v2 =	vadd.f32 v23, v2  }
0x448: {  	v27 =	vld [tilespmem:s31+$0x7440];
	v4 =	vadd.f32 v28, v4  }
0x449: {  	v28 =	vmul.f32 v29, v29;
	v2 =	vadd.f32 v25, v2  }
0x44a: {  	v4 =	vadd.f32 v29, v4  }
0x44b: {  	v38 =	vmul.f32 v30, v30;
	v2 =	vadd.f32 v28, v2  }
0x44c: {  	v4 =	vadd.f32 v30, v4;
	v9 =	vsel vm0, v24, v26  }
0x44d: {  	v40 =	vmul.f32 v31, v31;
	v39 =	vadd.f32 v9, v27;
	v2 =	vadd.f32 v38, v2  }
0x44e: {  	v4 =	vadd.f32 v31, v4  }
0x44f: {  	v41 =	vmul.f32 v32, v32;
	[tilespmem:s31+$0x7440] =	vst v39;
	v2 =	vadd.f32 v40, v2  }
0x450: {  	v4 =	vadd.f32 v32, v4;
	v42 =	vld [tilespmem:$0xC650]  }
0x451: {  	v43 =	vmul.f32 v33, v33;
	v44 =	vld [tilespmem:$0xC5D0];
	v2 =	vadd.f32 v41, v2  }
0x452: {  	v45 =	vld [tilespmem:s31+$0x7450];
	v4 =	vadd.f32 v33, v4  }
0x453: {  	v46 =	vmul.f32 v34, v34;
	v2 =	vadd.f32 v43, v2  }
0x454: {  	v4 =	vadd.f32 v34, v4  }
0x455: {  	v47 =	vmul.f32 v35, v35;
	v2 =	vadd.f32 v46, v2  }
0x456: {  	v4 =	vadd.f32 v35, v4;
	v10 =	vsel vm0, v42, v44  }
0x457: {  	v49 =	vmul.f32 v36, v36;
	v48 =	vadd.f32 v10, v45;
	v2 =	vadd.f32 v47, v2  }
0x458: {  	v4 =	vadd.f32 v36, v4  }
0x459: {  	v50 =	vmul.f32 v37, v37;
	[tilespmem:s31+$0x7450] =	vst v48;
	v2 =	vadd.f32 v49, v2  }
0x45a: {  	v4 =	vadd.f32 v37, v4;
	v51 =	vld [tilespmem:$0xC660]  }
0x45b: {  	v52 =	vmul.f32 v0, v0;
	v53 =	vld [tilespmem:$0xC5E0];
	v2 =	vadd.f32 v50, v2  }
0x45c: {  	v54 =	vld [tilespmem:s31+$0x7460];
	v0 =	vadd.f32 v0, v4  }
0x45d: {  	v55 =	vmul.f32 v1, v1;
	v2 =	vadd.f32 v52, v2  }
0x45e: {  	v0 =	vadd.f32 v1, v0  }
0x45f: {  	v57 =	vmul.f32 v3, v3;
	v56 =	vadd.f32 v55, v2  }
0x460: {  	v0 =	vadd.f32 v3, v0;
	v58 =	vsel vm0, v51, v53  }
0x461: {  	v60 =	vmul.f32 v5, v5;
	v59 =	vadd.f32 v58, v54;
	v1 =	vadd.f32 v57, v56  }
0x462: {  	v0 =	vadd.f32 v5, v0  }
0x463: {  	v61 =	vmul.f32 v63, v63;
	[tilespmem:s31+$0x7460] =	vst v59;
	v1 =	vadd.f32 v60, v1  }
0x464: {  	v0 =	vadd.f32 v63, v0;
	v62 =	vld [tilespmem:$0xC670]  }
0x465: {  	v63 =	vmul.f32 v21, v21;
	v10 =	vld [tilespmem:$0xC5F0];
	v1 =	vadd.f32 v61, v1  }
0x466: {  	v11 =	vld [tilespmem:s31+$0x7470];
	v0 =	vadd.f32 v21, v0  }
0x467: {  	v12 =	vmul.f32 v39, v39;
	v1 =	vadd.f32 v63, v1  }
0x468: {  	v0 =	vadd.f32 v39, v0  }
0x469: {  	v13 =	vmul.f32 v48, v48;
	v1 =	vadd.f32 v12, v1  }
0x46a: {  	v0 =	vadd.f32 v48, v0;
	v4 =	vsel vm0, v62, v10  }
0x46b: {  	v15 =	vmul.f32 v59, v59;
	v14 =	vadd.f32 v4, v11;
	v1 =	vadd.f32 v13, v1  }
0x46c: {  	v0 =	vadd.f32 v59, v0  }
0x46d: {  	v16 =	vmul.f32 v14, v14;
	v1 =	vadd.f32 v15, v1  }
0x46e: {  	v0 =	vadd.f32 v14, v0  }
0x46f: {  	v1 =	vadd.f32 v16, v1  }
0x470: {  	(xrf2) =	vadd.scan.msk.f32 $0xffff, v0  }
0x471: {  	(xrf2) =	vadd.scan.msk.f32 $0xffff, v1;
	_ =	sdelay $0x8  }
0x472: {  	v0, _, _ =	vpop (xrf2)  }
0x473: {  	(v2sf) =	vpush v0, $0xF;
	v17, _, _ =	vpop (xrf2)  }
0x474: {  	(v2sf) =	vpush v17, $0xF;
	_ =	sdelay $0xd  }
0x475: {  	s1 =	spop (v2sf)  }
0x476: {  	s0 =	smul.f32 $1.302083370e-03, s1;
	s2 =	spop (v2sf)  }
0x477: {  	s1 =	smul.f32 $1.302083370e-03, s2  }
0x478: {  	s2 =	smul.f32 s0, s0;
	_ =	sdelay $0x1  }
0x479: {  	s1 =	ssub.f32 s1, s2;
	_ =	sdelay $0x1  }
0x47a: {  	s1 =	sadd.f32 $9.999999960e-13, s1;
	_ =	sdelay $0x1  }
0x47b: {  	v18 =	vmov s1  }
0x47c: {  	v19 =	vshrl.u32 v18, $0x1;
	v0 =	vmul.f32 $5.000000000e-01, v18  }
0x47d: {  	v1 =	vsub.s32 $0x5F3759DF, v19  }
0x47e: {  	v20 =	vmul.f32 v1, v0;
	_ =	sdelay $0x1  }
0x47f: {  	v2 =	vmul.f32 v1, v20;
	_ =	sdelay $0x1  }
0x480: {  	v2 =	vsub.f32 $1.500000000e+00, v2;
	_ =	sdelay $0x1  }
0x481: {  	v1 =	vmul.f32 v1, v2;
	_ =	sdelay $0x1  }
0x482: {  	v2 =	vmul.f32 v1, v0;
	_ =	sdelay $0x1  }
0x483: {  	v2 =	vmul.f32 v2, v1;
	_ =	sdelay $0x1  }
0x484: {  	v2 =	vsub.f32 $1.500000000e+00, v2;
	_ =	sdelay $0x1  }
0x485: {  	v1 =	vmul.f32 v2, v1;
	_ =	sdelay $0x1  }
0x486: {  	v0 =	vmul.f32 v1, v0  }
0x487: {  	v21 =	vld [tilespmem:s31+$0x6000]  }
0x488: {  	v0 =	vmul.f32 v0, v1;
	_ =	sdelay $0x1  }
0x489: {  	[tilespmem:s31+$0x7470] =	vst v14;
	v22 =	vsub.f32 $1.500000000e+00, v0  }
0x48a: {  	v23 =	vld [tilespmem:$0xC680];
	v0 =	vmov s0  }
0x48b: {  	v2 =	vsub.f32 v21, v0;
	v1 =	vmul.f32 v22, v1  }
0x48c: {  	v24 =	vld [tilespmem:$0xC980]  }
0x48d: {  	v2 =	vmul.f32 v1, v2;
	_ =	sdelay $0x1  }
0x48e: {  	v2 =	vmul.f32 v2, v23  }
0x48f: {  	v25 =	vld [tilespmem:s31+$0x6010]  }
0x490: {  	v2 =	vadd.f32 v2, v24;
	_ =	sdelay $0x1  }
0x491: {  	[tilespmem:s31+$0x6000] =	vst v2  }
0x492: {  	v2 =	vld [tilespmem:$0xC690]  }
0x493: {  	v26 =	vsub.f32 v25, v0  }
0x494: {  	v27 =	vld [tilespmem:$0xC990]  }
0x495: {  	v3 =	vmul.f32 v1, v26;
	_ =	sdelay $0x1  }
0x496: {  	v2 =	vmul.f32 v3, v2  }
0x497: {  	v28 =	vld [tilespmem:s31+$0x6020]  }
0x498: {  	v2 =	vadd.f32 v2, v27;
	_ =	sdelay $0x1  }
0x499: {  	[tilespmem:s31+$0x6010] =	vst v2  }
0x49a: {  	v2 =	vld [tilespmem:$0xC6A0]  }
0x49b: {  	v3 =	vsub.f32 v28, v0  }
0x49c: {  	v29 =	vld [tilespmem:$0xC9A0]  }
0x49d: {  	v3 =	vmul.f32 v1, v3;
	_ =	sdelay $0x1  }
0x49e: {  	v2 =	vmul.f32 v3, v2  }
0x49f: {  	v30 =	vld [tilespmem:s31+$0x6030]  }
0x4a0: {  	v2 =	vadd.f32 v2, v29;
	_ =	sdelay $0x1  }
0x4a1: {  	[tilespmem:s31+$0x6020] =	vst v2  }
0x4a2: {  	v2 =	vld [tilespmem:$0xC6B0]  }
0x4a3: {  	v3 =	vsub.f32 v30, v0  }
0x4a4: {  	v31 =	vld [tilespmem:$0xC9B0]  }
0x4a5: {  	v3 =	vmul.f32 v1, v3;
	_ =	sdelay $0x1  }
0x4a6: {  	v2 =	vmul.f32 v3, v2  }
0x4a7: {  	v32 =	vld [tilespmem:s31+$0x6040]  }
0x4a8: {  	v2 =	vadd.f32 v2, v31;
	_ =	sdelay $0x1  }
0x4a9: {  	[tilespmem:s31+$0x6030] =	vst v2  }
0x4aa: {  	v2 =	vld [tilespmem:$0xC6C0]  }
0x4ab: {  	v3 =	vsub.f32 v32, v0  }
0x4ac: {  	v33 =	vld [tilespmem:$0xC9C0]  }
0x4ad: {  	v3 =	vmul.f32 v1, v3;
	_ =	sdelay $0x1  }
0x4ae: {  	v2 =	vmul.f32 v3, v2  }
0x4af: {  	v34 =	vld [tilespmem:s31+$0x6050]  }
0x4b0: {  	v2 =	vadd.f32 v2, v33;
	_ =	sdelay $0x1  }
0x4b1: {  	[tilespmem:s31+$0x6040] =	vst v2  }
0x4b2: {  	v2 =	vld [tilespmem:$0xC6D0]  }
0x4b3: {  	v3 =	vsub.f32 v34, v0  }
0x4b4: {  	v35 =	vld [tilespmem:$0xC9D0]  }
0x4b5: {  	v3 =	vmul.f32 v1, v3;
	_ =	sdelay $0x1  }
0x4b6: {  	v2 =	vmul.f32 v3, v2  }
0x4b7: {  	v36 =	vld [tilespmem:s31+$0x6060]  }
0x4b8: {  	v2 =	vadd.f32 v2, v35;
	_ =	sdelay $0x1  }
0x4b9: {  	[tilespmem:s31+$0x6050] =	vst v2  }
0x4ba: {  	v2 =	vld [tilespmem:$0xC6E0]  }
0x4bb: {  	v3 =	vsub.f32 v36, v0  }
0x4bc: {  	v37 =	vld [tilespmem:$0xC9E0]  }
0x4bd: {  	v3 =	vmul.f32 v1, v3;
	_ =	sdelay $0x1  }
0x4be: {  	v2 =	vmul.f32 v3, v2  }
0x4bf: {  	v38 =	vld [tilespmem:s31+$0x6070]  }
0x4c0: {  	v2 =	vadd.f32 v2, v37;
	_ =	sdelay $0x1  }
0x4c1: {  	[tilespmem:s31+$0x6060] =	vst v2  }
0x4c2: {  	v2 =	vld [tilespmem:$0xC6F0]  }
0x4c3: {  	v3 =	vsub.f32 v38, v0  }
0x4c4: {  	v39 =	vld [tilespmem:$0xC9F0]  }
0x4c5: {  	v3 =	vmul.f32 v3, v1;
	_ =	sdelay $0x1  }
0x4c6: {  	v2 =	vmul.f32 v3, v2  }
0x4c7: {  	v40 =	vld [tilespmem:s31+$0x6400]  }
0x4c8: {  	v2 =	vadd.f32 v2, v39;
	_ =	sdelay $0x1  }
0x4c9: {  	[tilespmem:s31+$0x6070] =	vst v2  }
0x4ca: {  	v2 =	vld [tilespmem:$0xC700]  }
0x4cb: {  	v3 =	vsub.f32 v40, v0  }
0x4cc: {  	v41 =	vld [tilespmem:$0xCA00]  }
0x4cd: {  	v3 =	vmul.f32 v3, v1;
	_ =	sdelay $0x1  }
0x4ce: {  	v2 =	vmul.f32 v3, v2  }
0x4cf: {  	v42 =	vld [tilespmem:s31+$0x6410]  }
0x4d0: {  	v2 =	vadd.f32 v2, v41;
	_ =	sdelay $0x1  }
0x4d1: {  	[tilespmem:s31+$0x6400] =	vst v2  }
0x4d2: {  	v2 =	vld [tilespmem:$0xC710]  }
0x4d3: {  	v3 =	vsub.f32 v42, v0  }
0x4d4: {  	v43 =	vld [tilespmem:$0xCA10]  }
0x4d5: {  	v3 =	vmul.f32 v3, v1;
	_ =	sdelay $0x1  }
0x4d6: {  	v2 =	vmul.f32 v3, v2  }
0x4d7: {  	v44 =	vld [tilespmem:s31+$0x6420]  }
0x4d8: {  	v2 =	vadd.f32 v2, v43;
	_ =	sdelay $0x1  }
0x4d9: {  	[tilespmem:s31+$0x6410] =	vst v2  }
0x4da: {  	v2 =	vld [tilespmem:$0xC720]  }
0x4db: {  	v3 =	vsub.f32 v44, v0  }
0x4dc: {  	v45 =	vld [tilespmem:$0xCA20]  }
0x4dd: {  	v3 =	vmul.f32 v3, v1;
	_ =	sdelay $0x1  }
0x4de: {  	v2 =	vmul.f32 v3, v2  }
0x4df: {  	v46 =	vld [tilespmem:s31+$0x6430]  }
0x4e0: {  	v2 =	vadd.f32 v2, v45;
	_ =	sdelay $0x1  }
0x4e1: {  	[tilespmem:s31+$0x6420] =	vst v2  }
0x4e2: {  	v2 =	vld [tilespmem:$0xC730]  }
0x4e3: {  	v3 =	vsub.f32 v46, v0  }
0x4e4: {  	v47 =	vld [tilespmem:$0xCA30]  }
0x4e5: {  	v3 =	vmul.f32 v3, v1;
	_ =	sdelay $0x1  }
0x4e6: {  	v2 =	vmul.f32 v3, v2  }
0x4e7: {  	v48 =	vld [tilespmem:s31+$0x6440]  }
0x4e8: {  	v2 =	vadd.f32 v2, v47;
	_ =	sdelay $0x1  }
0x4e9: {  	[tilespmem:s31+$0x6430] =	vst v2  }
0x4ea: {  	v2 =	vld [tilespmem:$0xC740]  }
0x4eb: {  	v3 =	vsub.f32 v48, v0  }
0x4ec: {  	v49 =	vld [tilespmem:$0xCA40]  }
0x4ed: {  	v3 =	vmul.f32 v3, v1;
	_ =	sdelay $0x1  }
0x4ee: {  	v2 =	vmul.f32 v3, v2  }
0x4ef: {  	v50 =	vld [tilespmem:s31+$0x6450]  }
0x4f0: {  	v2 =	vadd.f32 v2, v49;
	_ =	sdelay $0x1  }
0x4f1: {  	[tilespmem:s31+$0x6440] =	vst v2  }
0x4f2: {  	v2 =	vld [tilespmem:$0xC750]  }
0x4f3: {  	v3 =	vsub.f32 v50, v0  }
0x4f4: {  	v51 =	vld [tilespmem:$0xCA50]  }
0x4f5: {  	v3 =	vmul.f32 v3, v1;
	_ =	sdelay $0x1  }
0x4f6: {  	v2 =	vmul.f32 v3, v2  }
0x4f7: {  	v52 =	vld [tilespmem:s31+$0x6460]  }
0x4f8: {  	v2 =	vadd.f32 v2, v51;
	_ =	sdelay $0x1  }
0x4f9: {  	[tilespmem:s31+$0x6450] =	vst v2  }
0x4fa: {  	v2 =	vld [tilespmem:$0xC760]  }
0x4fb: {  	v3 =	vsub.f32 v52, v0  }
0x4fc: {  	v53 =	vld [tilespmem:$0xCA60]  }
0x4fd: {  	v3 =	vmul.f32 v3, v1;
	_ =	sdelay $0x1  }
0x4fe: {  	v2 =	vmul.f32 v3, v2  }
0x4ff: {  	v54 =	vld [tilespmem:s31+$0x6470]  }
0x500: {  	v2 =	vadd.f32 v2, v53;
	_ =	sdelay $0x1  }
0x501: {  	[tilespmem:s31+$0x6460] =	vst v2  }
0x502: {  	v2 =	vld [tilespmem:$0xC770]  }
0x503: {  	v3 =	vsub.f32 v54, v0  }
0x504: {  	v55 =	vld [tilespmem:$0xCA70]  }
0x505: {  	v3 =	vmul.f32 v3, v1;
	_ =	sdelay $0x1  }
0x506: {  	v2 =	vmul.f32 v3, v2  }
0x507: {  	v56 =	vld [tilespmem:s31+$0x6800]  }
0x508: {  	v2 =	vadd.f32 v2, v55;
	_ =	sdelay $0x1  }
0x509: {  	[tilespmem:s31+$0x6470] =	vst v2  }
0x50a: {  	v2 =	vld [tilespmem:$0xC780]  }
0x50b: {  	v3 =	vsub.f32 v56, v0  }
0x50c: {  	v57 =	vld [tilespmem:$0xCA80]  }
0x50d: {  	v3 =	vmul.f32 v3, v1;
	_ =	sdelay $0x1  }
0x50e: {  	v2 =	vmul.f32 v3, v2  }
0x50f: {  	v58 =	vld [tilespmem:s31+$0x6810]  }
0x510: {  	v2 =	vadd.f32 v2, v57;
	_ =	sdelay $0x1  }
0x511: {  	[tilespmem:s31+$0x6800] =	vst v2  }
0x512: {  	v2 =	vld [tilespmem:$0xC790]  }
0x513: {  	v3 =	vsub.f32 v58, v0  }
0x514: {  	v59 =	vld [tilespmem:$0xCA90]  }
0x515: {  	v3 =	vmul.f32 v3, v1;
	_ =	sdelay $0x1  }
0x516: {  	v2 =	vmul.f32 v3, v2  }
0x517: {  	v60 =	vld [tilespmem:s31+$0x6820]  }
0x518: {  	v2 =	vadd.f32 v2, v59;
	_ =	sdelay $0x1  }
0x519: {  	[tilespmem:s31+$0x6810] =	vst v2  }
0x51a: {  	v2 =	vld [tilespmem:$0xC7A0]  }
0x51b: {  	v3 =	vsub.f32 v60, v0  }
0x51c: {  	v61 =	vld [tilespmem:$0xCAA0]  }
0x51d: {  	v3 =	vmul.f32 v3, v1;
	_ =	sdelay $0x1  }
0x51e: {  	v2 =	vmul.f32 v3, v2  }
0x51f: {  	v62 =	vld [tilespmem:s31+$0x6830]  }
0x520: {  	v2 =	vadd.f32 v2, v61;
	_ =	sdelay $0x1  }
0x521: {  	[tilespmem:s31+$0x6820] =	vst v2  }
0x522: {  	v2 =	vld [tilespmem:$0xC7B0]  }
0x523: {  	v3 =	vsub.f32 v62, v0  }
0x524: {  	v63 =	vld [tilespmem:$0xCAB0]  }
0x525: {  	v3 =	vmul.f32 v3, v1;
	_ =	sdelay $0x1  }
0x526: {  	v2 =	vmul.f32 v3, v2  }
0x527: {  	v8 =	vld [tilespmem:s31+$0x6840]  }
0x528: {  	v2 =	vadd.f32 v2, v63;
	_ =	sdelay $0x1  }
0x529: {  	[tilespmem:s31+$0x6830] =	vst v2  }
0x52a: {  	v2 =	vld [tilespmem:$0xC7C0]  }
0x52b: {  	v3 =	vsub.f32 v8, v0  }
0x52c: {  	v9 =	vld [tilespmem:$0xCAC0]  }
0x52d: {  	v3 =	vmul.f32 v3, v1;
	_ =	sdelay $0x1  }
0x52e: {  	v2 =	vmul.f32 v3, v2  }
0x52f: {  	v10 =	vld [tilespmem:s31+$0x6850]  }
0x530: {  	v2 =	vadd.f32 v2, v9;
	_ =	sdelay $0x1  }
0x531: {  	[tilespmem:s31+$0x6840] =	vst v2  }
0x532: {  	v2 =	vld [tilespmem:$0xC7D0]  }
0x533: {  	v3 =	vsub.f32 v10, v0  }
0x534: {  	v11 =	vld [tilespmem:$0xCAD0]  }
0x535: {  	v3 =	vmul.f32 v3, v1;
	_ =	sdelay $0x1  }
0x536: {  	v2 =	vmul.f32 v3, v2  }
0x537: {  	v12 =	vld [tilespmem:s31+$0x6860]  }
0x538: {  	v2 =	vadd.f32 v2, v11;
	_ =	sdelay $0x1  }
0x539: {  	[tilespmem:s31+$0x6850] =	vst v2  }
0x53a: {  	v2 =	vld [tilespmem:$0xC7E0]  }
0x53b: {  	v3 =	vsub.f32 v12, v0  }
0x53c: {  	v13 =	vld [tilespmem:$0xCAE0]  }
0x53d: {  	v3 =	vmul.f32 v3, v1;
	_ =	sdelay $0x1  }
0x53e: {  	v2 =	vmul.f32 v3, v2  }
0x53f: {  	v14 =	vld [tilespmem:s31+$0x6870]  }
0x540: {  	v2 =	vadd.f32 v2, v13;
	_ =	sdelay $0x1  }
0x541: {  	[tilespmem:s31+$0x6860] =	vst v2  }
0x542: {  	v2 =	vld [tilespmem:$0xC7F0]  }
0x543: {  	v3 =	vsub.f32 v14, v0  }
0x544: {  	v15 =	vld [tilespmem:$0xCAF0]  }
0x545: {  	v3 =	vmul.f32 v3, v1;
	_ =	sdelay $0x1  }
0x546: {  	v2 =	vmul.f32 v3, v2  }
0x547: {  	v16 =	vld [tilespmem:s31+$0x6C00]  }
0x548: {  	v2 =	vadd.f32 v2, v15;
	_ =	sdelay $0x1  }
0x549: {  	[tilespmem:s31+$0x6870] =	vst v2  }
0x54a: {  	v2 =	vld [tilespmem:$0xC800]  }
0x54b: {  	v3 =	vsub.f32 v16, v0  }
0x54c: {  	v17 =	vld [tilespmem:$0xCB00]  }
0x54d: {  	v3 =	vmul.f32 v3, v1;
	_ =	sdelay $0x1  }
0x54e: {  	v2 =	vmul.f32 v3, v2  }
0x54f: {  	v18 =	vld [tilespmem:s31+$0x6C10]  }
0x550: {  	v2 =	vadd.f32 v2, v17;
	_ =	sdelay $0x1  }
0x551: {  	[tilespmem:s31+$0x6C00] =	vst v2  }
0x552: {  	v2 =	vld [tilespmem:$0xC810]  }
0x553: {  	v3 =	vsub.f32 v18, v0  }
0x554: {  	v19 =	vld [tilespmem:$0xCB10]  }
0x555: {  	v3 =	vmul.f32 v3, v1;
	_ =	sdelay $0x1  }
0x556: {  	v2 =	vmul.f32 v3, v2  }
0x557: {  	v20 =	vld [tilespmem:s31+$0x6C20]  }
0x558: {  	v2 =	vadd.f32 v2, v19;
	_ =	sdelay $0x1  }
0x559: {  	[tilespmem:s31+$0x6C10] =	vst v2  }
0x55a: {  	v2 =	vld [tilespmem:$0xC820]  }
0x55b: {  	v3 =	vsub.f32 v20, v0  }
0x55c: {  	v21 =	vld [tilespmem:$0xCB20]  }
0x55d: {  	v3 =	vmul.f32 v3, v1;
	_ =	sdelay $0x1  }
0x55e: {  	v2 =	vmul.f32 v3, v2  }
0x55f: {  	v22 =	vld [tilespmem:s31+$0x6C30]  }
0x560: {  	v2 =	vadd.f32 v2, v21;
	_ =	sdelay $0x1  }
0x561: {  	[tilespmem:s31+$0x6C20] =	vst v2  }
0x562: {  	v2 =	vld [tilespmem:$0xC830]  }
0x563: {  	v3 =	vsub.f32 v22, v0  }
0x564: {  	v23 =	vld [tilespmem:$0xCB30]  }
0x565: {  	v3 =	vmul.f32 v3, v1;
	_ =	sdelay $0x1  }
0x566: {  	v2 =	vmul.f32 v3, v2  }
0x567: {  	v24 =	vld [tilespmem:s31+$0x6C40]  }
0x568: {  	v2 =	vadd.f32 v2, v23;
	_ =	sdelay $0x1  }
0x569: {  	[tilespmem:s31+$0x6C30] =	vst v2  }
0x56a: {  	v2 =	vld [tilespmem:$0xC840]  }
0x56b: {  	v3 =	vsub.f32 v24, v0  }
0x56c: {  	v25 =	vld [tilespmem:$0xCB40]  }
0x56d: {  	v3 =	vmul.f32 v3, v1;
	_ =	sdelay $0x1  }
0x56e: {  	v2 =	vmul.f32 v3, v2  }
0x56f: {  	v26 =	vld [tilespmem:s31+$0x6C50]  }
0x570: {  	v2 =	vadd.f32 v2, v25;
	_ =	sdelay $0x1  }
0x571: {  	[tilespmem:s31+$0x6C40] =	vst v2  }
0x572: {  	v2 =	vld [tilespmem:$0xC850]  }
0x573: {  	v3 =	vsub.f32 v26, v0  }
0x574: {  	v27 =	vld [tilespmem:$0xCB50]  }
0x575: {  	v3 =	vmul.f32 v3, v1;
	_ =	sdelay $0x1  }
0x576: {  	v2 =	vmul.f32 v3, v2  }
0x577: {  	v28 =	vld [tilespmem:s31+$0x6C60]  }
0x578: {  	v2 =	vadd.f32 v2, v27;
	_ =	sdelay $0x1  }
0x579: {  	[tilespmem:s31+$0x6C50] =	vst v2  }
0x57a: {  	v2 =	vld [tilespmem:$0xC860]  }
0x57b: {  	v3 =	vsub.f32 v28, v0  }
0x57c: {  	v29 =	vld [tilespmem:$0xCB60]  }
0x57d: {  	v3 =	vmul.f32 v3, v1;
	_ =	sdelay $0x1  }
0x57e: {  	v2 =	vmul.f32 v3, v2  }
0x57f: {  	v30 =	vld [tilespmem:s31+$0x6C70]  }
0x580: {  	v2 =	vadd.f32 v2, v29;
	_ =	sdelay $0x1  }
0x581: {  	[tilespmem:s31+$0x6C60] =	vst v2  }
0x582: {  	v2 =	vld [tilespmem:$0xC870]  }
0x583: {  	v3 =	vsub.f32 v30, v0  }
0x584: {  	v31 =	vld [tilespmem:$0xCB70]  }
0x585: {  	v3 =	vmul.f32 v3, v1;
	_ =	sdelay $0x1  }
0x586: {  	v2 =	vmul.f32 v3, v2  }
0x587: {  	v32 =	vld [tilespmem:s31+$0x7000]  }
0x588: {  	v2 =	vadd.f32 v2, v31;
	_ =	sdelay $0x1  }
0x589: {  	[tilespmem:s31+$0x6C70] =	vst v2  }
0x58a: {  	v2 =	vld [tilespmem:$0xC880]  }
0x58b: {  	v3 =	vsub.f32 v32, v0  }
0x58c: {  	v33 =	vld [tilespmem:$0xCB80]  }
0x58d: {  	v3 =	vmul.f32 v3, v1;
	_ =	sdelay $0x1  }
0x58e: {  	v2 =	vmul.f32 v3, v2  }
0x58f: {  	v34 =	vld [tilespmem:s31+$0x7010]  }
0x590: {  	v2 =	vadd.f32 v2, v33;
	_ =	sdelay $0x1  }
0x591: {  	[tilespmem:s31+$0x7000] =	vst v2  }
0x592: {  	v2 =	vld [tilespmem:$0xC890]  }
0x593: {  	v3 =	vsub.f32 v34, v0  }
0x594: {  	v35 =	vld [tilespmem:$0xCB90]  }
0x595: {  	v3 =	vmul.f32 v3, v1;
	_ =	sdelay $0x1  }
0x596: {  	v2 =	vmul.f32 v3, v2  }
0x597: {  	v36 =	vld [tilespmem:s31+$0x7020]  }
0x598: {  	v2 =	vadd.f32 v2, v35;
	_ =	sdelay $0x1  }
0x599: {  	[tilespmem:s31+$0x7010] =	vst v2  }
0x59a: {  	v2 =	vld [tilespmem:$0xC8A0]  }
0x59b: {  	v3 =	vsub.f32 v36, v0  }
0x59c: {  	v37 =	vld [tilespmem:$0xCBA0]  }
0x59d: {  	v3 =	vmul.f32 v3, v1;
	_ =	sdelay $0x1  }
0x59e: {  	v2 =	vmul.f32 v3, v2  }
0x59f: {  	v38 =	vld [tilespmem:s31+$0x7030]  }
0x5a0: {  	v2 =	vadd.f32 v2, v37;
	_ =	sdelay $0x1  }
0x5a1: {  	[tilespmem:s31+$0x7020] =	vst v2  }
0x5a2: {  	v2 =	vld [tilespmem:$0xC8B0]  }
0x5a3: {  	v3 =	vsub.f32 v38, v0  }
0x5a4: {  	v39 =	vld [tilespmem:$0xCBB0]  }
0x5a5: {  	v3 =	vmul.f32 v3, v1;
	_ =	sdelay $0x1  }
0x5a6: {  	v2 =	vmul.f32 v3, v2  }
0x5a7: {  	v40 =	vld [tilespmem:s31+$0x7040]  }
0x5a8: {  	v2 =	vadd.f32 v2, v39;
	_ =	sdelay $0x1  }
0x5a9: {  	[tilespmem:s31+$0x7030] =	vst v2  }
0x5aa: {  	v2 =	vld [tilespmem:$0xC8C0]  }
0x5ab: {  	v3 =	vsub.f32 v40, v0  }
0x5ac: {  	v41 =	vld [tilespmem:$0xCBC0]  }
0x5ad: {  	v3 =	vmul.f32 v3, v1;
	_ =	sdelay $0x1  }
0x5ae: {  	v2 =	vmul.f32 v3, v2  }
0x5af: {  	v42 =	vld [tilespmem:s31+$0x7050]  }
0x5b0: {  	v2 =	vadd.f32 v2, v41;
	_ =	sdelay $0x1  }
0x5b1: {  	[tilespmem:s31+$0x7040] =	vst v2  }
0x5b2: {  	v2 =	vld [tilespmem:$0xC8D0]  }
0x5b3: {  	v3 =	vsub.f32 v42, v0  }
0x5b4: {  	v43 =	vld [tilespmem:$0xCBD0]  }
0x5b5: {  	v3 =	vmul.f32 v3, v1;
	_ =	sdelay $0x1  }
0x5b6: {  	v2 =	vmul.f32 v3, v2  }
0x5b7: {  	v44 =	vld [tilespmem:s31+$0x7060]  }
0x5b8: {  	v2 =	vadd.f32 v2, v43;
	_ =	sdelay $0x1  }
0x5b9: {  	[tilespmem:s31+$0x7050] =	vst v2  }
0x5ba: {  	v2 =	vld [tilespmem:$0xC8E0]  }
0x5bb: {  	v3 =	vsub.f32 v44, v0  }
0x5bc: {  	v45 =	vld [tilespmem:$0xCBE0]  }
0x5bd: {  	v3 =	vmul.f32 v3, v1;
	_ =	sdelay $0x1  }
0x5be: {  	v2 =	vmul.f32 v3, v2  }
0x5bf: {  	v46 =	vld [tilespmem:s31+$0x7070]  }
0x5c0: {  	v2 =	vadd.f32 v2, v45;
	_ =	sdelay $0x1  }
0x5c1: {  	[tilespmem:s31+$0x7060] =	vst v2  }
0x5c2: {  	v2 =	vld [tilespmem:$0xC8F0]  }
0x5c3: {  	v3 =	vsub.f32 v46, v0  }
0x5c4: {  	v47 =	vld [tilespmem:$0xCBF0]  }
0x5c5: {  	v3 =	vmul.f32 v3, v1;
	_ =	sdelay $0x1  }
0x5c6: {  	v2 =	vmul.f32 v3, v2  }
0x5c7: {  	v48 =	vld [tilespmem:s31+$0x7400]  }
0x5c8: {  	v2 =	vadd.f32 v2, v47;
	_ =	sdelay $0x1  }
0x5c9: {  	[tilespmem:s31+$0x7070] =	vst v2  }
0x5ca: {  	v2 =	vld [tilespmem:$0xC900]  }
0x5cb: {  	v3 =	vsub.f32 v48, v0  }
0x5cc: {  	v49 =	vld [tilespmem:$0xCC00]  }
0x5cd: {  	v3 =	vmul.f32 v3, v1;
	_ =	sdelay $0x1  }
0x5ce: {  	v2 =	vmul.f32 v3, v2  }
0x5cf: {  	v50 =	vld [tilespmem:s31+$0x7410]  }
0x5d0: {  	v2 =	vadd.f32 v2, v49;
	_ =	sdelay $0x1  }
0x5d1: {  	[tilespmem:s31+$0x7400] =	vst v2  }
0x5d2: {  	v2 =	vld [tilespmem:$0xC910]  }
0x5d3: {  	v3 =	vsub.f32 v50, v0  }
0x5d4: {  	v51 =	vld [tilespmem:$0xCC10]  }
0x5d5: {  	v3 =	vmul.f32 v3, v1;
	_ =	sdelay $0x1  }
0x5d6: {  	v2 =	vmul.f32 v3, v2  }
0x5d7: {  	v52 =	vld [tilespmem:s31+$0x7420]  }
0x5d8: {  	v2 =	vadd.f32 v2, v51;
	_ =	sdelay $0x1  }
0x5d9: {  	[tilespmem:s31+$0x7410] =	vst v2  }
0x5da: {  	v2 =	vld [tilespmem:$0xC920]  }
0x5db: {  	v3 =	vsub.f32 v52, v0  }
0x5dc: {  	v53 =	vld [tilespmem:$0xCC20]  }
0x5dd: {  	v3 =	vmul.f32 v3, v1;
	_ =	sdelay $0x1  }
0x5de: {  	v2 =	vmul.f32 v3, v2  }
0x5df: {  	v54 =	vld [tilespmem:s31+$0x7430]  }
0x5e0: {  	v2 =	vadd.f32 v2, v53;
	_ =	sdelay $0x1  }
0x5e1: {  	[tilespmem:s31+$0x7420] =	vst v2  }
0x5e2: {  	v2 =	vld [tilespmem:$0xC930]  }
0x5e3: {  	v3 =	vsub.f32 v54, v0  }
0x5e4: {  	v55 =	vld [tilespmem:$0xCC30]  }
0x5e5: {  	v3 =	vmul.f32 v3, v1;
	_ =	sdelay $0x1  }
0x5e6: {  	v2 =	vmul.f32 v3, v2  }
0x5e7: {  	v56 =	vld [tilespmem:s31+$0x7440]  }
0x5e8: {  	v2 =	vadd.f32 v2, v55;
	_ =	sdelay $0x1  }
0x5e9: {  	[tilespmem:s31+$0x7430] =	vst v2  }
0x5ea: {  	v2 =	vld [tilespmem:$0xC940]  }
0x5eb: {  	v3 =	vsub.f32 v56, v0  }
0x5ec: {  	v57 =	vld [tilespmem:$0xCC40]  }
0x5ed: {  	v3 =	vmul.f32 v3, v1;
	_ =	sdelay $0x1  }
0x5ee: {  	v2 =	vmul.f32 v3, v2  }
0x5ef: {  	v58 =	vld [tilespmem:s31+$0x7450]  }
0x5f0: {  	v2 =	vadd.f32 v2, v57;
	_ =	sdelay $0x1  }
0x5f1: {  	[tilespmem:s31+$0x7440] =	vst v2  }
0x5f2: {  	v2 =	vld [tilespmem:$0xC950]  }
0x5f3: {  	v3 =	vsub.f32 v58, v0  }
0x5f4: {  	v59 =	vld [tilespmem:$0xCC50]  }
0x5f5: {  	v3 =	vmul.f32 v3, v1;
	_ =	sdelay $0x1  }
0x5f6: {  	v2 =	vmul.f32 v3, v2  }
0x5f7: {  	v60 =	vld [tilespmem:s31+$0x7460]  }
0x5f8: {  	v2 =	vadd.f32 v2, v59;
	_ =	sdelay $0x1  }
0x5f9: {  	[tilespmem:s31+$0x7450] =	vst v2  }
0x5fa: {  	v2 =	vld [tilespmem:$0xC960]  }
0x5fb: {  	v3 =	vsub.f32 v60, v0  }
0x5fc: {  	v61 =	vld [tilespmem:$0xCC60]  }
0x5fd: {  	v3 =	vmul.f32 v3, v1;
	_ =	sdelay $0x1  }
0x5fe: {  	v2 =	vmul.f32 v3, v2  }
0x5ff: {  	v62 =	vld [tilespmem:s31+$0x7470]  }
0x600: {  	v2 =	vadd.f32 v2, v61;
	_ =	sdelay $0x1  }
0x601: {  	[tilespmem:s31+$0x7460] =	vst v2  }
0x602: {  	v2 =	vld [tilespmem:$0xC970]  }
0x603: {  	v0 =	vsub.f32 v62, v0  }
0x604: {  	v63 =	vld [tilespmem:$0xCC70]  }
0x605: {  	v0 =	vmul.f32 v0, v1  }
0x606: {  	p1 =	sne.s32 s30, $0x1F  }
.Ltmp3:
0x607: {  	v0 =	vmul.f32 v0, v2;
	(pc) =	sbr.rel @p1 .LBB2_5-.Ltmp3, $3  }
0x608: {  	_ = 	snop  }
0x609: {  	v0 =	vadd.f32 v0, v63;
	_ =	sdelay $0x1  }
0x60a: {  	s29 =	sadd.s32 $0x80, s29;
	s30 =	sadd.s32 $0x1, s30;
	[tilespmem:s31+$0x7470] =	vst v0  }
0x60b: {  	s0 =	sor.u32 s4, s28  }
.Ltmp4:
0x60c: {  	s0 =	sshrl.u32 s0, $0x3;
	(pc) =	sbr.rel @!p0 .LBB2_8-.Ltmp4, $3  }
0x60d: {  	s0 =	smul.u32 $0x300, s0;
	_ =	sdelay $0x1  }
0x60e: {  	s0 =	sadd.s32 s8, s0  }
0x60f: {  	[hbm4b:s0+s3] =	stream.linear.scatter [tilespmem:s20], [sflag:$0x4], $0x6000, $0x38;
	[tilespmem:$0xCC80] =	vst v63  }
.Ltmp5:
0x610: {  	(pc) =	sbr.rel .LBB2_2-.Ltmp5, $4  }
0x611: {  	_ = 	snop  }
0x612: {  	_ =	swait.ge [sflag:s23], $0x6000  }
0x613: {  	s26 =	simm.s32 $0x40;
	[sflag:s23] =	ssyncset.done $0x0  }
0x614: {  	p0 =	por $0x0, $0x0;
	s28 =	smov.u32 s13;
	[sflag:s23] =	ssyncadd.s32 $0xFFFFA000  }
.LBB2_9:
0x615: {  	_ =	sfence.sel $0x180000  }
0x616: {  	[bflag:$0x0] =	sbarrier.arrive $0xFFFF  }
0x617: {  	_ =	strace $0x90000047  }
0x618: {  	s0 =	stileid.u32;
	[bflag:$0x2] =	sbarrier.arrive $0xFFFF  }
0x619: {  	p0 =	sne.s32 s0, $0x0;
	s0 =	rddreg [dreg:$0x3]  }
0x61a: {  	s0 =	sadd.s32 @!p0 $0x100000, s0  }
0x61b: {  	[sflag:s0] =	ssyncadd.tile.s32 @!p0 $0x1;
	_ =	shalt  }
.Lfunc_end2:
_tile_overlayer_lowered:
.L_overlay_start_2:
0x61c: {  	(tag) =	ssettag $0x2  }
0x61d: {  	s0 =	rddreg [dreg:$0x0];
	s2 =	stileid.u32  }
0x61e: {  	s1 =	rddreg [dreg:$0x1];
	p0 =	sne.s32 s2, $0x0  }
0x61f: {  	s3 =	rddreg [dreg:$0x2];
	[bflag:$0x3] =	sbarrier.arrive $0xFFFF;
	s2 =	simm.s32 @!p0 $0x1C05  }
0x620: {  	[timem:s3], [sflag:s2] =	dma.local @!p0 [hbm:s0], s1  }
0x621: {  	s0 =	simm.s32 @!p0 $0x5  }
0x622: {  	_ =	swait.ge @!p0 [sflag:s0], s1  }
0x623: {  	s1 =	ssub.s32 @!p0 $0x0, s1;
	[sflag:s0] =	ssyncset.done @!p0 $0x0  }
0x624: {  	[sflag:s0] =	ssyncadd.s32 @!p0 s1  }
0x625: {  	[bflag:$0x3] =	sbarrier.arrive $0xFFFF  }
0x626: {  	_ =	shalt  }

</sc_bundles>
